<compile_context>
chip_gen: v7x
topology: tpu7x:2x2x1
jax: 0.10.2.dev20260603
libtpu: 0.0.44.dev20260713+nightly
codegen_flags: <defaults>
</compile_context>

<pallas_src>
import functools

import jax
import jax.numpy as jnp
from jax import lax
from jax.experimental import pallas as pl
from jax.experimental.pallas import tpu as pltpu
from jax.experimental.pallas import tpu_sc as plsc

NUM_NODES = 10000
NUM_EDGES = 320000
FEAT = 128

NC = 2
NS = 16
HALF = NUM_NODES // NC
ACC_ROWS = HALF + 8

CHUNK = 160
NCH_TOT = NUM_EDGES // CHUNK
SUB = 80
KSUB = CHUNK // SUB
NBUF = 4

ROWS_A = 312
ROWS_LAST = HALF - ROWS_A * (NS - 1)
ZROWS_A = 312
ZROWS_LAST = ACC_ROWS - ZROWS_A * (NS - 1)

_mesh = plsc.VectorSubcoreMesh(core_axis_name="c", subcore_axis_name="s")


def _split(count, piece=None):
    piece = CHUNK if piece is None else piece
    out = [piece] * (count // piece)
    if count % piece:
        out.append(count % piece)
    return out


@functools.partial(
    pl.kernel,
    out_type=jax.ShapeDtypeStruct((NUM_NODES, FEAT), jnp.float32),
    mesh=_mesh,
    scratch_types=[
        pltpu.VMEM_SHARED((ACC_ROWS, FEAT), jnp.float32),
        pltpu.VMEM((NBUF, CHUNK, FEAT), jnp.float32),
        pltpu.VMEM((NBUF, KSUB, SUB), jnp.int32),
        pltpu.VMEM((NC, 16), jnp.float32),
        pltpu.VMEM((40, FEAT), jnp.float32),
    ] + [pltpu.SemaphoreType.DMA] * (2 * NBUF + 1),
    compiler_params=pltpu.CompilerParams(needs_layout_passes=False),
)
def _scatter_add(src_hbm, idx_hbm, bounds_hbm, out_hbm, acc, rows_v, idx_v,
                 bounds_v, zero_v, *sems):
    rsems = sems[:NBUF]
    isems = sems[NBUF:2 * NBUF]
    ssem = sems[2 * NBUF]

    cid = lax.axis_index("c")
    sid = lax.axis_index("s")

    pltpu.sync_copy(bounds_hbm, bounds_v)
    lo_end = jnp.sum(bounds_v[0, :]).astype(jnp.int32)
    hi_start = jnp.sum(bounds_v[1, :]).astype(jnp.int32)
    start_c = jnp.where(cid == 0, 0, hi_start)
    end_c = jnp.where(cid == 0, lo_end, NCH_TOT)
    trips = jnp.maximum(0, (end_c - start_c - sid + NS - 1) // NS)

    def chunk_of(t):
        return start_c + sid + t * NS

    def fill_start(t, b):
        ch = chunk_of(t)
        pltpu.async_copy(src_hbm.at[pl.ds(ch * CHUNK, CHUNK)],
                         rows_v.at[b], rsems[b])
        pltpu.async_copy(idx_hbm.at[ch], idx_v.at[b], isems[b])

    def fill_wait(t, b):
        ch = chunk_of(t)
        pltpu.make_async_copy(src_hbm.at[pl.ds(ch * CHUNK, CHUNK)],
                              rows_v.at[b], rsems[b]).wait()
        pltpu.make_async_copy(idx_hbm.at[ch], idx_v.at[b],
                              isems[b]).wait()

    for b in range(NBUF):
        @pl.when(b < trips)
        def _(b=b):
            fill_start(b, b)

    @pl.loop(0, 40 * FEAT // 16)
    def _(i):
        r = i // (FEAT // 16)
        col = i % (FEAT // 16)
        zero_v[r, pl.ds(col * 16, 16)] = jnp.zeros((16,), jnp.float32)

    def _owned(plan, piece=None):
        a, last = plan
        yield (sid < NS - 1, sid * a, _split(a, piece))
        yield (sid == NS - 1, (NS - 1) * a, _split(last, piece))

    for cond, zbase, pieces in _owned((ZROWS_A, ZROWS_LAST), 40):
        @pl.when(cond)
        def _(zbase=zbase, pieces=pieces):
            off = 0
            for n in pieces:
                pltpu.sync_copy(zero_v.at[pl.ds(0, n)],
                                acc.at[pl.ds(zbase + off, n)])
                off += n
    plsc.subcore_barrier()

    rel_base = cid * HALF

    def clip(b):
        for k in range(KSUB):
            for j in range(SUB // 16):
                v = idx_v.at[b][k, pl.ds(j * 16, 16)]
                rel = v - rel_base
                ok = (rel >= 0) & (rel < HALF)
                idx_v.at[b][k, pl.ds(j * 16, 16)] = jnp.where(
                    ok, rel, jnp.full((16,), HALF, jnp.int32))

    def scatter(b):
        descs = [
            pltpu.async_copy(rows_v.at[b].at[pl.ds(k * SUB, SUB)],
                             acc.at[idx_v.at[b].at[k]], ssem, add=True)
            for k in range(KSUB)
        ]
        for d in descs:
            d.wait()

    outer = (trips + NBUF - 1) // NBUF

    @pl.loop(0, outer)
    def _(g):
        for b in range(NBUF):
            t = g * NBUF + b

            @pl.when(t < trips)
            def _(t=t, b=b):
                fill_wait(t, b)
                clip(b)
                scatter(b)

            @pl.when(t + NBUF < trips)
            def _(t=t, b=b):
                fill_start(t + NBUF, b)

    plsc.subcore_barrier()

    for cond, obase, pieces in _owned((ROWS_A, ROWS_LAST)):
        @pl.when(cond)
        def _(obase=obase, pieces=pieces):
            off = 0
            for n in pieces:
                pltpu.sync_copy(
                    acc.at[pl.ds(obase + off, n)],
                    out_hbm.at[pl.ds(cid * HALF + obase + off, n)])
                off += n


@jax.jit
def kernel(src, indices):
    idx32 = indices.astype(jnp.int32)
    p = jnp.sum((idx32 < HALF).astype(jnp.int32))
    lo_end = (p + CHUNK - 1) // CHUNK
    hi_start = p // CHUNK
    lane0 = (jnp.arange(16, dtype=jnp.int32) == 0).astype(jnp.float32)
    bounds = jnp.stack([lane0 * lo_end.astype(jnp.float32),
                        lane0 * hi_start.astype(jnp.float32)])
    return _scatter_add(src, idx32.reshape(NCH_TOT, KSUB, SUB), bounds)

# --- scband reference (transcript-rebuilt; emitter-appended) ---
"""Pipeline reference for scband-p3-scatter-add-41807211659476 (READ-ONLY COPY).

The authoritative reference and input builder live on the scoring server;
editing this copy changes nothing except your own understanding.
"""

import jax, jax.numpy as jnp
import numpy as np

NUM_NODES = 10000
NUM_EDGES = 320000
FEAT_DIM = 128

def setup_inputs(seed: int = 0) -> dict:
    key = jax.random.key(seed)
    k1, k2 = jax.random.split(key)
    src = jax.random.normal(k1, (NUM_EDGES, FEAT_DIM), dtype=jnp.float32)
    indices = jnp.sort(jax.random.randint(k2, (NUM_EDGES,), 0, NUM_NODES, dtype=jnp.int64))
    return {"src": src, "indices": indices}

def reference(src, indices):
    # out[indices[i]] += src[i]  (scatter-add / segment sum into num_nodes rows)
    out = jnp.zeros((NUM_NODES, src.shape[-1]), dtype=src.dtype)
    out = out.at[indices].add(src)
    return out

if __name__ == "__main__":
    import jax
    _d = setup_inputs()
    print(jax.jit(kernel)(*tuple(_d.values())))

</pallas_src>

<mosaic_0001>
#map = affine_map<(d0, d1) -> (0, 0)>
#map1 = affine_map<(d0, d1) -> (0, 0, 0)>
module attributes {stable_mosaic.version = 14 : i64} {
  func.func @_scatter_add(%arg0: i32, %arg1: i32, %arg2: memref<320000x128xf32, #tpu.memory_space<hbm>>, %arg3: memref<2000x2x80xi32, #tpu.memory_space<hbm>>, %arg4: memref<2x16xf32, #tpu.memory_space<hbm>>, %arg5: memref<10000x128xf32, #tpu.memory_space<hbm>>, %arg6: memref<5008x128xf32, #tpu.memory_space<vmem_shared>>, %arg7: memref<4x160x128xf32, #tpu.memory_space<vmem>>, %arg8: memref<4x2x80xi32, #tpu.memory_space<vmem>>, %arg9: memref<2x16xf32, #tpu.memory_space<vmem>>, %arg10: memref<40x128xf32, #tpu.memory_space<vmem>>, %arg11: memref<!tpu.dma_semaphore, #tpu.memory_space<semaphore_mem>>, %arg12: memref<!tpu.dma_semaphore, #tpu.memory_space<semaphore_mem>>, %arg13: memref<!tpu.dma_semaphore, #tpu.memory_space<semaphore_mem>>, %arg14: memref<!tpu.dma_semaphore, #tpu.memory_space<semaphore_mem>>, %arg15: memref<!tpu.dma_semaphore, #tpu.memory_space<semaphore_mem>>, %arg16: memref<!tpu.dma_semaphore, #tpu.memory_space<semaphore_mem>>, %arg17: memref<!tpu.dma_semaphore, #tpu.memory_space<semaphore_mem>>, %arg18: memref<!tpu.dma_semaphore, #tpu.memory_space<semaphore_mem>>, %arg19: memref<!tpu.dma_semaphore, #tpu.memory_space<semaphore_mem>>) attributes {dimension_semantics = [#tpu.dimension_semantics<core_parallel>, #tpu.dimension_semantics<subcore_parallel>], iteration_bounds = array<i64: 2, 16>, scalar_prefetch = 0 : i64, scratch_operands = 14 : i64, tpu.core_type = #tpu.core_type<sc_vector_subcore>, window_params = [{transform_indices = #map}, {transform_indices = #map1}, {transform_indices = #map}, {transform_indices = #map}]} {
    "tpu.region"() ({
      %run_scoped3A = tpu.sem_alloc : memref<!tpu.dma_semaphore, #tpu.memory_space<semaphore_mem>>
      tpu.enqueue_dma source(%arg4 : memref<2x16xf32, #tpu.memory_space<hbm>>) target(%arg9 : memref<2x16xf32, #tpu.memory_space<vmem>>) target_semaphore(%run_scoped3A : memref<!tpu.dma_semaphore, #tpu.memory_space<semaphore_mem>>)
      tpu.wait_dma2 semaphore(%run_scoped3A : memref<!tpu.dma_semaphore, #tpu.memory_space<semaphore_mem>>) src(%arg4 : memref<2x16xf32, #tpu.memory_space<hbm>>) dst(%arg9 : memref<2x16xf32, #tpu.memory_space<vmem>>)
      tpu.yield
    }) : () -> ()
    %get3A = arith.constant 0 : i32
    %get3A_0 = arith.index_cast %get3A : i32 to index
    %get3A_1 = arith.constant 0 : index
    %get3A_2 = tpu.vector_load %arg9[%get3A_0, %get3A_1] {strides = array<i32>} : memref<2x16xf32, #tpu.memory_space<vmem>>, vector<16xf32>,
    %reduce_sum3A = arith.constant true
    %reduce_sum3A_3 = vector.broadcast %reduce_sum3A : i1 to vector<16xi1>
    %reduce_sum3A_4 = tpu.scan <sum>, %get3A_2 masked %reduce_sum3A_3 : vector<16xf32>, vector<16xi1> -> vector<16xf32>
    %reduce_sum3A_5 = vector.extract %reduce_sum3A_4[15] : f32 from vector<16xf32>
    %convert_element_type3A = arith.fptosi %reduce_sum3A_5 : f32 to i32
    %get3A_6 = arith.constant 1 : i32
    %get3A_7 = arith.index_cast %get3A_6 : i32 to index
    %get3A_8 = arith.constant 0 : index
    %get3A_9 = tpu.vector_load %arg9[%get3A_7, %get3A_8] {strides = array<i32>} : memref<2x16xf32, #tpu.memory_space<vmem>>, vector<16xf32>,
    %reduce_sum3A_10 = arith.constant true
    %reduce_sum3A_11 = vector.broadcast %reduce_sum3A_10 : i1 to vector<16xi1>
    %reduce_sum3A_12 = tpu.scan <sum>, %get3A_9 masked %reduce_sum3A_11 : vector<16xf32>, vector<16xi1> -> vector<16xf32>
    %reduce_sum3A_13 = vector.extract %reduce_sum3A_12[15] : f32 from vector<16xf32>
    %convert_element_type3A_14 = arith.fptosi %reduce_sum3A_13 : f32 to i32
    %eq3A = arith.constant 0 : i32
    %eq3A_15 = arith.cmpi eq, %arg0, %eq3A : i32
    %jit3A = arith.constant 0 : i32
    %select_n3A = arith.select %eq3A_15, %jit3A, %convert_element_type3A_14 : i32
    %eq3A_16 = arith.constant 0 : i32
    %eq3A_17 = arith.cmpi eq, %arg0, %eq3A_16 : i32
    %jit3A_18 = arith.constant 2000 : i32
    %select_n3A_19 = arith.select %eq3A_17, %convert_element_type3A, %jit3A_18 : i32
    %sub3A = arith.subi %select_n3A_19, %select_n3A : i32
    %sub3A_20 = arith.subi %sub3A, %arg1 : i32
    %add3A = arith.constant 16 : i32
    %add3A_21 = arith.addi %sub3A_20, %add3A : i32
    %sub3A_22 = arith.constant 1 : i32
    %sub3A_23 = arith.subi %add3A_21, %sub3A_22 : i32
    %jit3A_24 = arith.constant 16 : i32
    %div3A = arith.divsi %sub3A_23, %jit3A_24 : i32
    %sign3A = arith.constant 0 : i32
    %sign3A_25 = arith.cmpi sgt, %sub3A_23, %sign3A : i32
    %sign3A_26 = arith.extui %sign3A_25 : i1 to i32
    %sign3A_27 = arith.constant 0 : i32
    %sign3A_28 = arith.cmpi slt, %sub3A_23, %sign3A_27 : i32
    %sign3A_29 = arith.extui %sign3A_28 : i1 to i32
    %sign3A_30 = arith.subi %sign3A_26, %sign3A_29 : i32
    %sign3A_31 = arith.constant 0 : i32
    %sign3A_32 = arith.cmpi sgt, %jit3A_24, %sign3A_31 : i32
    %sign3A_33 = arith.extui %sign3A_32 : i1 to i32
    %sign3A_34 = arith.constant 0 : i32
    %sign3A_35 = arith.cmpi slt, %jit3A_24, %sign3A_34 : i32
    %sign3A_36 = arith.extui %sign3A_35 : i1 to i32
    %sign3A_37 = arith.subi %sign3A_33, %sign3A_36 : i32
    %ne3A = arith.cmpi ne, %sign3A_30, %sign3A_37 : i32
    %rem3A = arith.remsi %sub3A_23, %jit3A_24 : i32
    %ne3A_38 = arith.constant 0 : i32
    %ne3A_39 = arith.cmpi ne, %rem3A, %ne3A_38 : i32
    %and3A = arith.andi %ne3A, %ne3A_39 : i1
    %sub3A_40 = arith.constant 1 : i32
    %sub3A_41 = arith.subi %div3A, %sub3A_40 : i32
    %select_n3A_42 = arith.select %and3A, %sub3A_41, %div3A : i32
    %max3A = arith.constant 0 : i32
    %max3A_43 = arith.maxsi %max3A, %select_n3A_42 : i32
    %gt3A = arith.constant 0 : i32
    %gt3A_44 = arith.cmpi sgt, %max3A_43, %gt3A : i32
    %convert_element_type3A_45 = arith.extui %gt3A_44 : i1 to i32
    %cond3A = arith.constant 0 : i32
    %cond3A_46 = arith.cmpi ne, %convert_element_type3A_45, %cond3A : i32
    scf.if %cond3A_46 {
      %add3A_137 = arith.addi %select_n3A, %arg1 : i32
      %add3A_138 = arith.constant 0 : i32
      %add3A_139 = arith.addi %add3A_137, %add3A_138 : i32
      %mul3A_140 = arith.constant 160 : i32
      %mul3A_141 = arith.muli %add3A_139, %mul3A_140 : i32
      %dma_start3A = arith.constant 0 : i32
      %dma_start3A_142 = arith.constant 0 : i32
      %dma_start3A_143 = arith.constant 0 : i32
      %dma_start3A_144 = tpu.memref_slice %arg7[%dma_start3A, %dma_start3A_142, %dma_start3A_143] : memref<4x160x128xf32, #tpu.memory_space<vmem>> -> memref<1x160x128xf32, #tpu.memory_space<vmem>>
      %dma_start3A_145 = tpu.memref_squeeze %dma_start3A_144 : memref<1x160x128xf32, #tpu.memory_space<vmem>> -> memref<160x128xf32, #tpu.memory_space<vmem>>
      %dma_start3A_146 = arith.constant 0 : i32
      %dma_start3A_147 = tpu.memref_slice %arg2[%mul3A_141, %dma_start3A_146] : memref<320000x128xf32, #tpu.memory_space<hbm>> -> memref<160x128xf32, #tpu.memory_space<hbm>>
      %dma_start3A_148 = arith.constant 0 : i32
      %dma_start3A_149 = arith.constant 0 : i32
      %dma_start3A_150 = tpu.memref_slice %arg7[%dma_start3A, %dma_start3A_148, %dma_start3A_149] : memref<4x160x128xf32, #tpu.memory_space<vmem>> -> memref<1x160x128xf32, #tpu.memory_space<vmem>>
      %dma_start3A_151 = tpu.memref_squeeze %dma_start3A_150 : memref<1x160x128xf32, #tpu.memory_space<vmem>> -> memref<160x128xf32, #tpu.memory_space<vmem>>
      %dma_start3A_152 = arith.constant 0 : i32
      %dma_start3A_153 = tpu.memref_slice %arg2[%mul3A_141, %dma_start3A_152] : memref<320000x128xf32, #tpu.memory_space<hbm>> -> memref<160x128xf32, #tpu.memory_space<hbm>>
      tpu.enqueue_dma source(%dma_start3A_153 : memref<160x128xf32, #tpu.memory_space<hbm>>) target(%dma_start3A_151 : memref<160x128xf32, #tpu.memory_space<vmem>>) target_semaphore(%arg11 : memref<!tpu.dma_semaphore, #tpu.memory_space<semaphore_mem>>)
      %dma_start3A_154 = arith.constant 0 : i32
      %dma_start3A_155 = arith.constant 0 : i32
      %dma_start3A_156 = arith.constant 0 : i32
      %dma_start3A_157 = tpu.memref_slice %arg8[%dma_start3A_154, %dma_start3A_155, %dma_start3A_156] : memref<4x2x80xi32, #tpu.memory_space<vmem>> -> memref<1x2x80xi32, #tpu.memory_space<vmem>>
      %dma_start3A_158 = tpu.memref_squeeze %dma_start3A_157 : memref<1x2x80xi32, #tpu.memory_space<vmem>> -> memref<2x80xi32, #tpu.memory_space<vmem>>
      %dma_start3A_159 = arith.constant 0 : i32
      %dma_start3A_160 = arith.constant 0 : i32
      %dma_start3A_161 = tpu.memref_slice %arg3[%add3A_139, %dma_start3A_159, %dma_start3A_160] : memref<2000x2x80xi32, #tpu.memory_space<hbm>> -> memref<1x2x80xi32, #tpu.memory_space<hbm>>
      %dma_start3A_162 = tpu.memref_squeeze %dma_start3A_161 : memref<1x2x80xi32, #tpu.memory_space<hbm>> -> memref<2x80xi32, #tpu.memory_space<hbm>>
      %dma_start3A_163 = arith.constant 0 : i32
      %dma_start3A_164 = arith.constant 0 : i32
      %dma_start3A_165 = tpu.memref_slice %arg8[%dma_start3A_154, %dma_start3A_163, %dma_start3A_164] : memref<4x2x80xi32, #tpu.memory_space<vmem>> -> memref<1x2x80xi32, #tpu.memory_space<vmem>>
      %dma_start3A_166 = tpu.memref_squeeze %dma_start3A_165 : memref<1x2x80xi32, #tpu.memory_space<vmem>> -> memref<2x80xi32, #tpu.memory_space<vmem>>
      %dma_start3A_167 = arith.constant 0 : i32
      %dma_start3A_168 = arith.constant 0 : i32
      %dma_start3A_169 = tpu.memref_slice %arg3[%add3A_139, %dma_start3A_167, %dma_start3A_168] : memref<2000x2x80xi32, #tpu.memory_space<hbm>> -> memref<1x2x80xi32, #tpu.memory_space<hbm>>
      %dma_start3A_170 = tpu.memref_squeeze %dma_start3A_169 : memref<1x2x80xi32, #tpu.memory_space<hbm>> -> memref<2x80xi32, #tpu.memory_space<hbm>>
      tpu.enqueue_dma source(%dma_start3A_170 : memref<2x80xi32, #tpu.memory_space<hbm>>) target(%dma_start3A_166 : memref<2x80xi32, #tpu.memory_space<vmem>>) target_semaphore(%arg15 : memref<!tpu.dma_semaphore, #tpu.memory_space<semaphore_mem>>)
    } else {
    }
    %gt3A_47 = arith.constant 1 : i32
    %gt3A_48 = arith.cmpi sgt, %max3A_43, %gt3A_47 : i32
    %convert_element_type3A_49 = arith.extui %gt3A_48 : i1 to i32
    %cond3A_50 = arith.constant 0 : i32
    %cond3A_51 = arith.cmpi ne, %convert_element_type3A_49, %cond3A_50 : i32
    scf.if %cond3A_51 {
      %add3A_137 = arith.addi %select_n3A, %arg1 : i32
      %add3A_138 = arith.constant 16 : i32
      %add3A_139 = arith.addi %add3A_137, %add3A_138 : i32
      %mul3A_140 = arith.constant 160 : i32
      %mul3A_141 = arith.muli %add3A_139, %mul3A_140 : i32
      %dma_start3A = arith.constant 1 : i32
      %dma_start3A_142 = arith.constant 0 : i32
      %dma_start3A_143 = arith.constant 0 : i32
      %dma_start3A_144 = tpu.memref_slice %arg7[%dma_start3A, %dma_start3A_142, %dma_start3A_143] : memref<4x160x128xf32, #tpu.memory_space<vmem>> -> memref<1x160x128xf32, #tpu.memory_space<vmem>>
      %dma_start3A_145 = tpu.memref_squeeze %dma_start3A_144 : memref<1x160x128xf32, #tpu.memory_space<vmem>> -> memref<160x128xf32, #tpu.memory_space<vmem>>
      %dma_start3A_146 = arith.constant 0 : i32
      %dma_start3A_147 = tpu.memref_slice %arg2[%mul3A_141, %dma_start3A_146] : memref<320000x128xf32, #tpu.memory_space<hbm>> -> memref<160x128xf32, #tpu.memory_space<hbm>>
      %dma_start3A_148 = arith.constant 0 : i32
      %dma_start3A_149 = arith.constant 0 : i32
      %dma_start3A_150 = tpu.memref_slice %arg7[%dma_start3A, %dma_start3A_148, %dma_start3A_149] : memref<4x160x128xf32, #tpu.memory_space<vmem>> -> memref<1x160x128xf32, #tpu.memory_space<vmem>>
      %dma_start3A_151 = tpu.memref_squeeze %dma_start3A_150 : memref<1x160x128xf32, #tpu.memory_space<vmem>> -> memref<160x128xf32, #tpu.memory_space<vmem>>
      %dma_start3A_152 = arith.constant 0 : i32
      %dma_start3A_153 = tpu.memref_slice %arg2[%mul3A_141, %dma_start3A_152] : memref<320000x128xf32, #tpu.memory_space<hbm>> -> memref<160x128xf32, #tpu.memory_space<hbm>>
      tpu.enqueue_dma source(%dma_start3A_153 : memref<160x128xf32, #tpu.memory_space<hbm>>) target(%dma_start3A_151 : memref<160x128xf32, #tpu.memory_space<vmem>>) target_semaphore(%arg12 : memref<!tpu.dma_semaphore, #tpu.memory_space<semaphore_mem>>)
      %dma_start3A_154 = arith.constant 1 : i32
      %dma_start3A_155 = arith.constant 0 : i32
      %dma_start3A_156 = arith.constant 0 : i32
      %dma_start3A_157 = tpu.memref_slice %arg8[%dma_start3A_154, %dma_start3A_155, %dma_start3A_156] : memref<4x2x80xi32, #tpu.memory_space<vmem>> -> memref<1x2x80xi32, #tpu.memory_space<vmem>>
      %dma_start3A_158 = tpu.memref_squeeze %dma_start3A_157 : memref<1x2x80xi32, #tpu.memory_space<vmem>> -> memref<2x80xi32, #tpu.memory_space<vmem>>
      %dma_start3A_159 = arith.constant 0 : i32
      %dma_start3A_160 = arith.constant 0 : i32
      %dma_start3A_161 = tpu.memref_slice %arg3[%add3A_139, %dma_start3A_159, %dma_start3A_160] : memref<2000x2x80xi32, #tpu.memory_space<hbm>> -> memref<1x2x80xi32, #tpu.memory_space<hbm>>
      %dma_start3A_162 = tpu.memref_squeeze %dma_start3A_161 : memref<1x2x80xi32, #tpu.memory_space<hbm>> -> memref<2x80xi32, #tpu.memory_space<hbm>>
      %dma_start3A_163 = arith.constant 0 : i32
      %dma_start3A_164 = arith.constant 0 : i32
      %dma_start3A_165 = tpu.memref_slice %arg8[%dma_start3A_154, %dma_start3A_163, %dma_start3A_164] : memref<4x2x80xi32, #tpu.memory_space<vmem>> -> memref<1x2x80xi32, #tpu.memory_space<vmem>>
      %dma_start3A_166 = tpu.memref_squeeze %dma_start3A_165 : memref<1x2x80xi32, #tpu.memory_space<vmem>> -> memref<2x80xi32, #tpu.memory_space<vmem>>
      %dma_start3A_167 = arith.constant 0 : i32
      %dma_start3A_168 = arith.constant 0 : i32
      %dma_start3A_169 = tpu.memref_slice %arg3[%add3A_139, %dma_start3A_167, %dma_start3A_168] : memref<2000x2x80xi32, #tpu.memory_space<hbm>> -> memref<1x2x80xi32, #tpu.memory_space<hbm>>
      %dma_start3A_170 = tpu.memref_squeeze %dma_start3A_169 : memref<1x2x80xi32, #tpu.memory_space<hbm>> -> memref<2x80xi32, #tpu.memory_space<hbm>>
      tpu.enqueue_dma source(%dma_start3A_170 : memref<2x80xi32, #tpu.memory_space<hbm>>) target(%dma_start3A_166 : memref<2x80xi32, #tpu.memory_space<vmem>>) target_semaphore(%arg16 : memref<!tpu.dma_semaphore, #tpu.memory_space<semaphore_mem>>)
    } else {
    }
    %gt3A_52 = arith.constant 2 : i32
    %gt3A_53 = arith.cmpi sgt, %max3A_43, %gt3A_52 : i32
    %convert_element_type3A_54 = arith.extui %gt3A_53 : i1 to i32
    %cond3A_55 = arith.constant 0 : i32
    %cond3A_56 = arith.cmpi ne, %convert_element_type3A_54, %cond3A_55 : i32
    scf.if %cond3A_56 {
      %add3A_137 = arith.addi %select_n3A, %arg1 : i32
      %add3A_138 = arith.constant 32 : i32
      %add3A_139 = arith.addi %add3A_137, %add3A_138 : i32
      %mul3A_140 = arith.constant 160 : i32
      %mul3A_141 = arith.muli %add3A_139, %mul3A_140 : i32
      %dma_start3A = arith.constant 2 : i32
      %dma_start3A_142 = arith.constant 0 : i32
      %dma_start3A_143 = arith.constant 0 : i32
      %dma_start3A_144 = tpu.memref_slice %arg7[%dma_start3A, %dma_start3A_142, %dma_start3A_143] : memref<4x160x128xf32, #tpu.memory_space<vmem>> -> memref<1x160x128xf32, #tpu.memory_space<vmem>>
      %dma_start3A_145 = tpu.memref_squeeze %dma_start3A_144 : memref<1x160x128xf32, #tpu.memory_space<vmem>> -> memref<160x128xf32, #tpu.memory_space<vmem>>
      %dma_start3A_146 = arith.constant 0 : i32
      %dma_start3A_147 = tpu.memref_slice %arg2[%mul3A_141, %dma_start3A_146] : memref<320000x128xf32, #tpu.memory_space<hbm>> -> memref<160x128xf32, #tpu.memory_space<hbm>>
      %dma_start3A_148 = arith.constant 0 : i32
      %dma_start3A_149 = arith.constant 0 : i32
      %dma_start3A_150 = tpu.memref_slice %arg7[%dma_start3A, %dma_start3A_148, %dma_start3A_149] : memref<4x160x128xf32, #tpu.memory_space<vmem>> -> memref<1x160x128xf32, #tpu.memory_space<vmem>>
      %dma_start3A_151 = tpu.memref_squeeze %dma_start3A_150 : memref<1x160x128xf32, #tpu.memory_space<vmem>> -> memref<160x128xf32, #tpu.memory_space<vmem>>
      %dma_start3A_152 = arith.constant 0 : i32
      %dma_start3A_153 = tpu.memref_slice %arg2[%mul3A_141, %dma_start3A_152] : memref<320000x128xf32, #tpu.memory_space<hbm>> -> memref<160x128xf32, #tpu.memory_space<hbm>>
      tpu.enqueue_dma source(%dma_start3A_153 : memref<160x128xf32, #tpu.memory_space<hbm>>) target(%dma_start3A_151 : memref<160x128xf32, #tpu.memory_space<vmem>>) target_semaphore(%arg13 : memref<!tpu.dma_semaphore, #tpu.memory_space<semaphore_mem>>)
      %dma_start3A_154 = arith.constant 2 : i32
      %dma_start3A_155 = arith.constant 0 : i32
      %dma_start3A_156 = arith.constant 0 : i32
      %dma_start3A_157 = tpu.memref_slice %arg8[%dma_start3A_154, %dma_start3A_155, %dma_start3A_156] : memref<4x2x80xi32, #tpu.memory_space<vmem>> -> memref<1x2x80xi32, #tpu.memory_space<vmem>>
      %dma_start3A_158 = tpu.memref_squeeze %dma_start3A_157 : memref<1x2x80xi32, #tpu.memory_space<vmem>> -> memref<2x80xi32, #tpu.memory_space<vmem>>
      %dma_start3A_159 = arith.constant 0 : i32
      %dma_start3A_160 = arith.constant 0 : i32
      %dma_start3A_161 = tpu.memref_slice %arg3[%add3A_139, %dma_start3A_159, %dma_start3A_160] : memref<2000x2x80xi32, #tpu.memory_space<hbm>> -> memref<1x2x80xi32, #tpu.memory_space<hbm>>
      %dma_start3A_162 = tpu.memref_squeeze %dma_start3A_161 : memref<1x2x80xi32, #tpu.memory_space<hbm>> -> memref<2x80xi32, #tpu.memory_space<hbm>>
      %dma_start3A_163 = arith.constant 0 : i32
      %dma_start3A_164 = arith.constant 0 : i32
      %dma_start3A_165 = tpu.memref_slice %arg8[%dma_start3A_154, %dma_start3A_163, %dma_start3A_164] : memref<4x2x80xi32, #tpu.memory_space<vmem>> -> memref<1x2x80xi32, #tpu.memory_space<vmem>>
      %dma_start3A_166 = tpu.memref_squeeze %dma_start3A_165 : memref<1x2x80xi32, #tpu.memory_space<vmem>> -> memref<2x80xi32, #tpu.memory_space<vmem>>
      %dma_start3A_167 = arith.constant 0 : i32
      %dma_start3A_168 = arith.constant 0 : i32
      %dma_start3A_169 = tpu.memref_slice %arg3[%add3A_139, %dma_start3A_167, %dma_start3A_168] : memref<2000x2x80xi32, #tpu.memory_space<hbm>> -> memref<1x2x80xi32, #tpu.memory_space<hbm>>
      %dma_start3A_170 = tpu.memref_squeeze %dma_start3A_169 : memref<1x2x80xi32, #tpu.memory_space<hbm>> -> memref<2x80xi32, #tpu.memory_space<hbm>>
      tpu.enqueue_dma source(%dma_start3A_170 : memref<2x80xi32, #tpu.memory_space<hbm>>) target(%dma_start3A_166 : memref<2x80xi32, #tpu.memory_space<vmem>>) target_semaphore(%arg17 : memref<!tpu.dma_semaphore, #tpu.memory_space<semaphore_mem>>)
    } else {
    }
    %gt3A_57 = arith.constant 3 : i32
    %gt3A_58 = arith.cmpi sgt, %max3A_43, %gt3A_57 : i32
    %convert_element_type3A_59 = arith.extui %gt3A_58 : i1 to i32
    %cond3A_60 = arith.constant 0 : i32
    %cond3A_61 = arith.cmpi ne, %convert_element_type3A_59, %cond3A_60 : i32
    scf.if %cond3A_61 {
      %add3A_137 = arith.addi %select_n3A, %arg1 : i32
      %add3A_138 = arith.constant 48 : i32
      %add3A_139 = arith.addi %add3A_137, %add3A_138 : i32
      %mul3A_140 = arith.constant 160 : i32
      %mul3A_141 = arith.muli %add3A_139, %mul3A_140 : i32
      %dma_start3A = arith.constant 3 : i32
      %dma_start3A_142 = arith.constant 0 : i32
      %dma_start3A_143 = arith.constant 0 : i32
      %dma_start3A_144 = tpu.memref_slice %arg7[%dma_start3A, %dma_start3A_142, %dma_start3A_143] : memref<4x160x128xf32, #tpu.memory_space<vmem>> -> memref<1x160x128xf32, #tpu.memory_space<vmem>>
      %dma_start3A_145 = tpu.memref_squeeze %dma_start3A_144 : memref<1x160x128xf32, #tpu.memory_space<vmem>> -> memref<160x128xf32, #tpu.memory_space<vmem>>
      %dma_start3A_146 = arith.constant 0 : i32
      %dma_start3A_147 = tpu.memref_slice %arg2[%mul3A_141, %dma_start3A_146] : memref<320000x128xf32, #tpu.memory_space<hbm>> -> memref<160x128xf32, #tpu.memory_space<hbm>>
      %dma_start3A_148 = arith.constant 0 : i32
      %dma_start3A_149 = arith.constant 0 : i32
      %dma_start3A_150 = tpu.memref_slice %arg7[%dma_start3A, %dma_start3A_148, %dma_start3A_149] : memref<4x160x128xf32, #tpu.memory_space<vmem>> -> memref<1x160x128xf32, #tpu.memory_space<vmem>>
      %dma_start3A_151 = tpu.memref_squeeze %dma_start3A_150 : memref<1x160x128xf32, #tpu.memory_space<vmem>> -> memref<160x128xf32, #tpu.memory_space<vmem>>
      %dma_start3A_152 = arith.constant 0 : i32
      %dma_start3A_153 = tpu.memref_slice %arg2[%mul3A_141, %dma_start3A_152] : memref<320000x128xf32, #tpu.memory_space<hbm>> -> memref<160x128xf32, #tpu.memory_space<hbm>>
      tpu.enqueue_dma source(%dma_start3A_153 : memref<160x128xf32, #tpu.memory_space<hbm>>) target(%dma_start3A_151 : memref<160x128xf32, #tpu.memory_space<vmem>>) target_semaphore(%arg14 : memref<!tpu.dma_semaphore, #tpu.memory_space<semaphore_mem>>)
      %dma_start3A_154 = arith.constant 3 : i32
      %dma_start3A_155 = arith.constant 0 : i32
      %dma_start3A_156 = arith.constant 0 : i32
      %dma_start3A_157 = tpu.memref_slice %arg8[%dma_start3A_154, %dma_start3A_155, %dma_start3A_156] : memref<4x2x80xi32, #tpu.memory_space<vmem>> -> memref<1x2x80xi32, #tpu.memory_space<vmem>>
      %dma_start3A_158 = tpu.memref_squeeze %dma_start3A_157 : memref<1x2x80xi32, #tpu.memory_space<vmem>> -> memref<2x80xi32, #tpu.memory_space<vmem>>
      %dma_start3A_159 = arith.constant 0 : i32
      %dma_start3A_160 = arith.constant 0 : i32
      %dma_start3A_161 = tpu.memref_slice %arg3[%add3A_139, %dma_start3A_159, %dma_start3A_160] : memref<2000x2x80xi32, #tpu.memory_space<hbm>> -> memref<1x2x80xi32, #tpu.memory_space<hbm>>
      %dma_start3A_162 = tpu.memref_squeeze %dma_start3A_161 : memref<1x2x80xi32, #tpu.memory_space<hbm>> -> memref<2x80xi32, #tpu.memory_space<hbm>>
      %dma_start3A_163 = arith.constant 0 : i32
      %dma_start3A_164 = arith.constant 0 : i32
      %dma_start3A_165 = tpu.memref_slice %arg8[%dma_start3A_154, %dma_start3A_163, %dma_start3A_164] : memref<4x2x80xi32, #tpu.memory_space<vmem>> -> memref<1x2x80xi32, #tpu.memory_space<vmem>>
      %dma_start3A_166 = tpu.memref_squeeze %dma_start3A_165 : memref<1x2x80xi32, #tpu.memory_space<vmem>> -> memref<2x80xi32, #tpu.memory_space<vmem>>
      %dma_start3A_167 = arith.constant 0 : i32
      %dma_start3A_168 = arith.constant 0 : i32
      %dma_start3A_169 = tpu.memref_slice %arg3[%add3A_139, %dma_start3A_167, %dma_start3A_168] : memref<2000x2x80xi32, #tpu.memory_space<hbm>> -> memref<1x2x80xi32, #tpu.memory_space<hbm>>
      %dma_start3A_170 = tpu.memref_squeeze %dma_start3A_169 : memref<1x2x80xi32, #tpu.memory_space<hbm>> -> memref<2x80xi32, #tpu.memory_space<hbm>>
      tpu.enqueue_dma source(%dma_start3A_170 : memref<2x80xi32, #tpu.memory_space<hbm>>) target(%dma_start3A_166 : memref<2x80xi32, #tpu.memory_space<vmem>>) target_semaphore(%arg18 : memref<!tpu.dma_semaphore, #tpu.memory_space<semaphore_mem>>)
    } else {
    }
    %scan3A = arith.constant 0 : i32
    %scan3A_62 = arith.constant 320 : i32
    %scan3A_63 = arith.addi %scan3A, %scan3A_62 : i32
    %scan3A_64 = arith.constant 1 : i32
    scf.for %scan3A_137 = %scan3A to %scan3A_63 step %scan3A_64  : i32 {
      %mul3A_138 = arith.constant 1 : i32
      %mul3A_139 = arith.muli %scan3A_137, %mul3A_138 : i32
      %add3A_140 = arith.constant 0 : i32
      %add3A_141 = arith.addi %add3A_140, %mul3A_139 : i32
      %jit3A_142 = arith.constant 8 : i32
      %div3A_143 = arith.divsi %add3A_141, %jit3A_142 : i32
      %sign3A_144 = arith.constant 0 : i32
      %sign3A_145 = arith.cmpi sgt, %add3A_141, %sign3A_144 : i32
      %sign3A_146 = arith.extui %sign3A_145 : i1 to i32
      %sign3A_147 = arith.constant 0 : i32
      %sign3A_148 = arith.cmpi slt, %add3A_141, %sign3A_147 : i32
      %sign3A_149 = arith.extui %sign3A_148 : i1 to i32
      %sign3A_150 = arith.subi %sign3A_146, %sign3A_149 : i32
      %sign3A_151 = arith.constant 0 : i32
      %sign3A_152 = arith.cmpi sgt, %jit3A_142, %sign3A_151 : i32
      %sign3A_153 = arith.extui %sign3A_152 : i1 to i32
      %sign3A_154 = arith.constant 0 : i32
      %sign3A_155 = arith.cmpi slt, %jit3A_142, %sign3A_154 : i32
      %sign3A_156 = arith.extui %sign3A_155 : i1 to i32
      %sign3A_157 = arith.subi %sign3A_153, %sign3A_156 : i32
      %ne3A_158 = arith.cmpi ne, %sign3A_150, %sign3A_157 : i32
      %rem3A_159 = arith.remsi %add3A_141, %jit3A_142 : i32
      %ne3A_160 = arith.constant 0 : i32
      %ne3A_161 = arith.cmpi ne, %rem3A_159, %ne3A_160 : i32
      %and3A_162 = arith.andi %ne3A_158, %ne3A_161 : i1
      %sub3A_163 = arith.constant 1 : i32
      %sub3A_164 = arith.subi %div3A_143, %sub3A_163 : i32
      %select_n3A_165 = arith.select %and3A_162, %sub3A_164, %div3A_143 : i32
      %jit3A_166 = arith.constant 8 : i32
      %eq3A_167 = arith.constant 0 : i32
      %eq3A_168 = arith.cmpi eq, %jit3A_166, %eq3A_167 : i32
      %jit3A_169 = arith.constant 1 : i32
      %select_n3A_170 = arith.select %eq3A_168, %jit3A_169, %jit3A_166 : i32
      %rem3A_171 = arith.remsi %add3A_141, %select_n3A_170 : i32
      %ne3A_172 = arith.constant 0 : i32
      %ne3A_173 = arith.cmpi ne, %rem3A_171, %ne3A_172 : i32
      %lt3A_174 = arith.constant 0 : i32
      %lt3A_175 = arith.cmpi slt, %rem3A_171, %lt3A_174 : i32
      %lt3A_176 = arith.constant 0 : i32
      %lt3A_177 = arith.cmpi slt, %select_n3A_170, %lt3A_176 : i32
      %ne3A_178 = arith.xori %lt3A_175, %lt3A_177 : i1
      %and3A_179 = arith.andi %ne3A_178, %ne3A_173 : i1
      %add3A_180 = arith.addi %rem3A_171, %select_n3A_170 : i32
      %select_n3A_181 = arith.select %and3A_179, %add3A_180, %rem3A_171 : i32
      %broadcast_in_dim3A = arith.constant 0.000000e+00 : f32
      %broadcast_in_dim3A_182 = vector.broadcast %broadcast_in_dim3A : f32 to vector<16xf32>
      %mul3A_183 = arith.constant 16 : i32
      %mul3A_184 = arith.muli %select_n3A_181, %mul3A_183 : i32
      %swap3A = arith.index_cast %select_n3A_165 : i32 to index
      %swap3A_185 = arith.index_cast %mul3A_184 : i32 to index
      %swap3A_186 = tpu.vector_load %arg10[%swap3A, %swap3A_185] {strides = array<i32>} : memref<40x128xf32, #tpu.memory_space<vmem>>, vector<16xf32>,
      tpu.vector_store %arg10[%swap3A, %swap3A_185], %broadcast_in_dim3A_182 {strides = array<i32>} : memref<40x128xf32, #tpu.memory_space<vmem>>, vector<16xf32>,
    }
    %scan3A_65 = arith.constant 320 : i32
    %lt3A = arith.constant 15 : i32
    %lt3A_66 = arith.cmpi slt, %arg1, %lt3A : i32
    %mul3A = arith.constant 312 : i32
    %mul3A_67 = arith.muli %arg1, %mul3A : i32
    %convert_element_type3A_68 = arith.extui %lt3A_66 : i1 to i32
    %cond3A_69 = arith.constant 0 : i32
    %cond3A_70 = arith.cmpi ne, %convert_element_type3A_68, %cond3A_69 : i32
    scf.if %cond3A_70 {
      %add3A_137 = arith.constant 0 : i32
      %add3A_138 = arith.addi %mul3A_67, %add3A_137 : i32
      "tpu.region"() ({
        %run_scoped3A = tpu.sem_alloc : memref<!tpu.dma_semaphore, #tpu.memory_space<semaphore_mem>>
        %dma_start3A = arith.constant 0 : i32
        %dma_start3A_153 = arith.constant 0 : i32
        %dma_start3A_154 = tpu.memref_slice %arg10[%dma_start3A, %dma_start3A_153] : memref<40x128xf32, #tpu.memory_space<vmem>> -> memref<40x128xf32, #tpu.memory_space<vmem>>
        %dma_start3A_155 = arith.constant 0 : i32
        %dma_start3A_156 = tpu.memref_slice %arg6[%add3A_138, %dma_start3A_155] : memref<5008x128xf32, #tpu.memory_space<vmem_shared>> -> memref<40x128xf32, #tpu.memory_space<vmem_shared>>
        %dma_start3A_157 = arith.constant 0 : i32
        %dma_start3A_158 = tpu.memref_slice %arg6[%add3A_138, %dma_start3A_157] : memref<5008x128xf32, #tpu.memory_space<vmem_shared>> -> memref<40x128xf32, #tpu.memory_space<vmem_shared>>
        %dma_start3A_159 = arith.constant 0 : i32
        %dma_start3A_160 = arith.constant 0 : i32
        %dma_start3A_161 = tpu.memref_slice %arg10[%dma_start3A_159, %dma_start3A_160] : memref<40x128xf32, #tpu.memory_space<vmem>> -> memref<40x128xf32, #tpu.memory_space<vmem>>
        tpu.enqueue_dma source(%dma_start3A_161 : memref<40x128xf32, #tpu.memory_space<vmem>>) target(%dma_start3A_158 : memref<40x128xf32, #tpu.memory_space<vmem_shared>>) target_semaphore(%run_scoped3A : memref<!tpu.dma_semaphore, #tpu.memory_space<semaphore_mem>>)
        %dma_wait3A = arith.constant 0 : i32
        %dma_wait3A_162 = arith.constant 0 : i32
        %dma_wait3A_163 = tpu.memref_slice %arg10[%dma_wait3A, %dma_wait3A_162] : memref<40x128xf32, #tpu.memory_space<vmem>> -> memref<40x128xf32, #tpu.memory_space<vmem>>
        %dma_wait3A_164 = arith.constant 0 : i32
        %dma_wait3A_165 = tpu.memref_slice %arg6[%add3A_138, %dma_wait3A_164] : memref<5008x128xf32, #tpu.memory_space<vmem_shared>> -> memref<40x128xf32, #tpu.memory_space<vmem_shared>>
        %dma_wait3A_166 = arith.constant 0 : i32
        %dma_wait3A_167 = tpu.memref_slice %arg6[%add3A_138, %dma_wait3A_166] : memref<5008x128xf32, #tpu.memory_space<vmem_shared>> -> memref<40x128xf32, #tpu.memory_space<vmem_shared>>
        %dma_wait3A_168 = arith.constant 0 : i32
        %dma_wait3A_169 = arith.constant 0 : i32
        %dma_wait3A_170 = tpu.memref_slice %arg10[%dma_wait3A_168, %dma_wait3A_169] : memref<40x128xf32, #tpu.memory_space<vmem>> -> memref<40x128xf32, #tpu.memory_space<vmem>>
        tpu.wait_dma2 semaphore(%run_scoped3A : memref<!tpu.dma_semaphore, #tpu.memory_space<semaphore_mem>>) src(%dma_wait3A_170 : memref<40x128xf32, #tpu.memory_space<vmem>>) dst(%dma_wait3A_167 : memref<40x128xf32, #tpu.memory_space<vmem_shared>>)
        tpu.yield
      }) : () -> ()
      %add3A_139 = arith.constant 40 : i32
      %add3A_140 = arith.addi %mul3A_67, %add3A_139 : i32
      "tpu.region"() ({
        %run_scoped3A = tpu.sem_alloc : memref<!tpu.dma_semaphore, #tpu.memory_space<semaphore_mem>>
        %dma_start3A = arith.constant 0 : i32
        %dma_start3A_153 = arith.constant 0 : i32
        %dma_start3A_154 = tpu.memref_slice %arg10[%dma_start3A, %dma_start3A_153] : memref<40x128xf32, #tpu.memory_space<vmem>> -> memref<40x128xf32, #tpu.memory_space<vmem>>
        %dma_start3A_155 = arith.constant 0 : i32
        %dma_start3A_156 = tpu.memref_slice %arg6[%add3A_140, %dma_start3A_155] : memref<5008x128xf32, #tpu.memory_space<vmem_shared>> -> memref<40x128xf32, #tpu.memory_space<vmem_shared>>
        %dma_start3A_157 = arith.constant 0 : i32
        %dma_start3A_158 = tpu.memref_slice %arg6[%add3A_140, %dma_start3A_157] : memref<5008x128xf32, #tpu.memory_space<vmem_shared>> -> memref<40x128xf32, #tpu.memory_space<vmem_shared>>
        %dma_start3A_159 = arith.constant 0 : i32
        %dma_start3A_160 = arith.constant 0 : i32
        %dma_start3A_161 = tpu.memref_slice %arg10[%dma_start3A_159, %dma_start3A_160] : memref<40x128xf32, #tpu.memory_space<vmem>> -> memref<40x128xf32, #tpu.memory_space<vmem>>
        tpu.enqueue_dma source(%dma_start3A_161 : memref<40x128xf32, #tpu.memory_space<vmem>>) target(%dma_start3A_158 : memref<40x128xf32, #tpu.memory_space<vmem_shared>>) target_semaphore(%run_scoped3A : memref<!tpu.dma_semaphore, #tpu.memory_space<semaphore_mem>>)
        %dma_wait3A = arith.constant 0 : i32
        %dma_wait3A_162 = arith.constant 0 : i32
        %dma_wait3A_163 = tpu.memref_slice %arg10[%dma_wait3A, %dma_wait3A_162] : memref<40x128xf32, #tpu.memory_space<vmem>> -> memref<40x128xf32, #tpu.memory_space<vmem>>
        %dma_wait3A_164 = arith.constant 0 : i32
        %dma_wait3A_165 = tpu.memref_slice %arg6[%add3A_140, %dma_wait3A_164] : memref<5008x128xf32, #tpu.memory_space<vmem_shared>> -> memref<40x128xf32, #tpu.memory_space<vmem_shared>>
        %dma_wait3A_166 = arith.constant 0 : i32
        %dma_wait3A_167 = tpu.memref_slice %arg6[%add3A_140, %dma_wait3A_166] : memref<5008x128xf32, #tpu.memory_space<vmem_shared>> -> memref<40x128xf32, #tpu.memory_space<vmem_shared>>
        %dma_wait3A_168 = arith.constant 0 : i32
        %dma_wait3A_169 = arith.constant 0 : i32
        %dma_wait3A_170 = tpu.memref_slice %arg10[%dma_wait3A_168, %dma_wait3A_169] : memref<40x128xf32, #tpu.memory_space<vmem>> -> memref<40x128xf32, #tpu.memory_space<vmem>>
        tpu.wait_dma2 semaphore(%run_scoped3A : memref<!tpu.dma_semaphore, #tpu.memory_space<semaphore_mem>>) src(%dma_wait3A_170 : memref<40x128xf32, #tpu.memory_space<vmem>>) dst(%dma_wait3A_167 : memref<40x128xf32, #tpu.memory_space<vmem_shared>>)
        tpu.yield
      }) : () -> ()
      %add3A_141 = arith.constant 80 : i32
      %add3A_142 = arith.addi %mul3A_67, %add3A_141 : i32
      "tpu.region"() ({
        %run_scoped3A = tpu.sem_alloc : memref<!tpu.dma_semaphore, #tpu.memory_space<semaphore_mem>>
        %dma_start3A = arith.constant 0 : i32
        %dma_start3A_153 = arith.constant 0 : i32
        %dma_start3A_154 = tpu.memref_slice %arg10[%dma_start3A, %dma_start3A_153] : memref<40x128xf32, #tpu.memory_space<vmem>> -> memref<40x128xf32, #tpu.memory_space<vmem>>
        %dma_start3A_155 = arith.constant 0 : i32
        %dma_start3A_156 = tpu.memref_slice %arg6[%add3A_142, %dma_start3A_155] : memref<5008x128xf32, #tpu.memory_space<vmem_shared>> -> memref<40x128xf32, #tpu.memory_space<vmem_shared>>
        %dma_start3A_157 = arith.constant 0 : i32
        %dma_start3A_158 = tpu.memref_slice %arg6[%add3A_142, %dma_start3A_157] : memref<5008x128xf32, #tpu.memory_space<vmem_shared>> -> memref<40x128xf32, #tpu.memory_space<vmem_shared>>
        %dma_start3A_159 = arith.constant 0 : i32
        %dma_start3A_160 = arith.constant 0 : i32
        %dma_start3A_161 = tpu.memref_slice %arg10[%dma_start3A_159, %dma_start3A_160] : memref<40x128xf32, #tpu.memory_space<vmem>> -> memref<40x128xf32, #tpu.memory_space<vmem>>
        tpu.enqueue_dma source(%dma_start3A_161 : memref<40x128xf32, #tpu.memory_space<vmem>>) target(%dma_start3A_158 : memref<40x128xf32, #tpu.memory_space<vmem_shared>>) target_semaphore(%run_scoped3A : memref<!tpu.dma_semaphore, #tpu.memory_space<semaphore_mem>>)
        %dma_wait3A = arith.constant 0 : i32
        %dma_wait3A_162 = arith.constant 0 : i32
        %dma_wait3A_163 = tpu.memref_slice %arg10[%dma_wait3A, %dma_wait3A_162] : memref<40x128xf32, #tpu.memory_space<vmem>> -> memref<40x128xf32, #tpu.memory_space<vmem>>
        %dma_wait3A_164 = arith.constant 0 : i32
        %dma_wait3A_165 = tpu.memref_slice %arg6[%add3A_142, %dma_wait3A_164] : memref<5008x128xf32, #tpu.memory_space<vmem_shared>> -> memref<40x128xf32, #tpu.memory_space<vmem_shared>>
        %dma_wait3A_166 = arith.constant 0 : i32
        %dma_wait3A_167 = tpu.memref_slice %arg6[%add3A_142, %dma_wait3A_166] : memref<5008x128xf32, #tpu.memory_space<vmem_shared>> -> memref<40x128xf32, #tpu.memory_space<vmem_shared>>
        %dma_wait3A_168 = arith.constant 0 : i32
        %dma_wait3A_169 = arith.constant 0 : i32
        %dma_wait3A_170 = tpu.memref_slice %arg10[%dma_wait3A_168, %dma_wait3A_169] : memref<40x128xf32, #tpu.memory_space<vmem>> -> memref<40x128xf32, #tpu.memory_space<vmem>>
        tpu.wait_dma2 semaphore(%run_scoped3A : memref<!tpu.dma_semaphore, #tpu.memory_space<semaphore_mem>>) src(%dma_wait3A_170 : memref<40x128xf32, #tpu.memory_space<vmem>>) dst(%dma_wait3A_167 : memref<40x128xf32, #tpu.memory_space<vmem_shared>>)
        tpu.yield
      }) : () -> ()
      %add3A_143 = arith.constant 120 : i32
      %add3A_144 = arith.addi %mul3A_67, %add3A_143 : i32
      "tpu.region"() ({
        %run_scoped3A = tpu.sem_alloc : memref<!tpu.dma_semaphore, #tpu.memory_space<semaphore_mem>>
        %dma_start3A = arith.constant 0 : i32
        %dma_start3A_153 = arith.constant 0 : i32
        %dma_start3A_154 = tpu.memref_slice %arg10[%dma_start3A, %dma_start3A_153] : memref<40x128xf32, #tpu.memory_space<vmem>> -> memref<40x128xf32, #tpu.memory_space<vmem>>
        %dma_start3A_155 = arith.constant 0 : i32
        %dma_start3A_156 = tpu.memref_slice %arg6[%add3A_144, %dma_start3A_155] : memref<5008x128xf32, #tpu.memory_space<vmem_shared>> -> memref<40x128xf32, #tpu.memory_space<vmem_shared>>
        %dma_start3A_157 = arith.constant 0 : i32
        %dma_start3A_158 = tpu.memref_slice %arg6[%add3A_144, %dma_start3A_157] : memref<5008x128xf32, #tpu.memory_space<vmem_shared>> -> memref<40x128xf32, #tpu.memory_space<vmem_shared>>
        %dma_start3A_159 = arith.constant 0 : i32
        %dma_start3A_160 = arith.constant 0 : i32
        %dma_start3A_161 = tpu.memref_slice %arg10[%dma_start3A_159, %dma_start3A_160] : memref<40x128xf32, #tpu.memory_space<vmem>> -> memref<40x128xf32, #tpu.memory_space<vmem>>
        tpu.enqueue_dma source(%dma_start3A_161 : memref<40x128xf32, #tpu.memory_space<vmem>>) target(%dma_start3A_158 : memref<40x128xf32, #tpu.memory_space<vmem_shared>>) target_semaphore(%run_scoped3A : memref<!tpu.dma_semaphore, #tpu.memory_space<semaphore_mem>>)
        %dma_wait3A = arith.constant 0 : i32
        %dma_wait3A_162 = arith.constant 0 : i32
        %dma_wait3A_163 = tpu.memref_slice %arg10[%dma_wait3A, %dma_wait3A_162] : memref<40x128xf32, #tpu.memory_space<vmem>> -> memref<40x128xf32, #tpu.memory_space<vmem>>
        %dma_wait3A_164 = arith.constant 0 : i32
        %dma_wait3A_165 = tpu.memref_slice %arg6[%add3A_144, %dma_wait3A_164] : memref<5008x128xf32, #tpu.memory_space<vmem_shared>> -> memref<40x128xf32, #tpu.memory_space<vmem_shared>>
        %dma_wait3A_166 = arith.constant 0 : i32
        %dma_wait3A_167 = tpu.memref_slice %arg6[%add3A_144, %dma_wait3A_166] : memref<5008x128xf32, #tpu.memory_space<vmem_shared>> -> memref<40x128xf32, #tpu.memory_space<vmem_shared>>
        %dma_wait3A_168 = arith.constant 0 : i32
        %dma_wait3A_169 = arith.constant 0 : i32
        %dma_wait3A_170 = tpu.memref_slice %arg10[%dma_wait3A_168, %dma_wait3A_169] : memref<40x128xf32, #tpu.memory_space<vmem>> -> memref<40x128xf32, #tpu.memory_space<vmem>>
        tpu.wait_dma2 semaphore(%run_scoped3A : memref<!tpu.dma_semaphore, #tpu.memory_space<semaphore_mem>>) src(%dma_wait3A_170 : memref<40x128xf32, #tpu.memory_space<vmem>>) dst(%dma_wait3A_167 : memref<40x128xf32, #tpu.memory_space<vmem_shared>>)
        tpu.yield
      }) : () -> ()
      %add3A_145 = arith.constant 160 : i32
      %add3A_146 = arith.addi %mul3A_67, %add3A_145 : i32
      "tpu.region"() ({
        %run_scoped3A = tpu.sem_alloc : memref<!tpu.dma_semaphore, #tpu.memory_space<semaphore_mem>>
        %dma_start3A = arith.constant 0 : i32
        %dma_start3A_153 = arith.constant 0 : i32
        %dma_start3A_154 = tpu.memref_slice %arg10[%dma_start3A, %dma_start3A_153] : memref<40x128xf32, #tpu.memory_space<vmem>> -> memref<40x128xf32, #tpu.memory_space<vmem>>
        %dma_start3A_155 = arith.constant 0 : i32
        %dma_start3A_156 = tpu.memref_slice %arg6[%add3A_146, %dma_start3A_155] : memref<5008x128xf32, #tpu.memory_space<vmem_shared>> -> memref<40x128xf32, #tpu.memory_space<vmem_shared>>
        %dma_start3A_157 = arith.constant 0 : i32
        %dma_start3A_158 = tpu.memref_slice %arg6[%add3A_146, %dma_start3A_157] : memref<5008x128xf32, #tpu.memory_space<vmem_shared>> -> memref<40x128xf32, #tpu.memory_space<vmem_shared>>
        %dma_start3A_159 = arith.constant 0 : i32
        %dma_start3A_160 = arith.constant 0 : i32
        %dma_start3A_161 = tpu.memref_slice %arg10[%dma_start3A_159, %dma_start3A_160] : memref<40x128xf32, #tpu.memory_space<vmem>> -> memref<40x128xf32, #tpu.memory_space<vmem>>
        tpu.enqueue_dma source(%dma_start3A_161 : memref<40x128xf32, #tpu.memory_space<vmem>>) target(%dma_start3A_158 : memref<40x128xf32, #tpu.memory_space<vmem_shared>>) target_semaphore(%run_scoped3A : memref<!tpu.dma_semaphore, #tpu.memory_space<semaphore_mem>>)
        %dma_wait3A = arith.constant 0 : i32
        %dma_wait3A_162 = arith.constant 0 : i32
        %dma_wait3A_163 = tpu.memref_slice %arg10[%dma_wait3A, %dma_wait3A_162] : memref<40x128xf32, #tpu.memory_space<vmem>> -> memref<40x128xf32, #tpu.memory_space<vmem>>
        %dma_wait3A_164 = arith.constant 0 : i32
        %dma_wait3A_165 = tpu.memref_slice %arg6[%add3A_146, %dma_wait3A_164] : memref<5008x128xf32, #tpu.memory_space<vmem_shared>> -> memref<40x128xf32, #tpu.memory_space<vmem_shared>>
        %dma_wait3A_166 = arith.constant 0 : i32
        %dma_wait3A_167 = tpu.memref_slice %arg6[%add3A_146, %dma_wait3A_166] : memref<5008x128xf32, #tpu.memory_space<vmem_shared>> -> memref<40x128xf32, #tpu.memory_space<vmem_shared>>
        %dma_wait3A_168 = arith.constant 0 : i32
        %dma_wait3A_169 = arith.constant 0 : i32
        %dma_wait3A_170 = tpu.memref_slice %arg10[%dma_wait3A_168, %dma_wait3A_169] : memref<40x128xf32, #tpu.memory_space<vmem>> -> memref<40x128xf32, #tpu.memory_space<vmem>>
        tpu.wait_dma2 semaphore(%run_scoped3A : memref<!tpu.dma_semaphore, #tpu.memory_space<semaphore_mem>>) src(%dma_wait3A_170 : memref<40x128xf32, #tpu.memory_space<vmem>>) dst(%dma_wait3A_167 : memref<40x128xf32, #tpu.memory_space<vmem_shared>>)
        tpu.yield
      }) : () -> ()
      %add3A_147 = arith.constant 200 : i32
      %add3A_148 = arith.addi %mul3A_67, %add3A_147 : i32
      "tpu.region"() ({
        %run_scoped3A = tpu.sem_alloc : memref<!tpu.dma_semaphore, #tpu.memory_space<semaphore_mem>>
        %dma_start3A = arith.constant 0 : i32
        %dma_start3A_153 = arith.constant 0 : i32
        %dma_start3A_154 = tpu.memref_slice %arg10[%dma_start3A, %dma_start3A_153] : memref<40x128xf32, #tpu.memory_space<vmem>> -> memref<40x128xf32, #tpu.memory_space<vmem>>
        %dma_start3A_155 = arith.constant 0 : i32
        %dma_start3A_156 = tpu.memref_slice %arg6[%add3A_148, %dma_start3A_155] : memref<5008x128xf32, #tpu.memory_space<vmem_shared>> -> memref<40x128xf32, #tpu.memory_space<vmem_shared>>
        %dma_start3A_157 = arith.constant 0 : i32
        %dma_start3A_158 = tpu.memref_slice %arg6[%add3A_148, %dma_start3A_157] : memref<5008x128xf32, #tpu.memory_space<vmem_shared>> -> memref<40x128xf32, #tpu.memory_space<vmem_shared>>
        %dma_start3A_159 = arith.constant 0 : i32
        %dma_start3A_160 = arith.constant 0 : i32
        %dma_start3A_161 = tpu.memref_slice %arg10[%dma_start3A_159, %dma_start3A_160] : memref<40x128xf32, #tpu.memory_space<vmem>> -> memref<40x128xf32, #tpu.memory_space<vmem>>
        tpu.enqueue_dma source(%dma_start3A_161 : memref<40x128xf32, #tpu.memory_space<vmem>>) target(%dma_start3A_158 : memref<40x128xf32, #tpu.memory_space<vmem_shared>>) target_semaphore(%run_scoped3A : memref<!tpu.dma_semaphore, #tpu.memory_space<semaphore_mem>>)
        %dma_wait3A = arith.constant 0 : i32
        %dma_wait3A_162 = arith.constant 0 : i32
        %dma_wait3A_163 = tpu.memref_slice %arg10[%dma_wait3A, %dma_wait3A_162] : memref<40x128xf32, #tpu.memory_space<vmem>> -> memref<40x128xf32, #tpu.memory_space<vmem>>
        %dma_wait3A_164 = arith.constant 0 : i32
        %dma_wait3A_165 = tpu.memref_slice %arg6[%add3A_148, %dma_wait3A_164] : memref<5008x128xf32, #tpu.memory_space<vmem_shared>> -> memref<40x128xf32, #tpu.memory_space<vmem_shared>>
        %dma_wait3A_166 = arith.constant 0 : i32
        %dma_wait3A_167 = tpu.memref_slice %arg6[%add3A_148, %dma_wait3A_166] : memref<5008x128xf32, #tpu.memory_space<vmem_shared>> -> memref<40x128xf32, #tpu.memory_space<vmem_shared>>
        %dma_wait3A_168 = arith.constant 0 : i32
        %dma_wait3A_169 = arith.constant 0 : i32
        %dma_wait3A_170 = tpu.memref_slice %arg10[%dma_wait3A_168, %dma_wait3A_169] : memref<40x128xf32, #tpu.memory_space<vmem>> -> memref<40x128xf32, #tpu.memory_space<vmem>>
        tpu.wait_dma2 semaphore(%run_scoped3A : memref<!tpu.dma_semaphore, #tpu.memory_space<semaphore_mem>>) src(%dma_wait3A_170 : memref<40x128xf32, #tpu.memory_space<vmem>>) dst(%dma_wait3A_167 : memref<40x128xf32, #tpu.memory_space<vmem_shared>>)
        tpu.yield
      }) : () -> ()
      %add3A_149 = arith.constant 240 : i32
      %add3A_150 = arith.addi %mul3A_67, %add3A_149 : i32
      "tpu.region"() ({
        %run_scoped3A = tpu.sem_alloc : memref<!tpu.dma_semaphore, #tpu.memory_space<semaphore_mem>>
        %dma_start3A = arith.constant 0 : i32
        %dma_start3A_153 = arith.constant 0 : i32
        %dma_start3A_154 = tpu.memref_slice %arg10[%dma_start3A, %dma_start3A_153] : memref<40x128xf32, #tpu.memory_space<vmem>> -> memref<40x128xf32, #tpu.memory_space<vmem>>
        %dma_start3A_155 = arith.constant 0 : i32
        %dma_start3A_156 = tpu.memref_slice %arg6[%add3A_150, %dma_start3A_155] : memref<5008x128xf32, #tpu.memory_space<vmem_shared>> -> memref<40x128xf32, #tpu.memory_space<vmem_shared>>
        %dma_start3A_157 = arith.constant 0 : i32
        %dma_start3A_158 = tpu.memref_slice %arg6[%add3A_150, %dma_start3A_157] : memref<5008x128xf32, #tpu.memory_space<vmem_shared>> -> memref<40x128xf32, #tpu.memory_space<vmem_shared>>
        %dma_start3A_159 = arith.constant 0 : i32
        %dma_start3A_160 = arith.constant 0 : i32
        %dma_start3A_161 = tpu.memref_slice %arg10[%dma_start3A_159, %dma_start3A_160] : memref<40x128xf32, #tpu.memory_space<vmem>> -> memref<40x128xf32, #tpu.memory_space<vmem>>
        tpu.enqueue_dma source(%dma_start3A_161 : memref<40x128xf32, #tpu.memory_space<vmem>>) target(%dma_start3A_158 : memref<40x128xf32, #tpu.memory_space<vmem_shared>>) target_semaphore(%run_scoped3A : memref<!tpu.dma_semaphore, #tpu.memory_space<semaphore_mem>>)
        %dma_wait3A = arith.constant 0 : i32
        %dma_wait3A_162 = arith.constant 0 : i32
        %dma_wait3A_163 = tpu.memref_slice %arg10[%dma_wait3A, %dma_wait3A_162] : memref<40x128xf32, #tpu.memory_space<vmem>> -> memref<40x128xf32, #tpu.memory_space<vmem>>
        %dma_wait3A_164 = arith.constant 0 : i32
        %dma_wait3A_165 = tpu.memref_slice %arg6[%add3A_150, %dma_wait3A_164] : memref<5008x128xf32, #tpu.memory_space<vmem_shared>> -> memref<40x128xf32, #tpu.memory_space<vmem_shared>>
        %dma_wait3A_166 = arith.constant 0 : i32
        %dma_wait3A_167 = tpu.memref_slice %arg6[%add3A_150, %dma_wait3A_166] : memref<5008x128xf32, #tpu.memory_space<vmem_shared>> -> memref<40x128xf32, #tpu.memory_space<vmem_shared>>
        %dma_wait3A_168 = arith.constant 0 : i32
        %dma_wait3A_169 = arith.constant 0 : i32
        %dma_wait3A_170 = tpu.memref_slice %arg10[%dma_wait3A_168, %dma_wait3A_169] : memref<40x128xf32, #tpu.memory_space<vmem>> -> memref<40x128xf32, #tpu.memory_space<vmem>>
        tpu.wait_dma2 semaphore(%run_scoped3A : memref<!tpu.dma_semaphore, #tpu.memory_space<semaphore_mem>>) src(%dma_wait3A_170 : memref<40x128xf32, #tpu.memory_space<vmem>>) dst(%dma_wait3A_167 : memref<40x128xf32, #tpu.memory_space<vmem_shared>>)
        tpu.yield
      }) : () -> ()
      %add3A_151 = arith.constant 280 : i32
      %add3A_152 = arith.addi %mul3A_67, %add3A_151 : i32
      "tpu.region"() ({
        %run_scoped3A = tpu.sem_alloc : memref<!tpu.dma_semaphore, #tpu.memory_space<semaphore_mem>>
        %dma_start3A = arith.constant 0 : i32
        %dma_start3A_153 = arith.constant 0 : i32
        %dma_start3A_154 = tpu.memref_slice %arg10[%dma_start3A, %dma_start3A_153] : memref<40x128xf32, #tpu.memory_space<vmem>> -> memref<32x128xf32, #tpu.memory_space<vmem>>
        %dma_start3A_155 = arith.constant 0 : i32
        %dma_start3A_156 = tpu.memref_slice %arg6[%add3A_152, %dma_start3A_155] : memref<5008x128xf32, #tpu.memory_space<vmem_shared>> -> memref<32x128xf32, #tpu.memory_space<vmem_shared>>
        %dma_start3A_157 = arith.constant 0 : i32
        %dma_start3A_158 = tpu.memref_slice %arg6[%add3A_152, %dma_start3A_157] : memref<5008x128xf32, #tpu.memory_space<vmem_shared>> -> memref<32x128xf32, #tpu.memory_space<vmem_shared>>
        %dma_start3A_159 = arith.constant 0 : i32
        %dma_start3A_160 = arith.constant 0 : i32
        %dma_start3A_161 = tpu.memref_slice %arg10[%dma_start3A_159, %dma_start3A_160] : memref<40x128xf32, #tpu.memory_space<vmem>> -> memref<32x128xf32, #tpu.memory_space<vmem>>
        tpu.enqueue_dma source(%dma_start3A_161 : memref<32x128xf32, #tpu.memory_space<vmem>>) target(%dma_start3A_158 : memref<32x128xf32, #tpu.memory_space<vmem_shared>>) target_semaphore(%run_scoped3A : memref<!tpu.dma_semaphore, #tpu.memory_space<semaphore_mem>>)
        %dma_wait3A = arith.constant 0 : i32
        %dma_wait3A_162 = arith.constant 0 : i32
        %dma_wait3A_163 = tpu.memref_slice %arg10[%dma_wait3A, %dma_wait3A_162] : memref<40x128xf32, #tpu.memory_space<vmem>> -> memref<32x128xf32, #tpu.memory_space<vmem>>
        %dma_wait3A_164 = arith.constant 0 : i32
        %dma_wait3A_165 = tpu.memref_slice %arg6[%add3A_152, %dma_wait3A_164] : memref<5008x128xf32, #tpu.memory_space<vmem_shared>> -> memref<32x128xf32, #tpu.memory_space<vmem_shared>>
        %dma_wait3A_166 = arith.constant 0 : i32
        %dma_wait3A_167 = tpu.memref_slice %arg6[%add3A_152, %dma_wait3A_166] : memref<5008x128xf32, #tpu.memory_space<vmem_shared>> -> memref<32x128xf32, #tpu.memory_space<vmem_shared>>
        %dma_wait3A_168 = arith.constant 0 : i32
        %dma_wait3A_169 = arith.constant 0 : i32
        %dma_wait3A_170 = tpu.memref_slice %arg10[%dma_wait3A_168, %dma_wait3A_169] : memref<40x128xf32, #tpu.memory_space<vmem>> -> memref<32x128xf32, #tpu.memory_space<vmem>>
        tpu.wait_dma2 semaphore(%run_scoped3A : memref<!tpu.dma_semaphore, #tpu.memory_space<semaphore_mem>>) src(%dma_wait3A_170 : memref<32x128xf32, #tpu.memory_space<vmem>>) dst(%dma_wait3A_167 : memref<32x128xf32, #tpu.memory_space<vmem_shared>>)
        tpu.yield
      }) : () -> ()
    } else {
    }
    %eq3A_71 = arith.constant 15 : i32
    %eq3A_72 = arith.cmpi eq, %arg1, %eq3A_71 : i32
    %convert_element_type3A_73 = arith.extui %eq3A_72 : i1 to i32
    %cond3A_74 = arith.constant 0 : i32
    %cond3A_75 = arith.cmpi ne, %convert_element_type3A_73, %cond3A_74 : i32
    scf.if %cond3A_75 {
      "tpu.region"() ({
        %run_scoped3A = tpu.sem_alloc : memref<!tpu.dma_semaphore, #tpu.memory_space<semaphore_mem>>
        %dma_start3A = arith.constant 0 : i32
        %dma_start3A_137 = arith.constant 0 : i32
        %dma_start3A_138 = tpu.memref_slice %arg10[%dma_start3A, %dma_start3A_137] : memref<40x128xf32, #tpu.memory_space<vmem>> -> memref<40x128xf32, #tpu.memory_space<vmem>>
        %dma_start3A_139 = arith.constant 4680 : i32
        %dma_start3A_140 = arith.constant 0 : i32
        %dma_start3A_141 = tpu.memref_slice %arg6[%dma_start3A_139, %dma_start3A_140] : memref<5008x128xf32, #tpu.memory_space<vmem_shared>> -> memref<40x128xf32, #tpu.memory_space<vmem_shared>>
        %dma_start3A_142 = arith.constant 4680 : i32
        %dma_start3A_143 = arith.constant 0 : i32
        %dma_start3A_144 = tpu.memref_slice %arg6[%dma_start3A_142, %dma_start3A_143] : memref<5008x128xf32, #tpu.memory_space<vmem_shared>> -> memref<40x128xf32, #tpu.memory_space<vmem_shared>>
        %dma_start3A_145 = arith.constant 0 : i32
        %dma_start3A_146 = arith.constant 0 : i32
        %dma_start3A_147 = tpu.memref_slice %arg10[%dma_start3A_145, %dma_start3A_146] : memref<40x128xf32, #tpu.memory_space<vmem>> -> memref<40x128xf32, #tpu.memory_space<vmem>>
        tpu.enqueue_dma source(%dma_start3A_147 : memref<40x128xf32, #tpu.memory_space<vmem>>) target(%dma_start3A_144 : memref<40x128xf32, #tpu.memory_space<vmem_shared>>) target_semaphore(%run_scoped3A : memref<!tpu.dma_semaphore, #tpu.memory_space<semaphore_mem>>)
        %dma_wait3A = arith.constant 0 : i32
        %dma_wait3A_148 = arith.constant 0 : i32
        %dma_wait3A_149 = tpu.memref_slice %arg10[%dma_wait3A, %dma_wait3A_148] : memref<40x128xf32, #tpu.memory_space<vmem>> -> memref<40x128xf32, #tpu.memory_space<vmem>>
        %dma_wait3A_150 = arith.constant 4680 : i32
        %dma_wait3A_151 = arith.constant 0 : i32
        %dma_wait3A_152 = tpu.memref_slice %arg6[%dma_wait3A_150, %dma_wait3A_151] : memref<5008x128xf32, #tpu.memory_space<vmem_shared>> -> memref<40x128xf32, #tpu.memory_space<vmem_shared>>
        %dma_wait3A_153 = arith.constant 4680 : i32
        %dma_wait3A_154 = arith.constant 0 : i32
        %dma_wait3A_155 = tpu.memref_slice %arg6[%dma_wait3A_153, %dma_wait3A_154] : memref<5008x128xf32, #tpu.memory_space<vmem_shared>> -> memref<40x128xf32, #tpu.memory_space<vmem_shared>>
        %dma_wait3A_156 = arith.constant 0 : i32
        %dma_wait3A_157 = arith.constant 0 : i32
        %dma_wait3A_158 = tpu.memref_slice %arg10[%dma_wait3A_156, %dma_wait3A_157] : memref<40x128xf32, #tpu.memory_space<vmem>> -> memref<40x128xf32, #tpu.memory_space<vmem>>
        tpu.wait_dma2 semaphore(%run_scoped3A : memref<!tpu.dma_semaphore, #tpu.memory_space<semaphore_mem>>) src(%dma_wait3A_158 : memref<40x128xf32, #tpu.memory_space<vmem>>) dst(%dma_wait3A_155 : memref<40x128xf32, #tpu.memory_space<vmem_shared>>)
        tpu.yield
      }) : () -> ()
      "tpu.region"() ({
        %run_scoped3A = tpu.sem_alloc : memref<!tpu.dma_semaphore, #tpu.memory_space<semaphore_mem>>
        %dma_start3A = arith.constant 0 : i32
        %dma_start3A_137 = arith.constant 0 : i32
        %dma_start3A_138 = tpu.memref_slice %arg10[%dma_start3A, %dma_start3A_137] : memref<40x128xf32, #tpu.memory_space<vmem>> -> memref<40x128xf32, #tpu.memory_space<vmem>>
        %dma_start3A_139 = arith.constant 4720 : i32
        %dma_start3A_140 = arith.constant 0 : i32
        %dma_start3A_141 = tpu.memref_slice %arg6[%dma_start3A_139, %dma_start3A_140] : memref<5008x128xf32, #tpu.memory_space<vmem_shared>> -> memref<40x128xf32, #tpu.memory_space<vmem_shared>>
        %dma_start3A_142 = arith.constant 4720 : i32
        %dma_start3A_143 = arith.constant 0 : i32
        %dma_start3A_144 = tpu.memref_slice %arg6[%dma_start3A_142, %dma_start3A_143] : memref<5008x128xf32, #tpu.memory_space<vmem_shared>> -> memref<40x128xf32, #tpu.memory_space<vmem_shared>>
        %dma_start3A_145 = arith.constant 0 : i32
        %dma_start3A_146 = arith.constant 0 : i32
        %dma_start3A_147 = tpu.memref_slice %arg10[%dma_start3A_145, %dma_start3A_146] : memref<40x128xf32, #tpu.memory_space<vmem>> -> memref<40x128xf32, #tpu.memory_space<vmem>>
        tpu.enqueue_dma source(%dma_start3A_147 : memref<40x128xf32, #tpu.memory_space<vmem>>) target(%dma_start3A_144 : memref<40x128xf32, #tpu.memory_space<vmem_shared>>) target_semaphore(%run_scoped3A : memref<!tpu.dma_semaphore, #tpu.memory_space<semaphore_mem>>)
        %dma_wait3A = arith.constant 0 : i32
        %dma_wait3A_148 = arith.constant 0 : i32
        %dma_wait3A_149 = tpu.memref_slice %arg10[%dma_wait3A, %dma_wait3A_148] : memref<40x128xf32, #tpu.memory_space<vmem>> -> memref<40x128xf32, #tpu.memory_space<vmem>>
        %dma_wait3A_150 = arith.constant 4720 : i32
        %dma_wait3A_151 = arith.constant 0 : i32
        %dma_wait3A_152 = tpu.memref_slice %arg6[%dma_wait3A_150, %dma_wait3A_151] : memref<5008x128xf32, #tpu.memory_space<vmem_shared>> -> memref<40x128xf32, #tpu.memory_space<vmem_shared>>
        %dma_wait3A_153 = arith.constant 4720 : i32
        %dma_wait3A_154 = arith.constant 0 : i32
        %dma_wait3A_155 = tpu.memref_slice %arg6[%dma_wait3A_153, %dma_wait3A_154] : memref<5008x128xf32, #tpu.memory_space<vmem_shared>> -> memref<40x128xf32, #tpu.memory_space<vmem_shared>>
        %dma_wait3A_156 = arith.constant 0 : i32
        %dma_wait3A_157 = arith.constant 0 : i32
        %dma_wait3A_158 = tpu.memref_slice %arg10[%dma_wait3A_156, %dma_wait3A_157] : memref<40x128xf32, #tpu.memory_space<vmem>> -> memref<40x128xf32, #tpu.memory_space<vmem>>
        tpu.wait_dma2 semaphore(%run_scoped3A : memref<!tpu.dma_semaphore, #tpu.memory_space<semaphore_mem>>) src(%dma_wait3A_158 : memref<40x128xf32, #tpu.memory_space<vmem>>) dst(%dma_wait3A_155 : memref<40x128xf32, #tpu.memory_space<vmem_shared>>)
        tpu.yield
      }) : () -> ()
      "tpu.region"() ({
        %run_scoped3A = tpu.sem_alloc : memref<!tpu.dma_semaphore, #tpu.memory_space<semaphore_mem>>
        %dma_start3A = arith.constant 0 : i32
        %dma_start3A_137 = arith.constant 0 : i32
        %dma_start3A_138 = tpu.memref_slice %arg10[%dma_start3A, %dma_start3A_137] : memref<40x128xf32, #tpu.memory_space<vmem>> -> memref<40x128xf32, #tpu.memory_space<vmem>>
        %dma_start3A_139 = arith.constant 4760 : i32
        %dma_start3A_140 = arith.constant 0 : i32
        %dma_start3A_141 = tpu.memref_slice %arg6[%dma_start3A_139, %dma_start3A_140] : memref<5008x128xf32, #tpu.memory_space<vmem_shared>> -> memref<40x128xf32, #tpu.memory_space<vmem_shared>>
        %dma_start3A_142 = arith.constant 4760 : i32
        %dma_start3A_143 = arith.constant 0 : i32
        %dma_start3A_144 = tpu.memref_slice %arg6[%dma_start3A_142, %dma_start3A_143] : memref<5008x128xf32, #tpu.memory_space<vmem_shared>> -> memref<40x128xf32, #tpu.memory_space<vmem_shared>>
        %dma_start3A_145 = arith.constant 0 : i32
        %dma_start3A_146 = arith.constant 0 : i32
        %dma_start3A_147 = tpu.memref_slice %arg10[%dma_start3A_145, %dma_start3A_146] : memref<40x128xf32, #tpu.memory_space<vmem>> -> memref<40x128xf32, #tpu.memory_space<vmem>>
        tpu.enqueue_dma source(%dma_start3A_147 : memref<40x128xf32, #tpu.memory_space<vmem>>) target(%dma_start3A_144 : memref<40x128xf32, #tpu.memory_space<vmem_shared>>) target_semaphore(%run_scoped3A : memref<!tpu.dma_semaphore, #tpu.memory_space<semaphore_mem>>)
        %dma_wait3A = arith.constant 0 : i32
        %dma_wait3A_148 = arith.constant 0 : i32
        %dma_wait3A_149 = tpu.memref_slice %arg10[%dma_wait3A, %dma_wait3A_148] : memref<40x128xf32, #tpu.memory_space<vmem>> -> memref<40x128xf32, #tpu.memory_space<vmem>>
        %dma_wait3A_150 = arith.constant 4760 : i32
        %dma_wait3A_151 = arith.constant 0 : i32
        %dma_wait3A_152 = tpu.memref_slice %arg6[%dma_wait3A_150, %dma_wait3A_151] : memref<5008x128xf32, #tpu.memory_space<vmem_shared>> -> memref<40x128xf32, #tpu.memory_space<vmem_shared>>
        %dma_wait3A_153 = arith.constant 4760 : i32
        %dma_wait3A_154 = arith.constant 0 : i32
        %dma_wait3A_155 = tpu.memref_slice %arg6[%dma_wait3A_153, %dma_wait3A_154] : memref<5008x128xf32, #tpu.memory_space<vmem_shared>> -> memref<40x128xf32, #tpu.memory_space<vmem_shared>>
        %dma_wait3A_156 = arith.constant 0 : i32
        %dma_wait3A_157 = arith.constant 0 : i32
        %dma_wait3A_158 = tpu.memref_slice %arg10[%dma_wait3A_156, %dma_wait3A_157] : memref<40x128xf32, #tpu.memory_space<vmem>> -> memref<40x128xf32, #tpu.memory_space<vmem>>
        tpu.wait_dma2 semaphore(%run_scoped3A : memref<!tpu.dma_semaphore, #tpu.memory_space<semaphore_mem>>) src(%dma_wait3A_158 : memref<40x128xf32, #tpu.memory_space<vmem>>) dst(%dma_wait3A_155 : memref<40x128xf32, #tpu.memory_space<vmem_shared>>)
        tpu.yield
      }) : () -> ()
      "tpu.region"() ({
        %run_scoped3A = tpu.sem_alloc : memref<!tpu.dma_semaphore, #tpu.memory_space<semaphore_mem>>
        %dma_start3A = arith.constant 0 : i32
        %dma_start3A_137 = arith.constant 0 : i32
        %dma_start3A_138 = tpu.memref_slice %arg10[%dma_start3A, %dma_start3A_137] : memref<40x128xf32, #tpu.memory_space<vmem>> -> memref<40x128xf32, #tpu.memory_space<vmem>>
        %dma_start3A_139 = arith.constant 4800 : i32
        %dma_start3A_140 = arith.constant 0 : i32
        %dma_start3A_141 = tpu.memref_slice %arg6[%dma_start3A_139, %dma_start3A_140] : memref<5008x128xf32, #tpu.memory_space<vmem_shared>> -> memref<40x128xf32, #tpu.memory_space<vmem_shared>>
        %dma_start3A_142 = arith.constant 4800 : i32
        %dma_start3A_143 = arith.constant 0 : i32
        %dma_start3A_144 = tpu.memref_slice %arg6[%dma_start3A_142, %dma_start3A_143] : memref<5008x128xf32, #tpu.memory_space<vmem_shared>> -> memref<40x128xf32, #tpu.memory_space<vmem_shared>>
        %dma_start3A_145 = arith.constant 0 : i32
        %dma_start3A_146 = arith.constant 0 : i32
        %dma_start3A_147 = tpu.memref_slice %arg10[%dma_start3A_145, %dma_start3A_146] : memref<40x128xf32, #tpu.memory_space<vmem>> -> memref<40x128xf32, #tpu.memory_space<vmem>>
        tpu.enqueue_dma source(%dma_start3A_147 : memref<40x128xf32, #tpu.memory_space<vmem>>) target(%dma_start3A_144 : memref<40x128xf32, #tpu.memory_space<vmem_shared>>) target_semaphore(%run_scoped3A : memref<!tpu.dma_semaphore, #tpu.memory_space<semaphore_mem>>)
        %dma_wait3A = arith.constant 0 : i32
        %dma_wait3A_148 = arith.constant 0 : i32
        %dma_wait3A_149 = tpu.memref_slice %arg10[%dma_wait3A, %dma_wait3A_148] : memref<40x128xf32, #tpu.memory_space<vmem>> -> memref<40x128xf32, #tpu.memory_space<vmem>>
        %dma_wait3A_150 = arith.constant 4800 : i32
        %dma_wait3A_151 = arith.constant 0 : i32
        %dma_wait3A_152 = tpu.memref_slice %arg6[%dma_wait3A_150, %dma_wait3A_151] : memref<5008x128xf32, #tpu.memory_space<vmem_shared>> -> memref<40x128xf32, #tpu.memory_space<vmem_shared>>
        %dma_wait3A_153 = arith.constant 4800 : i32
        %dma_wait3A_154 = arith.constant 0 : i32
        %dma_wait3A_155 = tpu.memref_slice %arg6[%dma_wait3A_153, %dma_wait3A_154] : memref<5008x128xf32, #tpu.memory_space<vmem_shared>> -> memref<40x128xf32, #tpu.memory_space<vmem_shared>>
        %dma_wait3A_156 = arith.constant 0 : i32
        %dma_wait3A_157 = arith.constant 0 : i32
        %dma_wait3A_158 = tpu.memref_slice %arg10[%dma_wait3A_156, %dma_wait3A_157] : memref<40x128xf32, #tpu.memory_space<vmem>> -> memref<40x128xf32, #tpu.memory_space<vmem>>
        tpu.wait_dma2 semaphore(%run_scoped3A : memref<!tpu.dma_semaphore, #tpu.memory_space<semaphore_mem>>) src(%dma_wait3A_158 : memref<40x128xf32, #tpu.memory_space<vmem>>) dst(%dma_wait3A_155 : memref<40x128xf32, #tpu.memory_space<vmem_shared>>)
        tpu.yield
      }) : () -> ()
      "tpu.region"() ({
        %run_scoped3A = tpu.sem_alloc : memref<!tpu.dma_semaphore, #tpu.memory_space<semaphore_mem>>
        %dma_start3A = arith.constant 0 : i32
        %dma_start3A_137 = arith.constant 0 : i32
        %dma_start3A_138 = tpu.memref_slice %arg10[%dma_start3A, %dma_start3A_137] : memref<40x128xf32, #tpu.memory_space<vmem>> -> memref<40x128xf32, #tpu.memory_space<vmem>>
        %dma_start3A_139 = arith.constant 4840 : i32
        %dma_start3A_140 = arith.constant 0 : i32
        %dma_start3A_141 = tpu.memref_slice %arg6[%dma_start3A_139, %dma_start3A_140] : memref<5008x128xf32, #tpu.memory_space<vmem_shared>> -> memref<40x128xf32, #tpu.memory_space<vmem_shared>>
        %dma_start3A_142 = arith.constant 4840 : i32
        %dma_start3A_143 = arith.constant 0 : i32
        %dma_start3A_144 = tpu.memref_slice %arg6[%dma_start3A_142, %dma_start3A_143] : memref<5008x128xf32, #tpu.memory_space<vmem_shared>> -> memref<40x128xf32, #tpu.memory_space<vmem_shared>>
        %dma_start3A_145 = arith.constant 0 : i32
        %dma_start3A_146 = arith.constant 0 : i32
        %dma_start3A_147 = tpu.memref_slice %arg10[%dma_start3A_145, %dma_start3A_146] : memref<40x128xf32, #tpu.memory_space<vmem>> -> memref<40x128xf32, #tpu.memory_space<vmem>>
        tpu.enqueue_dma source(%dma_start3A_147 : memref<40x128xf32, #tpu.memory_space<vmem>>) target(%dma_start3A_144 : memref<40x128xf32, #tpu.memory_space<vmem_shared>>) target_semaphore(%run_scoped3A : memref<!tpu.dma_semaphore, #tpu.memory_space<semaphore_mem>>)
        %dma_wait3A = arith.constant 0 : i32
        %dma_wait3A_148 = arith.constant 0 : i32
        %dma_wait3A_149 = tpu.memref_slice %arg10[%dma_wait3A, %dma_wait3A_148] : memref<40x128xf32, #tpu.memory_space<vmem>> -> memref<40x128xf32, #tpu.memory_space<vmem>>
        %dma_wait3A_150 = arith.constant 4840 : i32
        %dma_wait3A_151 = arith.constant 0 : i32
        %dma_wait3A_152 = tpu.memref_slice %arg6[%dma_wait3A_150, %dma_wait3A_151] : memref<5008x128xf32, #tpu.memory_space<vmem_shared>> -> memref<40x128xf32, #tpu.memory_space<vmem_shared>>
        %dma_wait3A_153 = arith.constant 4840 : i32
        %dma_wait3A_154 = arith.constant 0 : i32
        %dma_wait3A_155 = tpu.memref_slice %arg6[%dma_wait3A_153, %dma_wait3A_154] : memref<5008x128xf32, #tpu.memory_space<vmem_shared>> -> memref<40x128xf32, #tpu.memory_space<vmem_shared>>
        %dma_wait3A_156 = arith.constant 0 : i32
        %dma_wait3A_157 = arith.constant 0 : i32
        %dma_wait3A_158 = tpu.memref_slice %arg10[%dma_wait3A_156, %dma_wait3A_157] : memref<40x128xf32, #tpu.memory_space<vmem>> -> memref<40x128xf32, #tpu.memory_space<vmem>>
        tpu.wait_dma2 semaphore(%run_scoped3A : memref<!tpu.dma_semaphore, #tpu.memory_space<semaphore_mem>>) src(%dma_wait3A_158 : memref<40x128xf32, #tpu.memory_space<vmem>>) dst(%dma_wait3A_155 : memref<40x128xf32, #tpu.memory_space<vmem_shared>>)
        tpu.yield
      }) : () -> ()
      "tpu.region"() ({
        %run_scoped3A = tpu.sem_alloc : memref<!tpu.dma_semaphore, #tpu.memory_space<semaphore_mem>>
        %dma_start3A = arith.constant 0 : i32
        %dma_start3A_137 = arith.constant 0 : i32
        %dma_start3A_138 = tpu.memref_slice %arg10[%dma_start3A, %dma_start3A_137] : memref<40x128xf32, #tpu.memory_space<vmem>> -> memref<40x128xf32, #tpu.memory_space<vmem>>
        %dma_start3A_139 = arith.constant 4880 : i32
        %dma_start3A_140 = arith.constant 0 : i32
        %dma_start3A_141 = tpu.memref_slice %arg6[%dma_start3A_139, %dma_start3A_140] : memref<5008x128xf32, #tpu.memory_space<vmem_shared>> -> memref<40x128xf32, #tpu.memory_space<vmem_shared>>
        %dma_start3A_142 = arith.constant 4880 : i32
        %dma_start3A_143 = arith.constant 0 : i32
        %dma_start3A_144 = tpu.memref_slice %arg6[%dma_start3A_142, %dma_start3A_143] : memref<5008x128xf32, #tpu.memory_space<vmem_shared>> -> memref<40x128xf32, #tpu.memory_space<vmem_shared>>
        %dma_start3A_145 = arith.constant 0 : i32
        %dma_start3A_146 = arith.constant 0 : i32
        %dma_start3A_147 = tpu.memref_slice %arg10[%dma_start3A_145, %dma_start3A_146] : memref<40x128xf32, #tpu.memory_space<vmem>> -> memref<40x128xf32, #tpu.memory_space<vmem>>
        tpu.enqueue_dma source(%dma_start3A_147 : memref<40x128xf32, #tpu.memory_space<vmem>>) target(%dma_start3A_144 : memref<40x128xf32, #tpu.memory_space<vmem_shared>>) target_semaphore(%run_scoped3A : memref<!tpu.dma_semaphore, #tpu.memory_space<semaphore_mem>>)
        %dma_wait3A = arith.constant 0 : i32
        %dma_wait3A_148 = arith.constant 0 : i32
        %dma_wait3A_149 = tpu.memref_slice %arg10[%dma_wait3A, %dma_wait3A_148] : memref<40x128xf32, #tpu.memory_space<vmem>> -> memref<40x128xf32, #tpu.memory_space<vmem>>
        %dma_wait3A_150 = arith.constant 4880 : i32
        %dma_wait3A_151 = arith.constant 0 : i32
        %dma_wait3A_152 = tpu.memref_slice %arg6[%dma_wait3A_150, %dma_wait3A_151] : memref<5008x128xf32, #tpu.memory_space<vmem_shared>> -> memref<40x128xf32, #tpu.memory_space<vmem_shared>>
        %dma_wait3A_153 = arith.constant 4880 : i32
        %dma_wait3A_154 = arith.constant 0 : i32
        %dma_wait3A_155 = tpu.memref_slice %arg6[%dma_wait3A_153, %dma_wait3A_154] : memref<5008x128xf32, #tpu.memory_space<vmem_shared>> -> memref<40x128xf32, #tpu.memory_space<vmem_shared>>
        %dma_wait3A_156 = arith.constant 0 : i32
        %dma_wait3A_157 = arith.constant 0 : i32
        %dma_wait3A_158 = tpu.memref_slice %arg10[%dma_wait3A_156, %dma_wait3A_157] : memref<40x128xf32, #tpu.memory_space<vmem>> -> memref<40x128xf32, #tpu.memory_space<vmem>>
        tpu.wait_dma2 semaphore(%run_scoped3A : memref<!tpu.dma_semaphore, #tpu.memory_space<semaphore_mem>>) src(%dma_wait3A_158 : memref<40x128xf32, #tpu.memory_space<vmem>>) dst(%dma_wait3A_155 : memref<40x128xf32, #tpu.memory_space<vmem_shared>>)
        tpu.yield
      }) : () -> ()
      "tpu.region"() ({
        %run_scoped3A = tpu.sem_alloc : memref<!tpu.dma_semaphore, #tpu.memory_space<semaphore_mem>>
        %dma_start3A = arith.constant 0 : i32
        %dma_start3A_137 = arith.constant 0 : i32
        %dma_start3A_138 = tpu.memref_slice %arg10[%dma_start3A, %dma_start3A_137] : memref<40x128xf32, #tpu.memory_space<vmem>> -> memref<40x128xf32, #tpu.memory_space<vmem>>
        %dma_start3A_139 = arith.constant 4920 : i32
        %dma_start3A_140 = arith.constant 0 : i32
        %dma_start3A_141 = tpu.memref_slice %arg6[%dma_start3A_139, %dma_start3A_140] : memref<5008x128xf32, #tpu.memory_space<vmem_shared>> -> memref<40x128xf32, #tpu.memory_space<vmem_shared>>
        %dma_start3A_142 = arith.constant 4920 : i32
        %dma_start3A_143 = arith.constant 0 : i32
        %dma_start3A_144 = tpu.memref_slice %arg6[%dma_start3A_142, %dma_start3A_143] : memref<5008x128xf32, #tpu.memory_space<vmem_shared>> -> memref<40x128xf32, #tpu.memory_space<vmem_shared>>
        %dma_start3A_145 = arith.constant 0 : i32
        %dma_start3A_146 = arith.constant 0 : i32
        %dma_start3A_147 = tpu.memref_slice %arg10[%dma_start3A_145, %dma_start3A_146] : memref<40x128xf32, #tpu.memory_space<vmem>> -> memref<40x128xf32, #tpu.memory_space<vmem>>
        tpu.enqueue_dma source(%dma_start3A_147 : memref<40x128xf32, #tpu.memory_space<vmem>>) target(%dma_start3A_144 : memref<40x128xf32, #tpu.memory_space<vmem_shared>>) target_semaphore(%run_scoped3A : memref<!tpu.dma_semaphore, #tpu.memory_space<semaphore_mem>>)
        %dma_wait3A = arith.constant 0 : i32
        %dma_wait3A_148 = arith.constant 0 : i32
        %dma_wait3A_149 = tpu.memref_slice %arg10[%dma_wait3A, %dma_wait3A_148] : memref<40x128xf32, #tpu.memory_space<vmem>> -> memref<40x128xf32, #tpu.memory_space<vmem>>
        %dma_wait3A_150 = arith.constant 4920 : i32
        %dma_wait3A_151 = arith.constant 0 : i32
        %dma_wait3A_152 = tpu.memref_slice %arg6[%dma_wait3A_150, %dma_wait3A_151] : memref<5008x128xf32, #tpu.memory_space<vmem_shared>> -> memref<40x128xf32, #tpu.memory_space<vmem_shared>>
        %dma_wait3A_153 = arith.constant 4920 : i32
        %dma_wait3A_154 = arith.constant 0 : i32
        %dma_wait3A_155 = tpu.memref_slice %arg6[%dma_wait3A_153, %dma_wait3A_154] : memref<5008x128xf32, #tpu.memory_space<vmem_shared>> -> memref<40x128xf32, #tpu.memory_space<vmem_shared>>
        %dma_wait3A_156 = arith.constant 0 : i32
        %dma_wait3A_157 = arith.constant 0 : i32
        %dma_wait3A_158 = tpu.memref_slice %arg10[%dma_wait3A_156, %dma_wait3A_157] : memref<40x128xf32, #tpu.memory_space<vmem>> -> memref<40x128xf32, #tpu.memory_space<vmem>>
        tpu.wait_dma2 semaphore(%run_scoped3A : memref<!tpu.dma_semaphore, #tpu.memory_space<semaphore_mem>>) src(%dma_wait3A_158 : memref<40x128xf32, #tpu.memory_space<vmem>>) dst(%dma_wait3A_155 : memref<40x128xf32, #tpu.memory_space<vmem_shared>>)
        tpu.yield
      }) : () -> ()
      "tpu.region"() ({
        %run_scoped3A = tpu.sem_alloc : memref<!tpu.dma_semaphore, #tpu.memory_space<semaphore_mem>>
        %dma_start3A = arith.constant 0 : i32
        %dma_start3A_137 = arith.constant 0 : i32
        %dma_start3A_138 = tpu.memref_slice %arg10[%dma_start3A, %dma_start3A_137] : memref<40x128xf32, #tpu.memory_space<vmem>> -> memref<40x128xf32, #tpu.memory_space<vmem>>
        %dma_start3A_139 = arith.constant 4960 : i32
        %dma_start3A_140 = arith.constant 0 : i32
        %dma_start3A_141 = tpu.memref_slice %arg6[%dma_start3A_139, %dma_start3A_140] : memref<5008x128xf32, #tpu.memory_space<vmem_shared>> -> memref<40x128xf32, #tpu.memory_space<vmem_shared>>
        %dma_start3A_142 = arith.constant 4960 : i32
        %dma_start3A_143 = arith.constant 0 : i32
        %dma_start3A_144 = tpu.memref_slice %arg6[%dma_start3A_142, %dma_start3A_143] : memref<5008x128xf32, #tpu.memory_space<vmem_shared>> -> memref<40x128xf32, #tpu.memory_space<vmem_shared>>
        %dma_start3A_145 = arith.constant 0 : i32
        %dma_start3A_146 = arith.constant 0 : i32
        %dma_start3A_147 = tpu.memref_slice %arg10[%dma_start3A_145, %dma_start3A_146] : memref<40x128xf32, #tpu.memory_space<vmem>> -> memref<40x128xf32, #tpu.memory_space<vmem>>
        tpu.enqueue_dma source(%dma_start3A_147 : memref<40x128xf32, #tpu.memory_space<vmem>>) target(%dma_start3A_144 : memref<40x128xf32, #tpu.memory_space<vmem_shared>>) target_semaphore(%run_scoped3A : memref<!tpu.dma_semaphore, #tpu.memory_space<semaphore_mem>>)
        %dma_wait3A = arith.constant 0 : i32
        %dma_wait3A_148 = arith.constant 0 : i32
        %dma_wait3A_149 = tpu.memref_slice %arg10[%dma_wait3A, %dma_wait3A_148] : memref<40x128xf32, #tpu.memory_space<vmem>> -> memref<40x128xf32, #tpu.memory_space<vmem>>
        %dma_wait3A_150 = arith.constant 4960 : i32
        %dma_wait3A_151 = arith.constant 0 : i32
        %dma_wait3A_152 = tpu.memref_slice %arg6[%dma_wait3A_150, %dma_wait3A_151] : memref<5008x128xf32, #tpu.memory_space<vmem_shared>> -> memref<40x128xf32, #tpu.memory_space<vmem_shared>>
        %dma_wait3A_153 = arith.constant 4960 : i32
        %dma_wait3A_154 = arith.constant 0 : i32
        %dma_wait3A_155 = tpu.memref_slice %arg6[%dma_wait3A_153, %dma_wait3A_154] : memref<5008x128xf32, #tpu.memory_space<vmem_shared>> -> memref<40x128xf32, #tpu.memory_space<vmem_shared>>
        %dma_wait3A_156 = arith.constant 0 : i32
        %dma_wait3A_157 = arith.constant 0 : i32
        %dma_wait3A_158 = tpu.memref_slice %arg10[%dma_wait3A_156, %dma_wait3A_157] : memref<40x128xf32, #tpu.memory_space<vmem>> -> memref<40x128xf32, #tpu.memory_space<vmem>>
        tpu.wait_dma2 semaphore(%run_scoped3A : memref<!tpu.dma_semaphore, #tpu.memory_space<semaphore_mem>>) src(%dma_wait3A_158 : memref<40x128xf32, #tpu.memory_space<vmem>>) dst(%dma_wait3A_155 : memref<40x128xf32, #tpu.memory_space<vmem_shared>>)
        tpu.yield
      }) : () -> ()
      "tpu.region"() ({
        %run_scoped3A = tpu.sem_alloc : memref<!tpu.dma_semaphore, #tpu.memory_space<semaphore_mem>>
        %dma_start3A = arith.constant 0 : i32
        %dma_start3A_137 = arith.constant 0 : i32
        %dma_start3A_138 = tpu.memref_slice %arg10[%dma_start3A, %dma_start3A_137] : memref<40x128xf32, #tpu.memory_space<vmem>> -> memref<8x128xf32, #tpu.memory_space<vmem>>
        %dma_start3A_139 = arith.constant 5000 : i32
        %dma_start3A_140 = arith.constant 0 : i32
        %dma_start3A_141 = tpu.memref_slice %arg6[%dma_start3A_139, %dma_start3A_140] : memref<5008x128xf32, #tpu.memory_space<vmem_shared>> -> memref<8x128xf32, #tpu.memory_space<vmem_shared>>
        %dma_start3A_142 = arith.constant 5000 : i32
        %dma_start3A_143 = arith.constant 0 : i32
        %dma_start3A_144 = tpu.memref_slice %arg6[%dma_start3A_142, %dma_start3A_143] : memref<5008x128xf32, #tpu.memory_space<vmem_shared>> -> memref<8x128xf32, #tpu.memory_space<vmem_shared>>
        %dma_start3A_145 = arith.constant 0 : i32
        %dma_start3A_146 = arith.constant 0 : i32
        %dma_start3A_147 = tpu.memref_slice %arg10[%dma_start3A_145, %dma_start3A_146] : memref<40x128xf32, #tpu.memory_space<vmem>> -> memref<8x128xf32, #tpu.memory_space<vmem>>
        tpu.enqueue_dma source(%dma_start3A_147 : memref<8x128xf32, #tpu.memory_space<vmem>>) target(%dma_start3A_144 : memref<8x128xf32, #tpu.memory_space<vmem_shared>>) target_semaphore(%run_scoped3A : memref<!tpu.dma_semaphore, #tpu.memory_space<semaphore_mem>>)
        %dma_wait3A = arith.constant 0 : i32
        %dma_wait3A_148 = arith.constant 0 : i32
        %dma_wait3A_149 = tpu.memref_slice %arg10[%dma_wait3A, %dma_wait3A_148] : memref<40x128xf32, #tpu.memory_space<vmem>> -> memref<8x128xf32, #tpu.memory_space<vmem>>
        %dma_wait3A_150 = arith.constant 5000 : i32
        %dma_wait3A_151 = arith.constant 0 : i32
        %dma_wait3A_152 = tpu.memref_slice %arg6[%dma_wait3A_150, %dma_wait3A_151] : memref<5008x128xf32, #tpu.memory_space<vmem_shared>> -> memref<8x128xf32, #tpu.memory_space<vmem_shared>>
        %dma_wait3A_153 = arith.constant 5000 : i32
        %dma_wait3A_154 = arith.constant 0 : i32
        %dma_wait3A_155 = tpu.memref_slice %arg6[%dma_wait3A_153, %dma_wait3A_154] : memref<5008x128xf32, #tpu.memory_space<vmem_shared>> -> memref<8x128xf32, #tpu.memory_space<vmem_shared>>
        %dma_wait3A_156 = arith.constant 0 : i32
        %dma_wait3A_157 = arith.constant 0 : i32
        %dma_wait3A_158 = tpu.memref_slice %arg10[%dma_wait3A_156, %dma_wait3A_157] : memref<40x128xf32, #tpu.memory_space<vmem>> -> memref<8x128xf32, #tpu.memory_space<vmem>>
        tpu.wait_dma2 semaphore(%run_scoped3A : memref<!tpu.dma_semaphore, #tpu.memory_space<semaphore_mem>>) src(%dma_wait3A_158 : memref<8x128xf32, #tpu.memory_space<vmem>>) dst(%dma_wait3A_155 : memref<8x128xf32, #tpu.memory_space<vmem_shared>>)
        tpu.yield
      }) : () -> ()
    } else {
    }
    %barrier3A = arith.constant 0 : index
    tpu.barrier barrier_id(%barrier3A)
    %mul3A_76 = arith.constant 5000 : i32
    %mul3A_77 = arith.muli %arg0, %mul3A_76 : i32
    %add3A_78 = arith.constant 4 : i32
    %add3A_79 = arith.addi %max3A_43, %add3A_78 : i32
    %sub3A_80 = arith.constant 1 : i32
    %sub3A_81 = arith.subi %add3A_79, %sub3A_80 : i32
    %jit3A_82 = arith.constant 4 : i32
    %div3A_83 = arith.divsi %sub3A_81, %jit3A_82 : i32
    %sign3A_84 = arith.constant 0 : i32
    %sign3A_85 = arith.cmpi sgt, %sub3A_81, %sign3A_84 : i32
    %sign3A_86 = arith.extui %sign3A_85 : i1 to i32
    %sign3A_87 = arith.constant 0 : i32
    %sign3A_88 = arith.cmpi slt, %sub3A_81, %sign3A_87 : i32
    %sign3A_89 = arith.extui %sign3A_88 : i1 to i32
    %sign3A_90 = arith.subi %sign3A_86, %sign3A_89 : i32
    %sign3A_91 = arith.constant 0 : i32
    %sign3A_92 = arith.cmpi sgt, %jit3A_82, %sign3A_91 : i32
    %sign3A_93 = arith.extui %sign3A_92 : i1 to i32
    %sign3A_94 = arith.constant 0 : i32
    %sign3A_95 = arith.cmpi slt, %jit3A_82, %sign3A_94 : i32
    %sign3A_96 = arith.extui %sign3A_95 : i1 to i32
    %sign3A_97 = arith.subi %sign3A_93, %sign3A_96 : i32
    %ne3A_98 = arith.cmpi ne, %sign3A_90, %sign3A_97 : i32
    %rem3A_99 = arith.remsi %sub3A_81, %jit3A_82 : i32
    %ne3A_100 = arith.constant 0 : i32
    %ne3A_101 = arith.cmpi ne, %rem3A_99, %ne3A_100 : i32
    %and3A_102 = arith.andi %ne3A_98, %ne3A_101 : i1
    %sub3A_103 = arith.constant 1 : i32
    %sub3A_104 = arith.subi %div3A_83, %sub3A_103 : i32
    %select_n3A_105 = arith.select %and3A_102, %sub3A_104, %div3A_83 : i32
    %sub3A_106 = arith.constant 0 : i32
    %sub3A_107 = arith.subi %select_n3A_105, %sub3A_106 : i32
    %sub3A_108 = arith.constant 1 : i32
    %sub3A_109 = arith.constant 1 : i32
    %sub3A_110 = arith.subi %sub3A_108, %sub3A_109 : i32
    %add3A_111 = arith.addi %sub3A_107, %sub3A_110 : i32
    %div3A_112 = arith.constant 1 : i32
    %div3A_113 = arith.divsi %add3A_111, %div3A_112 : i32
    %while3A = arith.constant 1 : i32
    %while3A_114 = arith.constant 0 : i32
    %while3A_115 = arith.constant 0 : i32
    %while3A_116 = arith.subi %div3A_113, %while3A_115 : i32
    %while3A_117 = arith.addi %while3A_115, %while3A_116 : i32
    %while3A_118 = arith.constant 1 : i32
    %while3A_119 = arith.divsi %while3A_116, %while3A_118 : i32
    %while3A_120 = arith.muli %while3A_119, %while3A_118 : i32
    %while3A_121 = arith.addi %while3A_115, %while3A_120 : i32
    %while3A_122 = arith.constant 1 : i32
    scf.for %while3A_137 = %while3A_115 to %while3A_121 step %while3A_122  : i32 {
      %mul3A_138 = arith.muli %while3A_137, %while3A : i32
      %add3A_139 = arith.addi %while3A_114, %mul3A_138 : i32
      %mul3A_140 = arith.constant 4 : i32
      %mul3A_141 = arith.muli %add3A_139, %mul3A_140 : i32
      %add3A_142 = arith.constant 0 : i32
      %add3A_143 = arith.addi %mul3A_141, %add3A_142 : i32
      %lt3A_144 = arith.cmpi slt, %add3A_143, %max3A_43 : i32
      %convert_element_type3A_145 = arith.extui %lt3A_144 : i1 to i32
      %cond3A_146 = arith.constant 0 : i32
      %cond3A_147 = arith.cmpi ne, %convert_element_type3A_145, %cond3A_146 : i32
      scf.if %cond3A_147 {
        %add3A_196 = arith.addi %select_n3A, %arg1 : i32
        %mul3A_197 = arith.constant 16 : i32
        %mul3A_198 = arith.muli %add3A_143, %mul3A_197 : i32
        %add3A_199 = arith.addi %add3A_196, %mul3A_198 : i32
        %mul3A_200 = arith.constant 160 : i32
        %mul3A_201 = arith.muli %add3A_199, %mul3A_200 : i32
        %dma_wait3A = arith.constant 0 : i32
        %dma_wait3A_202 = arith.constant 0 : i32
        %dma_wait3A_203 = arith.constant 0 : i32
        %dma_wait3A_204 = tpu.memref_slice %arg7[%dma_wait3A, %dma_wait3A_202, %dma_wait3A_203] : memref<4x160x128xf32, #tpu.memory_space<vmem>> -> memref<1x160x128xf32, #tpu.memory_space<vmem>>
        %dma_wait3A_205 = tpu.memref_squeeze %dma_wait3A_204 : memref<1x160x128xf32, #tpu.memory_space<vmem>> -> memref<160x128xf32, #tpu.memory_space<vmem>>
        %dma_wait3A_206 = arith.constant 0 : i32
        %dma_wait3A_207 = tpu.memref_slice %arg2[%mul3A_201, %dma_wait3A_206] : memref<320000x128xf32, #tpu.memory_space<hbm>> -> memref<160x128xf32, #tpu.memory_space<hbm>>
        %dma_wait3A_208 = arith.constant 0 : i32
        %dma_wait3A_209 = arith.constant 0 : i32
        %dma_wait3A_210 = tpu.memref_slice %arg7[%dma_wait3A, %dma_wait3A_208, %dma_wait3A_209] : memref<4x160x128xf32, #tpu.memory_space<vmem>> -> memref<1x160x128xf32, #tpu.memory_space<vmem>>
        %dma_wait3A_211 = tpu.memref_squeeze %dma_wait3A_210 : memref<1x160x128xf32, #tpu.memory_space<vmem>> -> memref<160x128xf32, #tpu.memory_space<vmem>>
        %dma_wait3A_212 = arith.constant 0 : i32
        %dma_wait3A_213 = tpu.memref_slice %arg2[%mul3A_201, %dma_wait3A_212] : memref<320000x128xf32, #tpu.memory_space<hbm>> -> memref<160x128xf32, #tpu.memory_space<hbm>>
        tpu.wait_dma2 semaphore(%arg11 : memref<!tpu.dma_semaphore, #tpu.memory_space<semaphore_mem>>) src(%dma_wait3A_213 : memref<160x128xf32, #tpu.memory_space<hbm>>) dst(%dma_wait3A_211 : memref<160x128xf32, #tpu.memory_space<vmem>>)
        %dma_wait3A_214 = arith.constant 0 : i32
        %dma_wait3A_215 = arith.constant 0 : i32
        %dma_wait3A_216 = arith.constant 0 : i32
        %dma_wait3A_217 = tpu.memref_slice %arg8[%dma_wait3A_214, %dma_wait3A_215, %dma_wait3A_216] : memref<4x2x80xi32, #tpu.memory_space<vmem>> -> memref<1x2x80xi32, #tpu.memory_space<vmem>>
        %dma_wait3A_218 = tpu.memref_squeeze %dma_wait3A_217 : memref<1x2x80xi32, #tpu.memory_space<vmem>> -> memref<2x80xi32, #tpu.memory_space<vmem>>
        %dma_wait3A_219 = arith.constant 0 : i32
        %dma_wait3A_220 = arith.constant 0 : i32
        %dma_wait3A_221 = tpu.memref_slice %arg3[%add3A_199, %dma_wait3A_219, %dma_wait3A_220] : memref<2000x2x80xi32, #tpu.memory_space<hbm>> -> memref<1x2x80xi32, #tpu.memory_space<hbm>>
        %dma_wait3A_222 = tpu.memref_squeeze %dma_wait3A_221 : memref<1x2x80xi32, #tpu.memory_space<hbm>> -> memref<2x80xi32, #tpu.memory_space<hbm>>
        %dma_wait3A_223 = arith.constant 0 : i32
        %dma_wait3A_224 = arith.constant 0 : i32
        %dma_wait3A_225 = tpu.memref_slice %arg8[%dma_wait3A_214, %dma_wait3A_223, %dma_wait3A_224] : memref<4x2x80xi32, #tpu.memory_space<vmem>> -> memref<1x2x80xi32, #tpu.memory_space<vmem>>
        %dma_wait3A_226 = tpu.memref_squeeze %dma_wait3A_225 : memref<1x2x80xi32, #tpu.memory_space<vmem>> -> memref<2x80xi32, #tpu.memory_space<vmem>>
        %dma_wait3A_227 = arith.constant 0 : i32
        %dma_wait3A_228 = arith.constant 0 : i32
        %dma_wait3A_229 = tpu.memref_slice %arg3[%add3A_199, %dma_wait3A_227, %dma_wait3A_228] : memref<2000x2x80xi32, #tpu.memory_space<hbm>> -> memref<1x2x80xi32, #tpu.memory_space<hbm>>
        %dma_wait3A_230 = tpu.memref_squeeze %dma_wait3A_229 : memref<1x2x80xi32, #tpu.memory_space<hbm>> -> memref<2x80xi32, #tpu.memory_space<hbm>>
        tpu.wait_dma2 semaphore(%arg15 : memref<!tpu.dma_semaphore, #tpu.memory_space<semaphore_mem>>) src(%dma_wait3A_230 : memref<2x80xi32, #tpu.memory_space<hbm>>) dst(%dma_wait3A_226 : memref<2x80xi32, #tpu.memory_space<vmem>>)
        %get3A_231 = arith.constant 0 : i32
        %get3A_232 = arith.constant 0 : i32
        %get3A_233 = arith.constant 0 : i32
        %get3A_234 = arith.constant 0 : i32
        %get3A_235 = tpu.memref_slice %arg8[%get3A_231, %get3A_233, %get3A_234] : memref<4x2x80xi32, #tpu.memory_space<vmem>> -> memref<1x2x80xi32, #tpu.memory_space<vmem>>
        %get3A_236 = tpu.memref_squeeze %get3A_235 : memref<1x2x80xi32, #tpu.memory_space<vmem>> -> memref<2x80xi32, #tpu.memory_space<vmem>>
        %get3A_237 = arith.index_cast %get3A_232 : i32 to index
        %get3A_238 = arith.constant 0 : index
        %get3A_239 = tpu.vector_load %get3A_236[%get3A_237, %get3A_238] {strides = array<i32>} : memref<2x80xi32, #tpu.memory_space<vmem>>, vector<16xi32>,
        %sub3A_240 = vector.broadcast %mul3A_77 : i32 to vector<16xi32>
        %sub3A_241 = arith.subi %get3A_239, %sub3A_240 : vector<16xi32>
        %ge3A = arith.constant 0 : i32
        %ge3A_242 = vector.broadcast %ge3A : i32 to vector<16xi32>
        %ge3A_243 = arith.cmpi sge, %sub3A_241, %ge3A_242 : vector<16xi32>
        %lt3A_244 = arith.constant 5000 : i32
        %lt3A_245 = vector.broadcast %lt3A_244 : i32 to vector<16xi32>
        %lt3A_246 = arith.cmpi slt, %sub3A_241, %lt3A_245 : vector<16xi32>
        %and3A_247 = arith.andi %ge3A_243, %lt3A_246 : vector<16xi1>
        %broadcast_in_dim3A = arith.constant 5000 : i32
        %broadcast_in_dim3A_248 = vector.broadcast %broadcast_in_dim3A : i32 to vector<16xi32>
        %select_n3A_249 = arith.select %and3A_247, %sub3A_241, %broadcast_in_dim3A_248 : vector<16xi1>, vector<16xi32>
        %swap3A = arith.constant 0 : i32
        %swap3A_250 = arith.constant 0 : i32
        %swap3A_251 = arith.constant 0 : i32
        %swap3A_252 = arith.constant 0 : i32
        %swap3A_253 = tpu.memref_slice %arg8[%swap3A, %swap3A_251, %swap3A_252] : memref<4x2x80xi32, #tpu.memory_space<vmem>> -> memref<1x2x80xi32, #tpu.memory_space<vmem>>
        %swap3A_254 = tpu.memref_squeeze %swap3A_253 : memref<1x2x80xi32, #tpu.memory_space<vmem>> -> memref<2x80xi32, #tpu.memory_space<vmem>>
        %swap3A_255 = arith.index_cast %swap3A_250 : i32 to index
        %swap3A_256 = arith.constant 0 : index
        %swap3A_257 = tpu.vector_load %swap3A_254[%swap3A_255, %swap3A_256] {strides = array<i32>} : memref<2x80xi32, #tpu.memory_space<vmem>>, vector<16xi32>,
        tpu.vector_store %swap3A_254[%swap3A_255, %swap3A_256], %select_n3A_249 {strides = array<i32>} : memref<2x80xi32, #tpu.memory_space<vmem>>, vector<16xi32>,
        %get3A_258 = arith.constant 0 : i32
        %get3A_259 = arith.constant 0 : i32
        %get3A_260 = arith.constant 0 : i32
        %get3A_261 = arith.constant 0 : i32
        %get3A_262 = tpu.memref_slice %arg8[%get3A_258, %get3A_260, %get3A_261] : memref<4x2x80xi32, #tpu.memory_space<vmem>> -> memref<1x2x80xi32, #tpu.memory_space<vmem>>
        %get3A_263 = tpu.memref_squeeze %get3A_262 : memref<1x2x80xi32, #tpu.memory_space<vmem>> -> memref<2x80xi32, #tpu.memory_space<vmem>>
        %get3A_264 = arith.index_cast %get3A_259 : i32 to index
        %get3A_265 = arith.constant 16 : index
        %get3A_266 = tpu.vector_load %get3A_263[%get3A_264, %get3A_265] {strides = array<i32>} : memref<2x80xi32, #tpu.memory_space<vmem>>, vector<16xi32>,
        %sub3A_267 = vector.broadcast %mul3A_77 : i32 to vector<16xi32>
        %sub3A_268 = arith.subi %get3A_266, %sub3A_267 : vector<16xi32>
        %ge3A_269 = arith.constant 0 : i32
        %ge3A_270 = vector.broadcast %ge3A_269 : i32 to vector<16xi32>
        %ge3A_271 = arith.cmpi sge, %sub3A_268, %ge3A_270 : vector<16xi32>
        %lt3A_272 = arith.constant 5000 : i32
        %lt3A_273 = vector.broadcast %lt3A_272 : i32 to vector<16xi32>
        %lt3A_274 = arith.cmpi slt, %sub3A_268, %lt3A_273 : vector<16xi32>
        %and3A_275 = arith.andi %ge3A_271, %lt3A_274 : vector<16xi1>
        %broadcast_in_dim3A_276 = arith.constant 5000 : i32
        %broadcast_in_dim3A_277 = vector.broadcast %broadcast_in_dim3A_276 : i32 to vector<16xi32>
        %select_n3A_278 = arith.select %and3A_275, %sub3A_268, %broadcast_in_dim3A_277 : vector<16xi1>, vector<16xi32>
        %swap3A_279 = arith.constant 0 : i32
        %swap3A_280 = arith.constant 0 : i32
        %swap3A_281 = arith.constant 0 : i32
        %swap3A_282 = arith.constant 0 : i32
        %swap3A_283 = tpu.memref_slice %arg8[%swap3A_279, %swap3A_281, %swap3A_282] : memref<4x2x80xi32, #tpu.memory_space<vmem>> -> memref<1x2x80xi32, #tpu.memory_space<vmem>>
        %swap3A_284 = tpu.memref_squeeze %swap3A_283 : memref<1x2x80xi32, #tpu.memory_space<vmem>> -> memref<2x80xi32, #tpu.memory_space<vmem>>
        %swap3A_285 = arith.index_cast %swap3A_280 : i32 to index
        %swap3A_286 = arith.constant 16 : index
        %swap3A_287 = tpu.vector_load %swap3A_284[%swap3A_285, %swap3A_286] {strides = array<i32>} : memref<2x80xi32, #tpu.memory_space<vmem>>, vector<16xi32>,
        tpu.vector_store %swap3A_284[%swap3A_285, %swap3A_286], %select_n3A_278 {strides = array<i32>} : memref<2x80xi32, #tpu.memory_space<vmem>>, vector<16xi32>,
        %get3A_288 = arith.constant 0 : i32
        %get3A_289 = arith.constant 0 : i32
        %get3A_290 = arith.constant 0 : i32
        %get3A_291 = arith.constant 0 : i32
        %get3A_292 = tpu.memref_slice %arg8[%get3A_288, %get3A_290, %get3A_291] : memref<4x2x80xi32, #tpu.memory_space<vmem>> -> memref<1x2x80xi32, #tpu.memory_space<vmem>>
        %get3A_293 = tpu.memref_squeeze %get3A_292 : memref<1x2x80xi32, #tpu.memory_space<vmem>> -> memref<2x80xi32, #tpu.memory_space<vmem>>
        %get3A_294 = arith.index_cast %get3A_289 : i32 to index
        %get3A_295 = arith.constant 32 : index
        %get3A_296 = tpu.vector_load %get3A_293[%get3A_294, %get3A_295] {strides = array<i32>} : memref<2x80xi32, #tpu.memory_space<vmem>>, vector<16xi32>,
        %sub3A_297 = vector.broadcast %mul3A_77 : i32 to vector<16xi32>
        %sub3A_298 = arith.subi %get3A_296, %sub3A_297 : vector<16xi32>
        %ge3A_299 = arith.constant 0 : i32
        %ge3A_300 = vector.broadcast %ge3A_299 : i32 to vector<16xi32>
        %ge3A_301 = arith.cmpi sge, %sub3A_298, %ge3A_300 : vector<16xi32>
        %lt3A_302 = arith.constant 5000 : i32
        %lt3A_303 = vector.broadcast %lt3A_302 : i32 to vector<16xi32>
        %lt3A_304 = arith.cmpi slt, %sub3A_298, %lt3A_303 : vector<16xi32>
        %and3A_305 = arith.andi %ge3A_301, %lt3A_304 : vector<16xi1>
        %broadcast_in_dim3A_306 = arith.constant 5000 : i32
        %broadcast_in_dim3A_307 = vector.broadcast %broadcast_in_dim3A_306 : i32 to vector<16xi32>
        %select_n3A_308 = arith.select %and3A_305, %sub3A_298, %broadcast_in_dim3A_307 : vector<16xi1>, vector<16xi32>
        %swap3A_309 = arith.constant 0 : i32
        %swap3A_310 = arith.constant 0 : i32
        %swap3A_311 = arith.constant 0 : i32
        %swap3A_312 = arith.constant 0 : i32
        %swap3A_313 = tpu.memref_slice %arg8[%swap3A_309, %swap3A_311, %swap3A_312] : memref<4x2x80xi32, #tpu.memory_space<vmem>> -> memref<1x2x80xi32, #tpu.memory_space<vmem>>
        %swap3A_314 = tpu.memref_squeeze %swap3A_313 : memref<1x2x80xi32, #tpu.memory_space<vmem>> -> memref<2x80xi32, #tpu.memory_space<vmem>>
        %swap3A_315 = arith.index_cast %swap3A_310 : i32 to index
        %swap3A_316 = arith.constant 32 : index
        %swap3A_317 = tpu.vector_load %swap3A_314[%swap3A_315, %swap3A_316] {strides = array<i32>} : memref<2x80xi32, #tpu.memory_space<vmem>>, vector<16xi32>,
        tpu.vector_store %swap3A_314[%swap3A_315, %swap3A_316], %select_n3A_308 {strides = array<i32>} : memref<2x80xi32, #tpu.memory_space<vmem>>, vector<16xi32>,
        %get3A_318 = arith.constant 0 : i32
        %get3A_319 = arith.constant 0 : i32
        %get3A_320 = arith.constant 0 : i32
        %get3A_321 = arith.constant 0 : i32
        %get3A_322 = tpu.memref_slice %arg8[%get3A_318, %get3A_320, %get3A_321] : memref<4x2x80xi32, #tpu.memory_space<vmem>> -> memref<1x2x80xi32, #tpu.memory_space<vmem>>
        %get3A_323 = tpu.memref_squeeze %get3A_322 : memref<1x2x80xi32, #tpu.memory_space<vmem>> -> memref<2x80xi32, #tpu.memory_space<vmem>>
        %get3A_324 = arith.index_cast %get3A_319 : i32 to index
        %get3A_325 = arith.constant 48 : index
        %get3A_326 = tpu.vector_load %get3A_323[%get3A_324, %get3A_325] {strides = array<i32>} : memref<2x80xi32, #tpu.memory_space<vmem>>, vector<16xi32>,
        %sub3A_327 = vector.broadcast %mul3A_77 : i32 to vector<16xi32>
        %sub3A_328 = arith.subi %get3A_326, %sub3A_327 : vector<16xi32>
        %ge3A_329 = arith.constant 0 : i32
        %ge3A_330 = vector.broadcast %ge3A_329 : i32 to vector<16xi32>
        %ge3A_331 = arith.cmpi sge, %sub3A_328, %ge3A_330 : vector<16xi32>
        %lt3A_332 = arith.constant 5000 : i32
        %lt3A_333 = vector.broadcast %lt3A_332 : i32 to vector<16xi32>
        %lt3A_334 = arith.cmpi slt, %sub3A_328, %lt3A_333 : vector<16xi32>
        %and3A_335 = arith.andi %ge3A_331, %lt3A_334 : vector<16xi1>
        %broadcast_in_dim3A_336 = arith.constant 5000 : i32
        %broadcast_in_dim3A_337 = vector.broadcast %broadcast_in_dim3A_336 : i32 to vector<16xi32>
        %select_n3A_338 = arith.select %and3A_335, %sub3A_328, %broadcast_in_dim3A_337 : vector<16xi1>, vector<16xi32>
        %swap3A_339 = arith.constant 0 : i32
        %swap3A_340 = arith.constant 0 : i32
        %swap3A_341 = arith.constant 0 : i32
        %swap3A_342 = arith.constant 0 : i32
        %swap3A_343 = tpu.memref_slice %arg8[%swap3A_339, %swap3A_341, %swap3A_342] : memref<4x2x80xi32, #tpu.memory_space<vmem>> -> memref<1x2x80xi32, #tpu.memory_space<vmem>>
        %swap3A_344 = tpu.memref_squeeze %swap3A_343 : memref<1x2x80xi32, #tpu.memory_space<vmem>> -> memref<2x80xi32, #tpu.memory_space<vmem>>
        %swap3A_345 = arith.index_cast %swap3A_340 : i32 to index
        %swap3A_346 = arith.constant 48 : index
        %swap3A_347 = tpu.vector_load %swap3A_344[%swap3A_345, %swap3A_346] {strides = array<i32>} : memref<2x80xi32, #tpu.memory_space<vmem>>, vector<16xi32>,
        tpu.vector_store %swap3A_344[%swap3A_345, %swap3A_346], %select_n3A_338 {strides = array<i32>} : memref<2x80xi32, #tpu.memory_space<vmem>>, vector<16xi32>,
        %get3A_348 = arith.constant 0 : i32
        %get3A_349 = arith.constant 0 : i32
        %get3A_350 = arith.constant 0 : i32
        %get3A_351 = arith.constant 0 : i32
        %get3A_352 = tpu.memref_slice %arg8[%get3A_348, %get3A_350, %get3A_351] : memref<4x2x80xi32, #tpu.memory_space<vmem>> -> memref<1x2x80xi32, #tpu.memory_space<vmem>>
        %get3A_353 = tpu.memref_squeeze %get3A_352 : memref<1x2x80xi32, #tpu.memory_space<vmem>> -> memref<2x80xi32, #tpu.memory_space<vmem>>
        %get3A_354 = arith.index_cast %get3A_349 : i32 to index
        %get3A_355 = arith.constant 64 : index
        %get3A_356 = tpu.vector_load %get3A_353[%get3A_354, %get3A_355] {strides = array<i32>} : memref<2x80xi32, #tpu.memory_space<vmem>>, vector<16xi32>,
        %sub3A_357 = vector.broadcast %mul3A_77 : i32 to vector<16xi32>
        %sub3A_358 = arith.subi %get3A_356, %sub3A_357 : vector<16xi32>
        %ge3A_359 = arith.constant 0 : i32
        %ge3A_360 = vector.broadcast %ge3A_359 : i32 to vector<16xi32>
        %ge3A_361 = arith.cmpi sge, %sub3A_358, %ge3A_360 : vector<16xi32>
        %lt3A_362 = arith.constant 5000 : i32
        %lt3A_363 = vector.broadcast %lt3A_362 : i32 to vector<16xi32>
        %lt3A_364 = arith.cmpi slt, %sub3A_358, %lt3A_363 : vector<16xi32>
        %and3A_365 = arith.andi %ge3A_361, %lt3A_364 : vector<16xi1>
        %broadcast_in_dim3A_366 = arith.constant 5000 : i32
        %broadcast_in_dim3A_367 = vector.broadcast %broadcast_in_dim3A_366 : i32 to vector<16xi32>
        %select_n3A_368 = arith.select %and3A_365, %sub3A_358, %broadcast_in_dim3A_367 : vector<16xi1>, vector<16xi32>
        %swap3A_369 = arith.constant 0 : i32
        %swap3A_370 = arith.constant 0 : i32
        %swap3A_371 = arith.constant 0 : i32
        %swap3A_372 = arith.constant 0 : i32
        %swap3A_373 = tpu.memref_slice %arg8[%swap3A_369, %swap3A_371, %swap3A_372] : memref<4x2x80xi32, #tpu.memory_space<vmem>> -> memref<1x2x80xi32, #tpu.memory_space<vmem>>
        %swap3A_374 = tpu.memref_squeeze %swap3A_373 : memref<1x2x80xi32, #tpu.memory_space<vmem>> -> memref<2x80xi32, #tpu.memory_space<vmem>>
        %swap3A_375 = arith.index_cast %swap3A_370 : i32 to index
        %swap3A_376 = arith.constant 64 : index
        %swap3A_377 = tpu.vector_load %swap3A_374[%swap3A_375, %swap3A_376] {strides = array<i32>} : memref<2x80xi32, #tpu.memory_space<vmem>>, vector<16xi32>,
        tpu.vector_store %swap3A_374[%swap3A_375, %swap3A_376], %select_n3A_368 {strides = array<i32>} : memref<2x80xi32, #tpu.memory_space<vmem>>, vector<16xi32>,
        %get3A_378 = arith.constant 0 : i32
        %get3A_379 = arith.constant 1 : i32
        %get3A_380 = arith.constant 0 : i32
        %get3A_381 = arith.constant 0 : i32
        %get3A_382 = tpu.memref_slice %arg8[%get3A_378, %get3A_380, %get3A_381] : memref<4x2x80xi32, #tpu.memory_space<vmem>> -> memref<1x2x80xi32, #tpu.memory_space<vmem>>
        %get3A_383 = tpu.memref_squeeze %get3A_382 : memref<1x2x80xi32, #tpu.memory_space<vmem>> -> memref<2x80xi32, #tpu.memory_space<vmem>>
        %get3A_384 = arith.index_cast %get3A_379 : i32 to index
        %get3A_385 = arith.constant 0 : index
        %get3A_386 = tpu.vector_load %get3A_383[%get3A_384, %get3A_385] {strides = array<i32>} : memref<2x80xi32, #tpu.memory_space<vmem>>, vector<16xi32>,
        %sub3A_387 = vector.broadcast %mul3A_77 : i32 to vector<16xi32>
        %sub3A_388 = arith.subi %get3A_386, %sub3A_387 : vector<16xi32>
        %ge3A_389 = arith.constant 0 : i32
        %ge3A_390 = vector.broadcast %ge3A_389 : i32 to vector<16xi32>
        %ge3A_391 = arith.cmpi sge, %sub3A_388, %ge3A_390 : vector<16xi32>
        %lt3A_392 = arith.constant 5000 : i32
        %lt3A_393 = vector.broadcast %lt3A_392 : i32 to vector<16xi32>
        %lt3A_394 = arith.cmpi slt, %sub3A_388, %lt3A_393 : vector<16xi32>
        %and3A_395 = arith.andi %ge3A_391, %lt3A_394 : vector<16xi1>
        %broadcast_in_dim3A_396 = arith.constant 5000 : i32
        %broadcast_in_dim3A_397 = vector.broadcast %broadcast_in_dim3A_396 : i32 to vector<16xi32>
        %select_n3A_398 = arith.select %and3A_395, %sub3A_388, %broadcast_in_dim3A_397 : vector<16xi1>, vector<16xi32>
        %swap3A_399 = arith.constant 0 : i32
        %swap3A_400 = arith.constant 1 : i32
        %swap3A_401 = arith.constant 0 : i32
        %swap3A_402 = arith.constant 0 : i32
        %swap3A_403 = tpu.memref_slice %arg8[%swap3A_399, %swap3A_401, %swap3A_402] : memref<4x2x80xi32, #tpu.memory_space<vmem>> -> memref<1x2x80xi32, #tpu.memory_space<vmem>>
        %swap3A_404 = tpu.memref_squeeze %swap3A_403 : memref<1x2x80xi32, #tpu.memory_space<vmem>> -> memref<2x80xi32, #tpu.memory_space<vmem>>
        %swap3A_405 = arith.index_cast %swap3A_400 : i32 to index
        %swap3A_406 = arith.constant 0 : index
        %swap3A_407 = tpu.vector_load %swap3A_404[%swap3A_405, %swap3A_406] {strides = array<i32>} : memref<2x80xi32, #tpu.memory_space<vmem>>, vector<16xi32>,
        tpu.vector_store %swap3A_404[%swap3A_405, %swap3A_406], %select_n3A_398 {strides = array<i32>} : memref<2x80xi32, #tpu.memory_space<vmem>>, vector<16xi32>,
        %get3A_408 = arith.constant 0 : i32
        %get3A_409 = arith.constant 1 : i32
        %get3A_410 = arith.constant 0 : i32
        %get3A_411 = arith.constant 0 : i32
        %get3A_412 = tpu.memref_slice %arg8[%get3A_408, %get3A_410, %get3A_411] : memref<4x2x80xi32, #tpu.memory_space<vmem>> -> memref<1x2x80xi32, #tpu.memory_space<vmem>>
        %get3A_413 = tpu.memref_squeeze %get3A_412 : memref<1x2x80xi32, #tpu.memory_space<vmem>> -> memref<2x80xi32, #tpu.memory_space<vmem>>
        %get3A_414 = arith.index_cast %get3A_409 : i32 to index
        %get3A_415 = arith.constant 16 : index
        %get3A_416 = tpu.vector_load %get3A_413[%get3A_414, %get3A_415] {strides = array<i32>} : memref<2x80xi32, #tpu.memory_space<vmem>>, vector<16xi32>,
        %sub3A_417 = vector.broadcast %mul3A_77 : i32 to vector<16xi32>
        %sub3A_418 = arith.subi %get3A_416, %sub3A_417 : vector<16xi32>
        %ge3A_419 = arith.constant 0 : i32
        %ge3A_420 = vector.broadcast %ge3A_419 : i32 to vector<16xi32>
        %ge3A_421 = arith.cmpi sge, %sub3A_418, %ge3A_420 : vector<16xi32>
        %lt3A_422 = arith.constant 5000 : i32
        %lt3A_423 = vector.broadcast %lt3A_422 : i32 to vector<16xi32>
        %lt3A_424 = arith.cmpi slt, %sub3A_418, %lt3A_423 : vector<16xi32>
        %and3A_425 = arith.andi %ge3A_421, %lt3A_424 : vector<16xi1>
        %broadcast_in_dim3A_426 = arith.constant 5000 : i32
        %broadcast_in_dim3A_427 = vector.broadcast %broadcast_in_dim3A_426 : i32 to vector<16xi32>
        %select_n3A_428 = arith.select %and3A_425, %sub3A_418, %broadcast_in_dim3A_427 : vector<16xi1>, vector<16xi32>
        %swap3A_429 = arith.constant 0 : i32
        %swap3A_430 = arith.constant 1 : i32
        %swap3A_431 = arith.constant 0 : i32
        %swap3A_432 = arith.constant 0 : i32
        %swap3A_433 = tpu.memref_slice %arg8[%swap3A_429, %swap3A_431, %swap3A_432] : memref<4x2x80xi32, #tpu.memory_space<vmem>> -> memref<1x2x80xi32, #tpu.memory_space<vmem>>
        %swap3A_434 = tpu.memref_squeeze %swap3A_433 : memref<1x2x80xi32, #tpu.memory_space<vmem>> -> memref<2x80xi32, #tpu.memory_space<vmem>>
        %swap3A_435 = arith.index_cast %swap3A_430 : i32 to index
        %swap3A_436 = arith.constant 16 : index
        %swap3A_437 = tpu.vector_load %swap3A_434[%swap3A_435, %swap3A_436] {strides = array<i32>} : memref<2x80xi32, #tpu.memory_space<vmem>>, vector<16xi32>,
        tpu.vector_store %swap3A_434[%swap3A_435, %swap3A_436], %select_n3A_428 {strides = array<i32>} : memref<2x80xi32, #tpu.memory_space<vmem>>, vector<16xi32>,
        %get3A_438 = arith.constant 0 : i32
        %get3A_439 = arith.constant 1 : i32
        %get3A_440 = arith.constant 0 : i32
        %get3A_441 = arith.constant 0 : i32
        %get3A_442 = tpu.memref_slice %arg8[%get3A_438, %get3A_440, %get3A_441] : memref<4x2x80xi32, #tpu.memory_space<vmem>> -> memref<1x2x80xi32, #tpu.memory_space<vmem>>
        %get3A_443 = tpu.memref_squeeze %get3A_442 : memref<1x2x80xi32, #tpu.memory_space<vmem>> -> memref<2x80xi32, #tpu.memory_space<vmem>>
        %get3A_444 = arith.index_cast %get3A_439 : i32 to index
        %get3A_445 = arith.constant 32 : index
        %get3A_446 = tpu.vector_load %get3A_443[%get3A_444, %get3A_445] {strides = array<i32>} : memref<2x80xi32, #tpu.memory_space<vmem>>, vector<16xi32>,
        %sub3A_447 = vector.broadcast %mul3A_77 : i32 to vector<16xi32>
        %sub3A_448 = arith.subi %get3A_446, %sub3A_447 : vector<16xi32>
        %ge3A_449 = arith.constant 0 : i32
        %ge3A_450 = vector.broadcast %ge3A_449 : i32 to vector<16xi32>
        %ge3A_451 = arith.cmpi sge, %sub3A_448, %ge3A_450 : vector<16xi32>
        %lt3A_452 = arith.constant 5000 : i32
        %lt3A_453 = vector.broadcast %lt3A_452 : i32 to vector<16xi32>
        %lt3A_454 = arith.cmpi slt, %sub3A_448, %lt3A_453 : vector<16xi32>
        %and3A_455 = arith.andi %ge3A_451, %lt3A_454 : vector<16xi1>
        %broadcast_in_dim3A_456 = arith.constant 5000 : i32
        %broadcast_in_dim3A_457 = vector.broadcast %broadcast_in_dim3A_456 : i32 to vector<16xi32>
        %select_n3A_458 = arith.select %and3A_455, %sub3A_448, %broadcast_in_dim3A_457 : vector<16xi1>, vector<16xi32>
        %swap3A_459 = arith.constant 0 : i32
        %swap3A_460 = arith.constant 1 : i32
        %swap3A_461 = arith.constant 0 : i32
        %swap3A_462 = arith.constant 0 : i32
        %swap3A_463 = tpu.memref_slice %arg8[%swap3A_459, %swap3A_461, %swap3A_462] : memref<4x2x80xi32, #tpu.memory_space<vmem>> -> memref<1x2x80xi32, #tpu.memory_space<vmem>>
        %swap3A_464 = tpu.memref_squeeze %swap3A_463 : memref<1x2x80xi32, #tpu.memory_space<vmem>> -> memref<2x80xi32, #tpu.memory_space<vmem>>
        %swap3A_465 = arith.index_cast %swap3A_460 : i32 to index
        %swap3A_466 = arith.constant 32 : index
        %swap3A_467 = tpu.vector_load %swap3A_464[%swap3A_465, %swap3A_466] {strides = array<i32>} : memref<2x80xi32, #tpu.memory_space<vmem>>, vector<16xi32>,
        tpu.vector_store %swap3A_464[%swap3A_465, %swap3A_466], %select_n3A_458 {strides = array<i32>} : memref<2x80xi32, #tpu.memory_space<vmem>>, vector<16xi32>,
        %get3A_468 = arith.constant 0 : i32
        %get3A_469 = arith.constant 1 : i32
        %get3A_470 = arith.constant 0 : i32
        %get3A_471 = arith.constant 0 : i32
        %get3A_472 = tpu.memref_slice %arg8[%get3A_468, %get3A_470, %get3A_471] : memref<4x2x80xi32, #tpu.memory_space<vmem>> -> memref<1x2x80xi32, #tpu.memory_space<vmem>>
        %get3A_473 = tpu.memref_squeeze %get3A_472 : memref<1x2x80xi32, #tpu.memory_space<vmem>> -> memref<2x80xi32, #tpu.memory_space<vmem>>
        %get3A_474 = arith.index_cast %get3A_469 : i32 to index
        %get3A_475 = arith.constant 48 : index
        %get3A_476 = tpu.vector_load %get3A_473[%get3A_474, %get3A_475] {strides = array<i32>} : memref<2x80xi32, #tpu.memory_space<vmem>>, vector<16xi32>,
        %sub3A_477 = vector.broadcast %mul3A_77 : i32 to vector<16xi32>
        %sub3A_478 = arith.subi %get3A_476, %sub3A_477 : vector<16xi32>
        %ge3A_479 = arith.constant 0 : i32
        %ge3A_480 = vector.broadcast %ge3A_479 : i32 to vector<16xi32>
        %ge3A_481 = arith.cmpi sge, %sub3A_478, %ge3A_480 : vector<16xi32>
        %lt3A_482 = arith.constant 5000 : i32
        %lt3A_483 = vector.broadcast %lt3A_482 : i32 to vector<16xi32>
        %lt3A_484 = arith.cmpi slt, %sub3A_478, %lt3A_483 : vector<16xi32>
        %and3A_485 = arith.andi %ge3A_481, %lt3A_484 : vector<16xi1>
        %broadcast_in_dim3A_486 = arith.constant 5000 : i32
        %broadcast_in_dim3A_487 = vector.broadcast %broadcast_in_dim3A_486 : i32 to vector<16xi32>
        %select_n3A_488 = arith.select %and3A_485, %sub3A_478, %broadcast_in_dim3A_487 : vector<16xi1>, vector<16xi32>
        %swap3A_489 = arith.constant 0 : i32
        %swap3A_490 = arith.constant 1 : i32
        %swap3A_491 = arith.constant 0 : i32
        %swap3A_492 = arith.constant 0 : i32
        %swap3A_493 = tpu.memref_slice %arg8[%swap3A_489, %swap3A_491, %swap3A_492] : memref<4x2x80xi32, #tpu.memory_space<vmem>> -> memref<1x2x80xi32, #tpu.memory_space<vmem>>
        %swap3A_494 = tpu.memref_squeeze %swap3A_493 : memref<1x2x80xi32, #tpu.memory_space<vmem>> -> memref<2x80xi32, #tpu.memory_space<vmem>>
        %swap3A_495 = arith.index_cast %swap3A_490 : i32 to index
        %swap3A_496 = arith.constant 48 : index
        %swap3A_497 = tpu.vector_load %swap3A_494[%swap3A_495, %swap3A_496] {strides = array<i32>} : memref<2x80xi32, #tpu.memory_space<vmem>>, vector<16xi32>,
        tpu.vector_store %swap3A_494[%swap3A_495, %swap3A_496], %select_n3A_488 {strides = array<i32>} : memref<2x80xi32, #tpu.memory_space<vmem>>, vector<16xi32>,
        %get3A_498 = arith.constant 0 : i32
        %get3A_499 = arith.constant 1 : i32
        %get3A_500 = arith.constant 0 : i32
        %get3A_501 = arith.constant 0 : i32
        %get3A_502 = tpu.memref_slice %arg8[%get3A_498, %get3A_500, %get3A_501] : memref<4x2x80xi32, #tpu.memory_space<vmem>> -> memref<1x2x80xi32, #tpu.memory_space<vmem>>
        %get3A_503 = tpu.memref_squeeze %get3A_502 : memref<1x2x80xi32, #tpu.memory_space<vmem>> -> memref<2x80xi32, #tpu.memory_space<vmem>>
        %get3A_504 = arith.index_cast %get3A_499 : i32 to index
        %get3A_505 = arith.constant 64 : index
        %get3A_506 = tpu.vector_load %get3A_503[%get3A_504, %get3A_505] {strides = array<i32>} : memref<2x80xi32, #tpu.memory_space<vmem>>, vector<16xi32>,
        %sub3A_507 = vector.broadcast %mul3A_77 : i32 to vector<16xi32>
        %sub3A_508 = arith.subi %get3A_506, %sub3A_507 : vector<16xi32>
        %ge3A_509 = arith.constant 0 : i32
        %ge3A_510 = vector.broadcast %ge3A_509 : i32 to vector<16xi32>
        %ge3A_511 = arith.cmpi sge, %sub3A_508, %ge3A_510 : vector<16xi32>
        %lt3A_512 = arith.constant 5000 : i32
        %lt3A_513 = vector.broadcast %lt3A_512 : i32 to vector<16xi32>
        %lt3A_514 = arith.cmpi slt, %sub3A_508, %lt3A_513 : vector<16xi32>
        %and3A_515 = arith.andi %ge3A_511, %lt3A_514 : vector<16xi1>
        %broadcast_in_dim3A_516 = arith.constant 5000 : i32
        %broadcast_in_dim3A_517 = vector.broadcast %broadcast_in_dim3A_516 : i32 to vector<16xi32>
        %select_n3A_518 = arith.select %and3A_515, %sub3A_508, %broadcast_in_dim3A_517 : vector<16xi1>, vector<16xi32>
        %swap3A_519 = arith.constant 0 : i32
        %swap3A_520 = arith.constant 1 : i32
        %swap3A_521 = arith.constant 0 : i32
        %swap3A_522 = arith.constant 0 : i32
        %swap3A_523 = tpu.memref_slice %arg8[%swap3A_519, %swap3A_521, %swap3A_522] : memref<4x2x80xi32, #tpu.memory_space<vmem>> -> memref<1x2x80xi32, #tpu.memory_space<vmem>>
        %swap3A_524 = tpu.memref_squeeze %swap3A_523 : memref<1x2x80xi32, #tpu.memory_space<vmem>> -> memref<2x80xi32, #tpu.memory_space<vmem>>
        %swap3A_525 = arith.index_cast %swap3A_520 : i32 to index
        %swap3A_526 = arith.constant 64 : index
        %swap3A_527 = tpu.vector_load %swap3A_524[%swap3A_525, %swap3A_526] {strides = array<i32>} : memref<2x80xi32, #tpu.memory_space<vmem>>, vector<16xi32>,
        tpu.vector_store %swap3A_524[%swap3A_525, %swap3A_526], %select_n3A_518 {strides = array<i32>} : memref<2x80xi32, #tpu.memory_space<vmem>>, vector<16xi32>,
        %dma_start3A = arith.constant 0 : i32
        %dma_start3A_528 = arith.constant 0 : i32
        %dma_start3A_529 = arith.constant 0 : i32
        %dma_start3A_530 = arith.constant 0 : i32
        %dma_start3A_531 = arith.constant 0 : i32
        %dma_start3A_532 = tpu.memref_slice %arg7[%dma_start3A, %dma_start3A_530, %dma_start3A_531] : memref<4x160x128xf32, #tpu.memory_space<vmem>> -> memref<1x160x128xf32, #tpu.memory_space<vmem>>
        %dma_start3A_533 = tpu.memref_squeeze %dma_start3A_532 : memref<1x160x128xf32, #tpu.memory_space<vmem>> -> memref<160x128xf32, #tpu.memory_space<vmem>>
        %dma_start3A_534 = arith.constant 0 : i32
        %dma_start3A_535 = arith.constant 0 : i32
        %dma_start3A_536 = tpu.memref_slice %dma_start3A_533[%dma_start3A_534, %dma_start3A_535] : memref<160x128xf32, #tpu.memory_space<vmem>> -> memref<80x128xf32, #tpu.memory_space<vmem>>
        %dma_start3A_537 = arith.constant 0 : i32
        %dma_start3A_538 = arith.constant 0 : i32
        %dma_start3A_539 = tpu.memref_slice %arg8[%dma_start3A_528, %dma_start3A_537, %dma_start3A_538] : memref<4x2x80xi32, #tpu.memory_space<vmem>> -> memref<1x2x80xi32, #tpu.memory_space<vmem>>
        %dma_start3A_540 = tpu.memref_squeeze %dma_start3A_539 : memref<1x2x80xi32, #tpu.memory_space<vmem>> -> memref<2x80xi32, #tpu.memory_space<vmem>>
        %dma_start3A_541 = arith.constant 0 : i32
        %dma_start3A_542 = tpu.memref_slice %dma_start3A_540[%dma_start3A_529, %dma_start3A_541] : memref<2x80xi32, #tpu.memory_space<vmem>> -> memref<1x80xi32, #tpu.memory_space<vmem>>
        %dma_start3A_543 = tpu.memref_squeeze %dma_start3A_542 : memref<1x80xi32, #tpu.memory_space<vmem>> -> memref<80xi32, #tpu.memory_space<vmem>>
        %dma_start3A_544 = arith.constant 0 : i32
        %dma_start3A_545 = arith.constant 0 : i32
        %dma_start3A_546 = tpu.memref_slice %arg6[%dma_start3A_544, %dma_start3A_545] : memref<5008x128xf32, #tpu.memory_space<vmem_shared>> -> memref<5008x128xf32, #tpu.memory_space<vmem_shared>>
        tpu.enqueue_indirect_dma source(%dma_start3A_536 : memref<80x128xf32, #tpu.memory_space<vmem>>) target(%dma_start3A_546 : memref<5008x128xf32, #tpu.memory_space<vmem_shared>>) offsets(%dma_start3A_543 : memref<80xi32, #tpu.memory_space<vmem>>) semaphore(%arg19 : memref<!tpu.dma_semaphore, #tpu.memory_space<semaphore_mem>>) {add = true}
        %dma_start3A_547 = arith.constant 0 : i32
        %dma_start3A_548 = arith.constant 0 : i32
        %dma_start3A_549 = arith.constant 1 : i32
        %dma_start3A_550 = arith.constant 0 : i32
        %dma_start3A_551 = arith.constant 0 : i32
        %dma_start3A_552 = tpu.memref_slice %arg7[%dma_start3A_547, %dma_start3A_550, %dma_start3A_551] : memref<4x160x128xf32, #tpu.memory_space<vmem>> -> memref<1x160x128xf32, #tpu.memory_space<vmem>>
        %dma_start3A_553 = tpu.memref_squeeze %dma_start3A_552 : memref<1x160x128xf32, #tpu.memory_space<vmem>> -> memref<160x128xf32, #tpu.memory_space<vmem>>
        %dma_start3A_554 = arith.constant 80 : i32
        %dma_start3A_555 = arith.constant 0 : i32
        %dma_start3A_556 = tpu.memref_slice %dma_start3A_553[%dma_start3A_554, %dma_start3A_555] : memref<160x128xf32, #tpu.memory_space<vmem>> -> memref<80x128xf32, #tpu.memory_space<vmem>>
        %dma_start3A_557 = arith.constant 0 : i32
        %dma_start3A_558 = arith.constant 0 : i32
        %dma_start3A_559 = tpu.memref_slice %arg8[%dma_start3A_548, %dma_start3A_557, %dma_start3A_558] : memref<4x2x80xi32, #tpu.memory_space<vmem>> -> memref<1x2x80xi32, #tpu.memory_space<vmem>>
        %dma_start3A_560 = tpu.memref_squeeze %dma_start3A_559 : memref<1x2x80xi32, #tpu.memory_space<vmem>> -> memref<2x80xi32, #tpu.memory_space<vmem>>
        %dma_start3A_561 = arith.constant 0 : i32
        %dma_start3A_562 = tpu.memref_slice %dma_start3A_560[%dma_start3A_549, %dma_start3A_561] : memref<2x80xi32, #tpu.memory_space<vmem>> -> memref<1x80xi32, #tpu.memory_space<vmem>>
        %dma_start3A_563 = tpu.memref_squeeze %dma_start3A_562 : memref<1x80xi32, #tpu.memory_space<vmem>> -> memref<80xi32, #tpu.memory_space<vmem>>
        %dma_start3A_564 = arith.constant 0 : i32
        %dma_start3A_565 = arith.constant 0 : i32
        %dma_start3A_566 = tpu.memref_slice %arg6[%dma_start3A_564, %dma_start3A_565] : memref<5008x128xf32, #tpu.memory_space<vmem_shared>> -> memref<5008x128xf32, #tpu.memory_space<vmem_shared>>
        tpu.enqueue_indirect_dma source(%dma_start3A_556 : memref<80x128xf32, #tpu.memory_space<vmem>>) target(%dma_start3A_566 : memref<5008x128xf32, #tpu.memory_space<vmem_shared>>) offsets(%dma_start3A_563 : memref<80xi32, #tpu.memory_space<vmem>>) semaphore(%arg19 : memref<!tpu.dma_semaphore, #tpu.memory_space<semaphore_mem>>) {add = true}
        %dma_wait3A_567 = arith.constant 0 : i32
        %dma_wait3A_568 = arith.constant 0 : i32
        %dma_wait3A_569 = arith.constant 0 : i32
        %dma_wait3A_570 = arith.constant 0 : i32
        %dma_wait3A_571 = arith.constant 0 : i32
        %dma_wait3A_572 = tpu.memref_slice %arg7[%dma_wait3A_567, %dma_wait3A_570, %dma_wait3A_571] : memref<4x160x128xf32, #tpu.memory_space<vmem>> -> memref<1x160x128xf32, #tpu.memory_space<vmem>>
        %dma_wait3A_573 = tpu.memref_squeeze %dma_wait3A_572 : memref<1x160x128xf32, #tpu.memory_space<vmem>> -> memref<160x128xf32, #tpu.memory_space<vmem>>
        %dma_wait3A_574 = arith.constant 0 : i32
        %dma_wait3A_575 = arith.constant 0 : i32
        %dma_wait3A_576 = tpu.memref_slice %dma_wait3A_573[%dma_wait3A_574, %dma_wait3A_575] : memref<160x128xf32, #tpu.memory_space<vmem>> -> memref<80x128xf32, #tpu.memory_space<vmem>>
        %dma_wait3A_577 = arith.constant 0 : i32
        %dma_wait3A_578 = arith.constant 0 : i32
        %dma_wait3A_579 = tpu.memref_slice %arg8[%dma_wait3A_568, %dma_wait3A_577, %dma_wait3A_578] : memref<4x2x80xi32, #tpu.memory_space<vmem>> -> memref<1x2x80xi32, #tpu.memory_space<vmem>>
        %dma_wait3A_580 = tpu.memref_squeeze %dma_wait3A_579 : memref<1x2x80xi32, #tpu.memory_space<vmem>> -> memref<2x80xi32, #tpu.memory_space<vmem>>
        %dma_wait3A_581 = arith.constant 0 : i32
        %dma_wait3A_582 = tpu.memref_slice %dma_wait3A_580[%dma_wait3A_569, %dma_wait3A_581] : memref<2x80xi32, #tpu.memory_space<vmem>> -> memref<1x80xi32, #tpu.memory_space<vmem>>
        %dma_wait3A_583 = tpu.memref_squeeze %dma_wait3A_582 : memref<1x80xi32, #tpu.memory_space<vmem>> -> memref<80xi32, #tpu.memory_space<vmem>>
        %dma_wait3A_584 = arith.constant 0 : i32
        %dma_wait3A_585 = arith.constant 0 : i32
        %dma_wait3A_586 = tpu.memref_slice %arg6[%dma_wait3A_584, %dma_wait3A_585] : memref<5008x128xf32, #tpu.memory_space<vmem_shared>> -> memref<5008x128xf32, #tpu.memory_space<vmem_shared>>
        tpu.wait_indirect_dma semaphore(%arg19 : memref<!tpu.dma_semaphore, #tpu.memory_space<semaphore_mem>>) src(%dma_wait3A_576 : memref<80x128xf32, #tpu.memory_space<vmem>>) dst(%dma_wait3A_586 : memref<5008x128xf32, #tpu.memory_space<vmem_shared>>)
        %dma_wait3A_587 = arith.constant 0 : i32
        %dma_wait3A_588 = arith.constant 0 : i32
        %dma_wait3A_589 = arith.constant 1 : i32
        %dma_wait3A_590 = arith.constant 0 : i32
        %dma_wait3A_591 = arith.constant 0 : i32
        %dma_wait3A_592 = tpu.memref_slice %arg7[%dma_wait3A_587, %dma_wait3A_590, %dma_wait3A_591] : memref<4x160x128xf32, #tpu.memory_space<vmem>> -> memref<1x160x128xf32, #tpu.memory_space<vmem>>
        %dma_wait3A_593 = tpu.memref_squeeze %dma_wait3A_592 : memref<1x160x128xf32, #tpu.memory_space<vmem>> -> memref<160x128xf32, #tpu.memory_space<vmem>>
        %dma_wait3A_594 = arith.constant 80 : i32
        %dma_wait3A_595 = arith.constant 0 : i32
        %dma_wait3A_596 = tpu.memref_slice %dma_wait3A_593[%dma_wait3A_594, %dma_wait3A_595] : memref<160x128xf32, #tpu.memory_space<vmem>> -> memref<80x128xf32, #tpu.memory_space<vmem>>
        %dma_wait3A_597 = arith.constant 0 : i32
        %dma_wait3A_598 = arith.constant 0 : i32
        %dma_wait3A_599 = tpu.memref_slice %arg8[%dma_wait3A_588, %dma_wait3A_597, %dma_wait3A_598] : memref<4x2x80xi32, #tpu.memory_space<vmem>> -> memref<1x2x80xi32, #tpu.memory_space<vmem>>
        %dma_wait3A_600 = tpu.memref_squeeze %dma_wait3A_599 : memref<1x2x80xi32, #tpu.memory_space<vmem>> -> memref<2x80xi32, #tpu.memory_space<vmem>>
        %dma_wait3A_601 = arith.constant 0 : i32
        %dma_wait3A_602 = tpu.memref_slice %dma_wait3A_600[%dma_wait3A_589, %dma_wait3A_601] : memref<2x80xi32, #tpu.memory_space<vmem>> -> memref<1x80xi32, #tpu.memory_space<vmem>>
        %dma_wait3A_603 = tpu.memref_squeeze %dma_wait3A_602 : memref<1x80xi32, #tpu.memory_space<vmem>> -> memref<80xi32, #tpu.memory_space<vmem>>
        %dma_wait3A_604 = arith.constant 0 : i32
        %dma_wait3A_605 = arith.constant 0 : i32
        %dma_wait3A_606 = tpu.memref_slice %arg6[%dma_wait3A_604, %dma_wait3A_605] : memref<5008x128xf32, #tpu.memory_space<vmem_shared>> -> memref<5008x128xf32, #tpu.memory_space<vmem_shared>>
        tpu.wait_indirect_dma semaphore(%arg19 : memref<!tpu.dma_semaphore, #tpu.memory_space<semaphore_mem>>) src(%dma_wait3A_596 : memref<80x128xf32, #tpu.memory_space<vmem>>) dst(%dma_wait3A_606 : memref<5008x128xf32, #tpu.memory_space<vmem_shared>>)
      } else {
      }
      %add3A_148 = arith.constant 4 : i32
      %add3A_149 = arith.addi %add3A_143, %add3A_148 : i32
      %lt3A_150 = arith.cmpi slt, %add3A_149, %max3A_43 : i32
      %convert_element_type3A_151 = arith.extui %lt3A_150 : i1 to i32
      %cond3A_152 = arith.constant 0 : i32
      %cond3A_153 = arith.cmpi ne, %convert_element_type3A_151, %cond3A_152 : i32
      scf.if %cond3A_153 {
        %add3A_196 = arith.constant 4 : i32
        %add3A_197 = arith.addi %add3A_143, %add3A_196 : i32
        %add3A_198 = arith.addi %select_n3A, %arg1 : i32
        %mul3A_199 = arith.constant 16 : i32
        %mul3A_200 = arith.muli %add3A_197, %mul3A_199 : i32
        %add3A_201 = arith.addi %add3A_198, %mul3A_200 : i32
        %mul3A_202 = arith.constant 160 : i32
        %mul3A_203 = arith.muli %add3A_201, %mul3A_202 : i32
        %dma_start3A = arith.constant 0 : i32
        %dma_start3A_204 = arith.constant 0 : i32
        %dma_start3A_205 = arith.constant 0 : i32
        %dma_start3A_206 = tpu.memref_slice %arg7[%dma_start3A, %dma_start3A_204, %dma_start3A_205] : memref<4x160x128xf32, #tpu.memory_space<vmem>> -> memref<1x160x128xf32, #tpu.memory_space<vmem>>
        %dma_start3A_207 = tpu.memref_squeeze %dma_start3A_206 : memref<1x160x128xf32, #tpu.memory_space<vmem>> -> memref<160x128xf32, #tpu.memory_space<vmem>>
        %dma_start3A_208 = arith.constant 0 : i32
        %dma_start3A_209 = tpu.memref_slice %arg2[%mul3A_203, %dma_start3A_208] : memref<320000x128xf32, #tpu.memory_space<hbm>> -> memref<160x128xf32, #tpu.memory_space<hbm>>
        %dma_start3A_210 = arith.constant 0 : i32
        %dma_start3A_211 = arith.constant 0 : i32
        %dma_start3A_212 = tpu.memref_slice %arg7[%dma_start3A, %dma_start3A_210, %dma_start3A_211] : memref<4x160x128xf32, #tpu.memory_space<vmem>> -> memref<1x160x128xf32, #tpu.memory_space<vmem>>
        %dma_start3A_213 = tpu.memref_squeeze %dma_start3A_212 : memref<1x160x128xf32, #tpu.memory_space<vmem>> -> memref<160x128xf32, #tpu.memory_space<vmem>>
        %dma_start3A_214 = arith.constant 0 : i32
        %dma_start3A_215 = tpu.memref_slice %arg2[%mul3A_203, %dma_start3A_214] : memref<320000x128xf32, #tpu.memory_space<hbm>> -> memref<160x128xf32, #tpu.memory_space<hbm>>
        tpu.enqueue_dma source(%dma_start3A_215 : memref<160x128xf32, #tpu.memory_space<hbm>>) target(%dma_start3A_213 : memref<160x128xf32, #tpu.memory_space<vmem>>) target_semaphore(%arg11 : memref<!tpu.dma_semaphore, #tpu.memory_space<semaphore_mem>>)
        %dma_start3A_216 = arith.constant 0 : i32
        %dma_start3A_217 = arith.constant 0 : i32
        %dma_start3A_218 = arith.constant 0 : i32
        %dma_start3A_219 = tpu.memref_slice %arg8[%dma_start3A_216, %dma_start3A_217, %dma_start3A_218] : memref<4x2x80xi32, #tpu.memory_space<vmem>> -> memref<1x2x80xi32, #tpu.memory_space<vmem>>
        %dma_start3A_220 = tpu.memref_squeeze %dma_start3A_219 : memref<1x2x80xi32, #tpu.memory_space<vmem>> -> memref<2x80xi32, #tpu.memory_space<vmem>>
        %dma_start3A_221 = arith.constant 0 : i32
        %dma_start3A_222 = arith.constant 0 : i32
        %dma_start3A_223 = tpu.memref_slice %arg3[%add3A_201, %dma_start3A_221, %dma_start3A_222] : memref<2000x2x80xi32, #tpu.memory_space<hbm>> -> memref<1x2x80xi32, #tpu.memory_space<hbm>>
        %dma_start3A_224 = tpu.memref_squeeze %dma_start3A_223 : memref<1x2x80xi32, #tpu.memory_space<hbm>> -> memref<2x80xi32, #tpu.memory_space<hbm>>
        %dma_start3A_225 = arith.constant 0 : i32
        %dma_start3A_226 = arith.constant 0 : i32
        %dma_start3A_227 = tpu.memref_slice %arg8[%dma_start3A_216, %dma_start3A_225, %dma_start3A_226] : memref<4x2x80xi32, #tpu.memory_space<vmem>> -> memref<1x2x80xi32, #tpu.memory_space<vmem>>
        %dma_start3A_228 = tpu.memref_squeeze %dma_start3A_227 : memref<1x2x80xi32, #tpu.memory_space<vmem>> -> memref<2x80xi32, #tpu.memory_space<vmem>>
        %dma_start3A_229 = arith.constant 0 : i32
        %dma_start3A_230 = arith.constant 0 : i32
        %dma_start3A_231 = tpu.memref_slice %arg3[%add3A_201, %dma_start3A_229, %dma_start3A_230] : memref<2000x2x80xi32, #tpu.memory_space<hbm>> -> memref<1x2x80xi32, #tpu.memory_space<hbm>>
        %dma_start3A_232 = tpu.memref_squeeze %dma_start3A_231 : memref<1x2x80xi32, #tpu.memory_space<hbm>> -> memref<2x80xi32, #tpu.memory_space<hbm>>
        tpu.enqueue_dma source(%dma_start3A_232 : memref<2x80xi32, #tpu.memory_space<hbm>>) target(%dma_start3A_228 : memref<2x80xi32, #tpu.memory_space<vmem>>) target_semaphore(%arg15 : memref<!tpu.dma_semaphore, #tpu.memory_space<semaphore_mem>>)
      } else {
      }
      %mul3A_154 = arith.constant 4 : i32
      %mul3A_155 = arith.muli %add3A_139, %mul3A_154 : i32
      %add3A_156 = arith.constant 1 : i32
      %add3A_157 = arith.addi %mul3A_155, %add3A_156 : i32
      %lt3A_158 = arith.cmpi slt, %add3A_157, %max3A_43 : i32
      %convert_element_type3A_159 = arith.extui %lt3A_158 : i1 to i32
      %cond3A_160 = arith.constant 0 : i32
      %cond3A_161 = arith.cmpi ne, %convert_element_type3A_159, %cond3A_160 : i32
      scf.if %cond3A_161 {
        %add3A_196 = arith.addi %select_n3A, %arg1 : i32
        %mul3A_197 = arith.constant 16 : i32
        %mul3A_198 = arith.muli %add3A_157, %mul3A_197 : i32
        %add3A_199 = arith.addi %add3A_196, %mul3A_198 : i32
        %mul3A_200 = arith.constant 160 : i32
        %mul3A_201 = arith.muli %add3A_199, %mul3A_200 : i32
        %dma_wait3A = arith.constant 1 : i32
        %dma_wait3A_202 = arith.constant 0 : i32
        %dma_wait3A_203 = arith.constant 0 : i32
        %dma_wait3A_204 = tpu.memref_slice %arg7[%dma_wait3A, %dma_wait3A_202, %dma_wait3A_203] : memref<4x160x128xf32, #tpu.memory_space<vmem>> -> memref<1x160x128xf32, #tpu.memory_space<vmem>>
        %dma_wait3A_205 = tpu.memref_squeeze %dma_wait3A_204 : memref<1x160x128xf32, #tpu.memory_space<vmem>> -> memref<160x128xf32, #tpu.memory_space<vmem>>
        %dma_wait3A_206 = arith.constant 0 : i32
        %dma_wait3A_207 = tpu.memref_slice %arg2[%mul3A_201, %dma_wait3A_206] : memref<320000x128xf32, #tpu.memory_space<hbm>> -> memref<160x128xf32, #tpu.memory_space<hbm>>
        %dma_wait3A_208 = arith.constant 0 : i32
        %dma_wait3A_209 = arith.constant 0 : i32
        %dma_wait3A_210 = tpu.memref_slice %arg7[%dma_wait3A, %dma_wait3A_208, %dma_wait3A_209] : memref<4x160x128xf32, #tpu.memory_space<vmem>> -> memref<1x160x128xf32, #tpu.memory_space<vmem>>
        %dma_wait3A_211 = tpu.memref_squeeze %dma_wait3A_210 : memref<1x160x128xf32, #tpu.memory_space<vmem>> -> memref<160x128xf32, #tpu.memory_space<vmem>>
        %dma_wait3A_212 = arith.constant 0 : i32
        %dma_wait3A_213 = tpu.memref_slice %arg2[%mul3A_201, %dma_wait3A_212] : memref<320000x128xf32, #tpu.memory_space<hbm>> -> memref<160x128xf32, #tpu.memory_space<hbm>>
        tpu.wait_dma2 semaphore(%arg12 : memref<!tpu.dma_semaphore, #tpu.memory_space<semaphore_mem>>) src(%dma_wait3A_213 : memref<160x128xf32, #tpu.memory_space<hbm>>) dst(%dma_wait3A_211 : memref<160x128xf32, #tpu.memory_space<vmem>>)
        %dma_wait3A_214 = arith.constant 1 : i32
        %dma_wait3A_215 = arith.constant 0 : i32
        %dma_wait3A_216 = arith.constant 0 : i32
        %dma_wait3A_217 = tpu.memref_slice %arg8[%dma_wait3A_214, %dma_wait3A_215, %dma_wait3A_216] : memref<4x2x80xi32, #tpu.memory_space<vmem>> -> memref<1x2x80xi32, #tpu.memory_space<vmem>>
        %dma_wait3A_218 = tpu.memref_squeeze %dma_wait3A_217 : memref<1x2x80xi32, #tpu.memory_space<vmem>> -> memref<2x80xi32, #tpu.memory_space<vmem>>
        %dma_wait3A_219 = arith.constant 0 : i32
        %dma_wait3A_220 = arith.constant 0 : i32
        %dma_wait3A_221 = tpu.memref_slice %arg3[%add3A_199, %dma_wait3A_219, %dma_wait3A_220] : memref<2000x2x80xi32, #tpu.memory_space<hbm>> -> memref<1x2x80xi32, #tpu.memory_space<hbm>>
        %dma_wait3A_222 = tpu.memref_squeeze %dma_wait3A_221 : memref<1x2x80xi32, #tpu.memory_space<hbm>> -> memref<2x80xi32, #tpu.memory_space<hbm>>
        %dma_wait3A_223 = arith.constant 0 : i32
        %dma_wait3A_224 = arith.constant 0 : i32
        %dma_wait3A_225 = tpu.memref_slice %arg8[%dma_wait3A_214, %dma_wait3A_223, %dma_wait3A_224] : memref<4x2x80xi32, #tpu.memory_space<vmem>> -> memref<1x2x80xi32, #tpu.memory_space<vmem>>
        %dma_wait3A_226 = tpu.memref_squeeze %dma_wait3A_225 : memref<1x2x80xi32, #tpu.memory_space<vmem>> -> memref<2x80xi32, #tpu.memory_space<vmem>>
        %dma_wait3A_227 = arith.constant 0 : i32
        %dma_wait3A_228 = arith.constant 0 : i32
        %dma_wait3A_229 = tpu.memref_slice %arg3[%add3A_199, %dma_wait3A_227, %dma_wait3A_228] : memref<2000x2x80xi32, #tpu.memory_space<hbm>> -> memref<1x2x80xi32, #tpu.memory_space<hbm>>
        %dma_wait3A_230 = tpu.memref_squeeze %dma_wait3A_229 : memref<1x2x80xi32, #tpu.memory_space<hbm>> -> memref<2x80xi32, #tpu.memory_space<hbm>>
        tpu.wait_dma2 semaphore(%arg16 : memref<!tpu.dma_semaphore, #tpu.memory_space<semaphore_mem>>) src(%dma_wait3A_230 : memref<2x80xi32, #tpu.memory_space<hbm>>) dst(%dma_wait3A_226 : memref<2x80xi32, #tpu.memory_space<vmem>>)
        %get3A_231 = arith.constant 1 : i32
        %get3A_232 = arith.constant 0 : i32
        %get3A_233 = arith.constant 0 : i32
        %get3A_234 = arith.constant 0 : i32
        %get3A_235 = tpu.memref_slice %arg8[%get3A_231, %get3A_233, %get3A_234] : memref<4x2x80xi32, #tpu.memory_space<vmem>> -> memref<1x2x80xi32, #tpu.memory_space<vmem>>
        %get3A_236 = tpu.memref_squeeze %get3A_235 : memref<1x2x80xi32, #tpu.memory_space<vmem>> -> memref<2x80xi32, #tpu.memory_space<vmem>>
        %get3A_237 = arith.index_cast %get3A_232 : i32 to index
        %get3A_238 = arith.constant 0 : index
        %get3A_239 = tpu.vector_load %get3A_236[%get3A_237, %get3A_238] {strides = array<i32>} : memref<2x80xi32, #tpu.memory_space<vmem>>, vector<16xi32>,
        %sub3A_240 = vector.broadcast %mul3A_77 : i32 to vector<16xi32>
        %sub3A_241 = arith.subi %get3A_239, %sub3A_240 : vector<16xi32>
        %ge3A = arith.constant 0 : i32
        %ge3A_242 = vector.broadcast %ge3A : i32 to vector<16xi32>
        %ge3A_243 = arith.cmpi sge, %sub3A_241, %ge3A_242 : vector<16xi32>
        %lt3A_244 = arith.constant 5000 : i32
        %lt3A_245 = vector.broadcast %lt3A_244 : i32 to vector<16xi32>
        %lt3A_246 = arith.cmpi slt, %sub3A_241, %lt3A_245 : vector<16xi32>
        %and3A_247 = arith.andi %ge3A_243, %lt3A_246 : vector<16xi1>
        %broadcast_in_dim3A = arith.constant 5000 : i32
        %broadcast_in_dim3A_248 = vector.broadcast %broadcast_in_dim3A : i32 to vector<16xi32>
        %select_n3A_249 = arith.select %and3A_247, %sub3A_241, %broadcast_in_dim3A_248 : vector<16xi1>, vector<16xi32>
        %swap3A = arith.constant 1 : i32
        %swap3A_250 = arith.constant 0 : i32
        %swap3A_251 = arith.constant 0 : i32
        %swap3A_252 = arith.constant 0 : i32
        %swap3A_253 = tpu.memref_slice %arg8[%swap3A, %swap3A_251, %swap3A_252] : memref<4x2x80xi32, #tpu.memory_space<vmem>> -> memref<1x2x80xi32, #tpu.memory_space<vmem>>
        %swap3A_254 = tpu.memref_squeeze %swap3A_253 : memref<1x2x80xi32, #tpu.memory_space<vmem>> -> memref<2x80xi32, #tpu.memory_space<vmem>>
        %swap3A_255 = arith.index_cast %swap3A_250 : i32 to index
        %swap3A_256 = arith.constant 0 : index
        %swap3A_257 = tpu.vector_load %swap3A_254[%swap3A_255, %swap3A_256] {strides = array<i32>} : memref<2x80xi32, #tpu.memory_space<vmem>>, vector<16xi32>,
        tpu.vector_store %swap3A_254[%swap3A_255, %swap3A_256], %select_n3A_249 {strides = array<i32>} : memref<2x80xi32, #tpu.memory_space<vmem>>, vector<16xi32>,
        %get3A_258 = arith.constant 1 : i32
        %get3A_259 = arith.constant 0 : i32
        %get3A_260 = arith.constant 0 : i32
        %get3A_261 = arith.constant 0 : i32
        %get3A_262 = tpu.memref_slice %arg8[%get3A_258, %get3A_260, %get3A_261] : memref<4x2x80xi32, #tpu.memory_space<vmem>> -> memref<1x2x80xi32, #tpu.memory_space<vmem>>
        %get3A_263 = tpu.memref_squeeze %get3A_262 : memref<1x2x80xi32, #tpu.memory_space<vmem>> -> memref<2x80xi32, #tpu.memory_space<vmem>>
        %get3A_264 = arith.index_cast %get3A_259 : i32 to index
        %get3A_265 = arith.constant 16 : index
        %get3A_266 = tpu.vector_load %get3A_263[%get3A_264, %get3A_265] {strides = array<i32>} : memref<2x80xi32, #tpu.memory_space<vmem>>, vector<16xi32>,
        %sub3A_267 = vector.broadcast %mul3A_77 : i32 to vector<16xi32>
        %sub3A_268 = arith.subi %get3A_266, %sub3A_267 : vector<16xi32>
        %ge3A_269 = arith.constant 0 : i32
        %ge3A_270 = vector.broadcast %ge3A_269 : i32 to vector<16xi32>
        %ge3A_271 = arith.cmpi sge, %sub3A_268, %ge3A_270 : vector<16xi32>
        %lt3A_272 = arith.constant 5000 : i32
        %lt3A_273 = vector.broadcast %lt3A_272 : i32 to vector<16xi32>
        %lt3A_274 = arith.cmpi slt, %sub3A_268, %lt3A_273 : vector<16xi32>
        %and3A_275 = arith.andi %ge3A_271, %lt3A_274 : vector<16xi1>
        %broadcast_in_dim3A_276 = arith.constant 5000 : i32
        %broadcast_in_dim3A_277 = vector.broadcast %broadcast_in_dim3A_276 : i32 to vector<16xi32>
        %select_n3A_278 = arith.select %and3A_275, %sub3A_268, %broadcast_in_dim3A_277 : vector<16xi1>, vector<16xi32>
        %swap3A_279 = arith.constant 1 : i32
        %swap3A_280 = arith.constant 0 : i32
        %swap3A_281 = arith.constant 0 : i32
        %swap3A_282 = arith.constant 0 : i32
        %swap3A_283 = tpu.memref_slice %arg8[%swap3A_279, %swap3A_281, %swap3A_282] : memref<4x2x80xi32, #tpu.memory_space<vmem>> -> memref<1x2x80xi32, #tpu.memory_space<vmem>>
        %swap3A_284 = tpu.memref_squeeze %swap3A_283 : memref<1x2x80xi32, #tpu.memory_space<vmem>> -> memref<2x80xi32, #tpu.memory_space<vmem>>
        %swap3A_285 = arith.index_cast %swap3A_280 : i32 to index
        %swap3A_286 = arith.constant 16 : index
        %swap3A_287 = tpu.vector_load %swap3A_284[%swap3A_285, %swap3A_286] {strides = array<i32>} : memref<2x80xi32, #tpu.memory_space<vmem>>, vector<16xi32>,
        tpu.vector_store %swap3A_284[%swap3A_285, %swap3A_286], %select_n3A_278 {strides = array<i32>} : memref<2x80xi32, #tpu.memory_space<vmem>>, vector<16xi32>,
        %get3A_288 = arith.constant 1 : i32
        %get3A_289 = arith.constant 0 : i32
        %get3A_290 = arith.constant 0 : i32
        %get3A_291 = arith.constant 0 : i32
        %get3A_292 = tpu.memref_slice %arg8[%get3A_288, %get3A_290, %get3A_291] : memref<4x2x80xi32, #tpu.memory_space<vmem>> -> memref<1x2x80xi32, #tpu.memory_space<vmem>>
        %get3A_293 = tpu.memref_squeeze %get3A_292 : memref<1x2x80xi32, #tpu.memory_space<vmem>> -> memref<2x80xi32, #tpu.memory_space<vmem>>
        %get3A_294 = arith.index_cast %get3A_289 : i32 to index
        %get3A_295 = arith.constant 32 : index
        %get3A_296 = tpu.vector_load %get3A_293[%get3A_294, %get3A_295] {strides = array<i32>} : memref<2x80xi32, #tpu.memory_space<vmem>>, vector<16xi32>,
        %sub3A_297 = vector.broadcast %mul3A_77 : i32 to vector<16xi32>
        %sub3A_298 = arith.subi %get3A_296, %sub3A_297 : vector<16xi32>
        %ge3A_299 = arith.constant 0 : i32
        %ge3A_300 = vector.broadcast %ge3A_299 : i32 to vector<16xi32>
        %ge3A_301 = arith.cmpi sge, %sub3A_298, %ge3A_300 : vector<16xi32>
        %lt3A_302 = arith.constant 5000 : i32
        %lt3A_303 = vector.broadcast %lt3A_302 : i32 to vector<16xi32>
        %lt3A_304 = arith.cmpi slt, %sub3A_298, %lt3A_303 : vector<16xi32>
        %and3A_305 = arith.andi %ge3A_301, %lt3A_304 : vector<16xi1>
        %broadcast_in_dim3A_306 = arith.constant 5000 : i32
        %broadcast_in_dim3A_307 = vector.broadcast %broadcast_in_dim3A_306 : i32 to vector<16xi32>
        %select_n3A_308 = arith.select %and3A_305, %sub3A_298, %broadcast_in_dim3A_307 : vector<16xi1>, vector<16xi32>
        %swap3A_309 = arith.constant 1 : i32
        %swap3A_310 = arith.constant 0 : i32
        %swap3A_311 = arith.constant 0 : i32
        %swap3A_312 = arith.constant 0 : i32
        %swap3A_313 = tpu.memref_slice %arg8[%swap3A_309, %swap3A_311, %swap3A_312] : memref<4x2x80xi32, #tpu.memory_space<vmem>> -> memref<1x2x80xi32, #tpu.memory_space<vmem>>
        %swap3A_314 = tpu.memref_squeeze %swap3A_313 : memref<1x2x80xi32, #tpu.memory_space<vmem>> -> memref<2x80xi32, #tpu.memory_space<vmem>>
        %swap3A_315 = arith.index_cast %swap3A_310 : i32 to index
        %swap3A_316 = arith.constant 32 : index
        %swap3A_317 = tpu.vector_load %swap3A_314[%swap3A_315, %swap3A_316] {strides = array<i32>} : memref<2x80xi32, #tpu.memory_space<vmem>>, vector<16xi32>,
        tpu.vector_store %swap3A_314[%swap3A_315, %swap3A_316], %select_n3A_308 {strides = array<i32>} : memref<2x80xi32, #tpu.memory_space<vmem>>, vector<16xi32>,
        %get3A_318 = arith.constant 1 : i32
        %get3A_319 = arith.constant 0 : i32
        %get3A_320 = arith.constant 0 : i32
        %get3A_321 = arith.constant 0 : i32
        %get3A_322 = tpu.memref_slice %arg8[%get3A_318, %get3A_320, %get3A_321] : memref<4x2x80xi32, #tpu.memory_space<vmem>> -> memref<1x2x80xi32, #tpu.memory_space<vmem>>
        %get3A_323 = tpu.memref_squeeze %get3A_322 : memref<1x2x80xi32, #tpu.memory_space<vmem>> -> memref<2x80xi32, #tpu.memory_space<vmem>>
        %get3A_324 = arith.index_cast %get3A_319 : i32 to index
        %get3A_325 = arith.constant 48 : index
        %get3A_326 = tpu.vector_load %get3A_323[%get3A_324, %get3A_325] {strides = array<i32>} : memref<2x80xi32, #tpu.memory_space<vmem>>, vector<16xi32>,
        %sub3A_327 = vector.broadcast %mul3A_77 : i32 to vector<16xi32>
        %sub3A_328 = arith.subi %get3A_326, %sub3A_327 : vector<16xi32>
        %ge3A_329 = arith.constant 0 : i32
        %ge3A_330 = vector.broadcast %ge3A_329 : i32 to vector<16xi32>
        %ge3A_331 = arith.cmpi sge, %sub3A_328, %ge3A_330 : vector<16xi32>
        %lt3A_332 = arith.constant 5000 : i32
        %lt3A_333 = vector.broadcast %lt3A_332 : i32 to vector<16xi32>
        %lt3A_334 = arith.cmpi slt, %sub3A_328, %lt3A_333 : vector<16xi32>
        %and3A_335 = arith.andi %ge3A_331, %lt3A_334 : vector<16xi1>
        %broadcast_in_dim3A_336 = arith.constant 5000 : i32
        %broadcast_in_dim3A_337 = vector.broadcast %broadcast_in_dim3A_336 : i32 to vector<16xi32>
        %select_n3A_338 = arith.select %and3A_335, %sub3A_328, %broadcast_in_dim3A_337 : vector<16xi1>, vector<16xi32>
        %swap3A_339 = arith.constant 1 : i32
        %swap3A_340 = arith.constant 0 : i32
        %swap3A_341 = arith.constant 0 : i32
        %swap3A_342 = arith.constant 0 : i32
        %swap3A_343 = tpu.memref_slice %arg8[%swap3A_339, %swap3A_341, %swap3A_342] : memref<4x2x80xi32, #tpu.memory_space<vmem>> -> memref<1x2x80xi32, #tpu.memory_space<vmem>>
        %swap3A_344 = tpu.memref_squeeze %swap3A_343 : memref<1x2x80xi32, #tpu.memory_space<vmem>> -> memref<2x80xi32, #tpu.memory_space<vmem>>
        %swap3A_345 = arith.index_cast %swap3A_340 : i32 to index
        %swap3A_346 = arith.constant 48 : index
        %swap3A_347 = tpu.vector_load %swap3A_344[%swap3A_345, %swap3A_346] {strides = array<i32>} : memref<2x80xi32, #tpu.memory_space<vmem>>, vector<16xi32>,
        tpu.vector_store %swap3A_344[%swap3A_345, %swap3A_346], %select_n3A_338 {strides = array<i32>} : memref<2x80xi32, #tpu.memory_space<vmem>>, vector<16xi32>,
        %get3A_348 = arith.constant 1 : i32
        %get3A_349 = arith.constant 0 : i32
        %get3A_350 = arith.constant 0 : i32
        %get3A_351 = arith.constant 0 : i32
        %get3A_352 = tpu.memref_slice %arg8[%get3A_348, %get3A_350, %get3A_351] : memref<4x2x80xi32, #tpu.memory_space<vmem>> -> memref<1x2x80xi32, #tpu.memory_space<vmem>>
        %get3A_353 = tpu.memref_squeeze %get3A_352 : memref<1x2x80xi32, #tpu.memory_space<vmem>> -> memref<2x80xi32, #tpu.memory_space<vmem>>
        %get3A_354 = arith.index_cast %get3A_349 : i32 to index
        %get3A_355 = arith.constant 64 : index
        %get3A_356 = tpu.vector_load %get3A_353[%get3A_354, %get3A_355] {strides = array<i32>} : memref<2x80xi32, #tpu.memory_space<vmem>>, vector<16xi32>,
        %sub3A_357 = vector.broadcast %mul3A_77 : i32 to vector<16xi32>
        %sub3A_358 = arith.subi %get3A_356, %sub3A_357 : vector<16xi32>
        %ge3A_359 = arith.constant 0 : i32
        %ge3A_360 = vector.broadcast %ge3A_359 : i32 to vector<16xi32>
        %ge3A_361 = arith.cmpi sge, %sub3A_358, %ge3A_360 : vector<16xi32>
        %lt3A_362 = arith.constant 5000 : i32
        %lt3A_363 = vector.broadcast %lt3A_362 : i32 to vector<16xi32>
        %lt3A_364 = arith.cmpi slt, %sub3A_358, %lt3A_363 : vector<16xi32>
        %and3A_365 = arith.andi %ge3A_361, %lt3A_364 : vector<16xi1>
        %broadcast_in_dim3A_366 = arith.constant 5000 : i32
        %broadcast_in_dim3A_367 = vector.broadcast %broadcast_in_dim3A_366 : i32 to vector<16xi32>
        %select_n3A_368 = arith.select %and3A_365, %sub3A_358, %broadcast_in_dim3A_367 : vector<16xi1>, vector<16xi32>
        %swap3A_369 = arith.constant 1 : i32
        %swap3A_370 = arith.constant 0 : i32
        %swap3A_371 = arith.constant 0 : i32
        %swap3A_372 = arith.constant 0 : i32
        %swap3A_373 = tpu.memref_slice %arg8[%swap3A_369, %swap3A_371, %swap3A_372] : memref<4x2x80xi32, #tpu.memory_space<vmem>> -> memref<1x2x80xi32, #tpu.memory_space<vmem>>
        %swap3A_374 = tpu.memref_squeeze %swap3A_373 : memref<1x2x80xi32, #tpu.memory_space<vmem>> -> memref<2x80xi32, #tpu.memory_space<vmem>>
        %swap3A_375 = arith.index_cast %swap3A_370 : i32 to index
        %swap3A_376 = arith.constant 64 : index
        %swap3A_377 = tpu.vector_load %swap3A_374[%swap3A_375, %swap3A_376] {strides = array<i32>} : memref<2x80xi32, #tpu.memory_space<vmem>>, vector<16xi32>,
        tpu.vector_store %swap3A_374[%swap3A_375, %swap3A_376], %select_n3A_368 {strides = array<i32>} : memref<2x80xi32, #tpu.memory_space<vmem>>, vector<16xi32>,
        %get3A_378 = arith.constant 1 : i32
        %get3A_379 = arith.constant 1 : i32
        %get3A_380 = arith.constant 0 : i32
        %get3A_381 = arith.constant 0 : i32
        %get3A_382 = tpu.memref_slice %arg8[%get3A_378, %get3A_380, %get3A_381] : memref<4x2x80xi32, #tpu.memory_space<vmem>> -> memref<1x2x80xi32, #tpu.memory_space<vmem>>
        %get3A_383 = tpu.memref_squeeze %get3A_382 : memref<1x2x80xi32, #tpu.memory_space<vmem>> -> memref<2x80xi32, #tpu.memory_space<vmem>>
        %get3A_384 = arith.index_cast %get3A_379 : i32 to index
        %get3A_385 = arith.constant 0 : index
        %get3A_386 = tpu.vector_load %get3A_383[%get3A_384, %get3A_385] {strides = array<i32>} : memref<2x80xi32, #tpu.memory_space<vmem>>, vector<16xi32>,
        %sub3A_387 = vector.broadcast %mul3A_77 : i32 to vector<16xi32>
        %sub3A_388 = arith.subi %get3A_386, %sub3A_387 : vector<16xi32>
        %ge3A_389 = arith.constant 0 : i32
        %ge3A_390 = vector.broadcast %ge3A_389 : i32 to vector<16xi32>
        %ge3A_391 = arith.cmpi sge, %sub3A_388, %ge3A_390 : vector<16xi32>
        %lt3A_392 = arith.constant 5000 : i32
        %lt3A_393 = vector.broadcast %lt3A_392 : i32 to vector<16xi32>
        %lt3A_394 = arith.cmpi slt, %sub3A_388, %lt3A_393 : vector<16xi32>
        %and3A_395 = arith.andi %ge3A_391, %lt3A_394 : vector<16xi1>
        %broadcast_in_dim3A_396 = arith.constant 5000 : i32
        %broadcast_in_dim3A_397 = vector.broadcast %broadcast_in_dim3A_396 : i32 to vector<16xi32>
        %select_n3A_398 = arith.select %and3A_395, %sub3A_388, %broadcast_in_dim3A_397 : vector<16xi1>, vector<16xi32>
        %swap3A_399 = arith.constant 1 : i32
        %swap3A_400 = arith.constant 1 : i32
        %swap3A_401 = arith.constant 0 : i32
        %swap3A_402 = arith.constant 0 : i32
        %swap3A_403 = tpu.memref_slice %arg8[%swap3A_399, %swap3A_401, %swap3A_402] : memref<4x2x80xi32, #tpu.memory_space<vmem>> -> memref<1x2x80xi32, #tpu.memory_space<vmem>>
        %swap3A_404 = tpu.memref_squeeze %swap3A_403 : memref<1x2x80xi32, #tpu.memory_space<vmem>> -> memref<2x80xi32, #tpu.memory_space<vmem>>
        %swap3A_405 = arith.index_cast %swap3A_400 : i32 to index
        %swap3A_406 = arith.constant 0 : index
        %swap3A_407 = tpu.vector_load %swap3A_404[%swap3A_405, %swap3A_406] {strides = array<i32>} : memref<2x80xi32, #tpu.memory_space<vmem>>, vector<16xi32>,
        tpu.vector_store %swap3A_404[%swap3A_405, %swap3A_406], %select_n3A_398 {strides = array<i32>} : memref<2x80xi32, #tpu.memory_space<vmem>>, vector<16xi32>,
        %get3A_408 = arith.constant 1 : i32
        %get3A_409 = arith.constant 1 : i32
        %get3A_410 = arith.constant 0 : i32
        %get3A_411 = arith.constant 0 : i32
        %get3A_412 = tpu.memref_slice %arg8[%get3A_408, %get3A_410, %get3A_411] : memref<4x2x80xi32, #tpu.memory_space<vmem>> -> memref<1x2x80xi32, #tpu.memory_space<vmem>>
        %get3A_413 = tpu.memref_squeeze %get3A_412 : memref<1x2x80xi32, #tpu.memory_space<vmem>> -> memref<2x80xi32, #tpu.memory_space<vmem>>
        %get3A_414 = arith.index_cast %get3A_409 : i32 to index
        %get3A_415 = arith.constant 16 : index
        %get3A_416 = tpu.vector_load %get3A_413[%get3A_414, %get3A_415] {strides = array<i32>} : memref<2x80xi32, #tpu.memory_space<vmem>>, vector<16xi32>,
        %sub3A_417 = vector.broadcast %mul3A_77 : i32 to vector<16xi32>
        %sub3A_418 = arith.subi %get3A_416, %sub3A_417 : vector<16xi32>
        %ge3A_419 = arith.constant 0 : i32
        %ge3A_420 = vector.broadcast %ge3A_419 : i32 to vector<16xi32>
        %ge3A_421 = arith.cmpi sge, %sub3A_418, %ge3A_420 : vector<16xi32>
        %lt3A_422 = arith.constant 5000 : i32
        %lt3A_423 = vector.broadcast %lt3A_422 : i32 to vector<16xi32>
        %lt3A_424 = arith.cmpi slt, %sub3A_418, %lt3A_423 : vector<16xi32>
        %and3A_425 = arith.andi %ge3A_421, %lt3A_424 : vector<16xi1>
        %broadcast_in_dim3A_426 = arith.constant 5000 : i32
        %broadcast_in_dim3A_427 = vector.broadcast %broadcast_in_dim3A_426 : i32 to vector<16xi32>
        %select_n3A_428 = arith.select %and3A_425, %sub3A_418, %broadcast_in_dim3A_427 : vector<16xi1>, vector<16xi32>
        %swap3A_429 = arith.constant 1 : i32
        %swap3A_430 = arith.constant 1 : i32
        %swap3A_431 = arith.constant 0 : i32
        %swap3A_432 = arith.constant 0 : i32
        %swap3A_433 = tpu.memref_slice %arg8[%swap3A_429, %swap3A_431, %swap3A_432] : memref<4x2x80xi32, #tpu.memory_space<vmem>> -> memref<1x2x80xi32, #tpu.memory_space<vmem>>
        %swap3A_434 = tpu.memref_squeeze %swap3A_433 : memref<1x2x80xi32, #tpu.memory_space<vmem>> -> memref<2x80xi32, #tpu.memory_space<vmem>>
        %swap3A_435 = arith.index_cast %swap3A_430 : i32 to index
        %swap3A_436 = arith.constant 16 : index
        %swap3A_437 = tpu.vector_load %swap3A_434[%swap3A_435, %swap3A_436] {strides = array<i32>} : memref<2x80xi32, #tpu.memory_space<vmem>>, vector<16xi32>,
        tpu.vector_store %swap3A_434[%swap3A_435, %swap3A_436], %select_n3A_428 {strides = array<i32>} : memref<2x80xi32, #tpu.memory_space<vmem>>, vector<16xi32>,
        %get3A_438 = arith.constant 1 : i32
        %get3A_439 = arith.constant 1 : i32
        %get3A_440 = arith.constant 0 : i32
        %get3A_441 = arith.constant 0 : i32
        %get3A_442 = tpu.memref_slice %arg8[%get3A_438, %get3A_440, %get3A_441] : memref<4x2x80xi32, #tpu.memory_space<vmem>> -> memref<1x2x80xi32, #tpu.memory_space<vmem>>
        %get3A_443 = tpu.memref_squeeze %get3A_442 : memref<1x2x80xi32, #tpu.memory_space<vmem>> -> memref<2x80xi32, #tpu.memory_space<vmem>>
        %get3A_444 = arith.index_cast %get3A_439 : i32 to index
        %get3A_445 = arith.constant 32 : index
        %get3A_446 = tpu.vector_load %get3A_443[%get3A_444, %get3A_445] {strides = array<i32>} : memref<2x80xi32, #tpu.memory_space<vmem>>, vector<16xi32>,
        %sub3A_447 = vector.broadcast %mul3A_77 : i32 to vector<16xi32>
        %sub3A_448 = arith.subi %get3A_446, %sub3A_447 : vector<16xi32>
        %ge3A_449 = arith.constant 0 : i32
        %ge3A_450 = vector.broadcast %ge3A_449 : i32 to vector<16xi32>
        %ge3A_451 = arith.cmpi sge, %sub3A_448, %ge3A_450 : vector<16xi32>
        %lt3A_452 = arith.constant 5000 : i32
        %lt3A_453 = vector.broadcast %lt3A_452 : i32 to vector<16xi32>
        %lt3A_454 = arith.cmpi slt, %sub3A_448, %lt3A_453 : vector<16xi32>
        %and3A_455 = arith.andi %ge3A_451, %lt3A_454 : vector<16xi1>
        %broadcast_in_dim3A_456 = arith.constant 5000 : i32
        %broadcast_in_dim3A_457 = vector.broadcast %broadcast_in_dim3A_456 : i32 to vector<16xi32>
        %select_n3A_458 = arith.select %and3A_455, %sub3A_448, %broadcast_in_dim3A_457 : vector<16xi1>, vector<16xi32>
        %swap3A_459 = arith.constant 1 : i32
        %swap3A_460 = arith.constant 1 : i32
        %swap3A_461 = arith.constant 0 : i32
        %swap3A_462 = arith.constant 0 : i32
        %swap3A_463 = tpu.memref_slice %arg8[%swap3A_459, %swap3A_461, %swap3A_462] : memref<4x2x80xi32, #tpu.memory_space<vmem>> -> memref<1x2x80xi32, #tpu.memory_space<vmem>>
        %swap3A_464 = tpu.memref_squeeze %swap3A_463 : memref<1x2x80xi32, #tpu.memory_space<vmem>> -> memref<2x80xi32, #tpu.memory_space<vmem>>
        %swap3A_465 = arith.index_cast %swap3A_460 : i32 to index
        %swap3A_466 = arith.constant 32 : index
        %swap3A_467 = tpu.vector_load %swap3A_464[%swap3A_465, %swap3A_466] {strides = array<i32>} : memref<2x80xi32, #tpu.memory_space<vmem>>, vector<16xi32>,
        tpu.vector_store %swap3A_464[%swap3A_465, %swap3A_466], %select_n3A_458 {strides = array<i32>} : memref<2x80xi32, #tpu.memory_space<vmem>>, vector<16xi32>,
        %get3A_468 = arith.constant 1 : i32
        %get3A_469 = arith.constant 1 : i32
        %get3A_470 = arith.constant 0 : i32
        %get3A_471 = arith.constant 0 : i32
        %get3A_472 = tpu.memref_slice %arg8[%get3A_468, %get3A_470, %get3A_471] : memref<4x2x80xi32, #tpu.memory_space<vmem>> -> memref<1x2x80xi32, #tpu.memory_space<vmem>>
        %get3A_473 = tpu.memref_squeeze %get3A_472 : memref<1x2x80xi32, #tpu.memory_space<vmem>> -> memref<2x80xi32, #tpu.memory_space<vmem>>
        %get3A_474 = arith.index_cast %get3A_469 : i32 to index
        %get3A_475 = arith.constant 48 : index
        %get3A_476 = tpu.vector_load %get3A_473[%get3A_474, %get3A_475] {strides = array<i32>} : memref<2x80xi32, #tpu.memory_space<vmem>>, vector<16xi32>,
        %sub3A_477 = vector.broadcast %mul3A_77 : i32 to vector<16xi32>
        %sub3A_478 = arith.subi %get3A_476, %sub3A_477 : vector<16xi32>
        %ge3A_479 = arith.constant 0 : i32
        %ge3A_480 = vector.broadcast %ge3A_479 : i32 to vector<16xi32>
        %ge3A_481 = arith.cmpi sge, %sub3A_478, %ge3A_480 : vector<16xi32>
        %lt3A_482 = arith.constant 5000 : i32
        %lt3A_483 = vector.broadcast %lt3A_482 : i32 to vector<16xi32>
        %lt3A_484 = arith.cmpi slt, %sub3A_478, %lt3A_483 : vector<16xi32>
        %and3A_485 = arith.andi %ge3A_481, %lt3A_484 : vector<16xi1>
        %broadcast_in_dim3A_486 = arith.constant 5000 : i32
        %broadcast_in_dim3A_487 = vector.broadcast %broadcast_in_dim3A_486 : i32 to vector<16xi32>
        %select_n3A_488 = arith.select %and3A_485, %sub3A_478, %broadcast_in_dim3A_487 : vector<16xi1>, vector<16xi32>
        %swap3A_489 = arith.constant 1 : i32
        %swap3A_490 = arith.constant 1 : i32
        %swap3A_491 = arith.constant 0 : i32
        %swap3A_492 = arith.constant 0 : i32
        %swap3A_493 = tpu.memref_slice %arg8[%swap3A_489, %swap3A_491, %swap3A_492] : memref<4x2x80xi32, #tpu.memory_space<vmem>> -> memref<1x2x80xi32, #tpu.memory_space<vmem>>
        %swap3A_494 = tpu.memref_squeeze %swap3A_493 : memref<1x2x80xi32, #tpu.memory_space<vmem>> -> memref<2x80xi32, #tpu.memory_space<vmem>>
        %swap3A_495 = arith.index_cast %swap3A_490 : i32 to index
        %swap3A_496 = arith.constant 48 : index
        %swap3A_497 = tpu.vector_load %swap3A_494[%swap3A_495, %swap3A_496] {strides = array<i32>} : memref<2x80xi32, #tpu.memory_space<vmem>>, vector<16xi32>,
        tpu.vector_store %swap3A_494[%swap3A_495, %swap3A_496], %select_n3A_488 {strides = array<i32>} : memref<2x80xi32, #tpu.memory_space<vmem>>, vector<16xi32>,
        %get3A_498 = arith.constant 1 : i32
        %get3A_499 = arith.constant 1 : i32
        %get3A_500 = arith.constant 0 : i32
        %get3A_501 = arith.constant 0 : i32
        %get3A_502 = tpu.memref_slice %arg8[%get3A_498, %get3A_500, %get3A_501] : memref<4x2x80xi32, #tpu.memory_space<vmem>> -> memref<1x2x80xi32, #tpu.memory_space<vmem>>
        %get3A_503 = tpu.memref_squeeze %get3A_502 : memref<1x2x80xi32, #tpu.memory_space<vmem>> -> memref<2x80xi32, #tpu.memory_space<vmem>>
        %get3A_504 = arith.index_cast %get3A_499 : i32 to index
        %get3A_505 = arith.constant 64 : index
        %get3A_506 = tpu.vector_load %get3A_503[%get3A_504, %get3A_505] {strides = array<i32>} : memref<2x80xi32, #tpu.memory_space<vmem>>, vector<16xi32>,
        %sub3A_507 = vector.broadcast %mul3A_77 : i32 to vector<16xi32>
        %sub3A_508 = arith.subi %get3A_506, %sub3A_507 : vector<16xi32>
        %ge3A_509 = arith.constant 0 : i32
        %ge3A_510 = vector.broadcast %ge3A_509 : i32 to vector<16xi32>
        %ge3A_511 = arith.cmpi sge, %sub3A_508, %ge3A_510 : vector<16xi32>
        %lt3A_512 = arith.constant 5000 : i32
        %lt3A_513 = vector.broadcast %lt3A_512 : i32 to vector<16xi32>
        %lt3A_514 = arith.cmpi slt, %sub3A_508, %lt3A_513 : vector<16xi32>
        %and3A_515 = arith.andi %ge3A_511, %lt3A_514 : vector<16xi1>
        %broadcast_in_dim3A_516 = arith.constant 5000 : i32
        %broadcast_in_dim3A_517 = vector.broadcast %broadcast_in_dim3A_516 : i32 to vector<16xi32>
        %select_n3A_518 = arith.select %and3A_515, %sub3A_508, %broadcast_in_dim3A_517 : vector<16xi1>, vector<16xi32>
        %swap3A_519 = arith.constant 1 : i32
        %swap3A_520 = arith.constant 1 : i32
        %swap3A_521 = arith.constant 0 : i32
        %swap3A_522 = arith.constant 0 : i32
        %swap3A_523 = tpu.memref_slice %arg8[%swap3A_519, %swap3A_521, %swap3A_522] : memref<4x2x80xi32, #tpu.memory_space<vmem>> -> memref<1x2x80xi32, #tpu.memory_space<vmem>>
        %swap3A_524 = tpu.memref_squeeze %swap3A_523 : memref<1x2x80xi32, #tpu.memory_space<vmem>> -> memref<2x80xi32, #tpu.memory_space<vmem>>
        %swap3A_525 = arith.index_cast %swap3A_520 : i32 to index
        %swap3A_526 = arith.constant 64 : index
        %swap3A_527 = tpu.vector_load %swap3A_524[%swap3A_525, %swap3A_526] {strides = array<i32>} : memref<2x80xi32, #tpu.memory_space<vmem>>, vector<16xi32>,
        tpu.vector_store %swap3A_524[%swap3A_525, %swap3A_526], %select_n3A_518 {strides = array<i32>} : memref<2x80xi32, #tpu.memory_space<vmem>>, vector<16xi32>,
        %dma_start3A = arith.constant 1 : i32
        %dma_start3A_528 = arith.constant 1 : i32
        %dma_start3A_529 = arith.constant 0 : i32
        %dma_start3A_530 = arith.constant 0 : i32
        %dma_start3A_531 = arith.constant 0 : i32
        %dma_start3A_532 = tpu.memref_slice %arg7[%dma_start3A, %dma_start3A_530, %dma_start3A_531] : memref<4x160x128xf32, #tpu.memory_space<vmem>> -> memref<1x160x128xf32, #tpu.memory_space<vmem>>
        %dma_start3A_533 = tpu.memref_squeeze %dma_start3A_532 : memref<1x160x128xf32, #tpu.memory_space<vmem>> -> memref<160x128xf32, #tpu.memory_space<vmem>>
        %dma_start3A_534 = arith.constant 0 : i32
        %dma_start3A_535 = arith.constant 0 : i32
        %dma_start3A_536 = tpu.memref_slice %dma_start3A_533[%dma_start3A_534, %dma_start3A_535] : memref<160x128xf32, #tpu.memory_space<vmem>> -> memref<80x128xf32, #tpu.memory_space<vmem>>
        %dma_start3A_537 = arith.constant 0 : i32
        %dma_start3A_538 = arith.constant 0 : i32
        %dma_start3A_539 = tpu.memref_slice %arg8[%dma_start3A_528, %dma_start3A_537, %dma_start3A_538] : memref<4x2x80xi32, #tpu.memory_space<vmem>> -> memref<1x2x80xi32, #tpu.memory_space<vmem>>
        %dma_start3A_540 = tpu.memref_squeeze %dma_start3A_539 : memref<1x2x80xi32, #tpu.memory_space<vmem>> -> memref<2x80xi32, #tpu.memory_space<vmem>>
        %dma_start3A_541 = arith.constant 0 : i32
        %dma_start3A_542 = tpu.memref_slice %dma_start3A_540[%dma_start3A_529, %dma_start3A_541] : memref<2x80xi32, #tpu.memory_space<vmem>> -> memref<1x80xi32, #tpu.memory_space<vmem>>
        %dma_start3A_543 = tpu.memref_squeeze %dma_start3A_542 : memref<1x80xi32, #tpu.memory_space<vmem>> -> memref<80xi32, #tpu.memory_space<vmem>>
        %dma_start3A_544 = arith.constant 0 : i32
        %dma_start3A_545 = arith.constant 0 : i32
        %dma_start3A_546 = tpu.memref_slice %arg6[%dma_start3A_544, %dma_start3A_545] : memref<5008x128xf32, #tpu.memory_space<vmem_shared>> -> memref<5008x128xf32, #tpu.memory_space<vmem_shared>>
        tpu.enqueue_indirect_dma source(%dma_start3A_536 : memref<80x128xf32, #tpu.memory_space<vmem>>) target(%dma_start3A_546 : memref<5008x128xf32, #tpu.memory_space<vmem_shared>>) offsets(%dma_start3A_543 : memref<80xi32, #tpu.memory_space<vmem>>) semaphore(%arg19 : memref<!tpu.dma_semaphore, #tpu.memory_space<semaphore_mem>>) {add = true}
        %dma_start3A_547 = arith.constant 1 : i32
        %dma_start3A_548 = arith.constant 1 : i32
        %dma_start3A_549 = arith.constant 1 : i32
        %dma_start3A_550 = arith.constant 0 : i32
        %dma_start3A_551 = arith.constant 0 : i32
        %dma_start3A_552 = tpu.memref_slice %arg7[%dma_start3A_547, %dma_start3A_550, %dma_start3A_551] : memref<4x160x128xf32, #tpu.memory_space<vmem>> -> memref<1x160x128xf32, #tpu.memory_space<vmem>>
        %dma_start3A_553 = tpu.memref_squeeze %dma_start3A_552 : memref<1x160x128xf32, #tpu.memory_space<vmem>> -> memref<160x128xf32, #tpu.memory_space<vmem>>
        %dma_start3A_554 = arith.constant 80 : i32
        %dma_start3A_555 = arith.constant 0 : i32
        %dma_start3A_556 = tpu.memref_slice %dma_start3A_553[%dma_start3A_554, %dma_start3A_555] : memref<160x128xf32, #tpu.memory_space<vmem>> -> memref<80x128xf32, #tpu.memory_space<vmem>>
        %dma_start3A_557 = arith.constant 0 : i32
        %dma_start3A_558 = arith.constant 0 : i32
        %dma_start3A_559 = tpu.memref_slice %arg8[%dma_start3A_548, %dma_start3A_557, %dma_start3A_558] : memref<4x2x80xi32, #tpu.memory_space<vmem>> -> memref<1x2x80xi32, #tpu.memory_space<vmem>>
        %dma_start3A_560 = tpu.memref_squeeze %dma_start3A_559 : memref<1x2x80xi32, #tpu.memory_space<vmem>> -> memref<2x80xi32, #tpu.memory_space<vmem>>
        %dma_start3A_561 = arith.constant 0 : i32
        %dma_start3A_562 = tpu.memref_slice %dma_start3A_560[%dma_start3A_549, %dma_start3A_561] : memref<2x80xi32, #tpu.memory_space<vmem>> -> memref<1x80xi32, #tpu.memory_space<vmem>>
        %dma_start3A_563 = tpu.memref_squeeze %dma_start3A_562 : memref<1x80xi32, #tpu.memory_space<vmem>> -> memref<80xi32, #tpu.memory_space<vmem>>
        %dma_start3A_564 = arith.constant 0 : i32
        %dma_start3A_565 = arith.constant 0 : i32
        %dma_start3A_566 = tpu.memref_slice %arg6[%dma_start3A_564, %dma_start3A_565] : memref<5008x128xf32, #tpu.memory_space<vmem_shared>> -> memref<5008x128xf32, #tpu.memory_space<vmem_shared>>
        tpu.enqueue_indirect_dma source(%dma_start3A_556 : memref<80x128xf32, #tpu.memory_space<vmem>>) target(%dma_start3A_566 : memref<5008x128xf32, #tpu.memory_space<vmem_shared>>) offsets(%dma_start3A_563 : memref<80xi32, #tpu.memory_space<vmem>>) semaphore(%arg19 : memref<!tpu.dma_semaphore, #tpu.memory_space<semaphore_mem>>) {add = true}
        %dma_wait3A_567 = arith.constant 1 : i32
        %dma_wait3A_568 = arith.constant 1 : i32
        %dma_wait3A_569 = arith.constant 0 : i32
        %dma_wait3A_570 = arith.constant 0 : i32
        %dma_wait3A_571 = arith.constant 0 : i32
        %dma_wait3A_572 = tpu.memref_slice %arg7[%dma_wait3A_567, %dma_wait3A_570, %dma_wait3A_571] : memref<4x160x128xf32, #tpu.memory_space<vmem>> -> memref<1x160x128xf32, #tpu.memory_space<vmem>>
        %dma_wait3A_573 = tpu.memref_squeeze %dma_wait3A_572 : memref<1x160x128xf32, #tpu.memory_space<vmem>> -> memref<160x128xf32, #tpu.memory_space<vmem>>
        %dma_wait3A_574 = arith.constant 0 : i32
        %dma_wait3A_575 = arith.constant 0 : i32
        %dma_wait3A_576 = tpu.memref_slice %dma_wait3A_573[%dma_wait3A_574, %dma_wait3A_575] : memref<160x128xf32, #tpu.memory_space<vmem>> -> memref<80x128xf32, #tpu.memory_space<vmem>>
        %dma_wait3A_577 = arith.constant 0 : i32
        %dma_wait3A_578 = arith.constant 0 : i32
        %dma_wait3A_579 = tpu.memref_slice %arg8[%dma_wait3A_568, %dma_wait3A_577, %dma_wait3A_578] : memref<4x2x80xi32, #tpu.memory_space<vmem>> -> memref<1x2x80xi32, #tpu.memory_space<vmem>>
        %dma_wait3A_580 = tpu.memref_squeeze %dma_wait3A_579 : memref<1x2x80xi32, #tpu.memory_space<vmem>> -> memref<2x80xi32, #tpu.memory_space<vmem>>
        %dma_wait3A_581 = arith.constant 0 : i32
        %dma_wait3A_582 = tpu.memref_slice %dma_wait3A_580[%dma_wait3A_569, %dma_wait3A_581] : memref<2x80xi32, #tpu.memory_space<vmem>> -> memref<1x80xi32, #tpu.memory_space<vmem>>
        %dma_wait3A_583 = tpu.memref_squeeze %dma_wait3A_582 : memref<1x80xi32, #tpu.memory_space<vmem>> -> memref<80xi32, #tpu.memory_space<vmem>>
        %dma_wait3A_584 = arith.constant 0 : i32
        %dma_wait3A_585 = arith.constant 0 : i32
        %dma_wait3A_586 = tpu.memref_slice %arg6[%dma_wait3A_584, %dma_wait3A_585] : memref<5008x128xf32, #tpu.memory_space<vmem_shared>> -> memref<5008x128xf32, #tpu.memory_space<vmem_shared>>
        tpu.wait_indirect_dma semaphore(%arg19 : memref<!tpu.dma_semaphore, #tpu.memory_space<semaphore_mem>>) src(%dma_wait3A_576 : memref<80x128xf32, #tpu.memory_space<vmem>>) dst(%dma_wait3A_586 : memref<5008x128xf32, #tpu.memory_space<vmem_shared>>)
        %dma_wait3A_587 = arith.constant 1 : i32
        %dma_wait3A_588 = arith.constant 1 : i32
        %dma_wait3A_589 = arith.constant 1 : i32
        %dma_wait3A_590 = arith.constant 0 : i32
        %dma_wait3A_591 = arith.constant 0 : i32
        %dma_wait3A_592 = tpu.memref_slice %arg7[%dma_wait3A_587, %dma_wait3A_590, %dma_wait3A_591] : memref<4x160x128xf32, #tpu.memory_space<vmem>> -> memref<1x160x128xf32, #tpu.memory_space<vmem>>
        %dma_wait3A_593 = tpu.memref_squeeze %dma_wait3A_592 : memref<1x160x128xf32, #tpu.memory_space<vmem>> -> memref<160x128xf32, #tpu.memory_space<vmem>>
        %dma_wait3A_594 = arith.constant 80 : i32
        %dma_wait3A_595 = arith.constant 0 : i32
        %dma_wait3A_596 = tpu.memref_slice %dma_wait3A_593[%dma_wait3A_594, %dma_wait3A_595] : memref<160x128xf32, #tpu.memory_space<vmem>> -> memref<80x128xf32, #tpu.memory_space<vmem>>
        %dma_wait3A_597 = arith.constant 0 : i32
        %dma_wait3A_598 = arith.constant 0 : i32
        %dma_wait3A_599 = tpu.memref_slice %arg8[%dma_wait3A_588, %dma_wait3A_597, %dma_wait3A_598] : memref<4x2x80xi32, #tpu.memory_space<vmem>> -> memref<1x2x80xi32, #tpu.memory_space<vmem>>
        %dma_wait3A_600 = tpu.memref_squeeze %dma_wait3A_599 : memref<1x2x80xi32, #tpu.memory_space<vmem>> -> memref<2x80xi32, #tpu.memory_space<vmem>>
        %dma_wait3A_601 = arith.constant 0 : i32
        %dma_wait3A_602 = tpu.memref_slice %dma_wait3A_600[%dma_wait3A_589, %dma_wait3A_601] : memref<2x80xi32, #tpu.memory_space<vmem>> -> memref<1x80xi32, #tpu.memory_space<vmem>>
        %dma_wait3A_603 = tpu.memref_squeeze %dma_wait3A_602 : memref<1x80xi32, #tpu.memory_space<vmem>> -> memref<80xi32, #tpu.memory_space<vmem>>
        %dma_wait3A_604 = arith.constant 0 : i32
        %dma_wait3A_605 = arith.constant 0 : i32
        %dma_wait3A_606 = tpu.memref_slice %arg6[%dma_wait3A_604, %dma_wait3A_605] : memref<5008x128xf32, #tpu.memory_space<vmem_shared>> -> memref<5008x128xf32, #tpu.memory_space<vmem_shared>>
        tpu.wait_indirect_dma semaphore(%arg19 : memref<!tpu.dma_semaphore, #tpu.memory_space<semaphore_mem>>) src(%dma_wait3A_596 : memref<80x128xf32, #tpu.memory_space<vmem>>) dst(%dma_wait3A_606 : memref<5008x128xf32, #tpu.memory_space<vmem_shared>>)
      } else {
      }
      %add3A_162 = arith.constant 4 : i32
      %add3A_163 = arith.addi %add3A_157, %add3A_162 : i32
      %lt3A_164 = arith.cmpi slt, %add3A_163, %max3A_43 : i32
      %convert_element_type3A_165 = arith.extui %lt3A_164 : i1 to i32
      %cond3A_166 = arith.constant 0 : i32
      %cond3A_167 = arith.cmpi ne, %convert_element_type3A_165, %cond3A_166 : i32
      scf.if %cond3A_167 {
        %add3A_196 = arith.constant 4 : i32
        %add3A_197 = arith.addi %add3A_157, %add3A_196 : i32
        %add3A_198 = arith.addi %select_n3A, %arg1 : i32
        %mul3A_199 = arith.constant 16 : i32
        %mul3A_200 = arith.muli %add3A_197, %mul3A_199 : i32
        %add3A_201 = arith.addi %add3A_198, %mul3A_200 : i32
        %mul3A_202 = arith.constant 160 : i32
        %mul3A_203 = arith.muli %add3A_201, %mul3A_202 : i32
        %dma_start3A = arith.constant 1 : i32
        %dma_start3A_204 = arith.constant 0 : i32
        %dma_start3A_205 = arith.constant 0 : i32
        %dma_start3A_206 = tpu.memref_slice %arg7[%dma_start3A, %dma_start3A_204, %dma_start3A_205] : memref<4x160x128xf32, #tpu.memory_space<vmem>> -> memref<1x160x128xf32, #tpu.memory_space<vmem>>
        %dma_start3A_207 = tpu.memref_squeeze %dma_start3A_206 : memref<1x160x128xf32, #tpu.memory_space<vmem>> -> memref<160x128xf32, #tpu.memory_space<vmem>>
        %dma_start3A_208 = arith.constant 0 : i32
        %dma_start3A_209 = tpu.memref_slice %arg2[%mul3A_203, %dma_start3A_208] : memref<320000x128xf32, #tpu.memory_space<hbm>> -> memref<160x128xf32, #tpu.memory_space<hbm>>
        %dma_start3A_210 = arith.constant 0 : i32
        %dma_start3A_211 = arith.constant 0 : i32
        %dma_start3A_212 = tpu.memref_slice %arg7[%dma_start3A, %dma_start3A_210, %dma_start3A_211] : memref<4x160x128xf32, #tpu.memory_space<vmem>> -> memref<1x160x128xf32, #tpu.memory_space<vmem>>
        %dma_start3A_213 = tpu.memref_squeeze %dma_start3A_212 : memref<1x160x128xf32, #tpu.memory_space<vmem>> -> memref<160x128xf32, #tpu.memory_space<vmem>>
        %dma_start3A_214 = arith.constant 0 : i32
        %dma_start3A_215 = tpu.memref_slice %arg2[%mul3A_203, %dma_start3A_214] : memref<320000x128xf32, #tpu.memory_space<hbm>> -> memref<160x128xf32, #tpu.memory_space<hbm>>
        tpu.enqueue_dma source(%dma_start3A_215 : memref<160x128xf32, #tpu.memory_space<hbm>>) target(%dma_start3A_213 : memref<160x128xf32, #tpu.memory_space<vmem>>) target_semaphore(%arg12 : memref<!tpu.dma_semaphore, #tpu.memory_space<semaphore_mem>>)
        %dma_start3A_216 = arith.constant 1 : i32
        %dma_start3A_217 = arith.constant 0 : i32
        %dma_start3A_218 = arith.constant 0 : i32
        %dma_start3A_219 = tpu.memref_slice %arg8[%dma_start3A_216, %dma_start3A_217, %dma_start3A_218] : memref<4x2x80xi32, #tpu.memory_space<vmem>> -> memref<1x2x80xi32, #tpu.memory_space<vmem>>
        %dma_start3A_220 = tpu.memref_squeeze %dma_start3A_219 : memref<1x2x80xi32, #tpu.memory_space<vmem>> -> memref<2x80xi32, #tpu.memory_space<vmem>>
        %dma_start3A_221 = arith.constant 0 : i32
        %dma_start3A_222 = arith.constant 0 : i32
        %dma_start3A_223 = tpu.memref_slice %arg3[%add3A_201, %dma_start3A_221, %dma_start3A_222] : memref<2000x2x80xi32, #tpu.memory_space<hbm>> -> memref<1x2x80xi32, #tpu.memory_space<hbm>>
        %dma_start3A_224 = tpu.memref_squeeze %dma_start3A_223 : memref<1x2x80xi32, #tpu.memory_space<hbm>> -> memref<2x80xi32, #tpu.memory_space<hbm>>
        %dma_start3A_225 = arith.constant 0 : i32
        %dma_start3A_226 = arith.constant 0 : i32
        %dma_start3A_227 = tpu.memref_slice %arg8[%dma_start3A_216, %dma_start3A_225, %dma_start3A_226] : memref<4x2x80xi32, #tpu.memory_space<vmem>> -> memref<1x2x80xi32, #tpu.memory_space<vmem>>
        %dma_start3A_228 = tpu.memref_squeeze %dma_start3A_227 : memref<1x2x80xi32, #tpu.memory_space<vmem>> -> memref<2x80xi32, #tpu.memory_space<vmem>>
        %dma_start3A_229 = arith.constant 0 : i32
        %dma_start3A_230 = arith.constant 0 : i32
        %dma_start3A_231 = tpu.memref_slice %arg3[%add3A_201, %dma_start3A_229, %dma_start3A_230] : memref<2000x2x80xi32, #tpu.memory_space<hbm>> -> memref<1x2x80xi32, #tpu.memory_space<hbm>>
        %dma_start3A_232 = tpu.memref_squeeze %dma_start3A_231 : memref<1x2x80xi32, #tpu.memory_space<hbm>> -> memref<2x80xi32, #tpu.memory_space<hbm>>
        tpu.enqueue_dma source(%dma_start3A_232 : memref<2x80xi32, #tpu.memory_space<hbm>>) target(%dma_start3A_228 : memref<2x80xi32, #tpu.memory_space<vmem>>) target_semaphore(%arg16 : memref<!tpu.dma_semaphore, #tpu.memory_space<semaphore_mem>>)
      } else {
      }
      %mul3A_168 = arith.constant 4 : i32
      %mul3A_169 = arith.muli %add3A_139, %mul3A_168 : i32
      %add3A_170 = arith.constant 2 : i32
      %add3A_171 = arith.addi %mul3A_169, %add3A_170 : i32
      %lt3A_172 = arith.cmpi slt, %add3A_171, %max3A_43 : i32
      %convert_element_type3A_173 = arith.extui %lt3A_172 : i1 to i32
      %cond3A_174 = arith.constant 0 : i32
      %cond3A_175 = arith.cmpi ne, %convert_element_type3A_173, %cond3A_174 : i32
      scf.if %cond3A_175 {
        %add3A_196 = arith.addi %select_n3A, %arg1 : i32
        %mul3A_197 = arith.constant 16 : i32
        %mul3A_198 = arith.muli %add3A_171, %mul3A_197 : i32
        %add3A_199 = arith.addi %add3A_196, %mul3A_198 : i32
        %mul3A_200 = arith.constant 160 : i32
        %mul3A_201 = arith.muli %add3A_199, %mul3A_200 : i32
        %dma_wait3A = arith.constant 2 : i32
        %dma_wait3A_202 = arith.constant 0 : i32
        %dma_wait3A_203 = arith.constant 0 : i32
        %dma_wait3A_204 = tpu.memref_slice %arg7[%dma_wait3A, %dma_wait3A_202, %dma_wait3A_203] : memref<4x160x128xf32, #tpu.memory_space<vmem>> -> memref<1x160x128xf32, #tpu.memory_space<vmem>>
        %dma_wait3A_205 = tpu.memref_squeeze %dma_wait3A_204 : memref<1x160x128xf32, #tpu.memory_space<vmem>> -> memref<160x128xf32, #tpu.memory_space<vmem>>
        %dma_wait3A_206 = arith.constant 0 : i32
        %dma_wait3A_207 = tpu.memref_slice %arg2[%mul3A_201, %dma_wait3A_206] : memref<320000x128xf32, #tpu.memory_space<hbm>> -> memref<160x128xf32, #tpu.memory_space<hbm>>
        %dma_wait3A_208 = arith.constant 0 : i32
        %dma_wait3A_209 = arith.constant 0 : i32
        %dma_wait3A_210 = tpu.memref_slice %arg7[%dma_wait3A, %dma_wait3A_208, %dma_wait3A_209] : memref<4x160x128xf32, #tpu.memory_space<vmem>> -> memref<1x160x128xf32, #tpu.memory_space<vmem>>
        %dma_wait3A_211 = tpu.memref_squeeze %dma_wait3A_210 : memref<1x160x128xf32, #tpu.memory_space<vmem>> -> memref<160x128xf32, #tpu.memory_space<vmem>>
        %dma_wait3A_212 = arith.constant 0 : i32
        %dma_wait3A_213 = tpu.memref_slice %arg2[%mul3A_201, %dma_wait3A_212] : memref<320000x128xf32, #tpu.memory_space<hbm>> -> memref<160x128xf32, #tpu.memory_space<hbm>>
        tpu.wait_dma2 semaphore(%arg13 : memref<!tpu.dma_semaphore, #tpu.memory_space<semaphore_mem>>) src(%dma_wait3A_213 : memref<160x128xf32, #tpu.memory_space<hbm>>) dst(%dma_wait3A_211 : memref<160x128xf32, #tpu.memory_space<vmem>>)
        %dma_wait3A_214 = arith.constant 2 : i32
        %dma_wait3A_215 = arith.constant 0 : i32
        %dma_wait3A_216 = arith.constant 0 : i32
        %dma_wait3A_217 = tpu.memref_slice %arg8[%dma_wait3A_214, %dma_wait3A_215, %dma_wait3A_216] : memref<4x2x80xi32, #tpu.memory_space<vmem>> -> memref<1x2x80xi32, #tpu.memory_space<vmem>>
        %dma_wait3A_218 = tpu.memref_squeeze %dma_wait3A_217 : memref<1x2x80xi32, #tpu.memory_space<vmem>> -> memref<2x80xi32, #tpu.memory_space<vmem>>
        %dma_wait3A_219 = arith.constant 0 : i32
        %dma_wait3A_220 = arith.constant 0 : i32
        %dma_wait3A_221 = tpu.memref_slice %arg3[%add3A_199, %dma_wait3A_219, %dma_wait3A_220] : memref<2000x2x80xi32, #tpu.memory_space<hbm>> -> memref<1x2x80xi32, #tpu.memory_space<hbm>>
        %dma_wait3A_222 = tpu.memref_squeeze %dma_wait3A_221 : memref<1x2x80xi32, #tpu.memory_space<hbm>> -> memref<2x80xi32, #tpu.memory_space<hbm>>
        %dma_wait3A_223 = arith.constant 0 : i32
        %dma_wait3A_224 = arith.constant 0 : i32
        %dma_wait3A_225 = tpu.memref_slice %arg8[%dma_wait3A_214, %dma_wait3A_223, %dma_wait3A_224] : memref<4x2x80xi32, #tpu.memory_space<vmem>> -> memref<1x2x80xi32, #tpu.memory_space<vmem>>
        %dma_wait3A_226 = tpu.memref_squeeze %dma_wait3A_225 : memref<1x2x80xi32, #tpu.memory_space<vmem>> -> memref<2x80xi32, #tpu.memory_space<vmem>>
        %dma_wait3A_227 = arith.constant 0 : i32
        %dma_wait3A_228 = arith.constant 0 : i32
        %dma_wait3A_229 = tpu.memref_slice %arg3[%add3A_199, %dma_wait3A_227, %dma_wait3A_228] : memref<2000x2x80xi32, #tpu.memory_space<hbm>> -> memref<1x2x80xi32, #tpu.memory_space<hbm>>
        %dma_wait3A_230 = tpu.memref_squeeze %dma_wait3A_229 : memref<1x2x80xi32, #tpu.memory_space<hbm>> -> memref<2x80xi32, #tpu.memory_space<hbm>>
        tpu.wait_dma2 semaphore(%arg17 : memref<!tpu.dma_semaphore, #tpu.memory_space<semaphore_mem>>) src(%dma_wait3A_230 : memref<2x80xi32, #tpu.memory_space<hbm>>) dst(%dma_wait3A_226 : memref<2x80xi32, #tpu.memory_space<vmem>>)
        %get3A_231 = arith.constant 2 : i32
        %get3A_232 = arith.constant 0 : i32
        %get3A_233 = arith.constant 0 : i32
        %get3A_234 = arith.constant 0 : i32
        %get3A_235 = tpu.memref_slice %arg8[%get3A_231, %get3A_233, %get3A_234] : memref<4x2x80xi32, #tpu.memory_space<vmem>> -> memref<1x2x80xi32, #tpu.memory_space<vmem>>
        %get3A_236 = tpu.memref_squeeze %get3A_235 : memref<1x2x80xi32, #tpu.memory_space<vmem>> -> memref<2x80xi32, #tpu.memory_space<vmem>>
        %get3A_237 = arith.index_cast %get3A_232 : i32 to index
        %get3A_238 = arith.constant 0 : index
        %get3A_239 = tpu.vector_load %get3A_236[%get3A_237, %get3A_238] {strides = array<i32>} : memref<2x80xi32, #tpu.memory_space<vmem>>, vector<16xi32>,
        %sub3A_240 = vector.broadcast %mul3A_77 : i32 to vector<16xi32>
        %sub3A_241 = arith.subi %get3A_239, %sub3A_240 : vector<16xi32>
        %ge3A = arith.constant 0 : i32
        %ge3A_242 = vector.broadcast %ge3A : i32 to vector<16xi32>
        %ge3A_243 = arith.cmpi sge, %sub3A_241, %ge3A_242 : vector<16xi32>
        %lt3A_244 = arith.constant 5000 : i32
        %lt3A_245 = vector.broadcast %lt3A_244 : i32 to vector<16xi32>
        %lt3A_246 = arith.cmpi slt, %sub3A_241, %lt3A_245 : vector<16xi32>
        %and3A_247 = arith.andi %ge3A_243, %lt3A_246 : vector<16xi1>
        %broadcast_in_dim3A = arith.constant 5000 : i32
        %broadcast_in_dim3A_248 = vector.broadcast %broadcast_in_dim3A : i32 to vector<16xi32>
        %select_n3A_249 = arith.select %and3A_247, %sub3A_241, %broadcast_in_dim3A_248 : vector<16xi1>, vector<16xi32>
        %swap3A = arith.constant 2 : i32
        %swap3A_250 = arith.constant 0 : i32
        %swap3A_251 = arith.constant 0 : i32
        %swap3A_252 = arith.constant 0 : i32
        %swap3A_253 = tpu.memref_slice %arg8[%swap3A, %swap3A_251, %swap3A_252] : memref<4x2x80xi32, #tpu.memory_space<vmem>> -> memref<1x2x80xi32, #tpu.memory_space<vmem>>
        %swap3A_254 = tpu.memref_squeeze %swap3A_253 : memref<1x2x80xi32, #tpu.memory_space<vmem>> -> memref<2x80xi32, #tpu.memory_space<vmem>>
        %swap3A_255 = arith.index_cast %swap3A_250 : i32 to index
        %swap3A_256 = arith.constant 0 : index
        %swap3A_257 = tpu.vector_load %swap3A_254[%swap3A_255, %swap3A_256] {strides = array<i32>} : memref<2x80xi32, #tpu.memory_space<vmem>>, vector<16xi32>,
        tpu.vector_store %swap3A_254[%swap3A_255, %swap3A_256], %select_n3A_249 {strides = array<i32>} : memref<2x80xi32, #tpu.memory_space<vmem>>, vector<16xi32>,
        %get3A_258 = arith.constant 2 : i32
        %get3A_259 = arith.constant 0 : i32
        %get3A_260 = arith.constant 0 : i32
        %get3A_261 = arith.constant 0 : i32
        %get3A_262 = tpu.memref_slice %arg8[%get3A_258, %get3A_260, %get3A_261] : memref<4x2x80xi32, #tpu.memory_space<vmem>> -> memref<1x2x80xi32, #tpu.memory_space<vmem>>
        %get3A_263 = tpu.memref_squeeze %get3A_262 : memref<1x2x80xi32, #tpu.memory_space<vmem>> -> memref<2x80xi32, #tpu.memory_space<vmem>>
        %get3A_264 = arith.index_cast %get3A_259 : i32 to index
        %get3A_265 = arith.constant 16 : index
        %get3A_266 = tpu.vector_load %get3A_263[%get3A_264, %get3A_265] {strides = array<i32>} : memref<2x80xi32, #tpu.memory_space<vmem>>, vector<16xi32>,
        %sub3A_267 = vector.broadcast %mul3A_77 : i32 to vector<16xi32>
        %sub3A_268 = arith.subi %get3A_266, %sub3A_267 : vector<16xi32>
        %ge3A_269 = arith.constant 0 : i32
        %ge3A_270 = vector.broadcast %ge3A_269 : i32 to vector<16xi32>
        %ge3A_271 = arith.cmpi sge, %sub3A_268, %ge3A_270 : vector<16xi32>
        %lt3A_272 = arith.constant 5000 : i32
        %lt3A_273 = vector.broadcast %lt3A_272 : i32 to vector<16xi32>
        %lt3A_274 = arith.cmpi slt, %sub3A_268, %lt3A_273 : vector<16xi32>
        %and3A_275 = arith.andi %ge3A_271, %lt3A_274 : vector<16xi1>
        %broadcast_in_dim3A_276 = arith.constant 5000 : i32
        %broadcast_in_dim3A_277 = vector.broadcast %broadcast_in_dim3A_276 : i32 to vector<16xi32>
        %select_n3A_278 = arith.select %and3A_275, %sub3A_268, %broadcast_in_dim3A_277 : vector<16xi1>, vector<16xi32>
        %swap3A_279 = arith.constant 2 : i32
        %swap3A_280 = arith.constant 0 : i32
        %swap3A_281 = arith.constant 0 : i32
        %swap3A_282 = arith.constant 0 : i32
        %swap3A_283 = tpu.memref_slice %arg8[%swap3A_279, %swap3A_281, %swap3A_282] : memref<4x2x80xi32, #tpu.memory_space<vmem>> -> memref<1x2x80xi32, #tpu.memory_space<vmem>>
        %swap3A_284 = tpu.memref_squeeze %swap3A_283 : memref<1x2x80xi32, #tpu.memory_space<vmem>> -> memref<2x80xi32, #tpu.memory_space<vmem>>
        %swap3A_285 = arith.index_cast %swap3A_280 : i32 to index
        %swap3A_286 = arith.constant 16 : index
        %swap3A_287 = tpu.vector_load %swap3A_284[%swap3A_285, %swap3A_286] {strides = array<i32>} : memref<2x80xi32, #tpu.memory_space<vmem>>, vector<16xi32>,
        tpu.vector_store %swap3A_284[%swap3A_285, %swap3A_286], %select_n3A_278 {strides = array<i32>} : memref<2x80xi32, #tpu.memory_space<vmem>>, vector<16xi32>,
        %get3A_288 = arith.constant 2 : i32
        %get3A_289 = arith.constant 0 : i32
        %get3A_290 = arith.constant 0 : i32
        %get3A_291 = arith.constant 0 : i32
        %get3A_292 = tpu.memref_slice %arg8[%get3A_288, %get3A_290, %get3A_291] : memref<4x2x80xi32, #tpu.memory_space<vmem>> -> memref<1x2x80xi32, #tpu.memory_space<vmem>>
        %get3A_293 = tpu.memref_squeeze %get3A_292 : memref<1x2x80xi32, #tpu.memory_space<vmem>> -> memref<2x80xi32, #tpu.memory_space<vmem>>
        %get3A_294 = arith.index_cast %get3A_289 : i32 to index
        %get3A_295 = arith.constant 32 : index
        %get3A_296 = tpu.vector_load %get3A_293[%get3A_294, %get3A_295] {strides = array<i32>} : memref<2x80xi32, #tpu.memory_space<vmem>>, vector<16xi32>,
        %sub3A_297 = vector.broadcast %mul3A_77 : i32 to vector<16xi32>
        %sub3A_298 = arith.subi %get3A_296, %sub3A_297 : vector<16xi32>
        %ge3A_299 = arith.constant 0 : i32
        %ge3A_300 = vector.broadcast %ge3A_299 : i32 to vector<16xi32>
        %ge3A_301 = arith.cmpi sge, %sub3A_298, %ge3A_300 : vector<16xi32>
        %lt3A_302 = arith.constant 5000 : i32
        %lt3A_303 = vector.broadcast %lt3A_302 : i32 to vector<16xi32>
        %lt3A_304 = arith.cmpi slt, %sub3A_298, %lt3A_303 : vector<16xi32>
        %and3A_305 = arith.andi %ge3A_301, %lt3A_304 : vector<16xi1>
        %broadcast_in_dim3A_306 = arith.constant 5000 : i32
        %broadcast_in_dim3A_307 = vector.broadcast %broadcast_in_dim3A_306 : i32 to vector<16xi32>
        %select_n3A_308 = arith.select %and3A_305, %sub3A_298, %broadcast_in_dim3A_307 : vector<16xi1>, vector<16xi32>
        %swap3A_309 = arith.constant 2 : i32
        %swap3A_310 = arith.constant 0 : i32
        %swap3A_311 = arith.constant 0 : i32
        %swap3A_312 = arith.constant 0 : i32
        %swap3A_313 = tpu.memref_slice %arg8[%swap3A_309, %swap3A_311, %swap3A_312] : memref<4x2x80xi32, #tpu.memory_space<vmem>> -> memref<1x2x80xi32, #tpu.memory_space<vmem>>
        %swap3A_314 = tpu.memref_squeeze %swap3A_313 : memref<1x2x80xi32, #tpu.memory_space<vmem>> -> memref<2x80xi32, #tpu.memory_space<vmem>>
        %swap3A_315 = arith.index_cast %swap3A_310 : i32 to index
        %swap3A_316 = arith.constant 32 : index
        %swap3A_317 = tpu.vector_load %swap3A_314[%swap3A_315, %swap3A_316] {strides = array<i32>} : memref<2x80xi32, #tpu.memory_space<vmem>>, vector<16xi32>,
        tpu.vector_store %swap3A_314[%swap3A_315, %swap3A_316], %select_n3A_308 {strides = array<i32>} : memref<2x80xi32, #tpu.memory_space<vmem>>, vector<16xi32>,
        %get3A_318 = arith.constant 2 : i32
        %get3A_319 = arith.constant 0 : i32
        %get3A_320 = arith.constant 0 : i32
        %get3A_321 = arith.constant 0 : i32
        %get3A_322 = tpu.memref_slice %arg8[%get3A_318, %get3A_320, %get3A_321] : memref<4x2x80xi32, #tpu.memory_space<vmem>> -> memref<1x2x80xi32, #tpu.memory_space<vmem>>
        %get3A_323 = tpu.memref_squeeze %get3A_322 : memref<1x2x80xi32, #tpu.memory_space<vmem>> -> memref<2x80xi32, #tpu.memory_space<vmem>>
        %get3A_324 = arith.index_cast %get3A_319 : i32 to index
        %get3A_325 = arith.constant 48 : index
        %get3A_326 = tpu.vector_load %get3A_323[%get3A_324, %get3A_325] {strides = array<i32>} : memref<2x80xi32, #tpu.memory_space<vmem>>, vector<16xi32>,
        %sub3A_327 = vector.broadcast %mul3A_77 : i32 to vector<16xi32>
        %sub3A_328 = arith.subi %get3A_326, %sub3A_327 : vector<16xi32>
        %ge3A_329 = arith.constant 0 : i32
        %ge3A_330 = vector.broadcast %ge3A_329 : i32 to vector<16xi32>
        %ge3A_331 = arith.cmpi sge, %sub3A_328, %ge3A_330 : vector<16xi32>
        %lt3A_332 = arith.constant 5000 : i32
        %lt3A_333 = vector.broadcast %lt3A_332 : i32 to vector<16xi32>
        %lt3A_334 = arith.cmpi slt, %sub3A_328, %lt3A_333 : vector<16xi32>
        %and3A_335 = arith.andi %ge3A_331, %lt3A_334 : vector<16xi1>
        %broadcast_in_dim3A_336 = arith.constant 5000 : i32
        %broadcast_in_dim3A_337 = vector.broadcast %broadcast_in_dim3A_336 : i32 to vector<16xi32>
        %select_n3A_338 = arith.select %and3A_335, %sub3A_328, %broadcast_in_dim3A_337 : vector<16xi1>, vector<16xi32>
        %swap3A_339 = arith.constant 2 : i32
        %swap3A_340 = arith.constant 0 : i32
        %swap3A_341 = arith.constant 0 : i32
        %swap3A_342 = arith.constant 0 : i32
        %swap3A_343 = tpu.memref_slice %arg8[%swap3A_339, %swap3A_341, %swap3A_342] : memref<4x2x80xi32, #tpu.memory_space<vmem>> -> memref<1x2x80xi32, #tpu.memory_space<vmem>>
        %swap3A_344 = tpu.memref_squeeze %swap3A_343 : memref<1x2x80xi32, #tpu.memory_space<vmem>> -> memref<2x80xi32, #tpu.memory_space<vmem>>
        %swap3A_345 = arith.index_cast %swap3A_340 : i32 to index
        %swap3A_346 = arith.constant 48 : index
        %swap3A_347 = tpu.vector_load %swap3A_344[%swap3A_345, %swap3A_346] {strides = array<i32>} : memref<2x80xi32, #tpu.memory_space<vmem>>, vector<16xi32>,
        tpu.vector_store %swap3A_344[%swap3A_345, %swap3A_346], %select_n3A_338 {strides = array<i32>} : memref<2x80xi32, #tpu.memory_space<vmem>>, vector<16xi32>,
        %get3A_348 = arith.constant 2 : i32
        %get3A_349 = arith.constant 0 : i32
        %get3A_350 = arith.constant 0 : i32
        %get3A_351 = arith.constant 0 : i32
        %get3A_352 = tpu.memref_slice %arg8[%get3A_348, %get3A_350, %get3A_351] : memref<4x2x80xi32, #tpu.memory_space<vmem>> -> memref<1x2x80xi32, #tpu.memory_space<vmem>>
        %get3A_353 = tpu.memref_squeeze %get3A_352 : memref<1x2x80xi32, #tpu.memory_space<vmem>> -> memref<2x80xi32, #tpu.memory_space<vmem>>
        %get3A_354 = arith.index_cast %get3A_349 : i32 to index
        %get3A_355 = arith.constant 64 : index
        %get3A_356 = tpu.vector_load %get3A_353[%get3A_354, %get3A_355] {strides = array<i32>} : memref<2x80xi32, #tpu.memory_space<vmem>>, vector<16xi32>,
        %sub3A_357 = vector.broadcast %mul3A_77 : i32 to vector<16xi32>
        %sub3A_358 = arith.subi %get3A_356, %sub3A_357 : vector<16xi32>
        %ge3A_359 = arith.constant 0 : i32
        %ge3A_360 = vector.broadcast %ge3A_359 : i32 to vector<16xi32>
        %ge3A_361 = arith.cmpi sge, %sub3A_358, %ge3A_360 : vector<16xi32>
        %lt3A_362 = arith.constant 5000 : i32
        %lt3A_363 = vector.broadcast %lt3A_362 : i32 to vector<16xi32>
        %lt3A_364 = arith.cmpi slt, %sub3A_358, %lt3A_363 : vector<16xi32>
        %and3A_365 = arith.andi %ge3A_361, %lt3A_364 : vector<16xi1>
        %broadcast_in_dim3A_366 = arith.constant 5000 : i32
        %broadcast_in_dim3A_367 = vector.broadcast %broadcast_in_dim3A_366 : i32 to vector<16xi32>
        %select_n3A_368 = arith.select %and3A_365, %sub3A_358, %broadcast_in_dim3A_367 : vector<16xi1>, vector<16xi32>
        %swap3A_369 = arith.constant 2 : i32
        %swap3A_370 = arith.constant 0 : i32
        %swap3A_371 = arith.constant 0 : i32
        %swap3A_372 = arith.constant 0 : i32
        %swap3A_373 = tpu.memref_slice %arg8[%swap3A_369, %swap3A_371, %swap3A_372] : memref<4x2x80xi32, #tpu.memory_space<vmem>> -> memref<1x2x80xi32, #tpu.memory_space<vmem>>
        %swap3A_374 = tpu.memref_squeeze %swap3A_373 : memref<1x2x80xi32, #tpu.memory_space<vmem>> -> memref<2x80xi32, #tpu.memory_space<vmem>>
        %swap3A_375 = arith.index_cast %swap3A_370 : i32 to index
        %swap3A_376 = arith.constant 64 : index
        %swap3A_377 = tpu.vector_load %swap3A_374[%swap3A_375, %swap3A_376] {strides = array<i32>} : memref<2x80xi32, #tpu.memory_space<vmem>>, vector<16xi32>,
        tpu.vector_store %swap3A_374[%swap3A_375, %swap3A_376], %select_n3A_368 {strides = array<i32>} : memref<2x80xi32, #tpu.memory_space<vmem>>, vector<16xi32>,
        %get3A_378 = arith.constant 2 : i32
        %get3A_379 = arith.constant 1 : i32
        %get3A_380 = arith.constant 0 : i32
        %get3A_381 = arith.constant 0 : i32
        %get3A_382 = tpu.memref_slice %arg8[%get3A_378, %get3A_380, %get3A_381] : memref<4x2x80xi32, #tpu.memory_space<vmem>> -> memref<1x2x80xi32, #tpu.memory_space<vmem>>
        %get3A_383 = tpu.memref_squeeze %get3A_382 : memref<1x2x80xi32, #tpu.memory_space<vmem>> -> memref<2x80xi32, #tpu.memory_space<vmem>>
        %get3A_384 = arith.index_cast %get3A_379 : i32 to index
        %get3A_385 = arith.constant 0 : index
        %get3A_386 = tpu.vector_load %get3A_383[%get3A_384, %get3A_385] {strides = array<i32>} : memref<2x80xi32, #tpu.memory_space<vmem>>, vector<16xi32>,
        %sub3A_387 = vector.broadcast %mul3A_77 : i32 to vector<16xi32>
        %sub3A_388 = arith.subi %get3A_386, %sub3A_387 : vector<16xi32>
        %ge3A_389 = arith.constant 0 : i32
        %ge3A_390 = vector.broadcast %ge3A_389 : i32 to vector<16xi32>
        %ge3A_391 = arith.cmpi sge, %sub3A_388, %ge3A_390 : vector<16xi32>
        %lt3A_392 = arith.constant 5000 : i32
        %lt3A_393 = vector.broadcast %lt3A_392 : i32 to vector<16xi32>
        %lt3A_394 = arith.cmpi slt, %sub3A_388, %lt3A_393 : vector<16xi32>
        %and3A_395 = arith.andi %ge3A_391, %lt3A_394 : vector<16xi1>
        %broadcast_in_dim3A_396 = arith.constant 5000 : i32
        %broadcast_in_dim3A_397 = vector.broadcast %broadcast_in_dim3A_396 : i32 to vector<16xi32>
        %select_n3A_398 = arith.select %and3A_395, %sub3A_388, %broadcast_in_dim3A_397 : vector<16xi1>, vector<16xi32>
        %swap3A_399 = arith.constant 2 : i32
        %swap3A_400 = arith.constant 1 : i32
        %swap3A_401 = arith.constant 0 : i32
        %swap3A_402 = arith.constant 0 : i32
        %swap3A_403 = tpu.memref_slice %arg8[%swap3A_399, %swap3A_401, %swap3A_402] : memref<4x2x80xi32, #tpu.memory_space<vmem>> -> memref<1x2x80xi32, #tpu.memory_space<vmem>>
        %swap3A_404 = tpu.memref_squeeze %swap3A_403 : memref<1x2x80xi32, #tpu.memory_space<vmem>> -> memref<2x80xi32, #tpu.memory_space<vmem>>
        %swap3A_405 = arith.index_cast %swap3A_400 : i32 to index
        %swap3A_406 = arith.constant 0 : index
        %swap3A_407 = tpu.vector_load %swap3A_404[%swap3A_405, %swap3A_406] {strides = array<i32>} : memref<2x80xi32, #tpu.memory_space<vmem>>, vector<16xi32>,
        tpu.vector_store %swap3A_404[%swap3A_405, %swap3A_406], %select_n3A_398 {strides = array<i32>} : memref<2x80xi32, #tpu.memory_space<vmem>>, vector<16xi32>,
        %get3A_408 = arith.constant 2 : i32
        %get3A_409 = arith.constant 1 : i32
        %get3A_410 = arith.constant 0 : i32
        %get3A_411 = arith.constant 0 : i32
        %get3A_412 = tpu.memref_slice %arg8[%get3A_408, %get3A_410, %get3A_411] : memref<4x2x80xi32, #tpu.memory_space<vmem>> -> memref<1x2x80xi32, #tpu.memory_space<vmem>>
        %get3A_413 = tpu.memref_squeeze %get3A_412 : memref<1x2x80xi32, #tpu.memory_space<vmem>> -> memref<2x80xi32, #tpu.memory_space<vmem>>
        %get3A_414 = arith.index_cast %get3A_409 : i32 to index
        %get3A_415 = arith.constant 16 : index
        %get3A_416 = tpu.vector_load %get3A_413[%get3A_414, %get3A_415] {strides = array<i32>} : memref<2x80xi32, #tpu.memory_space<vmem>>, vector<16xi32>,
        %sub3A_417 = vector.broadcast %mul3A_77 : i32 to vector<16xi32>
        %sub3A_418 = arith.subi %get3A_416, %sub3A_417 : vector<16xi32>
        %ge3A_419 = arith.constant 0 : i32
        %ge3A_420 = vector.broadcast %ge3A_419 : i32 to vector<16xi32>
        %ge3A_421 = arith.cmpi sge, %sub3A_418, %ge3A_420 : vector<16xi32>
        %lt3A_422 = arith.constant 5000 : i32
        %lt3A_423 = vector.broadcast %lt3A_422 : i32 to vector<16xi32>
        %lt3A_424 = arith.cmpi slt, %sub3A_418, %lt3A_423 : vector<16xi32>
        %and3A_425 = arith.andi %ge3A_421, %lt3A_424 : vector<16xi1>
        %broadcast_in_dim3A_426 = arith.constant 5000 : i32
        %broadcast_in_dim3A_427 = vector.broadcast %broadcast_in_dim3A_426 : i32 to vector<16xi32>
        %select_n3A_428 = arith.select %and3A_425, %sub3A_418, %broadcast_in_dim3A_427 : vector<16xi1>, vector<16xi32>
        %swap3A_429 = arith.constant 2 : i32
        %swap3A_430 = arith.constant 1 : i32
        %swap3A_431 = arith.constant 0 : i32
        %swap3A_432 = arith.constant 0 : i32
        %swap3A_433 = tpu.memref_slice %arg8[%swap3A_429, %swap3A_431, %swap3A_432] : memref<4x2x80xi32, #tpu.memory_space<vmem>> -> memref<1x2x80xi32, #tpu.memory_space<vmem>>
        %swap3A_434 = tpu.memref_squeeze %swap3A_433 : memref<1x2x80xi32, #tpu.memory_space<vmem>> -> memref<2x80xi32, #tpu.memory_space<vmem>>
        %swap3A_435 = arith.index_cast %swap3A_430 : i32 to index
        %swap3A_436 = arith.constant 16 : index
        %swap3A_437 = tpu.vector_load %swap3A_434[%swap3A_435, %swap3A_436] {strides = array<i32>} : memref<2x80xi32, #tpu.memory_space<vmem>>, vector<16xi32>,
        tpu.vector_store %swap3A_434[%swap3A_435, %swap3A_436], %select_n3A_428 {strides = array<i32>} : memref<2x80xi32, #tpu.memory_space<vmem>>, vector<16xi32>,
        %get3A_438 = arith.constant 2 : i32
        %get3A_439 = arith.constant 1 : i32
        %get3A_440 = arith.constant 0 : i32
        %get3A_441 = arith.constant 0 : i32
        %get3A_442 = tpu.memref_slice %arg8[%get3A_438, %get3A_440, %get3A_441] : memref<4x2x80xi32, #tpu.memory_space<vmem>> -> memref<1x2x80xi32, #tpu.memory_space<vmem>>
        %get3A_443 = tpu.memref_squeeze %get3A_442 : memref<1x2x80xi32, #tpu.memory_space<vmem>> -> memref<2x80xi32, #tpu.memory_space<vmem>>
        %get3A_444 = arith.index_cast %get3A_439 : i32 to index
        %get3A_445 = arith.constant 32 : index
        %get3A_446 = tpu.vector_load %get3A_443[%get3A_444, %get3A_445] {strides = array<i32>} : memref<2x80xi32, #tpu.memory_space<vmem>>, vector<16xi32>,
        %sub3A_447 = vector.broadcast %mul3A_77 : i32 to vector<16xi32>
        %sub3A_448 = arith.subi %get3A_446, %sub3A_447 : vector<16xi32>
        %ge3A_449 = arith.constant 0 : i32
        %ge3A_450 = vector.broadcast %ge3A_449 : i32 to vector<16xi32>
        %ge3A_451 = arith.cmpi sge, %sub3A_448, %ge3A_450 : vector<16xi32>
        %lt3A_452 = arith.constant 5000 : i32
        %lt3A_453 = vector.broadcast %lt3A_452 : i32 to vector<16xi32>
        %lt3A_454 = arith.cmpi slt, %sub3A_448, %lt3A_453 : vector<16xi32>
        %and3A_455 = arith.andi %ge3A_451, %lt3A_454 : vector<16xi1>
        %broadcast_in_dim3A_456 = arith.constant 5000 : i32
        %broadcast_in_dim3A_457 = vector.broadcast %broadcast_in_dim3A_456 : i32 to vector<16xi32>
        %select_n3A_458 = arith.select %and3A_455, %sub3A_448, %broadcast_in_dim3A_457 : vector<16xi1>, vector<16xi32>
        %swap3A_459 = arith.constant 2 : i32
        %swap3A_460 = arith.constant 1 : i32
        %swap3A_461 = arith.constant 0 : i32
        %swap3A_462 = arith.constant 0 : i32
        %swap3A_463 = tpu.memref_slice %arg8[%swap3A_459, %swap3A_461, %swap3A_462] : memref<4x2x80xi32, #tpu.memory_space<vmem>> -> memref<1x2x80xi32, #tpu.memory_space<vmem>>
        %swap3A_464 = tpu.memref_squeeze %swap3A_463 : memref<1x2x80xi32, #tpu.memory_space<vmem>> -> memref<2x80xi32, #tpu.memory_space<vmem>>
        %swap3A_465 = arith.index_cast %swap3A_460 : i32 to index
        %swap3A_466 = arith.constant 32 : index
        %swap3A_467 = tpu.vector_load %swap3A_464[%swap3A_465, %swap3A_466] {strides = array<i32>} : memref<2x80xi32, #tpu.memory_space<vmem>>, vector<16xi32>,
        tpu.vector_store %swap3A_464[%swap3A_465, %swap3A_466], %select_n3A_458 {strides = array<i32>} : memref<2x80xi32, #tpu.memory_space<vmem>>, vector<16xi32>,
        %get3A_468 = arith.constant 2 : i32
        %get3A_469 = arith.constant 1 : i32
        %get3A_470 = arith.constant 0 : i32
        %get3A_471 = arith.constant 0 : i32
        %get3A_472 = tpu.memref_slice %arg8[%get3A_468, %get3A_470, %get3A_471] : memref<4x2x80xi32, #tpu.memory_space<vmem>> -> memref<1x2x80xi32, #tpu.memory_space<vmem>>
        %get3A_473 = tpu.memref_squeeze %get3A_472 : memref<1x2x80xi32, #tpu.memory_space<vmem>> -> memref<2x80xi32, #tpu.memory_space<vmem>>
        %get3A_474 = arith.index_cast %get3A_469 : i32 to index
        %get3A_475 = arith.constant 48 : index
        %get3A_476 = tpu.vector_load %get3A_473[%get3A_474, %get3A_475] {strides = array<i32>} : memref<2x80xi32, #tpu.memory_space<vmem>>, vector<16xi32>,
        %sub3A_477 = vector.broadcast %mul3A_77 : i32 to vector<16xi32>
        %sub3A_478 = arith.subi %get3A_476, %sub3A_477 : vector<16xi32>
        %ge3A_479 = arith.constant 0 : i32
        %ge3A_480 = vector.broadcast %ge3A_479 : i32 to vector<16xi32>
        %ge3A_481 = arith.cmpi sge, %sub3A_478, %ge3A_480 : vector<16xi32>
        %lt3A_482 = arith.constant 5000 : i32
        %lt3A_483 = vector.broadcast %lt3A_482 : i32 to vector<16xi32>
        %lt3A_484 = arith.cmpi slt, %sub3A_478, %lt3A_483 : vector<16xi32>
        %and3A_485 = arith.andi %ge3A_481, %lt3A_484 : vector<16xi1>
        %broadcast_in_dim3A_486 = arith.constant 5000 : i32
        %broadcast_in_dim3A_487 = vector.broadcast %broadcast_in_dim3A_486 : i32 to vector<16xi32>
        %select_n3A_488 = arith.select %and3A_485, %sub3A_478, %broadcast_in_dim3A_487 : vector<16xi1>, vector<16xi32>
        %swap3A_489 = arith.constant 2 : i32
        %swap3A_490 = arith.constant 1 : i32
        %swap3A_491 = arith.constant 0 : i32
        %swap3A_492 = arith.constant 0 : i32
        %swap3A_493 = tpu.memref_slice %arg8[%swap3A_489, %swap3A_491, %swap3A_492] : memref<4x2x80xi32, #tpu.memory_space<vmem>> -> memref<1x2x80xi32, #tpu.memory_space<vmem>>
        %swap3A_494 = tpu.memref_squeeze %swap3A_493 : memref<1x2x80xi32, #tpu.memory_space<vmem>> -> memref<2x80xi32, #tpu.memory_space<vmem>>
        %swap3A_495 = arith.index_cast %swap3A_490 : i32 to index
        %swap3A_496 = arith.constant 48 : index
        %swap3A_497 = tpu.vector_load %swap3A_494[%swap3A_495, %swap3A_496] {strides = array<i32>} : memref<2x80xi32, #tpu.memory_space<vmem>>, vector<16xi32>,
        tpu.vector_store %swap3A_494[%swap3A_495, %swap3A_496], %select_n3A_488 {strides = array<i32>} : memref<2x80xi32, #tpu.memory_space<vmem>>, vector<16xi32>,
        %get3A_498 = arith.constant 2 : i32
        %get3A_499 = arith.constant 1 : i32
        %get3A_500 = arith.constant 0 : i32
        %get3A_501 = arith.constant 0 : i32
        %get3A_502 = tpu.memref_slice %arg8[%get3A_498, %get3A_500, %get3A_501] : memref<4x2x80xi32, #tpu.memory_space<vmem>> -> memref<1x2x80xi32, #tpu.memory_space<vmem>>
        %get3A_503 = tpu.memref_squeeze %get3A_502 : memref<1x2x80xi32, #tpu.memory_space<vmem>> -> memref<2x80xi32, #tpu.memory_space<vmem>>
        %get3A_504 = arith.index_cast %get3A_499 : i32 to index
        %get3A_505 = arith.constant 64 : index
        %get3A_506 = tpu.vector_load %get3A_503[%get3A_504, %get3A_505] {strides = array<i32>} : memref<2x80xi32, #tpu.memory_space<vmem>>, vector<16xi32>,
        %sub3A_507 = vector.broadcast %mul3A_77 : i32 to vector<16xi32>
        %sub3A_508 = arith.subi %get3A_506, %sub3A_507 : vector<16xi32>
        %ge3A_509 = arith.constant 0 : i32
        %ge3A_510 = vector.broadcast %ge3A_509 : i32 to vector<16xi32>
        %ge3A_511 = arith.cmpi sge, %sub3A_508, %ge3A_510 : vector<16xi32>
        %lt3A_512 = arith.constant 5000 : i32
        %lt3A_513 = vector.broadcast %lt3A_512 : i32 to vector<16xi32>
        %lt3A_514 = arith.cmpi slt, %sub3A_508, %lt3A_513 : vector<16xi32>
        %and3A_515 = arith.andi %ge3A_511, %lt3A_514 : vector<16xi1>
        %broadcast_in_dim3A_516 = arith.constant 5000 : i32
        %broadcast_in_dim3A_517 = vector.broadcast %broadcast_in_dim3A_516 : i32 to vector<16xi32>
        %select_n3A_518 = arith.select %and3A_515, %sub3A_508, %broadcast_in_dim3A_517 : vector<16xi1>, vector<16xi32>
        %swap3A_519 = arith.constant 2 : i32
        %swap3A_520 = arith.constant 1 : i32
        %swap3A_521 = arith.constant 0 : i32
        %swap3A_522 = arith.constant 0 : i32
        %swap3A_523 = tpu.memref_slice %arg8[%swap3A_519, %swap3A_521, %swap3A_522] : memref<4x2x80xi32, #tpu.memory_space<vmem>> -> memref<1x2x80xi32, #tpu.memory_space<vmem>>
        %swap3A_524 = tpu.memref_squeeze %swap3A_523 : memref<1x2x80xi32, #tpu.memory_space<vmem>> -> memref<2x80xi32, #tpu.memory_space<vmem>>
        %swap3A_525 = arith.index_cast %swap3A_520 : i32 to index
        %swap3A_526 = arith.constant 64 : index
        %swap3A_527 = tpu.vector_load %swap3A_524[%swap3A_525, %swap3A_526] {strides = array<i32>} : memref<2x80xi32, #tpu.memory_space<vmem>>, vector<16xi32>,
        tpu.vector_store %swap3A_524[%swap3A_525, %swap3A_526], %select_n3A_518 {strides = array<i32>} : memref<2x80xi32, #tpu.memory_space<vmem>>, vector<16xi32>,
        %dma_start3A = arith.constant 2 : i32
        %dma_start3A_528 = arith.constant 2 : i32
        %dma_start3A_529 = arith.constant 0 : i32
        %dma_start3A_530 = arith.constant 0 : i32
        %dma_start3A_531 = arith.constant 0 : i32
        %dma_start3A_532 = tpu.memref_slice %arg7[%dma_start3A, %dma_start3A_530, %dma_start3A_531] : memref<4x160x128xf32, #tpu.memory_space<vmem>> -> memref<1x160x128xf32, #tpu.memory_space<vmem>>
        %dma_start3A_533 = tpu.memref_squeeze %dma_start3A_532 : memref<1x160x128xf32, #tpu.memory_space<vmem>> -> memref<160x128xf32, #tpu.memory_space<vmem>>
        %dma_start3A_534 = arith.constant 0 : i32
        %dma_start3A_535 = arith.constant 0 : i32
        %dma_start3A_536 = tpu.memref_slice %dma_start3A_533[%dma_start3A_534, %dma_start3A_535] : memref<160x128xf32, #tpu.memory_space<vmem>> -> memref<80x128xf32, #tpu.memory_space<vmem>>
        %dma_start3A_537 = arith.constant 0 : i32
        %dma_start3A_538 = arith.constant 0 : i32
        %dma_start3A_539 = tpu.memref_slice %arg8[%dma_start3A_528, %dma_start3A_537, %dma_start3A_538] : memref<4x2x80xi32, #tpu.memory_space<vmem>> -> memref<1x2x80xi32, #tpu.memory_space<vmem>>
        %dma_start3A_540 = tpu.memref_squeeze %dma_start3A_539 : memref<1x2x80xi32, #tpu.memory_space<vmem>> -> memref<2x80xi32, #tpu.memory_space<vmem>>
        %dma_start3A_541 = arith.constant 0 : i32
        %dma_start3A_542 = tpu.memref_slice %dma_start3A_540[%dma_start3A_529, %dma_start3A_541] : memref<2x80xi32, #tpu.memory_space<vmem>> -> memref<1x80xi32, #tpu.memory_space<vmem>>
        %dma_start3A_543 = tpu.memref_squeeze %dma_start3A_542 : memref<1x80xi32, #tpu.memory_space<vmem>> -> memref<80xi32, #tpu.memory_space<vmem>>
        %dma_start3A_544 = arith.constant 0 : i32
        %dma_start3A_545 = arith.constant 0 : i32
        %dma_start3A_546 = tpu.memref_slice %arg6[%dma_start3A_544, %dma_start3A_545] : memref<5008x128xf32, #tpu.memory_space<vmem_shared>> -> memref<5008x128xf32, #tpu.memory_space<vmem_shared>>
        tpu.enqueue_indirect_dma source(%dma_start3A_536 : memref<80x128xf32, #tpu.memory_space<vmem>>) target(%dma_start3A_546 : memref<5008x128xf32, #tpu.memory_space<vmem_shared>>) offsets(%dma_start3A_543 : memref<80xi32, #tpu.memory_space<vmem>>) semaphore(%arg19 : memref<!tpu.dma_semaphore, #tpu.memory_space<semaphore_mem>>) {add = true}
        %dma_start3A_547 = arith.constant 2 : i32
        %dma_start3A_548 = arith.constant 2 : i32
        %dma_start3A_549 = arith.constant 1 : i32
        %dma_start3A_550 = arith.constant 0 : i32
        %dma_start3A_551 = arith.constant 0 : i32
        %dma_start3A_552 = tpu.memref_slice %arg7[%dma_start3A_547, %dma_start3A_550, %dma_start3A_551] : memref<4x160x128xf32, #tpu.memory_space<vmem>> -> memref<1x160x128xf32, #tpu.memory_space<vmem>>
        %dma_start3A_553 = tpu.memref_squeeze %dma_start3A_552 : memref<1x160x128xf32, #tpu.memory_space<vmem>> -> memref<160x128xf32, #tpu.memory_space<vmem>>
        %dma_start3A_554 = arith.constant 80 : i32
        %dma_start3A_555 = arith.constant 0 : i32
        %dma_start3A_556 = tpu.memref_slice %dma_start3A_553[%dma_start3A_554, %dma_start3A_555] : memref<160x128xf32, #tpu.memory_space<vmem>> -> memref<80x128xf32, #tpu.memory_space<vmem>>
        %dma_start3A_557 = arith.constant 0 : i32
        %dma_start3A_558 = arith.constant 0 : i32
        %dma_start3A_559 = tpu.memref_slice %arg8[%dma_start3A_548, %dma_start3A_557, %dma_start3A_558] : memref<4x2x80xi32, #tpu.memory_space<vmem>> -> memref<1x2x80xi32, #tpu.memory_space<vmem>>
        %dma_start3A_560 = tpu.memref_squeeze %dma_start3A_559 : memref<1x2x80xi32, #tpu.memory_space<vmem>> -> memref<2x80xi32, #tpu.memory_space<vmem>>
        %dma_start3A_561 = arith.constant 0 : i32
        %dma_start3A_562 = tpu.memref_slice %dma_start3A_560[%dma_start3A_549, %dma_start3A_561] : memref<2x80xi32, #tpu.memory_space<vmem>> -> memref<1x80xi32, #tpu.memory_space<vmem>>
        %dma_start3A_563 = tpu.memref_squeeze %dma_start3A_562 : memref<1x80xi32, #tpu.memory_space<vmem>> -> memref<80xi32, #tpu.memory_space<vmem>>
        %dma_start3A_564 = arith.constant 0 : i32
        %dma_start3A_565 = arith.constant 0 : i32
        %dma_start3A_566 = tpu.memref_slice %arg6[%dma_start3A_564, %dma_start3A_565] : memref<5008x128xf32, #tpu.memory_space<vmem_shared>> -> memref<5008x128xf32, #tpu.memory_space<vmem_shared>>
        tpu.enqueue_indirect_dma source(%dma_start3A_556 : memref<80x128xf32, #tpu.memory_space<vmem>>) target(%dma_start3A_566 : memref<5008x128xf32, #tpu.memory_space<vmem_shared>>) offsets(%dma_start3A_563 : memref<80xi32, #tpu.memory_space<vmem>>) semaphore(%arg19 : memref<!tpu.dma_semaphore, #tpu.memory_space<semaphore_mem>>) {add = true}
        %dma_wait3A_567 = arith.constant 2 : i32
        %dma_wait3A_568 = arith.constant 2 : i32
        %dma_wait3A_569 = arith.constant 0 : i32
        %dma_wait3A_570 = arith.constant 0 : i32
        %dma_wait3A_571 = arith.constant 0 : i32
        %dma_wait3A_572 = tpu.memref_slice %arg7[%dma_wait3A_567, %dma_wait3A_570, %dma_wait3A_571] : memref<4x160x128xf32, #tpu.memory_space<vmem>> -> memref<1x160x128xf32, #tpu.memory_space<vmem>>
        %dma_wait3A_573 = tpu.memref_squeeze %dma_wait3A_572 : memref<1x160x128xf32, #tpu.memory_space<vmem>> -> memref<160x128xf32, #tpu.memory_space<vmem>>
        %dma_wait3A_574 = arith.constant 0 : i32
        %dma_wait3A_575 = arith.constant 0 : i32
        %dma_wait3A_576 = tpu.memref_slice %dma_wait3A_573[%dma_wait3A_574, %dma_wait3A_575] : memref<160x128xf32, #tpu.memory_space<vmem>> -> memref<80x128xf32, #tpu.memory_space<vmem>>
        %dma_wait3A_577 = arith.constant 0 : i32
        %dma_wait3A_578 = arith.constant 0 : i32
        %dma_wait3A_579 = tpu.memref_slice %arg8[%dma_wait3A_568, %dma_wait3A_577, %dma_wait3A_578] : memref<4x2x80xi32, #tpu.memory_space<vmem>> -> memref<1x2x80xi32, #tpu.memory_space<vmem>>
        %dma_wait3A_580 = tpu.memref_squeeze %dma_wait3A_579 : memref<1x2x80xi32, #tpu.memory_space<vmem>> -> memref<2x80xi32, #tpu.memory_space<vmem>>
        %dma_wait3A_581 = arith.constant 0 : i32
        %dma_wait3A_582 = tpu.memref_slice %dma_wait3A_580[%dma_wait3A_569, %dma_wait3A_581] : memref<2x80xi32, #tpu.memory_space<vmem>> -> memref<1x80xi32, #tpu.memory_space<vmem>>
        %dma_wait3A_583 = tpu.memref_squeeze %dma_wait3A_582 : memref<1x80xi32, #tpu.memory_space<vmem>> -> memref<80xi32, #tpu.memory_space<vmem>>
        %dma_wait3A_584 = arith.constant 0 : i32
        %dma_wait3A_585 = arith.constant 0 : i32
        %dma_wait3A_586 = tpu.memref_slice %arg6[%dma_wait3A_584, %dma_wait3A_585] : memref<5008x128xf32, #tpu.memory_space<vmem_shared>> -> memref<5008x128xf32, #tpu.memory_space<vmem_shared>>
        tpu.wait_indirect_dma semaphore(%arg19 : memref<!tpu.dma_semaphore, #tpu.memory_space<semaphore_mem>>) src(%dma_wait3A_576 : memref<80x128xf32, #tpu.memory_space<vmem>>) dst(%dma_wait3A_586 : memref<5008x128xf32, #tpu.memory_space<vmem_shared>>)
        %dma_wait3A_587 = arith.constant 2 : i32
        %dma_wait3A_588 = arith.constant 2 : i32
        %dma_wait3A_589 = arith.constant 1 : i32
        %dma_wait3A_590 = arith.constant 0 : i32
        %dma_wait3A_591 = arith.constant 0 : i32
        %dma_wait3A_592 = tpu.memref_slice %arg7[%dma_wait3A_587, %dma_wait3A_590, %dma_wait3A_591] : memref<4x160x128xf32, #tpu.memory_space<vmem>> -> memref<1x160x128xf32, #tpu.memory_space<vmem>>
        %dma_wait3A_593 = tpu.memref_squeeze %dma_wait3A_592 : memref<1x160x128xf32, #tpu.memory_space<vmem>> -> memref<160x128xf32, #tpu.memory_space<vmem>>
        %dma_wait3A_594 = arith.constant 80 : i32
        %dma_wait3A_595 = arith.constant 0 : i32
        %dma_wait3A_596 = tpu.memref_slice %dma_wait3A_593[%dma_wait3A_594, %dma_wait3A_595] : memref<160x128xf32, #tpu.memory_space<vmem>> -> memref<80x128xf32, #tpu.memory_space<vmem>>
        %dma_wait3A_597 = arith.constant 0 : i32
        %dma_wait3A_598 = arith.constant 0 : i32
        %dma_wait3A_599 = tpu.memref_slice %arg8[%dma_wait3A_588, %dma_wait3A_597, %dma_wait3A_598] : memref<4x2x80xi32, #tpu.memory_space<vmem>> -> memref<1x2x80xi32, #tpu.memory_space<vmem>>
        %dma_wait3A_600 = tpu.memref_squeeze %dma_wait3A_599 : memref<1x2x80xi32, #tpu.memory_space<vmem>> -> memref<2x80xi32, #tpu.memory_space<vmem>>
        %dma_wait3A_601 = arith.constant 0 : i32
        %dma_wait3A_602 = tpu.memref_slice %dma_wait3A_600[%dma_wait3A_589, %dma_wait3A_601] : memref<2x80xi32, #tpu.memory_space<vmem>> -> memref<1x80xi32, #tpu.memory_space<vmem>>
        %dma_wait3A_603 = tpu.memref_squeeze %dma_wait3A_602 : memref<1x80xi32, #tpu.memory_space<vmem>> -> memref<80xi32, #tpu.memory_space<vmem>>
        %dma_wait3A_604 = arith.constant 0 : i32
        %dma_wait3A_605 = arith.constant 0 : i32
        %dma_wait3A_606 = tpu.memref_slice %arg6[%dma_wait3A_604, %dma_wait3A_605] : memref<5008x128xf32, #tpu.memory_space<vmem_shared>> -> memref<5008x128xf32, #tpu.memory_space<vmem_shared>>
        tpu.wait_indirect_dma semaphore(%arg19 : memref<!tpu.dma_semaphore, #tpu.memory_space<semaphore_mem>>) src(%dma_wait3A_596 : memref<80x128xf32, #tpu.memory_space<vmem>>) dst(%dma_wait3A_606 : memref<5008x128xf32, #tpu.memory_space<vmem_shared>>)
      } else {
      }
      %add3A_176 = arith.constant 4 : i32
      %add3A_177 = arith.addi %add3A_171, %add3A_176 : i32
      %lt3A_178 = arith.cmpi slt, %add3A_177, %max3A_43 : i32
      %convert_element_type3A_179 = arith.extui %lt3A_178 : i1 to i32
      %cond3A_180 = arith.constant 0 : i32
      %cond3A_181 = arith.cmpi ne, %convert_element_type3A_179, %cond3A_180 : i32
      scf.if %cond3A_181 {
        %add3A_196 = arith.constant 4 : i32
        %add3A_197 = arith.addi %add3A_171, %add3A_196 : i32
        %add3A_198 = arith.addi %select_n3A, %arg1 : i32
        %mul3A_199 = arith.constant 16 : i32
        %mul3A_200 = arith.muli %add3A_197, %mul3A_199 : i32
        %add3A_201 = arith.addi %add3A_198, %mul3A_200 : i32
        %mul3A_202 = arith.constant 160 : i32
        %mul3A_203 = arith.muli %add3A_201, %mul3A_202 : i32
        %dma_start3A = arith.constant 2 : i32
        %dma_start3A_204 = arith.constant 0 : i32
        %dma_start3A_205 = arith.constant 0 : i32
        %dma_start3A_206 = tpu.memref_slice %arg7[%dma_start3A, %dma_start3A_204, %dma_start3A_205] : memref<4x160x128xf32, #tpu.memory_space<vmem>> -> memref<1x160x128xf32, #tpu.memory_space<vmem>>
        %dma_start3A_207 = tpu.memref_squeeze %dma_start3A_206 : memref<1x160x128xf32, #tpu.memory_space<vmem>> -> memref<160x128xf32, #tpu.memory_space<vmem>>
        %dma_start3A_208 = arith.constant 0 : i32
        %dma_start3A_209 = tpu.memref_slice %arg2[%mul3A_203, %dma_start3A_208] : memref<320000x128xf32, #tpu.memory_space<hbm>> -> memref<160x128xf32, #tpu.memory_space<hbm>>
        %dma_start3A_210 = arith.constant 0 : i32
        %dma_start3A_211 = arith.constant 0 : i32
        %dma_start3A_212 = tpu.memref_slice %arg7[%dma_start3A, %dma_start3A_210, %dma_start3A_211] : memref<4x160x128xf32, #tpu.memory_space<vmem>> -> memref<1x160x128xf32, #tpu.memory_space<vmem>>
        %dma_start3A_213 = tpu.memref_squeeze %dma_start3A_212 : memref<1x160x128xf32, #tpu.memory_space<vmem>> -> memref<160x128xf32, #tpu.memory_space<vmem>>
        %dma_start3A_214 = arith.constant 0 : i32
        %dma_start3A_215 = tpu.memref_slice %arg2[%mul3A_203, %dma_start3A_214] : memref<320000x128xf32, #tpu.memory_space<hbm>> -> memref<160x128xf32, #tpu.memory_space<hbm>>
        tpu.enqueue_dma source(%dma_start3A_215 : memref<160x128xf32, #tpu.memory_space<hbm>>) target(%dma_start3A_213 : memref<160x128xf32, #tpu.memory_space<vmem>>) target_semaphore(%arg13 : memref<!tpu.dma_semaphore, #tpu.memory_space<semaphore_mem>>)
        %dma_start3A_216 = arith.constant 2 : i32
        %dma_start3A_217 = arith.constant 0 : i32
        %dma_start3A_218 = arith.constant 0 : i32
        %dma_start3A_219 = tpu.memref_slice %arg8[%dma_start3A_216, %dma_start3A_217, %dma_start3A_218] : memref<4x2x80xi32, #tpu.memory_space<vmem>> -> memref<1x2x80xi32, #tpu.memory_space<vmem>>
        %dma_start3A_220 = tpu.memref_squeeze %dma_start3A_219 : memref<1x2x80xi32, #tpu.memory_space<vmem>> -> memref<2x80xi32, #tpu.memory_space<vmem>>
        %dma_start3A_221 = arith.constant 0 : i32
        %dma_start3A_222 = arith.constant 0 : i32
        %dma_start3A_223 = tpu.memref_slice %arg3[%add3A_201, %dma_start3A_221, %dma_start3A_222] : memref<2000x2x80xi32, #tpu.memory_space<hbm>> -> memref<1x2x80xi32, #tpu.memory_space<hbm>>
        %dma_start3A_224 = tpu.memref_squeeze %dma_start3A_223 : memref<1x2x80xi32, #tpu.memory_space<hbm>> -> memref<2x80xi32, #tpu.memory_space<hbm>>
        %dma_start3A_225 = arith.constant 0 : i32
        %dma_start3A_226 = arith.constant 0 : i32
        %dma_start3A_227 = tpu.memref_slice %arg8[%dma_start3A_216, %dma_start3A_225, %dma_start3A_226] : memref<4x2x80xi32, #tpu.memory_space<vmem>> -> memref<1x2x80xi32, #tpu.memory_space<vmem>>
        %dma_start3A_228 = tpu.memref_squeeze %dma_start3A_227 : memref<1x2x80xi32, #tpu.memory_space<vmem>> -> memref<2x80xi32, #tpu.memory_space<vmem>>
        %dma_start3A_229 = arith.constant 0 : i32
        %dma_start3A_230 = arith.constant 0 : i32
        %dma_start3A_231 = tpu.memref_slice %arg3[%add3A_201, %dma_start3A_229, %dma_start3A_230] : memref<2000x2x80xi32, #tpu.memory_space<hbm>> -> memref<1x2x80xi32, #tpu.memory_space<hbm>>
        %dma_start3A_232 = tpu.memref_squeeze %dma_start3A_231 : memref<1x2x80xi32, #tpu.memory_space<hbm>> -> memref<2x80xi32, #tpu.memory_space<hbm>>
        tpu.enqueue_dma source(%dma_start3A_232 : memref<2x80xi32, #tpu.memory_space<hbm>>) target(%dma_start3A_228 : memref<2x80xi32, #tpu.memory_space<vmem>>) target_semaphore(%arg17 : memref<!tpu.dma_semaphore, #tpu.memory_space<semaphore_mem>>)
      } else {
      }
      %mul3A_182 = arith.constant 4 : i32
      %mul3A_183 = arith.muli %add3A_139, %mul3A_182 : i32
      %add3A_184 = arith.constant 3 : i32
      %add3A_185 = arith.addi %mul3A_183, %add3A_184 : i32
      %lt3A_186 = arith.cmpi slt, %add3A_185, %max3A_43 : i32
      %convert_element_type3A_187 = arith.extui %lt3A_186 : i1 to i32
      %cond3A_188 = arith.constant 0 : i32
      %cond3A_189 = arith.cmpi ne, %convert_element_type3A_187, %cond3A_188 : i32
      scf.if %cond3A_189 {
        %add3A_196 = arith.addi %select_n3A, %arg1 : i32
        %mul3A_197 = arith.constant 16 : i32
        %mul3A_198 = arith.muli %add3A_185, %mul3A_197 : i32
        %add3A_199 = arith.addi %add3A_196, %mul3A_198 : i32
        %mul3A_200 = arith.constant 160 : i32
        %mul3A_201 = arith.muli %add3A_199, %mul3A_200 : i32
        %dma_wait3A = arith.constant 3 : i32
        %dma_wait3A_202 = arith.constant 0 : i32
        %dma_wait3A_203 = arith.constant 0 : i32
        %dma_wait3A_204 = tpu.memref_slice %arg7[%dma_wait3A, %dma_wait3A_202, %dma_wait3A_203] : memref<4x160x128xf32, #tpu.memory_space<vmem>> -> memref<1x160x128xf32, #tpu.memory_space<vmem>>
        %dma_wait3A_205 = tpu.memref_squeeze %dma_wait3A_204 : memref<1x160x128xf32, #tpu.memory_space<vmem>> -> memref<160x128xf32, #tpu.memory_space<vmem>>
        %dma_wait3A_206 = arith.constant 0 : i32
        %dma_wait3A_207 = tpu.memref_slice %arg2[%mul3A_201, %dma_wait3A_206] : memref<320000x128xf32, #tpu.memory_space<hbm>> -> memref<160x128xf32, #tpu.memory_space<hbm>>
        %dma_wait3A_208 = arith.constant 0 : i32
        %dma_wait3A_209 = arith.constant 0 : i32
        %dma_wait3A_210 = tpu.memref_slice %arg7[%dma_wait3A, %dma_wait3A_208, %dma_wait3A_209] : memref<4x160x128xf32, #tpu.memory_space<vmem>> -> memref<1x160x128xf32, #tpu.memory_space<vmem>>
        %dma_wait3A_211 = tpu.memref_squeeze %dma_wait3A_210 : memref<1x160x128xf32, #tpu.memory_space<vmem>> -> memref<160x128xf32, #tpu.memory_space<vmem>>
        %dma_wait3A_212 = arith.constant 0 : i32
        %dma_wait3A_213 = tpu.memref_slice %arg2[%mul3A_201, %dma_wait3A_212] : memref<320000x128xf32, #tpu.memory_space<hbm>> -> memref<160x128xf32, #tpu.memory_space<hbm>>
        tpu.wait_dma2 semaphore(%arg14 : memref<!tpu.dma_semaphore, #tpu.memory_space<semaphore_mem>>) src(%dma_wait3A_213 : memref<160x128xf32, #tpu.memory_space<hbm>>) dst(%dma_wait3A_211 : memref<160x128xf32, #tpu.memory_space<vmem>>)
        %dma_wait3A_214 = arith.constant 3 : i32
        %dma_wait3A_215 = arith.constant 0 : i32
        %dma_wait3A_216 = arith.constant 0 : i32
        %dma_wait3A_217 = tpu.memref_slice %arg8[%dma_wait3A_214, %dma_wait3A_215, %dma_wait3A_216] : memref<4x2x80xi32, #tpu.memory_space<vmem>> -> memref<1x2x80xi32, #tpu.memory_space<vmem>>
        %dma_wait3A_218 = tpu.memref_squeeze %dma_wait3A_217 : memref<1x2x80xi32, #tpu.memory_space<vmem>> -> memref<2x80xi32, #tpu.memory_space<vmem>>
        %dma_wait3A_219 = arith.constant 0 : i32
        %dma_wait3A_220 = arith.constant 0 : i32
        %dma_wait3A_221 = tpu.memref_slice %arg3[%add3A_199, %dma_wait3A_219, %dma_wait3A_220] : memref<2000x2x80xi32, #tpu.memory_space<hbm>> -> memref<1x2x80xi32, #tpu.memory_space<hbm>>
        %dma_wait3A_222 = tpu.memref_squeeze %dma_wait3A_221 : memref<1x2x80xi32, #tpu.memory_space<hbm>> -> memref<2x80xi32, #tpu.memory_space<hbm>>
        %dma_wait3A_223 = arith.constant 0 : i32
        %dma_wait3A_224 = arith.constant 0 : i32
        %dma_wait3A_225 = tpu.memref_slice %arg8[%dma_wait3A_214, %dma_wait3A_223, %dma_wait3A_224] : memref<4x2x80xi32, #tpu.memory_space<vmem>> -> memref<1x2x80xi32, #tpu.memory_space<vmem>>
        %dma_wait3A_226 = tpu.memref_squeeze %dma_wait3A_225 : memref<1x2x80xi32, #tpu.memory_space<vmem>> -> memref<2x80xi32, #tpu.memory_space<vmem>>
        %dma_wait3A_227 = arith.constant 0 : i32
        %dma_wait3A_228 = arith.constant 0 : i32
        %dma_wait3A_229 = tpu.memref_slice %arg3[%add3A_199, %dma_wait3A_227, %dma_wait3A_228] : memref<2000x2x80xi32, #tpu.memory_space<hbm>> -> memref<1x2x80xi32, #tpu.memory_space<hbm>>
        %dma_wait3A_230 = tpu.memref_squeeze %dma_wait3A_229 : memref<1x2x80xi32, #tpu.memory_space<hbm>> -> memref<2x80xi32, #tpu.memory_space<hbm>>
        tpu.wait_dma2 semaphore(%arg18 : memref<!tpu.dma_semaphore, #tpu.memory_space<semaphore_mem>>) src(%dma_wait3A_230 : memref<2x80xi32, #tpu.memory_space<hbm>>) dst(%dma_wait3A_226 : memref<2x80xi32, #tpu.memory_space<vmem>>)
        %get3A_231 = arith.constant 3 : i32
        %get3A_232 = arith.constant 0 : i32
        %get3A_233 = arith.constant 0 : i32
        %get3A_234 = arith.constant 0 : i32
        %get3A_235 = tpu.memref_slice %arg8[%get3A_231, %get3A_233, %get3A_234] : memref<4x2x80xi32, #tpu.memory_space<vmem>> -> memref<1x2x80xi32, #tpu.memory_space<vmem>>
        %get3A_236 = tpu.memref_squeeze %get3A_235 : memref<1x2x80xi32, #tpu.memory_space<vmem>> -> memref<2x80xi32, #tpu.memory_space<vmem>>
        %get3A_237 = arith.index_cast %get3A_232 : i32 to index
        %get3A_238 = arith.constant 0 : index
        %get3A_239 = tpu.vector_load %get3A_236[%get3A_237, %get3A_238] {strides = array<i32>} : memref<2x80xi32, #tpu.memory_space<vmem>>, vector<16xi32>,
        %sub3A_240 = vector.broadcast %mul3A_77 : i32 to vector<16xi32>
        %sub3A_241 = arith.subi %get3A_239, %sub3A_240 : vector<16xi32>
        %ge3A = arith.constant 0 : i32
        %ge3A_242 = vector.broadcast %ge3A : i32 to vector<16xi32>
        %ge3A_243 = arith.cmpi sge, %sub3A_241, %ge3A_242 : vector<16xi32>
        %lt3A_244 = arith.constant 5000 : i32
        %lt3A_245 = vector.broadcast %lt3A_244 : i32 to vector<16xi32>
        %lt3A_246 = arith.cmpi slt, %sub3A_241, %lt3A_245 : vector<16xi32>
        %and3A_247 = arith.andi %ge3A_243, %lt3A_246 : vector<16xi1>
        %broadcast_in_dim3A = arith.constant 5000 : i32
        %broadcast_in_dim3A_248 = vector.broadcast %broadcast_in_dim3A : i32 to vector<16xi32>
        %select_n3A_249 = arith.select %and3A_247, %sub3A_241, %broadcast_in_dim3A_248 : vector<16xi1>, vector<16xi32>
        %swap3A = arith.constant 3 : i32
        %swap3A_250 = arith.constant 0 : i32
        %swap3A_251 = arith.constant 0 : i32
        %swap3A_252 = arith.constant 0 : i32
        %swap3A_253 = tpu.memref_slice %arg8[%swap3A, %swap3A_251, %swap3A_252] : memref<4x2x80xi32, #tpu.memory_space<vmem>> -> memref<1x2x80xi32, #tpu.memory_space<vmem>>
        %swap3A_254 = tpu.memref_squeeze %swap3A_253 : memref<1x2x80xi32, #tpu.memory_space<vmem>> -> memref<2x80xi32, #tpu.memory_space<vmem>>
        %swap3A_255 = arith.index_cast %swap3A_250 : i32 to index
        %swap3A_256 = arith.constant 0 : index
        %swap3A_257 = tpu.vector_load %swap3A_254[%swap3A_255, %swap3A_256] {strides = array<i32>} : memref<2x80xi32, #tpu.memory_space<vmem>>, vector<16xi32>,
        tpu.vector_store %swap3A_254[%swap3A_255, %swap3A_256], %select_n3A_249 {strides = array<i32>} : memref<2x80xi32, #tpu.memory_space<vmem>>, vector<16xi32>,
        %get3A_258 = arith.constant 3 : i32
        %get3A_259 = arith.constant 0 : i32
        %get3A_260 = arith.constant 0 : i32
        %get3A_261 = arith.constant 0 : i32
        %get3A_262 = tpu.memref_slice %arg8[%get3A_258, %get3A_260, %get3A_261] : memref<4x2x80xi32, #tpu.memory_space<vmem>> -> memref<1x2x80xi32, #tpu.memory_space<vmem>>
        %get3A_263 = tpu.memref_squeeze %get3A_262 : memref<1x2x80xi32, #tpu.memory_space<vmem>> -> memref<2x80xi32, #tpu.memory_space<vmem>>
        %get3A_264 = arith.index_cast %get3A_259 : i32 to index
        %get3A_265 = arith.constant 16 : index
        %get3A_266 = tpu.vector_load %get3A_263[%get3A_264, %get3A_265] {strides = array<i32>} : memref<2x80xi32, #tpu.memory_space<vmem>>, vector<16xi32>,
        %sub3A_267 = vector.broadcast %mul3A_77 : i32 to vector<16xi32>
        %sub3A_268 = arith.subi %get3A_266, %sub3A_267 : vector<16xi32>
        %ge3A_269 = arith.constant 0 : i32
        %ge3A_270 = vector.broadcast %ge3A_269 : i32 to vector<16xi32>
        %ge3A_271 = arith.cmpi sge, %sub3A_268, %ge3A_270 : vector<16xi32>
        %lt3A_272 = arith.constant 5000 : i32
        %lt3A_273 = vector.broadcast %lt3A_272 : i32 to vector<16xi32>
        %lt3A_274 = arith.cmpi slt, %sub3A_268, %lt3A_273 : vector<16xi32>
        %and3A_275 = arith.andi %ge3A_271, %lt3A_274 : vector<16xi1>
        %broadcast_in_dim3A_276 = arith.constant 5000 : i32
        %broadcast_in_dim3A_277 = vector.broadcast %broadcast_in_dim3A_276 : i32 to vector<16xi32>
        %select_n3A_278 = arith.select %and3A_275, %sub3A_268, %broadcast_in_dim3A_277 : vector<16xi1>, vector<16xi32>
        %swap3A_279 = arith.constant 3 : i32
        %swap3A_280 = arith.constant 0 : i32
        %swap3A_281 = arith.constant 0 : i32
        %swap3A_282 = arith.constant 0 : i32
        %swap3A_283 = tpu.memref_slice %arg8[%swap3A_279, %swap3A_281, %swap3A_282] : memref<4x2x80xi32, #tpu.memory_space<vmem>> -> memref<1x2x80xi32, #tpu.memory_space<vmem>>
        %swap3A_284 = tpu.memref_squeeze %swap3A_283 : memref<1x2x80xi32, #tpu.memory_space<vmem>> -> memref<2x80xi32, #tpu.memory_space<vmem>>
        %swap3A_285 = arith.index_cast %swap3A_280 : i32 to index
        %swap3A_286 = arith.constant 16 : index
        %swap3A_287 = tpu.vector_load %swap3A_284[%swap3A_285, %swap3A_286] {strides = array<i32>} : memref<2x80xi32, #tpu.memory_space<vmem>>, vector<16xi32>,
        tpu.vector_store %swap3A_284[%swap3A_285, %swap3A_286], %select_n3A_278 {strides = array<i32>} : memref<2x80xi32, #tpu.memory_space<vmem>>, vector<16xi32>,
        %get3A_288 = arith.constant 3 : i32
        %get3A_289 = arith.constant 0 : i32
        %get3A_290 = arith.constant 0 : i32
        %get3A_291 = arith.constant 0 : i32
        %get3A_292 = tpu.memref_slice %arg8[%get3A_288, %get3A_290, %get3A_291] : memref<4x2x80xi32, #tpu.memory_space<vmem>> -> memref<1x2x80xi32, #tpu.memory_space<vmem>>
        %get3A_293 = tpu.memref_squeeze %get3A_292 : memref<1x2x80xi32, #tpu.memory_space<vmem>> -> memref<2x80xi32, #tpu.memory_space<vmem>>
        %get3A_294 = arith.index_cast %get3A_289 : i32 to index
        %get3A_295 = arith.constant 32 : index
        %get3A_296 = tpu.vector_load %get3A_293[%get3A_294, %get3A_295] {strides = array<i32>} : memref<2x80xi32, #tpu.memory_space<vmem>>, vector<16xi32>,
        %sub3A_297 = vector.broadcast %mul3A_77 : i32 to vector<16xi32>
        %sub3A_298 = arith.subi %get3A_296, %sub3A_297 : vector<16xi32>
        %ge3A_299 = arith.constant 0 : i32
        %ge3A_300 = vector.broadcast %ge3A_299 : i32 to vector<16xi32>
        %ge3A_301 = arith.cmpi sge, %sub3A_298, %ge3A_300 : vector<16xi32>
        %lt3A_302 = arith.constant 5000 : i32
        %lt3A_303 = vector.broadcast %lt3A_302 : i32 to vector<16xi32>
        %lt3A_304 = arith.cmpi slt, %sub3A_298, %lt3A_303 : vector<16xi32>
        %and3A_305 = arith.andi %ge3A_301, %lt3A_304 : vector<16xi1>
        %broadcast_in_dim3A_306 = arith.constant 5000 : i32
        %broadcast_in_dim3A_307 = vector.broadcast %broadcast_in_dim3A_306 : i32 to vector<16xi32>
        %select_n3A_308 = arith.select %and3A_305, %sub3A_298, %broadcast_in_dim3A_307 : vector<16xi1>, vector<16xi32>
        %swap3A_309 = arith.constant 3 : i32
        %swap3A_310 = arith.constant 0 : i32
        %swap3A_311 = arith.constant 0 : i32
        %swap3A_312 = arith.constant 0 : i32
        %swap3A_313 = tpu.memref_slice %arg8[%swap3A_309, %swap3A_311, %swap3A_312] : memref<4x2x80xi32, #tpu.memory_space<vmem>> -> memref<1x2x80xi32, #tpu.memory_space<vmem>>
        %swap3A_314 = tpu.memref_squeeze %swap3A_313 : memref<1x2x80xi32, #tpu.memory_space<vmem>> -> memref<2x80xi32, #tpu.memory_space<vmem>>
        %swap3A_315 = arith.index_cast %swap3A_310 : i32 to index
        %swap3A_316 = arith.constant 32 : index
        %swap3A_317 = tpu.vector_load %swap3A_314[%swap3A_315, %swap3A_316] {strides = array<i32>} : memref<2x80xi32, #tpu.memory_space<vmem>>, vector<16xi32>,
        tpu.vector_store %swap3A_314[%swap3A_315, %swap3A_316], %select_n3A_308 {strides = array<i32>} : memref<2x80xi32, #tpu.memory_space<vmem>>, vector<16xi32>,
        %get3A_318 = arith.constant 3 : i32
        %get3A_319 = arith.constant 0 : i32
        %get3A_320 = arith.constant 0 : i32
        %get3A_321 = arith.constant 0 : i32
        %get3A_322 = tpu.memref_slice %arg8[%get3A_318, %get3A_320, %get3A_321] : memref<4x2x80xi32, #tpu.memory_space<vmem>> -> memref<1x2x80xi32, #tpu.memory_space<vmem>>
        %get3A_323 = tpu.memref_squeeze %get3A_322 : memref<1x2x80xi32, #tpu.memory_space<vmem>> -> memref<2x80xi32, #tpu.memory_space<vmem>>
        %get3A_324 = arith.index_cast %get3A_319 : i32 to index
        %get3A_325 = arith.constant 48 : index
        %get3A_326 = tpu.vector_load %get3A_323[%get3A_324, %get3A_325] {strides = array<i32>} : memref<2x80xi32, #tpu.memory_space<vmem>>, vector<16xi32>,
        %sub3A_327 = vector.broadcast %mul3A_77 : i32 to vector<16xi32>
        %sub3A_328 = arith.subi %get3A_326, %sub3A_327 : vector<16xi32>
        %ge3A_329 = arith.constant 0 : i32
        %ge3A_330 = vector.broadcast %ge3A_329 : i32 to vector<16xi32>
        %ge3A_331 = arith.cmpi sge, %sub3A_328, %ge3A_330 : vector<16xi32>
        %lt3A_332 = arith.constant 5000 : i32
        %lt3A_333 = vector.broadcast %lt3A_332 : i32 to vector<16xi32>
        %lt3A_334 = arith.cmpi slt, %sub3A_328, %lt3A_333 : vector<16xi32>
        %and3A_335 = arith.andi %ge3A_331, %lt3A_334 : vector<16xi1>
        %broadcast_in_dim3A_336 = arith.constant 5000 : i32
        %broadcast_in_dim3A_337 = vector.broadcast %broadcast_in_dim3A_336 : i32 to vector<16xi32>
        %select_n3A_338 = arith.select %and3A_335, %sub3A_328, %broadcast_in_dim3A_337 : vector<16xi1>, vector<16xi32>
        %swap3A_339 = arith.constant 3 : i32
        %swap3A_340 = arith.constant 0 : i32
        %swap3A_341 = arith.constant 0 : i32
        %swap3A_342 = arith.constant 0 : i32
        %swap3A_343 = tpu.memref_slice %arg8[%swap3A_339, %swap3A_341, %swap3A_342] : memref<4x2x80xi32, #tpu.memory_space<vmem>> -> memref<1x2x80xi32, #tpu.memory_space<vmem>>
        %swap3A_344 = tpu.memref_squeeze %swap3A_343 : memref<1x2x80xi32, #tpu.memory_space<vmem>> -> memref<2x80xi32, #tpu.memory_space<vmem>>
        %swap3A_345 = arith.index_cast %swap3A_340 : i32 to index
        %swap3A_346 = arith.constant 48 : index
        %swap3A_347 = tpu.vector_load %swap3A_344[%swap3A_345, %swap3A_346] {strides = array<i32>} : memref<2x80xi32, #tpu.memory_space<vmem>>, vector<16xi32>,
        tpu.vector_store %swap3A_344[%swap3A_345, %swap3A_346], %select_n3A_338 {strides = array<i32>} : memref<2x80xi32, #tpu.memory_space<vmem>>, vector<16xi32>,
        %get3A_348 = arith.constant 3 : i32
        %get3A_349 = arith.constant 0 : i32
        %get3A_350 = arith.constant 0 : i32
        %get3A_351 = arith.constant 0 : i32
        %get3A_352 = tpu.memref_slice %arg8[%get3A_348, %get3A_350, %get3A_351] : memref<4x2x80xi32, #tpu.memory_space<vmem>> -> memref<1x2x80xi32, #tpu.memory_space<vmem>>
        %get3A_353 = tpu.memref_squeeze %get3A_352 : memref<1x2x80xi32, #tpu.memory_space<vmem>> -> memref<2x80xi32, #tpu.memory_space<vmem>>
        %get3A_354 = arith.index_cast %get3A_349 : i32 to index
        %get3A_355 = arith.constant 64 : index
        %get3A_356 = tpu.vector_load %get3A_353[%get3A_354, %get3A_355] {strides = array<i32>} : memref<2x80xi32, #tpu.memory_space<vmem>>, vector<16xi32>,
        %sub3A_357 = vector.broadcast %mul3A_77 : i32 to vector<16xi32>
        %sub3A_358 = arith.subi %get3A_356, %sub3A_357 : vector<16xi32>
        %ge3A_359 = arith.constant 0 : i32
        %ge3A_360 = vector.broadcast %ge3A_359 : i32 to vector<16xi32>
        %ge3A_361 = arith.cmpi sge, %sub3A_358, %ge3A_360 : vector<16xi32>
        %lt3A_362 = arith.constant 5000 : i32
        %lt3A_363 = vector.broadcast %lt3A_362 : i32 to vector<16xi32>
        %lt3A_364 = arith.cmpi slt, %sub3A_358, %lt3A_363 : vector<16xi32>
        %and3A_365 = arith.andi %ge3A_361, %lt3A_364 : vector<16xi1>
        %broadcast_in_dim3A_366 = arith.constant 5000 : i32
        %broadcast_in_dim3A_367 = vector.broadcast %broadcast_in_dim3A_366 : i32 to vector<16xi32>
        %select_n3A_368 = arith.select %and3A_365, %sub3A_358, %broadcast_in_dim3A_367 : vector<16xi1>, vector<16xi32>
        %swap3A_369 = arith.constant 3 : i32
        %swap3A_370 = arith.constant 0 : i32
        %swap3A_371 = arith.constant 0 : i32
        %swap3A_372 = arith.constant 0 : i32
        %swap3A_373 = tpu.memref_slice %arg8[%swap3A_369, %swap3A_371, %swap3A_372] : memref<4x2x80xi32, #tpu.memory_space<vmem>> -> memref<1x2x80xi32, #tpu.memory_space<vmem>>
        %swap3A_374 = tpu.memref_squeeze %swap3A_373 : memref<1x2x80xi32, #tpu.memory_space<vmem>> -> memref<2x80xi32, #tpu.memory_space<vmem>>
        %swap3A_375 = arith.index_cast %swap3A_370 : i32 to index
        %swap3A_376 = arith.constant 64 : index
        %swap3A_377 = tpu.vector_load %swap3A_374[%swap3A_375, %swap3A_376] {strides = array<i32>} : memref<2x80xi32, #tpu.memory_space<vmem>>, vector<16xi32>,
        tpu.vector_store %swap3A_374[%swap3A_375, %swap3A_376], %select_n3A_368 {strides = array<i32>} : memref<2x80xi32, #tpu.memory_space<vmem>>, vector<16xi32>,
        %get3A_378 = arith.constant 3 : i32
        %get3A_379 = arith.constant 1 : i32
        %get3A_380 = arith.constant 0 : i32
        %get3A_381 = arith.constant 0 : i32
        %get3A_382 = tpu.memref_slice %arg8[%get3A_378, %get3A_380, %get3A_381] : memref<4x2x80xi32, #tpu.memory_space<vmem>> -> memref<1x2x80xi32, #tpu.memory_space<vmem>>
        %get3A_383 = tpu.memref_squeeze %get3A_382 : memref<1x2x80xi32, #tpu.memory_space<vmem>> -> memref<2x80xi32, #tpu.memory_space<vmem>>
        %get3A_384 = arith.index_cast %get3A_379 : i32 to index
        %get3A_385 = arith.constant 0 : index
        %get3A_386 = tpu.vector_load %get3A_383[%get3A_384, %get3A_385] {strides = array<i32>} : memref<2x80xi32, #tpu.memory_space<vmem>>, vector<16xi32>,
        %sub3A_387 = vector.broadcast %mul3A_77 : i32 to vector<16xi32>
        %sub3A_388 = arith.subi %get3A_386, %sub3A_387 : vector<16xi32>
        %ge3A_389 = arith.constant 0 : i32
        %ge3A_390 = vector.broadcast %ge3A_389 : i32 to vector<16xi32>
        %ge3A_391 = arith.cmpi sge, %sub3A_388, %ge3A_390 : vector<16xi32>
        %lt3A_392 = arith.constant 5000 : i32
        %lt3A_393 = vector.broadcast %lt3A_392 : i32 to vector<16xi32>
        %lt3A_394 = arith.cmpi slt, %sub3A_388, %lt3A_393 : vector<16xi32>
        %and3A_395 = arith.andi %ge3A_391, %lt3A_394 : vector<16xi1>
        %broadcast_in_dim3A_396 = arith.constant 5000 : i32
        %broadcast_in_dim3A_397 = vector.broadcast %broadcast_in_dim3A_396 : i32 to vector<16xi32>
        %select_n3A_398 = arith.select %and3A_395, %sub3A_388, %broadcast_in_dim3A_397 : vector<16xi1>, vector<16xi32>
        %swap3A_399 = arith.constant 3 : i32
        %swap3A_400 = arith.constant 1 : i32
        %swap3A_401 = arith.constant 0 : i32
        %swap3A_402 = arith.constant 0 : i32
        %swap3A_403 = tpu.memref_slice %arg8[%swap3A_399, %swap3A_401, %swap3A_402] : memref<4x2x80xi32, #tpu.memory_space<vmem>> -> memref<1x2x80xi32, #tpu.memory_space<vmem>>
        %swap3A_404 = tpu.memref_squeeze %swap3A_403 : memref<1x2x80xi32, #tpu.memory_space<vmem>> -> memref<2x80xi32, #tpu.memory_space<vmem>>
        %swap3A_405 = arith.index_cast %swap3A_400 : i32 to index
        %swap3A_406 = arith.constant 0 : index
        %swap3A_407 = tpu.vector_load %swap3A_404[%swap3A_405, %swap3A_406] {strides = array<i32>} : memref<2x80xi32, #tpu.memory_space<vmem>>, vector<16xi32>,
        tpu.vector_store %swap3A_404[%swap3A_405, %swap3A_406], %select_n3A_398 {strides = array<i32>} : memref<2x80xi32, #tpu.memory_space<vmem>>, vector<16xi32>,
        %get3A_408 = arith.constant 3 : i32
        %get3A_409 = arith.constant 1 : i32
        %get3A_410 = arith.constant 0 : i32
        %get3A_411 = arith.constant 0 : i32
        %get3A_412 = tpu.memref_slice %arg8[%get3A_408, %get3A_410, %get3A_411] : memref<4x2x80xi32, #tpu.memory_space<vmem>> -> memref<1x2x80xi32, #tpu.memory_space<vmem>>
        %get3A_413 = tpu.memref_squeeze %get3A_412 : memref<1x2x80xi32, #tpu.memory_space<vmem>> -> memref<2x80xi32, #tpu.memory_space<vmem>>
        %get3A_414 = arith.index_cast %get3A_409 : i32 to index
        %get3A_415 = arith.constant 16 : index
        %get3A_416 = tpu.vector_load %get3A_413[%get3A_414, %get3A_415] {strides = array<i32>} : memref<2x80xi32, #tpu.memory_space<vmem>>, vector<16xi32>,
        %sub3A_417 = vector.broadcast %mul3A_77 : i32 to vector<16xi32>
        %sub3A_418 = arith.subi %get3A_416, %sub3A_417 : vector<16xi32>
        %ge3A_419 = arith.constant 0 : i32
        %ge3A_420 = vector.broadcast %ge3A_419 : i32 to vector<16xi32>
        %ge3A_421 = arith.cmpi sge, %sub3A_418, %ge3A_420 : vector<16xi32>
        %lt3A_422 = arith.constant 5000 : i32
        %lt3A_423 = vector.broadcast %lt3A_422 : i32 to vector<16xi32>
        %lt3A_424 = arith.cmpi slt, %sub3A_418, %lt3A_423 : vector<16xi32>
        %and3A_425 = arith.andi %ge3A_421, %lt3A_424 : vector<16xi1>
        %broadcast_in_dim3A_426 = arith.constant 5000 : i32
        %broadcast_in_dim3A_427 = vector.broadcast %broadcast_in_dim3A_426 : i32 to vector<16xi32>
        %select_n3A_428 = arith.select %and3A_425, %sub3A_418, %broadcast_in_dim3A_427 : vector<16xi1>, vector<16xi32>
        %swap3A_429 = arith.constant 3 : i32
        %swap3A_430 = arith.constant 1 : i32
        %swap3A_431 = arith.constant 0 : i32
        %swap3A_432 = arith.constant 0 : i32
        %swap3A_433 = tpu.memref_slice %arg8[%swap3A_429, %swap3A_431, %swap3A_432] : memref<4x2x80xi32, #tpu.memory_space<vmem>> -> memref<1x2x80xi32, #tpu.memory_space<vmem>>
        %swap3A_434 = tpu.memref_squeeze %swap3A_433 : memref<1x2x80xi32, #tpu.memory_space<vmem>> -> memref<2x80xi32, #tpu.memory_space<vmem>>
        %swap3A_435 = arith.index_cast %swap3A_430 : i32 to index
        %swap3A_436 = arith.constant 16 : index
        %swap3A_437 = tpu.vector_load %swap3A_434[%swap3A_435, %swap3A_436] {strides = array<i32>} : memref<2x80xi32, #tpu.memory_space<vmem>>, vector<16xi32>,
        tpu.vector_store %swap3A_434[%swap3A_435, %swap3A_436], %select_n3A_428 {strides = array<i32>} : memref<2x80xi32, #tpu.memory_space<vmem>>, vector<16xi32>,
        %get3A_438 = arith.constant 3 : i32
        %get3A_439 = arith.constant 1 : i32
        %get3A_440 = arith.constant 0 : i32
        %get3A_441 = arith.constant 0 : i32
        %get3A_442 = tpu.memref_slice %arg8[%get3A_438, %get3A_440, %get3A_441] : memref<4x2x80xi32, #tpu.memory_space<vmem>> -> memref<1x2x80xi32, #tpu.memory_space<vmem>>
        %get3A_443 = tpu.memref_squeeze %get3A_442 : memref<1x2x80xi32, #tpu.memory_space<vmem>> -> memref<2x80xi32, #tpu.memory_space<vmem>>
        %get3A_444 = arith.index_cast %get3A_439 : i32 to index
        %get3A_445 = arith.constant 32 : index
        %get3A_446 = tpu.vector_load %get3A_443[%get3A_444, %get3A_445] {strides = array<i32>} : memref<2x80xi32, #tpu.memory_space<vmem>>, vector<16xi32>,
        %sub3A_447 = vector.broadcast %mul3A_77 : i32 to vector<16xi32>
        %sub3A_448 = arith.subi %get3A_446, %sub3A_447 : vector<16xi32>
        %ge3A_449 = arith.constant 0 : i32
        %ge3A_450 = vector.broadcast %ge3A_449 : i32 to vector<16xi32>
        %ge3A_451 = arith.cmpi sge, %sub3A_448, %ge3A_450 : vector<16xi32>
        %lt3A_452 = arith.constant 5000 : i32
        %lt3A_453 = vector.broadcast %lt3A_452 : i32 to vector<16xi32>
        %lt3A_454 = arith.cmpi slt, %sub3A_448, %lt3A_453 : vector<16xi32>
        %and3A_455 = arith.andi %ge3A_451, %lt3A_454 : vector<16xi1>
        %broadcast_in_dim3A_456 = arith.constant 5000 : i32
        %broadcast_in_dim3A_457 = vector.broadcast %broadcast_in_dim3A_456 : i32 to vector<16xi32>
        %select_n3A_458 = arith.select %and3A_455, %sub3A_448, %broadcast_in_dim3A_457 : vector<16xi1>, vector<16xi32>
        %swap3A_459 = arith.constant 3 : i32
        %swap3A_460 = arith.constant 1 : i32
        %swap3A_461 = arith.constant 0 : i32
        %swap3A_462 = arith.constant 0 : i32
        %swap3A_463 = tpu.memref_slice %arg8[%swap3A_459, %swap3A_461, %swap3A_462] : memref<4x2x80xi32, #tpu.memory_space<vmem>> -> memref<1x2x80xi32, #tpu.memory_space<vmem>>
        %swap3A_464 = tpu.memref_squeeze %swap3A_463 : memref<1x2x80xi32, #tpu.memory_space<vmem>> -> memref<2x80xi32, #tpu.memory_space<vmem>>
        %swap3A_465 = arith.index_cast %swap3A_460 : i32 to index
        %swap3A_466 = arith.constant 32 : index
        %swap3A_467 = tpu.vector_load %swap3A_464[%swap3A_465, %swap3A_466] {strides = array<i32>} : memref<2x80xi32, #tpu.memory_space<vmem>>, vector<16xi32>,
        tpu.vector_store %swap3A_464[%swap3A_465, %swap3A_466], %select_n3A_458 {strides = array<i32>} : memref<2x80xi32, #tpu.memory_space<vmem>>, vector<16xi32>,
        %get3A_468 = arith.constant 3 : i32
        %get3A_469 = arith.constant 1 : i32
        %get3A_470 = arith.constant 0 : i32
        %get3A_471 = arith.constant 0 : i32
        %get3A_472 = tpu.memref_slice %arg8[%get3A_468, %get3A_470, %get3A_471] : memref<4x2x80xi32, #tpu.memory_space<vmem>> -> memref<1x2x80xi32, #tpu.memory_space<vmem>>
        %get3A_473 = tpu.memref_squeeze %get3A_472 : memref<1x2x80xi32, #tpu.memory_space<vmem>> -> memref<2x80xi32, #tpu.memory_space<vmem>>
        %get3A_474 = arith.index_cast %get3A_469 : i32 to index
        %get3A_475 = arith.constant 48 : index
        %get3A_476 = tpu.vector_load %get3A_473[%get3A_474, %get3A_475] {strides = array<i32>} : memref<2x80xi32, #tpu.memory_space<vmem>>, vector<16xi32>,
        %sub3A_477 = vector.broadcast %mul3A_77 : i32 to vector<16xi32>
        %sub3A_478 = arith.subi %get3A_476, %sub3A_477 : vector<16xi32>
        %ge3A_479 = arith.constant 0 : i32
        %ge3A_480 = vector.broadcast %ge3A_479 : i32 to vector<16xi32>
        %ge3A_481 = arith.cmpi sge, %sub3A_478, %ge3A_480 : vector<16xi32>
        %lt3A_482 = arith.constant 5000 : i32
        %lt3A_483 = vector.broadcast %lt3A_482 : i32 to vector<16xi32>
        %lt3A_484 = arith.cmpi slt, %sub3A_478, %lt3A_483 : vector<16xi32>
        %and3A_485 = arith.andi %ge3A_481, %lt3A_484 : vector<16xi1>
        %broadcast_in_dim3A_486 = arith.constant 5000 : i32
        %broadcast_in_dim3A_487 = vector.broadcast %broadcast_in_dim3A_486 : i32 to vector<16xi32>
        %select_n3A_488 = arith.select %and3A_485, %sub3A_478, %broadcast_in_dim3A_487 : vector<16xi1>, vector<16xi32>
        %swap3A_489 = arith.constant 3 : i32
        %swap3A_490 = arith.constant 1 : i32
        %swap3A_491 = arith.constant 0 : i32
        %swap3A_492 = arith.constant 0 : i32
        %swap3A_493 = tpu.memref_slice %arg8[%swap3A_489, %swap3A_491, %swap3A_492] : memref<4x2x80xi32, #tpu.memory_space<vmem>> -> memref<1x2x80xi32, #tpu.memory_space<vmem>>
        %swap3A_494 = tpu.memref_squeeze %swap3A_493 : memref<1x2x80xi32, #tpu.memory_space<vmem>> -> memref<2x80xi32, #tpu.memory_space<vmem>>
        %swap3A_495 = arith.index_cast %swap3A_490 : i32 to index
        %swap3A_496 = arith.constant 48 : index
        %swap3A_497 = tpu.vector_load %swap3A_494[%swap3A_495, %swap3A_496] {strides = array<i32>} : memref<2x80xi32, #tpu.memory_space<vmem>>, vector<16xi32>,
        tpu.vector_store %swap3A_494[%swap3A_495, %swap3A_496], %select_n3A_488 {strides = array<i32>} : memref<2x80xi32, #tpu.memory_space<vmem>>, vector<16xi32>,
        %get3A_498 = arith.constant 3 : i32
        %get3A_499 = arith.constant 1 : i32
        %get3A_500 = arith.constant 0 : i32
        %get3A_501 = arith.constant 0 : i32
        %get3A_502 = tpu.memref_slice %arg8[%get3A_498, %get3A_500, %get3A_501] : memref<4x2x80xi32, #tpu.memory_space<vmem>> -> memref<1x2x80xi32, #tpu.memory_space<vmem>>
        %get3A_503 = tpu.memref_squeeze %get3A_502 : memref<1x2x80xi32, #tpu.memory_space<vmem>> -> memref<2x80xi32, #tpu.memory_space<vmem>>
        %get3A_504 = arith.index_cast %get3A_499 : i32 to index
        %get3A_505 = arith.constant 64 : index
        %get3A_506 = tpu.vector_load %get3A_503[%get3A_504, %get3A_505] {strides = array<i32>} : memref<2x80xi32, #tpu.memory_space<vmem>>, vector<16xi32>,
        %sub3A_507 = vector.broadcast %mul3A_77 : i32 to vector<16xi32>
        %sub3A_508 = arith.subi %get3A_506, %sub3A_507 : vector<16xi32>
        %ge3A_509 = arith.constant 0 : i32
        %ge3A_510 = vector.broadcast %ge3A_509 : i32 to vector<16xi32>
        %ge3A_511 = arith.cmpi sge, %sub3A_508, %ge3A_510 : vector<16xi32>
        %lt3A_512 = arith.constant 5000 : i32
        %lt3A_513 = vector.broadcast %lt3A_512 : i32 to vector<16xi32>
        %lt3A_514 = arith.cmpi slt, %sub3A_508, %lt3A_513 : vector<16xi32>
        %and3A_515 = arith.andi %ge3A_511, %lt3A_514 : vector<16xi1>
        %broadcast_in_dim3A_516 = arith.constant 5000 : i32
        %broadcast_in_dim3A_517 = vector.broadcast %broadcast_in_dim3A_516 : i32 to vector<16xi32>
        %select_n3A_518 = arith.select %and3A_515, %sub3A_508, %broadcast_in_dim3A_517 : vector<16xi1>, vector<16xi32>
        %swap3A_519 = arith.constant 3 : i32
        %swap3A_520 = arith.constant 1 : i32
        %swap3A_521 = arith.constant 0 : i32
        %swap3A_522 = arith.constant 0 : i32
        %swap3A_523 = tpu.memref_slice %arg8[%swap3A_519, %swap3A_521, %swap3A_522] : memref<4x2x80xi32, #tpu.memory_space<vmem>> -> memref<1x2x80xi32, #tpu.memory_space<vmem>>
        %swap3A_524 = tpu.memref_squeeze %swap3A_523 : memref<1x2x80xi32, #tpu.memory_space<vmem>> -> memref<2x80xi32, #tpu.memory_space<vmem>>
        %swap3A_525 = arith.index_cast %swap3A_520 : i32 to index
        %swap3A_526 = arith.constant 64 : index
        %swap3A_527 = tpu.vector_load %swap3A_524[%swap3A_525, %swap3A_526] {strides = array<i32>} : memref<2x80xi32, #tpu.memory_space<vmem>>, vector<16xi32>,
        tpu.vector_store %swap3A_524[%swap3A_525, %swap3A_526], %select_n3A_518 {strides = array<i32>} : memref<2x80xi32, #tpu.memory_space<vmem>>, vector<16xi32>,
        %dma_start3A = arith.constant 3 : i32
        %dma_start3A_528 = arith.constant 3 : i32
        %dma_start3A_529 = arith.constant 0 : i32
        %dma_start3A_530 = arith.constant 0 : i32
        %dma_start3A_531 = arith.constant 0 : i32
        %dma_start3A_532 = tpu.memref_slice %arg7[%dma_start3A, %dma_start3A_530, %dma_start3A_531] : memref<4x160x128xf32, #tpu.memory_space<vmem>> -> memref<1x160x128xf32, #tpu.memory_space<vmem>>
        %dma_start3A_533 = tpu.memref_squeeze %dma_start3A_532 : memref<1x160x128xf32, #tpu.memory_space<vmem>> -> memref<160x128xf32, #tpu.memory_space<vmem>>
        %dma_start3A_534 = arith.constant 0 : i32
        %dma_start3A_535 = arith.constant 0 : i32
        %dma_start3A_536 = tpu.memref_slice %dma_start3A_533[%dma_start3A_534, %dma_start3A_535] : memref<160x128xf32, #tpu.memory_space<vmem>> -> memref<80x128xf32, #tpu.memory_space<vmem>>
        %dma_start3A_537 = arith.constant 0 : i32
        %dma_start3A_538 = arith.constant 0 : i32
        %dma_start3A_539 = tpu.memref_slice %arg8[%dma_start3A_528, %dma_start3A_537, %dma_start3A_538] : memref<4x2x80xi32, #tpu.memory_space<vmem>> -> memref<1x2x80xi32, #tpu.memory_space<vmem>>
        %dma_start3A_540 = tpu.memref_squeeze %dma_start3A_539 : memref<1x2x80xi32, #tpu.memory_space<vmem>> -> memref<2x80xi32, #tpu.memory_space<vmem>>
        %dma_start3A_541 = arith.constant 0 : i32
        %dma_start3A_542 = tpu.memref_slice %dma_start3A_540[%dma_start3A_529, %dma_start3A_541] : memref<2x80xi32, #tpu.memory_space<vmem>> -> memref<1x80xi32, #tpu.memory_space<vmem>>
        %dma_start3A_543 = tpu.memref_squeeze %dma_start3A_542 : memref<1x80xi32, #tpu.memory_space<vmem>> -> memref<80xi32, #tpu.memory_space<vmem>>
        %dma_start3A_544 = arith.constant 0 : i32
        %dma_start3A_545 = arith.constant 0 : i32
        %dma_start3A_546 = tpu.memref_slice %arg6[%dma_start3A_544, %dma_start3A_545] : memref<5008x128xf32, #tpu.memory_space<vmem_shared>> -> memref<5008x128xf32, #tpu.memory_space<vmem_shared>>
        tpu.enqueue_indirect_dma source(%dma_start3A_536 : memref<80x128xf32, #tpu.memory_space<vmem>>) target(%dma_start3A_546 : memref<5008x128xf32, #tpu.memory_space<vmem_shared>>) offsets(%dma_start3A_543 : memref<80xi32, #tpu.memory_space<vmem>>) semaphore(%arg19 : memref<!tpu.dma_semaphore, #tpu.memory_space<semaphore_mem>>) {add = true}
        %dma_start3A_547 = arith.constant 3 : i32
        %dma_start3A_548 = arith.constant 3 : i32
        %dma_start3A_549 = arith.constant 1 : i32
        %dma_start3A_550 = arith.constant 0 : i32
        %dma_start3A_551 = arith.constant 0 : i32
        %dma_start3A_552 = tpu.memref_slice %arg7[%dma_start3A_547, %dma_start3A_550, %dma_start3A_551] : memref<4x160x128xf32, #tpu.memory_space<vmem>> -> memref<1x160x128xf32, #tpu.memory_space<vmem>>
        %dma_start3A_553 = tpu.memref_squeeze %dma_start3A_552 : memref<1x160x128xf32, #tpu.memory_space<vmem>> -> memref<160x128xf32, #tpu.memory_space<vmem>>
        %dma_start3A_554 = arith.constant 80 : i32
        %dma_start3A_555 = arith.constant 0 : i32
        %dma_start3A_556 = tpu.memref_slice %dma_start3A_553[%dma_start3A_554, %dma_start3A_555] : memref<160x128xf32, #tpu.memory_space<vmem>> -> memref<80x128xf32, #tpu.memory_space<vmem>>
        %dma_start3A_557 = arith.constant 0 : i32
        %dma_start3A_558 = arith.constant 0 : i32
        %dma_start3A_559 = tpu.memref_slice %arg8[%dma_start3A_548, %dma_start3A_557, %dma_start3A_558] : memref<4x2x80xi32, #tpu.memory_space<vmem>> -> memref<1x2x80xi32, #tpu.memory_space<vmem>>
        %dma_start3A_560 = tpu.memref_squeeze %dma_start3A_559 : memref<1x2x80xi32, #tpu.memory_space<vmem>> -> memref<2x80xi32, #tpu.memory_space<vmem>>
        %dma_start3A_561 = arith.constant 0 : i32
        %dma_start3A_562 = tpu.memref_slice %dma_start3A_560[%dma_start3A_549, %dma_start3A_561] : memref<2x80xi32, #tpu.memory_space<vmem>> -> memref<1x80xi32, #tpu.memory_space<vmem>>
        %dma_start3A_563 = tpu.memref_squeeze %dma_start3A_562 : memref<1x80xi32, #tpu.memory_space<vmem>> -> memref<80xi32, #tpu.memory_space<vmem>>
        %dma_start3A_564 = arith.constant 0 : i32
        %dma_start3A_565 = arith.constant 0 : i32
        %dma_start3A_566 = tpu.memref_slice %arg6[%dma_start3A_564, %dma_start3A_565] : memref<5008x128xf32, #tpu.memory_space<vmem_shared>> -> memref<5008x128xf32, #tpu.memory_space<vmem_shared>>
        tpu.enqueue_indirect_dma source(%dma_start3A_556 : memref<80x128xf32, #tpu.memory_space<vmem>>) target(%dma_start3A_566 : memref<5008x128xf32, #tpu.memory_space<vmem_shared>>) offsets(%dma_start3A_563 : memref<80xi32, #tpu.memory_space<vmem>>) semaphore(%arg19 : memref<!tpu.dma_semaphore, #tpu.memory_space<semaphore_mem>>) {add = true}
        %dma_wait3A_567 = arith.constant 3 : i32
        %dma_wait3A_568 = arith.constant 3 : i32
        %dma_wait3A_569 = arith.constant 0 : i32
        %dma_wait3A_570 = arith.constant 0 : i32
        %dma_wait3A_571 = arith.constant 0 : i32
        %dma_wait3A_572 = tpu.memref_slice %arg7[%dma_wait3A_567, %dma_wait3A_570, %dma_wait3A_571] : memref<4x160x128xf32, #tpu.memory_space<vmem>> -> memref<1x160x128xf32, #tpu.memory_space<vmem>>
        %dma_wait3A_573 = tpu.memref_squeeze %dma_wait3A_572 : memref<1x160x128xf32, #tpu.memory_space<vmem>> -> memref<160x128xf32, #tpu.memory_space<vmem>>
        %dma_wait3A_574 = arith.constant 0 : i32
        %dma_wait3A_575 = arith.constant 0 : i32
        %dma_wait3A_576 = tpu.memref_slice %dma_wait3A_573[%dma_wait3A_574, %dma_wait3A_575] : memref<160x128xf32, #tpu.memory_space<vmem>> -> memref<80x128xf32, #tpu.memory_space<vmem>>
        %dma_wait3A_577 = arith.constant 0 : i32
        %dma_wait3A_578 = arith.constant 0 : i32
        %dma_wait3A_579 = tpu.memref_slice %arg8[%dma_wait3A_568, %dma_wait3A_577, %dma_wait3A_578] : memref<4x2x80xi32, #tpu.memory_space<vmem>> -> memref<1x2x80xi32, #tpu.memory_space<vmem>>
        %dma_wait3A_580 = tpu.memref_squeeze %dma_wait3A_579 : memref<1x2x80xi32, #tpu.memory_space<vmem>> -> memref<2x80xi32, #tpu.memory_space<vmem>>
        %dma_wait3A_581 = arith.constant 0 : i32
        %dma_wait3A_582 = tpu.memref_slice %dma_wait3A_580[%dma_wait3A_569, %dma_wait3A_581] : memref<2x80xi32, #tpu.memory_space<vmem>> -> memref<1x80xi32, #tpu.memory_space<vmem>>
        %dma_wait3A_583 = tpu.memref_squeeze %dma_wait3A_582 : memref<1x80xi32, #tpu.memory_space<vmem>> -> memref<80xi32, #tpu.memory_space<vmem>>
        %dma_wait3A_584 = arith.constant 0 : i32
        %dma_wait3A_585 = arith.constant 0 : i32
        %dma_wait3A_586 = tpu.memref_slice %arg6[%dma_wait3A_584, %dma_wait3A_585] : memref<5008x128xf32, #tpu.memory_space<vmem_shared>> -> memref<5008x128xf32, #tpu.memory_space<vmem_shared>>
        tpu.wait_indirect_dma semaphore(%arg19 : memref<!tpu.dma_semaphore, #tpu.memory_space<semaphore_mem>>) src(%dma_wait3A_576 : memref<80x128xf32, #tpu.memory_space<vmem>>) dst(%dma_wait3A_586 : memref<5008x128xf32, #tpu.memory_space<vmem_shared>>)
        %dma_wait3A_587 = arith.constant 3 : i32
        %dma_wait3A_588 = arith.constant 3 : i32
        %dma_wait3A_589 = arith.constant 1 : i32
        %dma_wait3A_590 = arith.constant 0 : i32
        %dma_wait3A_591 = arith.constant 0 : i32
        %dma_wait3A_592 = tpu.memref_slice %arg7[%dma_wait3A_587, %dma_wait3A_590, %dma_wait3A_591] : memref<4x160x128xf32, #tpu.memory_space<vmem>> -> memref<1x160x128xf32, #tpu.memory_space<vmem>>
        %dma_wait3A_593 = tpu.memref_squeeze %dma_wait3A_592 : memref<1x160x128xf32, #tpu.memory_space<vmem>> -> memref<160x128xf32, #tpu.memory_space<vmem>>
        %dma_wait3A_594 = arith.constant 80 : i32
        %dma_wait3A_595 = arith.constant 0 : i32
        %dma_wait3A_596 = tpu.memref_slice %dma_wait3A_593[%dma_wait3A_594, %dma_wait3A_595] : memref<160x128xf32, #tpu.memory_space<vmem>> -> memref<80x128xf32, #tpu.memory_space<vmem>>
        %dma_wait3A_597 = arith.constant 0 : i32
        %dma_wait3A_598 = arith.constant 0 : i32
        %dma_wait3A_599 = tpu.memref_slice %arg8[%dma_wait3A_588, %dma_wait3A_597, %dma_wait3A_598] : memref<4x2x80xi32, #tpu.memory_space<vmem>> -> memref<1x2x80xi32, #tpu.memory_space<vmem>>
        %dma_wait3A_600 = tpu.memref_squeeze %dma_wait3A_599 : memref<1x2x80xi32, #tpu.memory_space<vmem>> -> memref<2x80xi32, #tpu.memory_space<vmem>>
        %dma_wait3A_601 = arith.constant 0 : i32
        %dma_wait3A_602 = tpu.memref_slice %dma_wait3A_600[%dma_wait3A_589, %dma_wait3A_601] : memref<2x80xi32, #tpu.memory_space<vmem>> -> memref<1x80xi32, #tpu.memory_space<vmem>>
        %dma_wait3A_603 = tpu.memref_squeeze %dma_wait3A_602 : memref<1x80xi32, #tpu.memory_space<vmem>> -> memref<80xi32, #tpu.memory_space<vmem>>
        %dma_wait3A_604 = arith.constant 0 : i32
        %dma_wait3A_605 = arith.constant 0 : i32
        %dma_wait3A_606 = tpu.memref_slice %arg6[%dma_wait3A_604, %dma_wait3A_605] : memref<5008x128xf32, #tpu.memory_space<vmem_shared>> -> memref<5008x128xf32, #tpu.memory_space<vmem_shared>>
        tpu.wait_indirect_dma semaphore(%arg19 : memref<!tpu.dma_semaphore, #tpu.memory_space<semaphore_mem>>) src(%dma_wait3A_596 : memref<80x128xf32, #tpu.memory_space<vmem>>) dst(%dma_wait3A_606 : memref<5008x128xf32, #tpu.memory_space<vmem_shared>>)
      } else {
      }
      %add3A_190 = arith.constant 4 : i32
      %add3A_191 = arith.addi %add3A_185, %add3A_190 : i32
      %lt3A_192 = arith.cmpi slt, %add3A_191, %max3A_43 : i32
      %convert_element_type3A_193 = arith.extui %lt3A_192 : i1 to i32
      %cond3A_194 = arith.constant 0 : i32
      %cond3A_195 = arith.cmpi ne, %convert_element_type3A_193, %cond3A_194 : i32
      scf.if %cond3A_195 {
        %add3A_196 = arith.constant 4 : i32
        %add3A_197 = arith.addi %add3A_185, %add3A_196 : i32
        %add3A_198 = arith.addi %select_n3A, %arg1 : i32
        %mul3A_199 = arith.constant 16 : i32
        %mul3A_200 = arith.muli %add3A_197, %mul3A_199 : i32
        %add3A_201 = arith.addi %add3A_198, %mul3A_200 : i32
        %mul3A_202 = arith.constant 160 : i32
        %mul3A_203 = arith.muli %add3A_201, %mul3A_202 : i32
        %dma_start3A = arith.constant 3 : i32
        %dma_start3A_204 = arith.constant 0 : i32
        %dma_start3A_205 = arith.constant 0 : i32
        %dma_start3A_206 = tpu.memref_slice %arg7[%dma_start3A, %dma_start3A_204, %dma_start3A_205] : memref<4x160x128xf32, #tpu.memory_space<vmem>> -> memref<1x160x128xf32, #tpu.memory_space<vmem>>
        %dma_start3A_207 = tpu.memref_squeeze %dma_start3A_206 : memref<1x160x128xf32, #tpu.memory_space<vmem>> -> memref<160x128xf32, #tpu.memory_space<vmem>>
        %dma_start3A_208 = arith.constant 0 : i32
        %dma_start3A_209 = tpu.memref_slice %arg2[%mul3A_203, %dma_start3A_208] : memref<320000x128xf32, #tpu.memory_space<hbm>> -> memref<160x128xf32, #tpu.memory_space<hbm>>
        %dma_start3A_210 = arith.constant 0 : i32
        %dma_start3A_211 = arith.constant 0 : i32
        %dma_start3A_212 = tpu.memref_slice %arg7[%dma_start3A, %dma_start3A_210, %dma_start3A_211] : memref<4x160x128xf32, #tpu.memory_space<vmem>> -> memref<1x160x128xf32, #tpu.memory_space<vmem>>
        %dma_start3A_213 = tpu.memref_squeeze %dma_start3A_212 : memref<1x160x128xf32, #tpu.memory_space<vmem>> -> memref<160x128xf32, #tpu.memory_space<vmem>>
        %dma_start3A_214 = arith.constant 0 : i32
        %dma_start3A_215 = tpu.memref_slice %arg2[%mul3A_203, %dma_start3A_214] : memref<320000x128xf32, #tpu.memory_space<hbm>> -> memref<160x128xf32, #tpu.memory_space<hbm>>
        tpu.enqueue_dma source(%dma_start3A_215 : memref<160x128xf32, #tpu.memory_space<hbm>>) target(%dma_start3A_213 : memref<160x128xf32, #tpu.memory_space<vmem>>) target_semaphore(%arg14 : memref<!tpu.dma_semaphore, #tpu.memory_space<semaphore_mem>>)
        %dma_start3A_216 = arith.constant 3 : i32
        %dma_start3A_217 = arith.constant 0 : i32
        %dma_start3A_218 = arith.constant 0 : i32
        %dma_start3A_219 = tpu.memref_slice %arg8[%dma_start3A_216, %dma_start3A_217, %dma_start3A_218] : memref<4x2x80xi32, #tpu.memory_space<vmem>> -> memref<1x2x80xi32, #tpu.memory_space<vmem>>
        %dma_start3A_220 = tpu.memref_squeeze %dma_start3A_219 : memref<1x2x80xi32, #tpu.memory_space<vmem>> -> memref<2x80xi32, #tpu.memory_space<vmem>>
        %dma_start3A_221 = arith.constant 0 : i32
        %dma_start3A_222 = arith.constant 0 : i32
        %dma_start3A_223 = tpu.memref_slice %arg3[%add3A_201, %dma_start3A_221, %dma_start3A_222] : memref<2000x2x80xi32, #tpu.memory_space<hbm>> -> memref<1x2x80xi32, #tpu.memory_space<hbm>>
        %dma_start3A_224 = tpu.memref_squeeze %dma_start3A_223 : memref<1x2x80xi32, #tpu.memory_space<hbm>> -> memref<2x80xi32, #tpu.memory_space<hbm>>
        %dma_start3A_225 = arith.constant 0 : i32
        %dma_start3A_226 = arith.constant 0 : i32
        %dma_start3A_227 = tpu.memref_slice %arg8[%dma_start3A_216, %dma_start3A_225, %dma_start3A_226] : memref<4x2x80xi32, #tpu.memory_space<vmem>> -> memref<1x2x80xi32, #tpu.memory_space<vmem>>
        %dma_start3A_228 = tpu.memref_squeeze %dma_start3A_227 : memref<1x2x80xi32, #tpu.memory_space<vmem>> -> memref<2x80xi32, #tpu.memory_space<vmem>>
        %dma_start3A_229 = arith.constant 0 : i32
        %dma_start3A_230 = arith.constant 0 : i32
        %dma_start3A_231 = tpu.memref_slice %arg3[%add3A_201, %dma_start3A_229, %dma_start3A_230] : memref<2000x2x80xi32, #tpu.memory_space<hbm>> -> memref<1x2x80xi32, #tpu.memory_space<hbm>>
        %dma_start3A_232 = tpu.memref_squeeze %dma_start3A_231 : memref<1x2x80xi32, #tpu.memory_space<hbm>> -> memref<2x80xi32, #tpu.memory_space<hbm>>
        tpu.enqueue_dma source(%dma_start3A_232 : memref<2x80xi32, #tpu.memory_space<hbm>>) target(%dma_start3A_228 : memref<2x80xi32, #tpu.memory_space<vmem>>) target_semaphore(%arg18 : memref<!tpu.dma_semaphore, #tpu.memory_space<semaphore_mem>>)
      } else {
      }
    }
    %while3A_123 = arith.constant 1 : i32
    scf.for %while3A_137 = %while3A_121 to %while3A_117 step %while3A_123  : i32 {
      %mul3A_138 = arith.muli %while3A_137, %while3A : i32
      %add3A_139 = arith.addi %while3A_114, %mul3A_138 : i32
      %mul3A_140 = arith.constant 4 : i32
      %mul3A_141 = arith.muli %add3A_139, %mul3A_140 : i32
      %add3A_142 = arith.constant 0 : i32
      %add3A_143 = arith.addi %mul3A_141, %add3A_142 : i32
      %lt3A_144 = arith.cmpi slt, %add3A_143, %max3A_43 : i32
      %convert_element_type3A_145 = arith.extui %lt3A_144 : i1 to i32
      %cond3A_146 = arith.constant 0 : i32
      %cond3A_147 = arith.cmpi ne, %convert_element_type3A_145, %cond3A_146 : i32
      scf.if %cond3A_147 {
        %add3A_196 = arith.addi %select_n3A, %arg1 : i32
        %mul3A_197 = arith.constant 16 : i32
        %mul3A_198 = arith.muli %add3A_143, %mul3A_197 : i32
        %add3A_199 = arith.addi %add3A_196, %mul3A_198 : i32
        %mul3A_200 = arith.constant 160 : i32
        %mul3A_201 = arith.muli %add3A_199, %mul3A_200 : i32
        %dma_wait3A = arith.constant 0 : i32
        %dma_wait3A_202 = arith.constant 0 : i32
        %dma_wait3A_203 = arith.constant 0 : i32
        %dma_wait3A_204 = tpu.memref_slice %arg7[%dma_wait3A, %dma_wait3A_202, %dma_wait3A_203] : memref<4x160x128xf32, #tpu.memory_space<vmem>> -> memref<1x160x128xf32, #tpu.memory_space<vmem>>
        %dma_wait3A_205 = tpu.memref_squeeze %dma_wait3A_204 : memref<1x160x128xf32, #tpu.memory_space<vmem>> -> memref<160x128xf32, #tpu.memory_space<vmem>>
        %dma_wait3A_206 = arith.constant 0 : i32
        %dma_wait3A_207 = tpu.memref_slice %arg2[%mul3A_201, %dma_wait3A_206] : memref<320000x128xf32, #tpu.memory_space<hbm>> -> memref<160x128xf32, #tpu.memory_space<hbm>>
        %dma_wait3A_208 = arith.constant 0 : i32
        %dma_wait3A_209 = arith.constant 0 : i32
        %dma_wait3A_210 = tpu.memref_slice %arg7[%dma_wait3A, %dma_wait3A_208, %dma_wait3A_209] : memref<4x160x128xf32, #tpu.memory_space<vmem>> -> memref<1x160x128xf32, #tpu.memory_space<vmem>>
        %dma_wait3A_211 = tpu.memref_squeeze %dma_wait3A_210 : memref<1x160x128xf32, #tpu.memory_space<vmem>> -> memref<160x128xf32, #tpu.memory_space<vmem>>
        %dma_wait3A_212 = arith.constant 0 : i32
        %dma_wait3A_213 = tpu.memref_slice %arg2[%mul3A_201, %dma_wait3A_212] : memref<320000x128xf32, #tpu.memory_space<hbm>> -> memref<160x128xf32, #tpu.memory_space<hbm>>
        tpu.wait_dma2 semaphore(%arg11 : memref<!tpu.dma_semaphore, #tpu.memory_space<semaphore_mem>>) src(%dma_wait3A_213 : memref<160x128xf32, #tpu.memory_space<hbm>>) dst(%dma_wait3A_211 : memref<160x128xf32, #tpu.memory_space<vmem>>)
        %dma_wait3A_214 = arith.constant 0 : i32
        %dma_wait3A_215 = arith.constant 0 : i32
        %dma_wait3A_216 = arith.constant 0 : i32
        %dma_wait3A_217 = tpu.memref_slice %arg8[%dma_wait3A_214, %dma_wait3A_215, %dma_wait3A_216] : memref<4x2x80xi32, #tpu.memory_space<vmem>> -> memref<1x2x80xi32, #tpu.memory_space<vmem>>
        %dma_wait3A_218 = tpu.memref_squeeze %dma_wait3A_217 : memref<1x2x80xi32, #tpu.memory_space<vmem>> -> memref<2x80xi32, #tpu.memory_space<vmem>>
        %dma_wait3A_219 = arith.constant 0 : i32
        %dma_wait3A_220 = arith.constant 0 : i32
        %dma_wait3A_221 = tpu.memref_slice %arg3[%add3A_199, %dma_wait3A_219, %dma_wait3A_220] : memref<2000x2x80xi32, #tpu.memory_space<hbm>> -> memref<1x2x80xi32, #tpu.memory_space<hbm>>
        %dma_wait3A_222 = tpu.memref_squeeze %dma_wait3A_221 : memref<1x2x80xi32, #tpu.memory_space<hbm>> -> memref<2x80xi32, #tpu.memory_space<hbm>>
        %dma_wait3A_223 = arith.constant 0 : i32
        %dma_wait3A_224 = arith.constant 0 : i32
        %dma_wait3A_225 = tpu.memref_slice %arg8[%dma_wait3A_214, %dma_wait3A_223, %dma_wait3A_224] : memref<4x2x80xi32, #tpu.memory_space<vmem>> -> memref<1x2x80xi32, #tpu.memory_space<vmem>>
        %dma_wait3A_226 = tpu.memref_squeeze %dma_wait3A_225 : memref<1x2x80xi32, #tpu.memory_space<vmem>> -> memref<2x80xi32, #tpu.memory_space<vmem>>
        %dma_wait3A_227 = arith.constant 0 : i32
        %dma_wait3A_228 = arith.constant 0 : i32
        %dma_wait3A_229 = tpu.memref_slice %arg3[%add3A_199, %dma_wait3A_227, %dma_wait3A_228] : memref<2000x2x80xi32, #tpu.memory_space<hbm>> -> memref<1x2x80xi32, #tpu.memory_space<hbm>>
        %dma_wait3A_230 = tpu.memref_squeeze %dma_wait3A_229 : memref<1x2x80xi32, #tpu.memory_space<hbm>> -> memref<2x80xi32, #tpu.memory_space<hbm>>
        tpu.wait_dma2 semaphore(%arg15 : memref<!tpu.dma_semaphore, #tpu.memory_space<semaphore_mem>>) src(%dma_wait3A_230 : memref<2x80xi32, #tpu.memory_space<hbm>>) dst(%dma_wait3A_226 : memref<2x80xi32, #tpu.memory_space<vmem>>)
        %get3A_231 = arith.constant 0 : i32
        %get3A_232 = arith.constant 0 : i32
        %get3A_233 = arith.constant 0 : i32
        %get3A_234 = arith.constant 0 : i32
        %get3A_235 = tpu.memref_slice %arg8[%get3A_231, %get3A_233, %get3A_234] : memref<4x2x80xi32, #tpu.memory_space<vmem>> -> memref<1x2x80xi32, #tpu.memory_space<vmem>>
        %get3A_236 = tpu.memref_squeeze %get3A_235 : memref<1x2x80xi32, #tpu.memory_space<vmem>> -> memref<2x80xi32, #tpu.memory_space<vmem>>
        %get3A_237 = arith.index_cast %get3A_232 : i32 to index
        %get3A_238 = arith.constant 0 : index
        %get3A_239 = tpu.vector_load %get3A_236[%get3A_237, %get3A_238] {strides = array<i32>} : memref<2x80xi32, #tpu.memory_space<vmem>>, vector<16xi32>,
        %sub3A_240 = vector.broadcast %mul3A_77 : i32 to vector<16xi32>
        %sub3A_241 = arith.subi %get3A_239, %sub3A_240 : vector<16xi32>
        %ge3A = arith.constant 0 : i32
        %ge3A_242 = vector.broadcast %ge3A : i32 to vector<16xi32>
        %ge3A_243 = arith.cmpi sge, %sub3A_241, %ge3A_242 : vector<16xi32>
        %lt3A_244 = arith.constant 5000 : i32
        %lt3A_245 = vector.broadcast %lt3A_244 : i32 to vector<16xi32>
        %lt3A_246 = arith.cmpi slt, %sub3A_241, %lt3A_245 : vector<16xi32>
        %and3A_247 = arith.andi %ge3A_243, %lt3A_246 : vector<16xi1>
        %broadcast_in_dim3A = arith.constant 5000 : i32
        %broadcast_in_dim3A_248 = vector.broadcast %broadcast_in_dim3A : i32 to vector<16xi32>
        %select_n3A_249 = arith.select %and3A_247, %sub3A_241, %broadcast_in_dim3A_248 : vector<16xi1>, vector<16xi32>
        %swap3A = arith.constant 0 : i32
        %swap3A_250 = arith.constant 0 : i32
        %swap3A_251 = arith.constant 0 : i32
        %swap3A_252 = arith.constant 0 : i32
        %swap3A_253 = tpu.memref_slice %arg8[%swap3A, %swap3A_251, %swap3A_252] : memref<4x2x80xi32, #tpu.memory_space<vmem>> -> memref<1x2x80xi32, #tpu.memory_space<vmem>>
        %swap3A_254 = tpu.memref_squeeze %swap3A_253 : memref<1x2x80xi32, #tpu.memory_space<vmem>> -> memref<2x80xi32, #tpu.memory_space<vmem>>
        %swap3A_255 = arith.index_cast %swap3A_250 : i32 to index
        %swap3A_256 = arith.constant 0 : index
        %swap3A_257 = tpu.vector_load %swap3A_254[%swap3A_255, %swap3A_256] {strides = array<i32>} : memref<2x80xi32, #tpu.memory_space<vmem>>, vector<16xi32>,
        tpu.vector_store %swap3A_254[%swap3A_255, %swap3A_256], %select_n3A_249 {strides = array<i32>} : memref<2x80xi32, #tpu.memory_space<vmem>>, vector<16xi32>,
        %get3A_258 = arith.constant 0 : i32
        %get3A_259 = arith.constant 0 : i32
        %get3A_260 = arith.constant 0 : i32
        %get3A_261 = arith.constant 0 : i32
        %get3A_262 = tpu.memref_slice %arg8[%get3A_258, %get3A_260, %get3A_261] : memref<4x2x80xi32, #tpu.memory_space<vmem>> -> memref<1x2x80xi32, #tpu.memory_space<vmem>>
        %get3A_263 = tpu.memref_squeeze %get3A_262 : memref<1x2x80xi32, #tpu.memory_space<vmem>> -> memref<2x80xi32, #tpu.memory_space<vmem>>
        %get3A_264 = arith.index_cast %get3A_259 : i32 to index
        %get3A_265 = arith.constant 16 : index
        %get3A_266 = tpu.vector_load %get3A_263[%get3A_264, %get3A_265] {strides = array<i32>} : memref<2x80xi32, #tpu.memory_space<vmem>>, vector<16xi32>,
        %sub3A_267 = vector.broadcast %mul3A_77 : i32 to vector<16xi32>
        %sub3A_268 = arith.subi %get3A_266, %sub3A_267 : vector<16xi32>
        %ge3A_269 = arith.constant 0 : i32
        %ge3A_270 = vector.broadcast %ge3A_269 : i32 to vector<16xi32>
        %ge3A_271 = arith.cmpi sge, %sub3A_268, %ge3A_270 : vector<16xi32>
        %lt3A_272 = arith.constant 5000 : i32
        %lt3A_273 = vector.broadcast %lt3A_272 : i32 to vector<16xi32>
        %lt3A_274 = arith.cmpi slt, %sub3A_268, %lt3A_273 : vector<16xi32>
        %and3A_275 = arith.andi %ge3A_271, %lt3A_274 : vector<16xi1>
        %broadcast_in_dim3A_276 = arith.constant 5000 : i32
        %broadcast_in_dim3A_277 = vector.broadcast %broadcast_in_dim3A_276 : i32 to vector<16xi32>
        %select_n3A_278 = arith.select %and3A_275, %sub3A_268, %broadcast_in_dim3A_277 : vector<16xi1>, vector<16xi32>
        %swap3A_279 = arith.constant 0 : i32
        %swap3A_280 = arith.constant 0 : i32
        %swap3A_281 = arith.constant 0 : i32
        %swap3A_282 = arith.constant 0 : i32
        %swap3A_283 = tpu.memref_slice %arg8[%swap3A_279, %swap3A_281, %swap3A_282] : memref<4x2x80xi32, #tpu.memory_space<vmem>> -> memref<1x2x80xi32, #tpu.memory_space<vmem>>
        %swap3A_284 = tpu.memref_squeeze %swap3A_283 : memref<1x2x80xi32, #tpu.memory_space<vmem>> -> memref<2x80xi32, #tpu.memory_space<vmem>>
        %swap3A_285 = arith.index_cast %swap3A_280 : i32 to index
        %swap3A_286 = arith.constant 16 : index
        %swap3A_287 = tpu.vector_load %swap3A_284[%swap3A_285, %swap3A_286] {strides = array<i32>} : memref<2x80xi32, #tpu.memory_space<vmem>>, vector<16xi32>,
        tpu.vector_store %swap3A_284[%swap3A_285, %swap3A_286], %select_n3A_278 {strides = array<i32>} : memref<2x80xi32, #tpu.memory_space<vmem>>, vector<16xi32>,
        %get3A_288 = arith.constant 0 : i32
        %get3A_289 = arith.constant 0 : i32
        %get3A_290 = arith.constant 0 : i32
        %get3A_291 = arith.constant 0 : i32
        %get3A_292 = tpu.memref_slice %arg8[%get3A_288, %get3A_290, %get3A_291] : memref<4x2x80xi32, #tpu.memory_space<vmem>> -> memref<1x2x80xi32, #tpu.memory_space<vmem>>
        %get3A_293 = tpu.memref_squeeze %get3A_292 : memref<1x2x80xi32, #tpu.memory_space<vmem>> -> memref<2x80xi32, #tpu.memory_space<vmem>>
        %get3A_294 = arith.index_cast %get3A_289 : i32 to index
        %get3A_295 = arith.constant 32 : index
        %get3A_296 = tpu.vector_load %get3A_293[%get3A_294, %get3A_295] {strides = array<i32>} : memref<2x80xi32, #tpu.memory_space<vmem>>, vector<16xi32>,
        %sub3A_297 = vector.broadcast %mul3A_77 : i32 to vector<16xi32>
        %sub3A_298 = arith.subi %get3A_296, %sub3A_297 : vector<16xi32>
        %ge3A_299 = arith.constant 0 : i32
        %ge3A_300 = vector.broadcast %ge3A_299 : i32 to vector<16xi32>
        %ge3A_301 = arith.cmpi sge, %sub3A_298, %ge3A_300 : vector<16xi32>
        %lt3A_302 = arith.constant 5000 : i32
        %lt3A_303 = vector.broadcast %lt3A_302 : i32 to vector<16xi32>
        %lt3A_304 = arith.cmpi slt, %sub3A_298, %lt3A_303 : vector<16xi32>
        %and3A_305 = arith.andi %ge3A_301, %lt3A_304 : vector<16xi1>
        %broadcast_in_dim3A_306 = arith.constant 5000 : i32
        %broadcast_in_dim3A_307 = vector.broadcast %broadcast_in_dim3A_306 : i32 to vector<16xi32>
        %select_n3A_308 = arith.select %and3A_305, %sub3A_298, %broadcast_in_dim3A_307 : vector<16xi1>, vector<16xi32>
        %swap3A_309 = arith.constant 0 : i32
        %swap3A_310 = arith.constant 0 : i32
        %swap3A_311 = arith.constant 0 : i32
        %swap3A_312 = arith.constant 0 : i32
        %swap3A_313 = tpu.memref_slice %arg8[%swap3A_309, %swap3A_311, %swap3A_312] : memref<4x2x80xi32, #tpu.memory_space<vmem>> -> memref<1x2x80xi32, #tpu.memory_space<vmem>>
        %swap3A_314 = tpu.memref_squeeze %swap3A_313 : memref<1x2x80xi32, #tpu.memory_space<vmem>> -> memref<2x80xi32, #tpu.memory_space<vmem>>
        %swap3A_315 = arith.index_cast %swap3A_310 : i32 to index
        %swap3A_316 = arith.constant 32 : index
        %swap3A_317 = tpu.vector_load %swap3A_314[%swap3A_315, %swap3A_316] {strides = array<i32>} : memref<2x80xi32, #tpu.memory_space<vmem>>, vector<16xi32>,
        tpu.vector_store %swap3A_314[%swap3A_315, %swap3A_316], %select_n3A_308 {strides = array<i32>} : memref<2x80xi32, #tpu.memory_space<vmem>>, vector<16xi32>,
        %get3A_318 = arith.constant 0 : i32
        %get3A_319 = arith.constant 0 : i32
        %get3A_320 = arith.constant 0 : i32
        %get3A_321 = arith.constant 0 : i32
        %get3A_322 = tpu.memref_slice %arg8[%get3A_318, %get3A_320, %get3A_321] : memref<4x2x80xi32, #tpu.memory_space<vmem>> -> memref<1x2x80xi32, #tpu.memory_space<vmem>>
        %get3A_323 = tpu.memref_squeeze %get3A_322 : memref<1x2x80xi32, #tpu.memory_space<vmem>> -> memref<2x80xi32, #tpu.memory_space<vmem>>
        %get3A_324 = arith.index_cast %get3A_319 : i32 to index
        %get3A_325 = arith.constant 48 : index
        %get3A_326 = tpu.vector_load %get3A_323[%get3A_324, %get3A_325] {strides = array<i32>} : memref<2x80xi32, #tpu.memory_space<vmem>>, vector<16xi32>,
        %sub3A_327 = vector.broadcast %mul3A_77 : i32 to vector<16xi32>
        %sub3A_328 = arith.subi %get3A_326, %sub3A_327 : vector<16xi32>
        %ge3A_329 = arith.constant 0 : i32
        %ge3A_330 = vector.broadcast %ge3A_329 : i32 to vector<16xi32>
        %ge3A_331 = arith.cmpi sge, %sub3A_328, %ge3A_330 : vector<16xi32>
        %lt3A_332 = arith.constant 5000 : i32
        %lt3A_333 = vector.broadcast %lt3A_332 : i32 to vector<16xi32>
        %lt3A_334 = arith.cmpi slt, %sub3A_328, %lt3A_333 : vector<16xi32>
        %and3A_335 = arith.andi %ge3A_331, %lt3A_334 : vector<16xi1>
        %broadcast_in_dim3A_336 = arith.constant 5000 : i32
        %broadcast_in_dim3A_337 = vector.broadcast %broadcast_in_dim3A_336 : i32 to vector<16xi32>
        %select_n3A_338 = arith.select %and3A_335, %sub3A_328, %broadcast_in_dim3A_337 : vector<16xi1>, vector<16xi32>
        %swap3A_339 = arith.constant 0 : i32
        %swap3A_340 = arith.constant 0 : i32
        %swap3A_341 = arith.constant 0 : i32
        %swap3A_342 = arith.constant 0 : i32
        %swap3A_343 = tpu.memref_slice %arg8[%swap3A_339, %swap3A_341, %swap3A_342] : memref<4x2x80xi32, #tpu.memory_space<vmem>> -> memref<1x2x80xi32, #tpu.memory_space<vmem>>
        %swap3A_344 = tpu.memref_squeeze %swap3A_343 : memref<1x2x80xi32, #tpu.memory_space<vmem>> -> memref<2x80xi32, #tpu.memory_space<vmem>>
        %swap3A_345 = arith.index_cast %swap3A_340 : i32 to index
        %swap3A_346 = arith.constant 48 : index
        %swap3A_347 = tpu.vector_load %swap3A_344[%swap3A_345, %swap3A_346] {strides = array<i32>} : memref<2x80xi32, #tpu.memory_space<vmem>>, vector<16xi32>,
        tpu.vector_store %swap3A_344[%swap3A_345, %swap3A_346], %select_n3A_338 {strides = array<i32>} : memref<2x80xi32, #tpu.memory_space<vmem>>, vector<16xi32>,
        %get3A_348 = arith.constant 0 : i32
        %get3A_349 = arith.constant 0 : i32
        %get3A_350 = arith.constant 0 : i32
        %get3A_351 = arith.constant 0 : i32
        %get3A_352 = tpu.memref_slice %arg8[%get3A_348, %get3A_350, %get3A_351] : memref<4x2x80xi32, #tpu.memory_space<vmem>> -> memref<1x2x80xi32, #tpu.memory_space<vmem>>
        %get3A_353 = tpu.memref_squeeze %get3A_352 : memref<1x2x80xi32, #tpu.memory_space<vmem>> -> memref<2x80xi32, #tpu.memory_space<vmem>>
        %get3A_354 = arith.index_cast %get3A_349 : i32 to index
        %get3A_355 = arith.constant 64 : index
        %get3A_356 = tpu.vector_load %get3A_353[%get3A_354, %get3A_355] {strides = array<i32>} : memref<2x80xi32, #tpu.memory_space<vmem>>, vector<16xi32>,
        %sub3A_357 = vector.broadcast %mul3A_77 : i32 to vector<16xi32>
        %sub3A_358 = arith.subi %get3A_356, %sub3A_357 : vector<16xi32>
        %ge3A_359 = arith.constant 0 : i32
        %ge3A_360 = vector.broadcast %ge3A_359 : i32 to vector<16xi32>
        %ge3A_361 = arith.cmpi sge, %sub3A_358, %ge3A_360 : vector<16xi32>
        %lt3A_362 = arith.constant 5000 : i32
        %lt3A_363 = vector.broadcast %lt3A_362 : i32 to vector<16xi32>
        %lt3A_364 = arith.cmpi slt, %sub3A_358, %lt3A_363 : vector<16xi32>
        %and3A_365 = arith.andi %ge3A_361, %lt3A_364 : vector<16xi1>
        %broadcast_in_dim3A_366 = arith.constant 5000 : i32
        %broadcast_in_dim3A_367 = vector.broadcast %broadcast_in_dim3A_366 : i32 to vector<16xi32>
        %select_n3A_368 = arith.select %and3A_365, %sub3A_358, %broadcast_in_dim3A_367 : vector<16xi1>, vector<16xi32>
        %swap3A_369 = arith.constant 0 : i32
        %swap3A_370 = arith.constant 0 : i32
        %swap3A_371 = arith.constant 0 : i32
        %swap3A_372 = arith.constant 0 : i32
        %swap3A_373 = tpu.memref_slice %arg8[%swap3A_369, %swap3A_371, %swap3A_372] : memref<4x2x80xi32, #tpu.memory_space<vmem>> -> memref<1x2x80xi32, #tpu.memory_space<vmem>>
        %swap3A_374 = tpu.memref_squeeze %swap3A_373 : memref<1x2x80xi32, #tpu.memory_space<vmem>> -> memref<2x80xi32, #tpu.memory_space<vmem>>
        %swap3A_375 = arith.index_cast %swap3A_370 : i32 to index
        %swap3A_376 = arith.constant 64 : index
        %swap3A_377 = tpu.vector_load %swap3A_374[%swap3A_375, %swap3A_376] {strides = array<i32>} : memref<2x80xi32, #tpu.memory_space<vmem>>, vector<16xi32>,
        tpu.vector_store %swap3A_374[%swap3A_375, %swap3A_376], %select_n3A_368 {strides = array<i32>} : memref<2x80xi32, #tpu.memory_space<vmem>>, vector<16xi32>,
        %get3A_378 = arith.constant 0 : i32
        %get3A_379 = arith.constant 1 : i32
        %get3A_380 = arith.constant 0 : i32
        %get3A_381 = arith.constant 0 : i32
        %get3A_382 = tpu.memref_slice %arg8[%get3A_378, %get3A_380, %get3A_381] : memref<4x2x80xi32, #tpu.memory_space<vmem>> -> memref<1x2x80xi32, #tpu.memory_space<vmem>>
        %get3A_383 = tpu.memref_squeeze %get3A_382 : memref<1x2x80xi32, #tpu.memory_space<vmem>> -> memref<2x80xi32, #tpu.memory_space<vmem>>
        %get3A_384 = arith.index_cast %get3A_379 : i32 to index
        %get3A_385 = arith.constant 0 : index
        %get3A_386 = tpu.vector_load %get3A_383[%get3A_384, %get3A_385] {strides = array<i32>} : memref<2x80xi32, #tpu.memory_space<vmem>>, vector<16xi32>,
        %sub3A_387 = vector.broadcast %mul3A_77 : i32 to vector<16xi32>
        %sub3A_388 = arith.subi %get3A_386, %sub3A_387 : vector<16xi32>
        %ge3A_389 = arith.constant 0 : i32
        %ge3A_390 = vector.broadcast %ge3A_389 : i32 to vector<16xi32>
        %ge3A_391 = arith.cmpi sge, %sub3A_388, %ge3A_390 : vector<16xi32>
        %lt3A_392 = arith.constant 5000 : i32
        %lt3A_393 = vector.broadcast %lt3A_392 : i32 to vector<16xi32>
        %lt3A_394 = arith.cmpi slt, %sub3A_388, %lt3A_393 : vector<16xi32>
        %and3A_395 = arith.andi %ge3A_391, %lt3A_394 : vector<16xi1>
        %broadcast_in_dim3A_396 = arith.constant 5000 : i32
        %broadcast_in_dim3A_397 = vector.broadcast %broadcast_in_dim3A_396 : i32 to vector<16xi32>
        %select_n3A_398 = arith.select %and3A_395, %sub3A_388, %broadcast_in_dim3A_397 : vector<16xi1>, vector<16xi32>
        %swap3A_399 = arith.constant 0 : i32
        %swap3A_400 = arith.constant 1 : i32
        %swap3A_401 = arith.constant 0 : i32
        %swap3A_402 = arith.constant 0 : i32
        %swap3A_403 = tpu.memref_slice %arg8[%swap3A_399, %swap3A_401, %swap3A_402] : memref<4x2x80xi32, #tpu.memory_space<vmem>> -> memref<1x2x80xi32, #tpu.memory_space<vmem>>
        %swap3A_404 = tpu.memref_squeeze %swap3A_403 : memref<1x2x80xi32, #tpu.memory_space<vmem>> -> memref<2x80xi32, #tpu.memory_space<vmem>>
        %swap3A_405 = arith.index_cast %swap3A_400 : i32 to index
        %swap3A_406 = arith.constant 0 : index
        %swap3A_407 = tpu.vector_load %swap3A_404[%swap3A_405, %swap3A_406] {strides = array<i32>} : memref<2x80xi32, #tpu.memory_space<vmem>>, vector<16xi32>,
        tpu.vector_store %swap3A_404[%swap3A_405, %swap3A_406], %select_n3A_398 {strides = array<i32>} : memref<2x80xi32, #tpu.memory_space<vmem>>, vector<16xi32>,
        %get3A_408 = arith.constant 0 : i32
        %get3A_409 = arith.constant 1 : i32
        %get3A_410 = arith.constant 0 : i32
        %get3A_411 = arith.constant 0 : i32
        %get3A_412 = tpu.memref_slice %arg8[%get3A_408, %get3A_410, %get3A_411] : memref<4x2x80xi32, #tpu.memory_space<vmem>> -> memref<1x2x80xi32, #tpu.memory_space<vmem>>
        %get3A_413 = tpu.memref_squeeze %get3A_412 : memref<1x2x80xi32, #tpu.memory_space<vmem>> -> memref<2x80xi32, #tpu.memory_space<vmem>>
        %get3A_414 = arith.index_cast %get3A_409 : i32 to index
        %get3A_415 = arith.constant 16 : index
        %get3A_416 = tpu.vector_load %get3A_413[%get3A_414, %get3A_415] {strides = array<i32>} : memref<2x80xi32, #tpu.memory_space<vmem>>, vector<16xi32>,
        %sub3A_417 = vector.broadcast %mul3A_77 : i32 to vector<16xi32>
        %sub3A_418 = arith.subi %get3A_416, %sub3A_417 : vector<16xi32>
        %ge3A_419 = arith.constant 0 : i32
        %ge3A_420 = vector.broadcast %ge3A_419 : i32 to vector<16xi32>
        %ge3A_421 = arith.cmpi sge, %sub3A_418, %ge3A_420 : vector<16xi32>
        %lt3A_422 = arith.constant 5000 : i32
        %lt3A_423 = vector.broadcast %lt3A_422 : i32 to vector<16xi32>
        %lt3A_424 = arith.cmpi slt, %sub3A_418, %lt3A_423 : vector<16xi32>
        %and3A_425 = arith.andi %ge3A_421, %lt3A_424 : vector<16xi1>
        %broadcast_in_dim3A_426 = arith.constant 5000 : i32
        %broadcast_in_dim3A_427 = vector.broadcast %broadcast_in_dim3A_426 : i32 to vector<16xi32>
        %select_n3A_428 = arith.select %and3A_425, %sub3A_418, %broadcast_in_dim3A_427 : vector<16xi1>, vector<16xi32>
        %swap3A_429 = arith.constant 0 : i32
        %swap3A_430 = arith.constant 1 : i32
        %swap3A_431 = arith.constant 0 : i32
        %swap3A_432 = arith.constant 0 : i32
        %swap3A_433 = tpu.memref_slice %arg8[%swap3A_429, %swap3A_431, %swap3A_432] : memref<4x2x80xi32, #tpu.memory_space<vmem>> -> memref<1x2x80xi32, #tpu.memory_space<vmem>>
        %swap3A_434 = tpu.memref_squeeze %swap3A_433 : memref<1x2x80xi32, #tpu.memory_space<vmem>> -> memref<2x80xi32, #tpu.memory_space<vmem>>
        %swap3A_435 = arith.index_cast %swap3A_430 : i32 to index
        %swap3A_436 = arith.constant 16 : index
        %swap3A_437 = tpu.vector_load %swap3A_434[%swap3A_435, %swap3A_436] {strides = array<i32>} : memref<2x80xi32, #tpu.memory_space<vmem>>, vector<16xi32>,
        tpu.vector_store %swap3A_434[%swap3A_435, %swap3A_436], %select_n3A_428 {strides = array<i32>} : memref<2x80xi32, #tpu.memory_space<vmem>>, vector<16xi32>,
        %get3A_438 = arith.constant 0 : i32
        %get3A_439 = arith.constant 1 : i32
        %get3A_440 = arith.constant 0 : i32
        %get3A_441 = arith.constant 0 : i32
        %get3A_442 = tpu.memref_slice %arg8[%get3A_438, %get3A_440, %get3A_441] : memref<4x2x80xi32, #tpu.memory_space<vmem>> -> memref<1x2x80xi32, #tpu.memory_space<vmem>>
        %get3A_443 = tpu.memref_squeeze %get3A_442 : memref<1x2x80xi32, #tpu.memory_space<vmem>> -> memref<2x80xi32, #tpu.memory_space<vmem>>
        %get3A_444 = arith.index_cast %get3A_439 : i32 to index
        %get3A_445 = arith.constant 32 : index
        %get3A_446 = tpu.vector_load %get3A_443[%get3A_444, %get3A_445] {strides = array<i32>} : memref<2x80xi32, #tpu.memory_space<vmem>>, vector<16xi32>,
        %sub3A_447 = vector.broadcast %mul3A_77 : i32 to vector<16xi32>
        %sub3A_448 = arith.subi %get3A_446, %sub3A_447 : vector<16xi32>
        %ge3A_449 = arith.constant 0 : i32
        %ge3A_450 = vector.broadcast %ge3A_449 : i32 to vector<16xi32>
        %ge3A_451 = arith.cmpi sge, %sub3A_448, %ge3A_450 : vector<16xi32>
        %lt3A_452 = arith.constant 5000 : i32
        %lt3A_453 = vector.broadcast %lt3A_452 : i32 to vector<16xi32>
        %lt3A_454 = arith.cmpi slt, %sub3A_448, %lt3A_453 : vector<16xi32>
        %and3A_455 = arith.andi %ge3A_451, %lt3A_454 : vector<16xi1>
        %broadcast_in_dim3A_456 = arith.constant 5000 : i32
        %broadcast_in_dim3A_457 = vector.broadcast %broadcast_in_dim3A_456 : i32 to vector<16xi32>
        %select_n3A_458 = arith.select %and3A_455, %sub3A_448, %broadcast_in_dim3A_457 : vector<16xi1>, vector<16xi32>
        %swap3A_459 = arith.constant 0 : i32
        %swap3A_460 = arith.constant 1 : i32
        %swap3A_461 = arith.constant 0 : i32
        %swap3A_462 = arith.constant 0 : i32
        %swap3A_463 = tpu.memref_slice %arg8[%swap3A_459, %swap3A_461, %swap3A_462] : memref<4x2x80xi32, #tpu.memory_space<vmem>> -> memref<1x2x80xi32, #tpu.memory_space<vmem>>
        %swap3A_464 = tpu.memref_squeeze %swap3A_463 : memref<1x2x80xi32, #tpu.memory_space<vmem>> -> memref<2x80xi32, #tpu.memory_space<vmem>>
        %swap3A_465 = arith.index_cast %swap3A_460 : i32 to index
        %swap3A_466 = arith.constant 32 : index
        %swap3A_467 = tpu.vector_load %swap3A_464[%swap3A_465, %swap3A_466] {strides = array<i32>} : memref<2x80xi32, #tpu.memory_space<vmem>>, vector<16xi32>,
        tpu.vector_store %swap3A_464[%swap3A_465, %swap3A_466], %select_n3A_458 {strides = array<i32>} : memref<2x80xi32, #tpu.memory_space<vmem>>, vector<16xi32>,
        %get3A_468 = arith.constant 0 : i32
        %get3A_469 = arith.constant 1 : i32
        %get3A_470 = arith.constant 0 : i32
        %get3A_471 = arith.constant 0 : i32
        %get3A_472 = tpu.memref_slice %arg8[%get3A_468, %get3A_470, %get3A_471] : memref<4x2x80xi32, #tpu.memory_space<vmem>> -> memref<1x2x80xi32, #tpu.memory_space<vmem>>
        %get3A_473 = tpu.memref_squeeze %get3A_472 : memref<1x2x80xi32, #tpu.memory_space<vmem>> -> memref<2x80xi32, #tpu.memory_space<vmem>>
        %get3A_474 = arith.index_cast %get3A_469 : i32 to index
        %get3A_475 = arith.constant 48 : index
        %get3A_476 = tpu.vector_load %get3A_473[%get3A_474, %get3A_475] {strides = array<i32>} : memref<2x80xi32, #tpu.memory_space<vmem>>, vector<16xi32>,
        %sub3A_477 = vector.broadcast %mul3A_77 : i32 to vector<16xi32>
        %sub3A_478 = arith.subi %get3A_476, %sub3A_477 : vector<16xi32>
        %ge3A_479 = arith.constant 0 : i32
        %ge3A_480 = vector.broadcast %ge3A_479 : i32 to vector<16xi32>
        %ge3A_481 = arith.cmpi sge, %sub3A_478, %ge3A_480 : vector<16xi32>
        %lt3A_482 = arith.constant 5000 : i32
        %lt3A_483 = vector.broadcast %lt3A_482 : i32 to vector<16xi32>
        %lt3A_484 = arith.cmpi slt, %sub3A_478, %lt3A_483 : vector<16xi32>
        %and3A_485 = arith.andi %ge3A_481, %lt3A_484 : vector<16xi1>
        %broadcast_in_dim3A_486 = arith.constant 5000 : i32
        %broadcast_in_dim3A_487 = vector.broadcast %broadcast_in_dim3A_486 : i32 to vector<16xi32>
        %select_n3A_488 = arith.select %and3A_485, %sub3A_478, %broadcast_in_dim3A_487 : vector<16xi1>, vector<16xi32>
        %swap3A_489 = arith.constant 0 : i32
        %swap3A_490 = arith.constant 1 : i32
        %swap3A_491 = arith.constant 0 : i32
        %swap3A_492 = arith.constant 0 : i32
        %swap3A_493 = tpu.memref_slice %arg8[%swap3A_489, %swap3A_491, %swap3A_492] : memref<4x2x80xi32, #tpu.memory_space<vmem>> -> memref<1x2x80xi32, #tpu.memory_space<vmem>>
        %swap3A_494 = tpu.memref_squeeze %swap3A_493 : memref<1x2x80xi32, #tpu.memory_space<vmem>> -> memref<2x80xi32, #tpu.memory_space<vmem>>
        %swap3A_495 = arith.index_cast %swap3A_490 : i32 to index
        %swap3A_496 = arith.constant 48 : index
        %swap3A_497 = tpu.vector_load %swap3A_494[%swap3A_495, %swap3A_496] {strides = array<i32>} : memref<2x80xi32, #tpu.memory_space<vmem>>, vector<16xi32>,
        tpu.vector_store %swap3A_494[%swap3A_495, %swap3A_496], %select_n3A_488 {strides = array<i32>} : memref<2x80xi32, #tpu.memory_space<vmem>>, vector<16xi32>,
        %get3A_498 = arith.constant 0 : i32
        %get3A_499 = arith.constant 1 : i32
        %get3A_500 = arith.constant 0 : i32
        %get3A_501 = arith.constant 0 : i32
        %get3A_502 = tpu.memref_slice %arg8[%get3A_498, %get3A_500, %get3A_501] : memref<4x2x80xi32, #tpu.memory_space<vmem>> -> memref<1x2x80xi32, #tpu.memory_space<vmem>>
        %get3A_503 = tpu.memref_squeeze %get3A_502 : memref<1x2x80xi32, #tpu.memory_space<vmem>> -> memref<2x80xi32, #tpu.memory_space<vmem>>
        %get3A_504 = arith.index_cast %get3A_499 : i32 to index
        %get3A_505 = arith.constant 64 : index
        %get3A_506 = tpu.vector_load %get3A_503[%get3A_504, %get3A_505] {strides = array<i32>} : memref<2x80xi32, #tpu.memory_space<vmem>>, vector<16xi32>,
        %sub3A_507 = vector.broadcast %mul3A_77 : i32 to vector<16xi32>
        %sub3A_508 = arith.subi %get3A_506, %sub3A_507 : vector<16xi32>
        %ge3A_509 = arith.constant 0 : i32
        %ge3A_510 = vector.broadcast %ge3A_509 : i32 to vector<16xi32>
        %ge3A_511 = arith.cmpi sge, %sub3A_508, %ge3A_510 : vector<16xi32>
        %lt3A_512 = arith.constant 5000 : i32
        %lt3A_513 = vector.broadcast %lt3A_512 : i32 to vector<16xi32>
        %lt3A_514 = arith.cmpi slt, %sub3A_508, %lt3A_513 : vector<16xi32>
        %and3A_515 = arith.andi %ge3A_511, %lt3A_514 : vector<16xi1>
        %broadcast_in_dim3A_516 = arith.constant 5000 : i32
        %broadcast_in_dim3A_517 = vector.broadcast %broadcast_in_dim3A_516 : i32 to vector<16xi32>
        %select_n3A_518 = arith.select %and3A_515, %sub3A_508, %broadcast_in_dim3A_517 : vector<16xi1>, vector<16xi32>
        %swap3A_519 = arith.constant 0 : i32
        %swap3A_520 = arith.constant 1 : i32
        %swap3A_521 = arith.constant 0 : i32
        %swap3A_522 = arith.constant 0 : i32
        %swap3A_523 = tpu.memref_slice %arg8[%swap3A_519, %swap3A_521, %swap3A_522] : memref<4x2x80xi32, #tpu.memory_space<vmem>> -> memref<1x2x80xi32, #tpu.memory_space<vmem>>
        %swap3A_524 = tpu.memref_squeeze %swap3A_523 : memref<1x2x80xi32, #tpu.memory_space<vmem>> -> memref<2x80xi32, #tpu.memory_space<vmem>>
        %swap3A_525 = arith.index_cast %swap3A_520 : i32 to index
        %swap3A_526 = arith.constant 64 : index
        %swap3A_527 = tpu.vector_load %swap3A_524[%swap3A_525, %swap3A_526] {strides = array<i32>} : memref<2x80xi32, #tpu.memory_space<vmem>>, vector<16xi32>,
        tpu.vector_store %swap3A_524[%swap3A_525, %swap3A_526], %select_n3A_518 {strides = array<i32>} : memref<2x80xi32, #tpu.memory_space<vmem>>, vector<16xi32>,
        %dma_start3A = arith.constant 0 : i32
        %dma_start3A_528 = arith.constant 0 : i32
        %dma_start3A_529 = arith.constant 0 : i32
        %dma_start3A_530 = arith.constant 0 : i32
        %dma_start3A_531 = arith.constant 0 : i32
        %dma_start3A_532 = tpu.memref_slice %arg7[%dma_start3A, %dma_start3A_530, %dma_start3A_531] : memref<4x160x128xf32, #tpu.memory_space<vmem>> -> memref<1x160x128xf32, #tpu.memory_space<vmem>>
        %dma_start3A_533 = tpu.memref_squeeze %dma_start3A_532 : memref<1x160x128xf32, #tpu.memory_space<vmem>> -> memref<160x128xf32, #tpu.memory_space<vmem>>
        %dma_start3A_534 = arith.constant 0 : i32
        %dma_start3A_535 = arith.constant 0 : i32
        %dma_start3A_536 = tpu.memref_slice %dma_start3A_533[%dma_start3A_534, %dma_start3A_535] : memref<160x128xf32, #tpu.memory_space<vmem>> -> memref<80x128xf32, #tpu.memory_space<vmem>>
        %dma_start3A_537 = arith.constant 0 : i32
        %dma_start3A_538 = arith.constant 0 : i32
        %dma_start3A_539 = tpu.memref_slice %arg8[%dma_start3A_528, %dma_start3A_537, %dma_start3A_538] : memref<4x2x80xi32, #tpu.memory_space<vmem>> -> memref<1x2x80xi32, #tpu.memory_space<vmem>>
        %dma_start3A_540 = tpu.memref_squeeze %dma_start3A_539 : memref<1x2x80xi32, #tpu.memory_space<vmem>> -> memref<2x80xi32, #tpu.memory_space<vmem>>
        %dma_start3A_541 = arith.constant 0 : i32
        %dma_start3A_542 = tpu.memref_slice %dma_start3A_540[%dma_start3A_529, %dma_start3A_541] : memref<2x80xi32, #tpu.memory_space<vmem>> -> memref<1x80xi32, #tpu.memory_space<vmem>>
        %dma_start3A_543 = tpu.memref_squeeze %dma_start3A_542 : memref<1x80xi32, #tpu.memory_space<vmem>> -> memref<80xi32, #tpu.memory_space<vmem>>
        %dma_start3A_544 = arith.constant 0 : i32
        %dma_start3A_545 = arith.constant 0 : i32
        %dma_start3A_546 = tpu.memref_slice %arg6[%dma_start3A_544, %dma_start3A_545] : memref<5008x128xf32, #tpu.memory_space<vmem_shared>> -> memref<5008x128xf32, #tpu.memory_space<vmem_shared>>
        tpu.enqueue_indirect_dma source(%dma_start3A_536 : memref<80x128xf32, #tpu.memory_space<vmem>>) target(%dma_start3A_546 : memref<5008x128xf32, #tpu.memory_space<vmem_shared>>) offsets(%dma_start3A_543 : memref<80xi32, #tpu.memory_space<vmem>>) semaphore(%arg19 : memref<!tpu.dma_semaphore, #tpu.memory_space<semaphore_mem>>) {add = true}
        %dma_start3A_547 = arith.constant 0 : i32
        %dma_start3A_548 = arith.constant 0 : i32
        %dma_start3A_549 = arith.constant 1 : i32
        %dma_start3A_550 = arith.constant 0 : i32
        %dma_start3A_551 = arith.constant 0 : i32
        %dma_start3A_552 = tpu.memref_slice %arg7[%dma_start3A_547, %dma_start3A_550, %dma_start3A_551] : memref<4x160x128xf32, #tpu.memory_space<vmem>> -> memref<1x160x128xf32, #tpu.memory_space<vmem>>
        %dma_start3A_553 = tpu.memref_squeeze %dma_start3A_552 : memref<1x160x128xf32, #tpu.memory_space<vmem>> -> memref<160x128xf32, #tpu.memory_space<vmem>>
        %dma_start3A_554 = arith.constant 80 : i32
        %dma_start3A_555 = arith.constant 0 : i32
        %dma_start3A_556 = tpu.memref_slice %dma_start3A_553[%dma_start3A_554, %dma_start3A_555] : memref<160x128xf32, #tpu.memory_space<vmem>> -> memref<80x128xf32, #tpu.memory_space<vmem>>
        %dma_start3A_557 = arith.constant 0 : i32
        %dma_start3A_558 = arith.constant 0 : i32
        %dma_start3A_559 = tpu.memref_slice %arg8[%dma_start3A_548, %dma_start3A_557, %dma_start3A_558] : memref<4x2x80xi32, #tpu.memory_space<vmem>> -> memref<1x2x80xi32, #tpu.memory_space<vmem>>
        %dma_start3A_560 = tpu.memref_squeeze %dma_start3A_559 : memref<1x2x80xi32, #tpu.memory_space<vmem>> -> memref<2x80xi32, #tpu.memory_space<vmem>>
        %dma_start3A_561 = arith.constant 0 : i32
        %dma_start3A_562 = tpu.memref_slice %dma_start3A_560[%dma_start3A_549, %dma_start3A_561] : memref<2x80xi32, #tpu.memory_space<vmem>> -> memref<1x80xi32, #tpu.memory_space<vmem>>
        %dma_start3A_563 = tpu.memref_squeeze %dma_start3A_562 : memref<1x80xi32, #tpu.memory_space<vmem>> -> memref<80xi32, #tpu.memory_space<vmem>>
        %dma_start3A_564 = arith.constant 0 : i32
        %dma_start3A_565 = arith.constant 0 : i32
        %dma_start3A_566 = tpu.memref_slice %arg6[%dma_start3A_564, %dma_start3A_565] : memref<5008x128xf32, #tpu.memory_space<vmem_shared>> -> memref<5008x128xf32, #tpu.memory_space<vmem_shared>>
        tpu.enqueue_indirect_dma source(%dma_start3A_556 : memref<80x128xf32, #tpu.memory_space<vmem>>) target(%dma_start3A_566 : memref<5008x128xf32, #tpu.memory_space<vmem_shared>>) offsets(%dma_start3A_563 : memref<80xi32, #tpu.memory_space<vmem>>) semaphore(%arg19 : memref<!tpu.dma_semaphore, #tpu.memory_space<semaphore_mem>>) {add = true}
        %dma_wait3A_567 = arith.constant 0 : i32
        %dma_wait3A_568 = arith.constant 0 : i32
        %dma_wait3A_569 = arith.constant 0 : i32
        %dma_wait3A_570 = arith.constant 0 : i32
        %dma_wait3A_571 = arith.constant 0 : i32
        %dma_wait3A_572 = tpu.memref_slice %arg7[%dma_wait3A_567, %dma_wait3A_570, %dma_wait3A_571] : memref<4x160x128xf32, #tpu.memory_space<vmem>> -> memref<1x160x128xf32, #tpu.memory_space<vmem>>
        %dma_wait3A_573 = tpu.memref_squeeze %dma_wait3A_572 : memref<1x160x128xf32, #tpu.memory_space<vmem>> -> memref<160x128xf32, #tpu.memory_space<vmem>>
        %dma_wait3A_574 = arith.constant 0 : i32
        %dma_wait3A_575 = arith.constant 0 : i32
        %dma_wait3A_576 = tpu.memref_slice %dma_wait3A_573[%dma_wait3A_574, %dma_wait3A_575] : memref<160x128xf32, #tpu.memory_space<vmem>> -> memref<80x128xf32, #tpu.memory_space<vmem>>
        %dma_wait3A_577 = arith.constant 0 : i32
        %dma_wait3A_578 = arith.constant 0 : i32
        %dma_wait3A_579 = tpu.memref_slice %arg8[%dma_wait3A_568, %dma_wait3A_577, %dma_wait3A_578] : memref<4x2x80xi32, #tpu.memory_space<vmem>> -> memref<1x2x80xi32, #tpu.memory_space<vmem>>
        %dma_wait3A_580 = tpu.memref_squeeze %dma_wait3A_579 : memref<1x2x80xi32, #tpu.memory_space<vmem>> -> memref<2x80xi32, #tpu.memory_space<vmem>>
        %dma_wait3A_581 = arith.constant 0 : i32
        %dma_wait3A_582 = tpu.memref_slice %dma_wait3A_580[%dma_wait3A_569, %dma_wait3A_581] : memref<2x80xi32, #tpu.memory_space<vmem>> -> memref<1x80xi32, #tpu.memory_space<vmem>>
        %dma_wait3A_583 = tpu.memref_squeeze %dma_wait3A_582 : memref<1x80xi32, #tpu.memory_space<vmem>> -> memref<80xi32, #tpu.memory_space<vmem>>
        %dma_wait3A_584 = arith.constant 0 : i32
        %dma_wait3A_585 = arith.constant 0 : i32
        %dma_wait3A_586 = tpu.memref_slice %arg6[%dma_wait3A_584, %dma_wait3A_585] : memref<5008x128xf32, #tpu.memory_space<vmem_shared>> -> memref<5008x128xf32, #tpu.memory_space<vmem_shared>>
        tpu.wait_indirect_dma semaphore(%arg19 : memref<!tpu.dma_semaphore, #tpu.memory_space<semaphore_mem>>) src(%dma_wait3A_576 : memref<80x128xf32, #tpu.memory_space<vmem>>) dst(%dma_wait3A_586 : memref<5008x128xf32, #tpu.memory_space<vmem_shared>>)
        %dma_wait3A_587 = arith.constant 0 : i32
        %dma_wait3A_588 = arith.constant 0 : i32
        %dma_wait3A_589 = arith.constant 1 : i32
        %dma_wait3A_590 = arith.constant 0 : i32
        %dma_wait3A_591 = arith.constant 0 : i32
        %dma_wait3A_592 = tpu.memref_slice %arg7[%dma_wait3A_587, %dma_wait3A_590, %dma_wait3A_591] : memref<4x160x128xf32, #tpu.memory_space<vmem>> -> memref<1x160x128xf32, #tpu.memory_space<vmem>>
        %dma_wait3A_593 = tpu.memref_squeeze %dma_wait3A_592 : memref<1x160x128xf32, #tpu.memory_space<vmem>> -> memref<160x128xf32, #tpu.memory_space<vmem>>
        %dma_wait3A_594 = arith.constant 80 : i32
        %dma_wait3A_595 = arith.constant 0 : i32
        %dma_wait3A_596 = tpu.memref_slice %dma_wait3A_593[%dma_wait3A_594, %dma_wait3A_595] : memref<160x128xf32, #tpu.memory_space<vmem>> -> memref<80x128xf32, #tpu.memory_space<vmem>>
        %dma_wait3A_597 = arith.constant 0 : i32
        %dma_wait3A_598 = arith.constant 0 : i32
        %dma_wait3A_599 = tpu.memref_slice %arg8[%dma_wait3A_588, %dma_wait3A_597, %dma_wait3A_598] : memref<4x2x80xi32, #tpu.memory_space<vmem>> -> memref<1x2x80xi32, #tpu.memory_space<vmem>>
        %dma_wait3A_600 = tpu.memref_squeeze %dma_wait3A_599 : memref<1x2x80xi32, #tpu.memory_space<vmem>> -> memref<2x80xi32, #tpu.memory_space<vmem>>
        %dma_wait3A_601 = arith.constant 0 : i32
        %dma_wait3A_602 = tpu.memref_slice %dma_wait3A_600[%dma_wait3A_589, %dma_wait3A_601] : memref<2x80xi32, #tpu.memory_space<vmem>> -> memref<1x80xi32, #tpu.memory_space<vmem>>
        %dma_wait3A_603 = tpu.memref_squeeze %dma_wait3A_602 : memref<1x80xi32, #tpu.memory_space<vmem>> -> memref<80xi32, #tpu.memory_space<vmem>>
        %dma_wait3A_604 = arith.constant 0 : i32
        %dma_wait3A_605 = arith.constant 0 : i32
        %dma_wait3A_606 = tpu.memref_slice %arg6[%dma_wait3A_604, %dma_wait3A_605] : memref<5008x128xf32, #tpu.memory_space<vmem_shared>> -> memref<5008x128xf32, #tpu.memory_space<vmem_shared>>
        tpu.wait_indirect_dma semaphore(%arg19 : memref<!tpu.dma_semaphore, #tpu.memory_space<semaphore_mem>>) src(%dma_wait3A_596 : memref<80x128xf32, #tpu.memory_space<vmem>>) dst(%dma_wait3A_606 : memref<5008x128xf32, #tpu.memory_space<vmem_shared>>)
      } else {
      }
      %add3A_148 = arith.constant 4 : i32
      %add3A_149 = arith.addi %add3A_143, %add3A_148 : i32
      %lt3A_150 = arith.cmpi slt, %add3A_149, %max3A_43 : i32
      %convert_element_type3A_151 = arith.extui %lt3A_150 : i1 to i32
      %cond3A_152 = arith.constant 0 : i32
      %cond3A_153 = arith.cmpi ne, %convert_element_type3A_151, %cond3A_152 : i32
      scf.if %cond3A_153 {
        %add3A_196 = arith.constant 4 : i32
        %add3A_197 = arith.addi %add3A_143, %add3A_196 : i32
        %add3A_198 = arith.addi %select_n3A, %arg1 : i32
        %mul3A_199 = arith.constant 16 : i32
        %mul3A_200 = arith.muli %add3A_197, %mul3A_199 : i32
        %add3A_201 = arith.addi %add3A_198, %mul3A_200 : i32
        %mul3A_202 = arith.constant 160 : i32
        %mul3A_203 = arith.muli %add3A_201, %mul3A_202 : i32
        %dma_start3A = arith.constant 0 : i32
        %dma_start3A_204 = arith.constant 0 : i32
        %dma_start3A_205 = arith.constant 0 : i32
        %dma_start3A_206 = tpu.memref_slice %arg7[%dma_start3A, %dma_start3A_204, %dma_start3A_205] : memref<4x160x128xf32, #tpu.memory_space<vmem>> -> memref<1x160x128xf32, #tpu.memory_space<vmem>>
        %dma_start3A_207 = tpu.memref_squeeze %dma_start3A_206 : memref<1x160x128xf32, #tpu.memory_space<vmem>> -> memref<160x128xf32, #tpu.memory_space<vmem>>
        %dma_start3A_208 = arith.constant 0 : i32
        %dma_start3A_209 = tpu.memref_slice %arg2[%mul3A_203, %dma_start3A_208] : memref<320000x128xf32, #tpu.memory_space<hbm>> -> memref<160x128xf32, #tpu.memory_space<hbm>>
        %dma_start3A_210 = arith.constant 0 : i32
        %dma_start3A_211 = arith.constant 0 : i32
        %dma_start3A_212 = tpu.memref_slice %arg7[%dma_start3A, %dma_start3A_210, %dma_start3A_211] : memref<4x160x128xf32, #tpu.memory_space<vmem>> -> memref<1x160x128xf32, #tpu.memory_space<vmem>>
        %dma_start3A_213 = tpu.memref_squeeze %dma_start3A_212 : memref<1x160x128xf32, #tpu.memory_space<vmem>> -> memref<160x128xf32, #tpu.memory_space<vmem>>
        %dma_start3A_214 = arith.constant 0 : i32
        %dma_start3A_215 = tpu.memref_slice %arg2[%mul3A_203, %dma_start3A_214] : memref<320000x128xf32, #tpu.memory_space<hbm>> -> memref<160x128xf32, #tpu.memory_space<hbm>>
        tpu.enqueue_dma source(%dma_start3A_215 : memref<160x128xf32, #tpu.memory_space<hbm>>) target(%dma_start3A_213 : memref<160x128xf32, #tpu.memory_space<vmem>>) target_semaphore(%arg11 : memref<!tpu.dma_semaphore, #tpu.memory_space<semaphore_mem>>)
        %dma_start3A_216 = arith.constant 0 : i32
        %dma_start3A_217 = arith.constant 0 : i32
        %dma_start3A_218 = arith.constant 0 : i32
        %dma_start3A_219 = tpu.memref_slice %arg8[%dma_start3A_216, %dma_start3A_217, %dma_start3A_218] : memref<4x2x80xi32, #tpu.memory_space<vmem>> -> memref<1x2x80xi32, #tpu.memory_space<vmem>>
        %dma_start3A_220 = tpu.memref_squeeze %dma_start3A_219 : memref<1x2x80xi32, #tpu.memory_space<vmem>> -> memref<2x80xi32, #tpu.memory_space<vmem>>
        %dma_start3A_221 = arith.constant 0 : i32
        %dma_start3A_222 = arith.constant 0 : i32
        %dma_start3A_223 = tpu.memref_slice %arg3[%add3A_201, %dma_start3A_221, %dma_start3A_222] : memref<2000x2x80xi32, #tpu.memory_space<hbm>> -> memref<1x2x80xi32, #tpu.memory_space<hbm>>
        %dma_start3A_224 = tpu.memref_squeeze %dma_start3A_223 : memref<1x2x80xi32, #tpu.memory_space<hbm>> -> memref<2x80xi32, #tpu.memory_space<hbm>>
        %dma_start3A_225 = arith.constant 0 : i32
        %dma_start3A_226 = arith.constant 0 : i32
        %dma_start3A_227 = tpu.memref_slice %arg8[%dma_start3A_216, %dma_start3A_225, %dma_start3A_226] : memref<4x2x80xi32, #tpu.memory_space<vmem>> -> memref<1x2x80xi32, #tpu.memory_space<vmem>>
        %dma_start3A_228 = tpu.memref_squeeze %dma_start3A_227 : memref<1x2x80xi32, #tpu.memory_space<vmem>> -> memref<2x80xi32, #tpu.memory_space<vmem>>
        %dma_start3A_229 = arith.constant 0 : i32
        %dma_start3A_230 = arith.constant 0 : i32
        %dma_start3A_231 = tpu.memref_slice %arg3[%add3A_201, %dma_start3A_229, %dma_start3A_230] : memref<2000x2x80xi32, #tpu.memory_space<hbm>> -> memref<1x2x80xi32, #tpu.memory_space<hbm>>
        %dma_start3A_232 = tpu.memref_squeeze %dma_start3A_231 : memref<1x2x80xi32, #tpu.memory_space<hbm>> -> memref<2x80xi32, #tpu.memory_space<hbm>>
        tpu.enqueue_dma source(%dma_start3A_232 : memref<2x80xi32, #tpu.memory_space<hbm>>) target(%dma_start3A_228 : memref<2x80xi32, #tpu.memory_space<vmem>>) target_semaphore(%arg15 : memref<!tpu.dma_semaphore, #tpu.memory_space<semaphore_mem>>)
      } else {
      }
      %mul3A_154 = arith.constant 4 : i32
      %mul3A_155 = arith.muli %add3A_139, %mul3A_154 : i32
      %add3A_156 = arith.constant 1 : i32
      %add3A_157 = arith.addi %mul3A_155, %add3A_156 : i32
      %lt3A_158 = arith.cmpi slt, %add3A_157, %max3A_43 : i32
      %convert_element_type3A_159 = arith.extui %lt3A_158 : i1 to i32
      %cond3A_160 = arith.constant 0 : i32
      %cond3A_161 = arith.cmpi ne, %convert_element_type3A_159, %cond3A_160 : i32
      scf.if %cond3A_161 {
        %add3A_196 = arith.addi %select_n3A, %arg1 : i32
        %mul3A_197 = arith.constant 16 : i32
        %mul3A_198 = arith.muli %add3A_157, %mul3A_197 : i32
        %add3A_199 = arith.addi %add3A_196, %mul3A_198 : i32
        %mul3A_200 = arith.constant 160 : i32
        %mul3A_201 = arith.muli %add3A_199, %mul3A_200 : i32
        %dma_wait3A = arith.constant 1 : i32
        %dma_wait3A_202 = arith.constant 0 : i32
        %dma_wait3A_203 = arith.constant 0 : i32
        %dma_wait3A_204 = tpu.memref_slice %arg7[%dma_wait3A, %dma_wait3A_202, %dma_wait3A_203] : memref<4x160x128xf32, #tpu.memory_space<vmem>> -> memref<1x160x128xf32, #tpu.memory_space<vmem>>
        %dma_wait3A_205 = tpu.memref_squeeze %dma_wait3A_204 : memref<1x160x128xf32, #tpu.memory_space<vmem>> -> memref<160x128xf32, #tpu.memory_space<vmem>>
        %dma_wait3A_206 = arith.constant 0 : i32
        %dma_wait3A_207 = tpu.memref_slice %arg2[%mul3A_201, %dma_wait3A_206] : memref<320000x128xf32, #tpu.memory_space<hbm>> -> memref<160x128xf32, #tpu.memory_space<hbm>>
        %dma_wait3A_208 = arith.constant 0 : i32
        %dma_wait3A_209 = arith.constant 0 : i32
        %dma_wait3A_210 = tpu.memref_slice %arg7[%dma_wait3A, %dma_wait3A_208, %dma_wait3A_209] : memref<4x160x128xf32, #tpu.memory_space<vmem>> -> memref<1x160x128xf32, #tpu.memory_space<vmem>>
        %dma_wait3A_211 = tpu.memref_squeeze %dma_wait3A_210 : memref<1x160x128xf32, #tpu.memory_space<vmem>> -> memref<160x128xf32, #tpu.memory_space<vmem>>
        %dma_wait3A_212 = arith.constant 0 : i32
        %dma_wait3A_213 = tpu.memref_slice %arg2[%mul3A_201, %dma_wait3A_212] : memref<320000x128xf32, #tpu.memory_space<hbm>> -> memref<160x128xf32, #tpu.memory_space<hbm>>
        tpu.wait_dma2 semaphore(%arg12 : memref<!tpu.dma_semaphore, #tpu.memory_space<semaphore_mem>>) src(%dma_wait3A_213 : memref<160x128xf32, #tpu.memory_space<hbm>>) dst(%dma_wait3A_211 : memref<160x128xf32, #tpu.memory_space<vmem>>)
        %dma_wait3A_214 = arith.constant 1 : i32
        %dma_wait3A_215 = arith.constant 0 : i32
        %dma_wait3A_216 = arith.constant 0 : i32
        %dma_wait3A_217 = tpu.memref_slice %arg8[%dma_wait3A_214, %dma_wait3A_215, %dma_wait3A_216] : memref<4x2x80xi32, #tpu.memory_space<vmem>> -> memref<1x2x80xi32, #tpu.memory_space<vmem>>
        %dma_wait3A_218 = tpu.memref_squeeze %dma_wait3A_217 : memref<1x2x80xi32, #tpu.memory_space<vmem>> -> memref<2x80xi32, #tpu.memory_space<vmem>>
        %dma_wait3A_219 = arith.constant 0 : i32
        %dma_wait3A_220 = arith.constant 0 : i32
        %dma_wait3A_221 = tpu.memref_slice %arg3[%add3A_199, %dma_wait3A_219, %dma_wait3A_220] : memref<2000x2x80xi32, #tpu.memory_space<hbm>> -> memref<1x2x80xi32, #tpu.memory_space<hbm>>
        %dma_wait3A_222 = tpu.memref_squeeze %dma_wait3A_221 : memref<1x2x80xi32, #tpu.memory_space<hbm>> -> memref<2x80xi32, #tpu.memory_space<hbm>>
        %dma_wait3A_223 = arith.constant 0 : i32
        %dma_wait3A_224 = arith.constant 0 : i32
        %dma_wait3A_225 = tpu.memref_slice %arg8[%dma_wait3A_214, %dma_wait3A_223, %dma_wait3A_224] : memref<4x2x80xi32, #tpu.memory_space<vmem>> -> memref<1x2x80xi32, #tpu.memory_space<vmem>>
        %dma_wait3A_226 = tpu.memref_squeeze %dma_wait3A_225 : memref<1x2x80xi32, #tpu.memory_space<vmem>> -> memref<2x80xi32, #tpu.memory_space<vmem>>
        %dma_wait3A_227 = arith.constant 0 : i32
        %dma_wait3A_228 = arith.constant 0 : i32
        %dma_wait3A_229 = tpu.memref_slice %arg3[%add3A_199, %dma_wait3A_227, %dma_wait3A_228] : memref<2000x2x80xi32, #tpu.memory_space<hbm>> -> memref<1x2x80xi32, #tpu.memory_space<hbm>>
        %dma_wait3A_230 = tpu.memref_squeeze %dma_wait3A_229 : memref<1x2x80xi32, #tpu.memory_space<hbm>> -> memref<2x80xi32, #tpu.memory_space<hbm>>
        tpu.wait_dma2 semaphore(%arg16 : memref<!tpu.dma_semaphore, #tpu.memory_space<semaphore_mem>>) src(%dma_wait3A_230 : memref<2x80xi32, #tpu.memory_space<hbm>>) dst(%dma_wait3A_226 : memref<2x80xi32, #tpu.memory_space<vmem>>)
        %get3A_231 = arith.constant 1 : i32
        %get3A_232 = arith.constant 0 : i32
        %get3A_233 = arith.constant 0 : i32
        %get3A_234 = arith.constant 0 : i32
        %get3A_235 = tpu.memref_slice %arg8[%get3A_231, %get3A_233, %get3A_234] : memref<4x2x80xi32, #tpu.memory_space<vmem>> -> memref<1x2x80xi32, #tpu.memory_space<vmem>>
        %get3A_236 = tpu.memref_squeeze %get3A_235 : memref<1x2x80xi32, #tpu.memory_space<vmem>> -> memref<2x80xi32, #tpu.memory_space<vmem>>
        %get3A_237 = arith.index_cast %get3A_232 : i32 to index
        %get3A_238 = arith.constant 0 : index
        %get3A_239 = tpu.vector_load %get3A_236[%get3A_237, %get3A_238] {strides = array<i32>} : memref<2x80xi32, #tpu.memory_space<vmem>>, vector<16xi32>,
        %sub3A_240 = vector.broadcast %mul3A_77 : i32 to vector<16xi32>
        %sub3A_241 = arith.subi %get3A_239, %sub3A_240 : vector<16xi32>
        %ge3A = arith.constant 0 : i32
        %ge3A_242 = vector.broadcast %ge3A : i32 to vector<16xi32>
        %ge3A_243 = arith.cmpi sge, %sub3A_241, %ge3A_242 : vector<16xi32>
        %lt3A_244 = arith.constant 5000 : i32
        %lt3A_245 = vector.broadcast %lt3A_244 : i32 to vector<16xi32>
        %lt3A_246 = arith.cmpi slt, %sub3A_241, %lt3A_245 : vector<16xi32>
        %and3A_247 = arith.andi %ge3A_243, %lt3A_246 : vector<16xi1>
        %broadcast_in_dim3A = arith.constant 5000 : i32
        %broadcast_in_dim3A_248 = vector.broadcast %broadcast_in_dim3A : i32 to vector<16xi32>
        %select_n3A_249 = arith.select %and3A_247, %sub3A_241, %broadcast_in_dim3A_248 : vector<16xi1>, vector<16xi32>
        %swap3A = arith.constant 1 : i32
        %swap3A_250 = arith.constant 0 : i32
        %swap3A_251 = arith.constant 0 : i32
        %swap3A_252 = arith.constant 0 : i32
        %swap3A_253 = tpu.memref_slice %arg8[%swap3A, %swap3A_251, %swap3A_252] : memref<4x2x80xi32, #tpu.memory_space<vmem>> -> memref<1x2x80xi32, #tpu.memory_space<vmem>>
        %swap3A_254 = tpu.memref_squeeze %swap3A_253 : memref<1x2x80xi32, #tpu.memory_space<vmem>> -> memref<2x80xi32, #tpu.memory_space<vmem>>
        %swap3A_255 = arith.index_cast %swap3A_250 : i32 to index
        %swap3A_256 = arith.constant 0 : index
        %swap3A_257 = tpu.vector_load %swap3A_254[%swap3A_255, %swap3A_256] {strides = array<i32>} : memref<2x80xi32, #tpu.memory_space<vmem>>, vector<16xi32>,
        tpu.vector_store %swap3A_254[%swap3A_255, %swap3A_256], %select_n3A_249 {strides = array<i32>} : memref<2x80xi32, #tpu.memory_space<vmem>>, vector<16xi32>,
        %get3A_258 = arith.constant 1 : i32
        %get3A_259 = arith.constant 0 : i32
        %get3A_260 = arith.constant 0 : i32
        %get3A_261 = arith.constant 0 : i32
        %get3A_262 = tpu.memref_slice %arg8[%get3A_258, %get3A_260, %get3A_261] : memref<4x2x80xi32, #tpu.memory_space<vmem>> -> memref<1x2x80xi32, #tpu.memory_space<vmem>>
        %get3A_263 = tpu.memref_squeeze %get3A_262 : memref<1x2x80xi32, #tpu.memory_space<vmem>> -> memref<2x80xi32, #tpu.memory_space<vmem>>
        %get3A_264 = arith.index_cast %get3A_259 : i32 to index
        %get3A_265 = arith.constant 16 : index
        %get3A_266 = tpu.vector_load %get3A_263[%get3A_264, %get3A_265] {strides = array<i32>} : memref<2x80xi32, #tpu.memory_space<vmem>>, vector<16xi32>,
        %sub3A_267 = vector.broadcast %mul3A_77 : i32 to vector<16xi32>
        %sub3A_268 = arith.subi %get3A_266, %sub3A_267 : vector<16xi32>
        %ge3A_269 = arith.constant 0 : i32
        %ge3A_270 = vector.broadcast %ge3A_269 : i32 to vector<16xi32>
        %ge3A_271 = arith.cmpi sge, %sub3A_268, %ge3A_270 : vector<16xi32>
        %lt3A_272 = arith.constant 5000 : i32
        %lt3A_273 = vector.broadcast %lt3A_272 : i32 to vector<16xi32>
        %lt3A_274 = arith.cmpi slt, %sub3A_268, %lt3A_273 : vector<16xi32>
        %and3A_275 = arith.andi %ge3A_271, %lt3A_274 : vector<16xi1>
        %broadcast_in_dim3A_276 = arith.constant 5000 : i32
        %broadcast_in_dim3A_277 = vector.broadcast %broadcast_in_dim3A_276 : i32 to vector<16xi32>
        %select_n3A_278 = arith.select %and3A_275, %sub3A_268, %broadcast_in_dim3A_277 : vector<16xi1>, vector<16xi32>
        %swap3A_279 = arith.constant 1 : i32
        %swap3A_280 = arith.constant 0 : i32
        %swap3A_281 = arith.constant 0 : i32
        %swap3A_282 = arith.constant 0 : i32
        %swap3A_283 = tpu.memref_slice %arg8[%swap3A_279, %swap3A_281, %swap3A_282] : memref<4x2x80xi32, #tpu.memory_space<vmem>> -> memref<1x2x80xi32, #tpu.memory_space<vmem>>
        %swap3A_284 = tpu.memref_squeeze %swap3A_283 : memref<1x2x80xi32, #tpu.memory_space<vmem>> -> memref<2x80xi32, #tpu.memory_space<vmem>>
        %swap3A_285 = arith.index_cast %swap3A_280 : i32 to index
        %swap3A_286 = arith.constant 16 : index
        %swap3A_287 = tpu.vector_load %swap3A_284[%swap3A_285, %swap3A_286] {strides = array<i32>} : memref<2x80xi32, #tpu.memory_space<vmem>>, vector<16xi32>,
        tpu.vector_store %swap3A_284[%swap3A_285, %swap3A_286], %select_n3A_278 {strides = array<i32>} : memref<2x80xi32, #tpu.memory_space<vmem>>, vector<16xi32>,
        %get3A_288 = arith.constant 1 : i32
        %get3A_289 = arith.constant 0 : i32
        %get3A_290 = arith.constant 0 : i32
        %get3A_291 = arith.constant 0 : i32
        %get3A_292 = tpu.memref_slice %arg8[%get3A_288, %get3A_290, %get3A_291] : memref<4x2x80xi32, #tpu.memory_space<vmem>> -> memref<1x2x80xi32, #tpu.memory_space<vmem>>
        %get3A_293 = tpu.memref_squeeze %get3A_292 : memref<1x2x80xi32, #tpu.memory_space<vmem>> -> memref<2x80xi32, #tpu.memory_space<vmem>>
        %get3A_294 = arith.index_cast %get3A_289 : i32 to index
        %get3A_295 = arith.constant 32 : index
        %get3A_296 = tpu.vector_load %get3A_293[%get3A_294, %get3A_295] {strides = array<i32>} : memref<2x80xi32, #tpu.memory_space<vmem>>, vector<16xi32>,
        %sub3A_297 = vector.broadcast %mul3A_77 : i32 to vector<16xi32>
        %sub3A_298 = arith.subi %get3A_296, %sub3A_297 : vector<16xi32>
        %ge3A_299 = arith.constant 0 : i32
        %ge3A_300 = vector.broadcast %ge3A_299 : i32 to vector<16xi32>
        %ge3A_301 = arith.cmpi sge, %sub3A_298, %ge3A_300 : vector<16xi32>
        %lt3A_302 = arith.constant 5000 : i32
        %lt3A_303 = vector.broadcast %lt3A_302 : i32 to vector<16xi32>
        %lt3A_304 = arith.cmpi slt, %sub3A_298, %lt3A_303 : vector<16xi32>
        %and3A_305 = arith.andi %ge3A_301, %lt3A_304 : vector<16xi1>
        %broadcast_in_dim3A_306 = arith.constant 5000 : i32
        %broadcast_in_dim3A_307 = vector.broadcast %broadcast_in_dim3A_306 : i32 to vector<16xi32>
        %select_n3A_308 = arith.select %and3A_305, %sub3A_298, %broadcast_in_dim3A_307 : vector<16xi1>, vector<16xi32>
        %swap3A_309 = arith.constant 1 : i32
        %swap3A_310 = arith.constant 0 : i32
        %swap3A_311 = arith.constant 0 : i32
        %swap3A_312 = arith.constant 0 : i32
        %swap3A_313 = tpu.memref_slice %arg8[%swap3A_309, %swap3A_311, %swap3A_312] : memref<4x2x80xi32, #tpu.memory_space<vmem>> -> memref<1x2x80xi32, #tpu.memory_space<vmem>>
        %swap3A_314 = tpu.memref_squeeze %swap3A_313 : memref<1x2x80xi32, #tpu.memory_space<vmem>> -> memref<2x80xi32, #tpu.memory_space<vmem>>
        %swap3A_315 = arith.index_cast %swap3A_310 : i32 to index
        %swap3A_316 = arith.constant 32 : index
        %swap3A_317 = tpu.vector_load %swap3A_314[%swap3A_315, %swap3A_316] {strides = array<i32>} : memref<2x80xi32, #tpu.memory_space<vmem>>, vector<16xi32>,
        tpu.vector_store %swap3A_314[%swap3A_315, %swap3A_316], %select_n3A_308 {strides = array<i32>} : memref<2x80xi32, #tpu.memory_space<vmem>>, vector<16xi32>,
        %get3A_318 = arith.constant 1 : i32
        %get3A_319 = arith.constant 0 : i32
        %get3A_320 = arith.constant 0 : i32
        %get3A_321 = arith.constant 0 : i32
        %get3A_322 = tpu.memref_slice %arg8[%get3A_318, %get3A_320, %get3A_321] : memref<4x2x80xi32, #tpu.memory_space<vmem>> -> memref<1x2x80xi32, #tpu.memory_space<vmem>>
        %get3A_323 = tpu.memref_squeeze %get3A_322 : memref<1x2x80xi32, #tpu.memory_space<vmem>> -> memref<2x80xi32, #tpu.memory_space<vmem>>
        %get3A_324 = arith.index_cast %get3A_319 : i32 to index
        %get3A_325 = arith.constant 48 : index
        %get3A_326 = tpu.vector_load %get3A_323[%get3A_324, %get3A_325] {strides = array<i32>} : memref<2x80xi32, #tpu.memory_space<vmem>>, vector<16xi32>,
        %sub3A_327 = vector.broadcast %mul3A_77 : i32 to vector<16xi32>
        %sub3A_328 = arith.subi %get3A_326, %sub3A_327 : vector<16xi32>
        %ge3A_329 = arith.constant 0 : i32
        %ge3A_330 = vector.broadcast %ge3A_329 : i32 to vector<16xi32>
        %ge3A_331 = arith.cmpi sge, %sub3A_328, %ge3A_330 : vector<16xi32>
        %lt3A_332 = arith.constant 5000 : i32
        %lt3A_333 = vector.broadcast %lt3A_332 : i32 to vector<16xi32>
        %lt3A_334 = arith.cmpi slt, %sub3A_328, %lt3A_333 : vector<16xi32>
        %and3A_335 = arith.andi %ge3A_331, %lt3A_334 : vector<16xi1>
        %broadcast_in_dim3A_336 = arith.constant 5000 : i32
        %broadcast_in_dim3A_337 = vector.broadcast %broadcast_in_dim3A_336 : i32 to vector<16xi32>
        %select_n3A_338 = arith.select %and3A_335, %sub3A_328, %broadcast_in_dim3A_337 : vector<16xi1>, vector<16xi32>
        %swap3A_339 = arith.constant 1 : i32
        %swap3A_340 = arith.constant 0 : i32
        %swap3A_341 = arith.constant 0 : i32
        %swap3A_342 = arith.constant 0 : i32
        %swap3A_343 = tpu.memref_slice %arg8[%swap3A_339, %swap3A_341, %swap3A_342] : memref<4x2x80xi32, #tpu.memory_space<vmem>> -> memref<1x2x80xi32, #tpu.memory_space<vmem>>
        %swap3A_344 = tpu.memref_squeeze %swap3A_343 : memref<1x2x80xi32, #tpu.memory_space<vmem>> -> memref<2x80xi32, #tpu.memory_space<vmem>>
        %swap3A_345 = arith.index_cast %swap3A_340 : i32 to index
        %swap3A_346 = arith.constant 48 : index
        %swap3A_347 = tpu.vector_load %swap3A_344[%swap3A_345, %swap3A_346] {strides = array<i32>} : memref<2x80xi32, #tpu.memory_space<vmem>>, vector<16xi32>,
        tpu.vector_store %swap3A_344[%swap3A_345, %swap3A_346], %select_n3A_338 {strides = array<i32>} : memref<2x80xi32, #tpu.memory_space<vmem>>, vector<16xi32>,
        %get3A_348 = arith.constant 1 : i32
        %get3A_349 = arith.constant 0 : i32
        %get3A_350 = arith.constant 0 : i32
        %get3A_351 = arith.constant 0 : i32
        %get3A_352 = tpu.memref_slice %arg8[%get3A_348, %get3A_350, %get3A_351] : memref<4x2x80xi32, #tpu.memory_space<vmem>> -> memref<1x2x80xi32, #tpu.memory_space<vmem>>
        %get3A_353 = tpu.memref_squeeze %get3A_352 : memref<1x2x80xi32, #tpu.memory_space<vmem>> -> memref<2x80xi32, #tpu.memory_space<vmem>>
        %get3A_354 = arith.index_cast %get3A_349 : i32 to index
        %get3A_355 = arith.constant 64 : index
        %get3A_356 = tpu.vector_load %get3A_353[%get3A_354, %get3A_355] {strides = array<i32>} : memref<2x80xi32, #tpu.memory_space<vmem>>, vector<16xi32>,
        %sub3A_357 = vector.broadcast %mul3A_77 : i32 to vector<16xi32>
        %sub3A_358 = arith.subi %get3A_356, %sub3A_357 : vector<16xi32>
        %ge3A_359 = arith.constant 0 : i32
        %ge3A_360 = vector.broadcast %ge3A_359 : i32 to vector<16xi32>
        %ge3A_361 = arith.cmpi sge, %sub3A_358, %ge3A_360 : vector<16xi32>
        %lt3A_362 = arith.constant 5000 : i32
        %lt3A_363 = vector.broadcast %lt3A_362 : i32 to vector<16xi32>
        %lt3A_364 = arith.cmpi slt, %sub3A_358, %lt3A_363 : vector<16xi32>
        %and3A_365 = arith.andi %ge3A_361, %lt3A_364 : vector<16xi1>
        %broadcast_in_dim3A_366 = arith.constant 5000 : i32
        %broadcast_in_dim3A_367 = vector.broadcast %broadcast_in_dim3A_366 : i32 to vector<16xi32>
        %select_n3A_368 = arith.select %and3A_365, %sub3A_358, %broadcast_in_dim3A_367 : vector<16xi1>, vector<16xi32>
        %swap3A_369 = arith.constant 1 : i32
        %swap3A_370 = arith.constant 0 : i32
        %swap3A_371 = arith.constant 0 : i32
        %swap3A_372 = arith.constant 0 : i32
        %swap3A_373 = tpu.memref_slice %arg8[%swap3A_369, %swap3A_371, %swap3A_372] : memref<4x2x80xi32, #tpu.memory_space<vmem>> -> memref<1x2x80xi32, #tpu.memory_space<vmem>>
        %swap3A_374 = tpu.memref_squeeze %swap3A_373 : memref<1x2x80xi32, #tpu.memory_space<vmem>> -> memref<2x80xi32, #tpu.memory_space<vmem>>
        %swap3A_375 = arith.index_cast %swap3A_370 : i32 to index
        %swap3A_376 = arith.constant 64 : index
        %swap3A_377 = tpu.vector_load %swap3A_374[%swap3A_375, %swap3A_376] {strides = array<i32>} : memref<2x80xi32, #tpu.memory_space<vmem>>, vector<16xi32>,
        tpu.vector_store %swap3A_374[%swap3A_375, %swap3A_376], %select_n3A_368 {strides = array<i32>} : memref<2x80xi32, #tpu.memory_space<vmem>>, vector<16xi32>,
        %get3A_378 = arith.constant 1 : i32
        %get3A_379 = arith.constant 1 : i32
        %get3A_380 = arith.constant 0 : i32
        %get3A_381 = arith.constant 0 : i32
        %get3A_382 = tpu.memref_slice %arg8[%get3A_378, %get3A_380, %get3A_381] : memref<4x2x80xi32, #tpu.memory_space<vmem>> -> memref<1x2x80xi32, #tpu.memory_space<vmem>>
        %get3A_383 = tpu.memref_squeeze %get3A_382 : memref<1x2x80xi32, #tpu.memory_space<vmem>> -> memref<2x80xi32, #tpu.memory_space<vmem>>
        %get3A_384 = arith.index_cast %get3A_379 : i32 to index
        %get3A_385 = arith.constant 0 : index
        %get3A_386 = tpu.vector_load %get3A_383[%get3A_384, %get3A_385] {strides = array<i32>} : memref<2x80xi32, #tpu.memory_space<vmem>>, vector<16xi32>,
        %sub3A_387 = vector.broadcast %mul3A_77 : i32 to vector<16xi32>
        %sub3A_388 = arith.subi %get3A_386, %sub3A_387 : vector<16xi32>
        %ge3A_389 = arith.constant 0 : i32
        %ge3A_390 = vector.broadcast %ge3A_389 : i32 to vector<16xi32>
        %ge3A_391 = arith.cmpi sge, %sub3A_388, %ge3A_390 : vector<16xi32>
        %lt3A_392 = arith.constant 5000 : i32
        %lt3A_393 = vector.broadcast %lt3A_392 : i32 to vector<16xi32>
        %lt3A_394 = arith.cmpi slt, %sub3A_388, %lt3A_393 : vector<16xi32>
        %and3A_395 = arith.andi %ge3A_391, %lt3A_394 : vector<16xi1>
        %broadcast_in_dim3A_396 = arith.constant 5000 : i32
        %broadcast_in_dim3A_397 = vector.broadcast %broadcast_in_dim3A_396 : i32 to vector<16xi32>
        %select_n3A_398 = arith.select %and3A_395, %sub3A_388, %broadcast_in_dim3A_397 : vector<16xi1>, vector<16xi32>
        %swap3A_399 = arith.constant 1 : i32
        %swap3A_400 = arith.constant 1 : i32
        %swap3A_401 = arith.constant 0 : i32
        %swap3A_402 = arith.constant 0 : i32
        %swap3A_403 = tpu.memref_slice %arg8[%swap3A_399, %swap3A_401, %swap3A_402] : memref<4x2x80xi32, #tpu.memory_space<vmem>> -> memref<1x2x80xi32, #tpu.memory_space<vmem>>
        %swap3A_404 = tpu.memref_squeeze %swap3A_403 : memref<1x2x80xi32, #tpu.memory_space<vmem>> -> memref<2x80xi32, #tpu.memory_space<vmem>>
        %swap3A_405 = arith.index_cast %swap3A_400 : i32 to index
        %swap3A_406 = arith.constant 0 : index
        %swap3A_407 = tpu.vector_load %swap3A_404[%swap3A_405, %swap3A_406] {strides = array<i32>} : memref<2x80xi32, #tpu.memory_space<vmem>>, vector<16xi32>,
        tpu.vector_store %swap3A_404[%swap3A_405, %swap3A_406], %select_n3A_398 {strides = array<i32>} : memref<2x80xi32, #tpu.memory_space<vmem>>, vector<16xi32>,
        %get3A_408 = arith.constant 1 : i32
        %get3A_409 = arith.constant 1 : i32
        %get3A_410 = arith.constant 0 : i32
        %get3A_411 = arith.constant 0 : i32
        %get3A_412 = tpu.memref_slice %arg8[%get3A_408, %get3A_410, %get3A_411] : memref<4x2x80xi32, #tpu.memory_space<vmem>> -> memref<1x2x80xi32, #tpu.memory_space<vmem>>
        %get3A_413 = tpu.memref_squeeze %get3A_412 : memref<1x2x80xi32, #tpu.memory_space<vmem>> -> memref<2x80xi32, #tpu.memory_space<vmem>>
        %get3A_414 = arith.index_cast %get3A_409 : i32 to index
        %get3A_415 = arith.constant 16 : index
        %get3A_416 = tpu.vector_load %get3A_413[%get3A_414, %get3A_415] {strides = array<i32>} : memref<2x80xi32, #tpu.memory_space<vmem>>, vector<16xi32>,
        %sub3A_417 = vector.broadcast %mul3A_77 : i32 to vector<16xi32>
        %sub3A_418 = arith.subi %get3A_416, %sub3A_417 : vector<16xi32>
        %ge3A_419 = arith.constant 0 : i32
        %ge3A_420 = vector.broadcast %ge3A_419 : i32 to vector<16xi32>
        %ge3A_421 = arith.cmpi sge, %sub3A_418, %ge3A_420 : vector<16xi32>
        %lt3A_422 = arith.constant 5000 : i32
        %lt3A_423 = vector.broadcast %lt3A_422 : i32 to vector<16xi32>
        %lt3A_424 = arith.cmpi slt, %sub3A_418, %lt3A_423 : vector<16xi32>
        %and3A_425 = arith.andi %ge3A_421, %lt3A_424 : vector<16xi1>
        %broadcast_in_dim3A_426 = arith.constant 5000 : i32
        %broadcast_in_dim3A_427 = vector.broadcast %broadcast_in_dim3A_426 : i32 to vector<16xi32>
        %select_n3A_428 = arith.select %and3A_425, %sub3A_418, %broadcast_in_dim3A_427 : vector<16xi1>, vector<16xi32>
        %swap3A_429 = arith.constant 1 : i32
        %swap3A_430 = arith.constant 1 : i32
        %swap3A_431 = arith.constant 0 : i32
        %swap3A_432 = arith.constant 0 : i32
        %swap3A_433 = tpu.memref_slice %arg8[%swap3A_429, %swap3A_431, %swap3A_432] : memref<4x2x80xi32, #tpu.memory_space<vmem>> -> memref<1x2x80xi32, #tpu.memory_space<vmem>>
        %swap3A_434 = tpu.memref_squeeze %swap3A_433 : memref<1x2x80xi32, #tpu.memory_space<vmem>> -> memref<2x80xi32, #tpu.memory_space<vmem>>
        %swap3A_435 = arith.index_cast %swap3A_430 : i32 to index
        %swap3A_436 = arith.constant 16 : index
        %swap3A_437 = tpu.vector_load %swap3A_434[%swap3A_435, %swap3A_436] {strides = array<i32>} : memref<2x80xi32, #tpu.memory_space<vmem>>, vector<16xi32>,
        tpu.vector_store %swap3A_434[%swap3A_435, %swap3A_436], %select_n3A_428 {strides = array<i32>} : memref<2x80xi32, #tpu.memory_space<vmem>>, vector<16xi32>,
        %get3A_438 = arith.constant 1 : i32
        %get3A_439 = arith.constant 1 : i32
        %get3A_440 = arith.constant 0 : i32
        %get3A_441 = arith.constant 0 : i32
        %get3A_442 = tpu.memref_slice %arg8[%get3A_438, %get3A_440, %get3A_441] : memref<4x2x80xi32, #tpu.memory_space<vmem>> -> memref<1x2x80xi32, #tpu.memory_space<vmem>>
        %get3A_443 = tpu.memref_squeeze %get3A_442 : memref<1x2x80xi32, #tpu.memory_space<vmem>> -> memref<2x80xi32, #tpu.memory_space<vmem>>
        %get3A_444 = arith.index_cast %get3A_439 : i32 to index
        %get3A_445 = arith.constant 32 : index
        %get3A_446 = tpu.vector_load %get3A_443[%get3A_444, %get3A_445] {strides = array<i32>} : memref<2x80xi32, #tpu.memory_space<vmem>>, vector<16xi32>,
        %sub3A_447 = vector.broadcast %mul3A_77 : i32 to vector<16xi32>
        %sub3A_448 = arith.subi %get3A_446, %sub3A_447 : vector<16xi32>
        %ge3A_449 = arith.constant 0 : i32
        %ge3A_450 = vector.broadcast %ge3A_449 : i32 to vector<16xi32>
        %ge3A_451 = arith.cmpi sge, %sub3A_448, %ge3A_450 : vector<16xi32>
        %lt3A_452 = arith.constant 5000 : i32
        %lt3A_453 = vector.broadcast %lt3A_452 : i32 to vector<16xi32>
        %lt3A_454 = arith.cmpi slt, %sub3A_448, %lt3A_453 : vector<16xi32>
        %and3A_455 = arith.andi %ge3A_451, %lt3A_454 : vector<16xi1>
        %broadcast_in_dim3A_456 = arith.constant 5000 : i32
        %broadcast_in_dim3A_457 = vector.broadcast %broadcast_in_dim3A_456 : i32 to vector<16xi32>
        %select_n3A_458 = arith.select %and3A_455, %sub3A_448, %broadcast_in_dim3A_457 : vector<16xi1>, vector<16xi32>
        %swap3A_459 = arith.constant 1 : i32
        %swap3A_460 = arith.constant 1 : i32
        %swap3A_461 = arith.constant 0 : i32
        %swap3A_462 = arith.constant 0 : i32
        %swap3A_463 = tpu.memref_slice %arg8[%swap3A_459, %swap3A_461, %swap3A_462] : memref<4x2x80xi32, #tpu.memory_space<vmem>> -> memref<1x2x80xi32, #tpu.memory_space<vmem>>
        %swap3A_464 = tpu.memref_squeeze %swap3A_463 : memref<1x2x80xi32, #tpu.memory_space<vmem>> -> memref<2x80xi32, #tpu.memory_space<vmem>>
        %swap3A_465 = arith.index_cast %swap3A_460 : i32 to index
        %swap3A_466 = arith.constant 32 : index
        %swap3A_467 = tpu.vector_load %swap3A_464[%swap3A_465, %swap3A_466] {strides = array<i32>} : memref<2x80xi32, #tpu.memory_space<vmem>>, vector<16xi32>,
        tpu.vector_store %swap3A_464[%swap3A_465, %swap3A_466], %select_n3A_458 {strides = array<i32>} : memref<2x80xi32, #tpu.memory_space<vmem>>, vector<16xi32>,
        %get3A_468 = arith.constant 1 : i32
        %get3A_469 = arith.constant 1 : i32
        %get3A_470 = arith.constant 0 : i32
        %get3A_471 = arith.constant 0 : i32
        %get3A_472 = tpu.memref_slice %arg8[%get3A_468, %get3A_470, %get3A_471] : memref<4x2x80xi32, #tpu.memory_space<vmem>> -> memref<1x2x80xi32, #tpu.memory_space<vmem>>
        %get3A_473 = tpu.memref_squeeze %get3A_472 : memref<1x2x80xi32, #tpu.memory_space<vmem>> -> memref<2x80xi32, #tpu.memory_space<vmem>>
        %get3A_474 = arith.index_cast %get3A_469 : i32 to index
        %get3A_475 = arith.constant 48 : index
        %get3A_476 = tpu.vector_load %get3A_473[%get3A_474, %get3A_475] {strides = array<i32>} : memref<2x80xi32, #tpu.memory_space<vmem>>, vector<16xi32>,
        %sub3A_477 = vector.broadcast %mul3A_77 : i32 to vector<16xi32>
        %sub3A_478 = arith.subi %get3A_476, %sub3A_477 : vector<16xi32>
        %ge3A_479 = arith.constant 0 : i32
        %ge3A_480 = vector.broadcast %ge3A_479 : i32 to vector<16xi32>
        %ge3A_481 = arith.cmpi sge, %sub3A_478, %ge3A_480 : vector<16xi32>
        %lt3A_482 = arith.constant 5000 : i32
        %lt3A_483 = vector.broadcast %lt3A_482 : i32 to vector<16xi32>
        %lt3A_484 = arith.cmpi slt, %sub3A_478, %lt3A_483 : vector<16xi32>
        %and3A_485 = arith.andi %ge3A_481, %lt3A_484 : vector<16xi1>
        %broadcast_in_dim3A_486 = arith.constant 5000 : i32
        %broadcast_in_dim3A_487 = vector.broadcast %broadcast_in_dim3A_486 : i32 to vector<16xi32>
        %select_n3A_488 = arith.select %and3A_485, %sub3A_478, %broadcast_in_dim3A_487 : vector<16xi1>, vector<16xi32>
        %swap3A_489 = arith.constant 1 : i32
        %swap3A_490 = arith.constant 1 : i32
        %swap3A_491 = arith.constant 0 : i32
        %swap3A_492 = arith.constant 0 : i32
        %swap3A_493 = tpu.memref_slice %arg8[%swap3A_489, %swap3A_491, %swap3A_492] : memref<4x2x80xi32, #tpu.memory_space<vmem>> -> memref<1x2x80xi32, #tpu.memory_space<vmem>>
        %swap3A_494 = tpu.memref_squeeze %swap3A_493 : memref<1x2x80xi32, #tpu.memory_space<vmem>> -> memref<2x80xi32, #tpu.memory_space<vmem>>
        %swap3A_495 = arith.index_cast %swap3A_490 : i32 to index
        %swap3A_496 = arith.constant 48 : index
        %swap3A_497 = tpu.vector_load %swap3A_494[%swap3A_495, %swap3A_496] {strides = array<i32>} : memref<2x80xi32, #tpu.memory_space<vmem>>, vector<16xi32>,
        tpu.vector_store %swap3A_494[%swap3A_495, %swap3A_496], %select_n3A_488 {strides = array<i32>} : memref<2x80xi32, #tpu.memory_space<vmem>>, vector<16xi32>,
        %get3A_498 = arith.constant 1 : i32
        %get3A_499 = arith.constant 1 : i32
        %get3A_500 = arith.constant 0 : i32
        %get3A_501 = arith.constant 0 : i32
        %get3A_502 = tpu.memref_slice %arg8[%get3A_498, %get3A_500, %get3A_501] : memref<4x2x80xi32, #tpu.memory_space<vmem>> -> memref<1x2x80xi32, #tpu.memory_space<vmem>>
        %get3A_503 = tpu.memref_squeeze %get3A_502 : memref<1x2x80xi32, #tpu.memory_space<vmem>> -> memref<2x80xi32, #tpu.memory_space<vmem>>
        %get3A_504 = arith.index_cast %get3A_499 : i32 to index
        %get3A_505 = arith.constant 64 : index
        %get3A_506 = tpu.vector_load %get3A_503[%get3A_504, %get3A_505] {strides = array<i32>} : memref<2x80xi32, #tpu.memory_space<vmem>>, vector<16xi32>,
        %sub3A_507 = vector.broadcast %mul3A_77 : i32 to vector<16xi32>
        %sub3A_508 = arith.subi %get3A_506, %sub3A_507 : vector<16xi32>
        %ge3A_509 = arith.constant 0 : i32
        %ge3A_510 = vector.broadcast %ge3A_509 : i32 to vector<16xi32>
        %ge3A_511 = arith.cmpi sge, %sub3A_508, %ge3A_510 : vector<16xi32>
        %lt3A_512 = arith.constant 5000 : i32
        %lt3A_513 = vector.broadcast %lt3A_512 : i32 to vector<16xi32>
        %lt3A_514 = arith.cmpi slt, %sub3A_508, %lt3A_513 : vector<16xi32>
        %and3A_515 = arith.andi %ge3A_511, %lt3A_514 : vector<16xi1>
        %broadcast_in_dim3A_516 = arith.constant 5000 : i32
        %broadcast_in_dim3A_517 = vector.broadcast %broadcast_in_dim3A_516 : i32 to vector<16xi32>
        %select_n3A_518 = arith.select %and3A_515, %sub3A_508, %broadcast_in_dim3A_517 : vector<16xi1>, vector<16xi32>
        %swap3A_519 = arith.constant 1 : i32
        %swap3A_520 = arith.constant 1 : i32
        %swap3A_521 = arith.constant 0 : i32
        %swap3A_522 = arith.constant 0 : i32
        %swap3A_523 = tpu.memref_slice %arg8[%swap3A_519, %swap3A_521, %swap3A_522] : memref<4x2x80xi32, #tpu.memory_space<vmem>> -> memref<1x2x80xi32, #tpu.memory_space<vmem>>
        %swap3A_524 = tpu.memref_squeeze %swap3A_523 : memref<1x2x80xi32, #tpu.memory_space<vmem>> -> memref<2x80xi32, #tpu.memory_space<vmem>>
        %swap3A_525 = arith.index_cast %swap3A_520 : i32 to index
        %swap3A_526 = arith.constant 64 : index
        %swap3A_527 = tpu.vector_load %swap3A_524[%swap3A_525, %swap3A_526] {strides = array<i32>} : memref<2x80xi32, #tpu.memory_space<vmem>>, vector<16xi32>,
        tpu.vector_store %swap3A_524[%swap3A_525, %swap3A_526], %select_n3A_518 {strides = array<i32>} : memref<2x80xi32, #tpu.memory_space<vmem>>, vector<16xi32>,
        %dma_start3A = arith.constant 1 : i32
        %dma_start3A_528 = arith.constant 1 : i32
        %dma_start3A_529 = arith.constant 0 : i32
        %dma_start3A_530 = arith.constant 0 : i32
        %dma_start3A_531 = arith.constant 0 : i32
        %dma_start3A_532 = tpu.memref_slice %arg7[%dma_start3A, %dma_start3A_530, %dma_start3A_531] : memref<4x160x128xf32, #tpu.memory_space<vmem>> -> memref<1x160x128xf32, #tpu.memory_space<vmem>>
        %dma_start3A_533 = tpu.memref_squeeze %dma_start3A_532 : memref<1x160x128xf32, #tpu.memory_space<vmem>> -> memref<160x128xf32, #tpu.memory_space<vmem>>
        %dma_start3A_534 = arith.constant 0 : i32
        %dma_start3A_535 = arith.constant 0 : i32
        %dma_start3A_536 = tpu.memref_slice %dma_start3A_533[%dma_start3A_534, %dma_start3A_535] : memref<160x128xf32, #tpu.memory_space<vmem>> -> memref<80x128xf32, #tpu.memory_space<vmem>>
        %dma_start3A_537 = arith.constant 0 : i32
        %dma_start3A_538 = arith.constant 0 : i32
        %dma_start3A_539 = tpu.memref_slice %arg8[%dma_start3A_528, %dma_start3A_537, %dma_start3A_538] : memref<4x2x80xi32, #tpu.memory_space<vmem>> -> memref<1x2x80xi32, #tpu.memory_space<vmem>>
        %dma_start3A_540 = tpu.memref_squeeze %dma_start3A_539 : memref<1x2x80xi32, #tpu.memory_space<vmem>> -> memref<2x80xi32, #tpu.memory_space<vmem>>
        %dma_start3A_541 = arith.constant 0 : i32
        %dma_start3A_542 = tpu.memref_slice %dma_start3A_540[%dma_start3A_529, %dma_start3A_541] : memref<2x80xi32, #tpu.memory_space<vmem>> -> memref<1x80xi32, #tpu.memory_space<vmem>>
        %dma_start3A_543 = tpu.memref_squeeze %dma_start3A_542 : memref<1x80xi32, #tpu.memory_space<vmem>> -> memref<80xi32, #tpu.memory_space<vmem>>
        %dma_start3A_544 = arith.constant 0 : i32
        %dma_start3A_545 = arith.constant 0 : i32
        %dma_start3A_546 = tpu.memref_slice %arg6[%dma_start3A_544, %dma_start3A_545] : memref<5008x128xf32, #tpu.memory_space<vmem_shared>> -> memref<5008x128xf32, #tpu.memory_space<vmem_shared>>
        tpu.enqueue_indirect_dma source(%dma_start3A_536 : memref<80x128xf32, #tpu.memory_space<vmem>>) target(%dma_start3A_546 : memref<5008x128xf32, #tpu.memory_space<vmem_shared>>) offsets(%dma_start3A_543 : memref<80xi32, #tpu.memory_space<vmem>>) semaphore(%arg19 : memref<!tpu.dma_semaphore, #tpu.memory_space<semaphore_mem>>) {add = true}
        %dma_start3A_547 = arith.constant 1 : i32
        %dma_start3A_548 = arith.constant 1 : i32
        %dma_start3A_549 = arith.constant 1 : i32
        %dma_start3A_550 = arith.constant 0 : i32
        %dma_start3A_551 = arith.constant 0 : i32
        %dma_start3A_552 = tpu.memref_slice %arg7[%dma_start3A_547, %dma_start3A_550, %dma_start3A_551] : memref<4x160x128xf32, #tpu.memory_space<vmem>> -> memref<1x160x128xf32, #tpu.memory_space<vmem>>
        %dma_start3A_553 = tpu.memref_squeeze %dma_start3A_552 : memref<1x160x128xf32, #tpu.memory_space<vmem>> -> memref<160x128xf32, #tpu.memory_space<vmem>>
        %dma_start3A_554 = arith.constant 80 : i32
        %dma_start3A_555 = arith.constant 0 : i32
        %dma_start3A_556 = tpu.memref_slice %dma_start3A_553[%dma_start3A_554, %dma_start3A_555] : memref<160x128xf32, #tpu.memory_space<vmem>> -> memref<80x128xf32, #tpu.memory_space<vmem>>
        %dma_start3A_557 = arith.constant 0 : i32
        %dma_start3A_558 = arith.constant 0 : i32
        %dma_start3A_559 = tpu.memref_slice %arg8[%dma_start3A_548, %dma_start3A_557, %dma_start3A_558] : memref<4x2x80xi32, #tpu.memory_space<vmem>> -> memref<1x2x80xi32, #tpu.memory_space<vmem>>
        %dma_start3A_560 = tpu.memref_squeeze %dma_start3A_559 : memref<1x2x80xi32, #tpu.memory_space<vmem>> -> memref<2x80xi32, #tpu.memory_space<vmem>>
        %dma_start3A_561 = arith.constant 0 : i32
        %dma_start3A_562 = tpu.memref_slice %dma_start3A_560[%dma_start3A_549, %dma_start3A_561] : memref<2x80xi32, #tpu.memory_space<vmem>> -> memref<1x80xi32, #tpu.memory_space<vmem>>
        %dma_start3A_563 = tpu.memref_squeeze %dma_start3A_562 : memref<1x80xi32, #tpu.memory_space<vmem>> -> memref<80xi32, #tpu.memory_space<vmem>>
        %dma_start3A_564 = arith.constant 0 : i32
        %dma_start3A_565 = arith.constant 0 : i32
        %dma_start3A_566 = tpu.memref_slice %arg6[%dma_start3A_564, %dma_start3A_565] : memref<5008x128xf32, #tpu.memory_space<vmem_shared>> -> memref<5008x128xf32, #tpu.memory_space<vmem_shared>>
        tpu.enqueue_indirect_dma source(%dma_start3A_556 : memref<80x128xf32, #tpu.memory_space<vmem>>) target(%dma_start3A_566 : memref<5008x128xf32, #tpu.memory_space<vmem_shared>>) offsets(%dma_start3A_563 : memref<80xi32, #tpu.memory_space<vmem>>) semaphore(%arg19 : memref<!tpu.dma_semaphore, #tpu.memory_space<semaphore_mem>>) {add = true}
        %dma_wait3A_567 = arith.constant 1 : i32
        %dma_wait3A_568 = arith.constant 1 : i32
        %dma_wait3A_569 = arith.constant 0 : i32
        %dma_wait3A_570 = arith.constant 0 : i32
        %dma_wait3A_571 = arith.constant 0 : i32
        %dma_wait3A_572 = tpu.memref_slice %arg7[%dma_wait3A_567, %dma_wait3A_570, %dma_wait3A_571] : memref<4x160x128xf32, #tpu.memory_space<vmem>> -> memref<1x160x128xf32, #tpu.memory_space<vmem>>
        %dma_wait3A_573 = tpu.memref_squeeze %dma_wait3A_572 : memref<1x160x128xf32, #tpu.memory_space<vmem>> -> memref<160x128xf32, #tpu.memory_space<vmem>>
        %dma_wait3A_574 = arith.constant 0 : i32
        %dma_wait3A_575 = arith.constant 0 : i32
        %dma_wait3A_576 = tpu.memref_slice %dma_wait3A_573[%dma_wait3A_574, %dma_wait3A_575] : memref<160x128xf32, #tpu.memory_space<vmem>> -> memref<80x128xf32, #tpu.memory_space<vmem>>
        %dma_wait3A_577 = arith.constant 0 : i32
        %dma_wait3A_578 = arith.constant 0 : i32
        %dma_wait3A_579 = tpu.memref_slice %arg8[%dma_wait3A_568, %dma_wait3A_577, %dma_wait3A_578] : memref<4x2x80xi32, #tpu.memory_space<vmem>> -> memref<1x2x80xi32, #tpu.memory_space<vmem>>
        %dma_wait3A_580 = tpu.memref_squeeze %dma_wait3A_579 : memref<1x2x80xi32, #tpu.memory_space<vmem>> -> memref<2x80xi32, #tpu.memory_space<vmem>>
        %dma_wait3A_581 = arith.constant 0 : i32
        %dma_wait3A_582 = tpu.memref_slice %dma_wait3A_580[%dma_wait3A_569, %dma_wait3A_581] : memref<2x80xi32, #tpu.memory_space<vmem>> -> memref<1x80xi32, #tpu.memory_space<vmem>>
        %dma_wait3A_583 = tpu.memref_squeeze %dma_wait3A_582 : memref<1x80xi32, #tpu.memory_space<vmem>> -> memref<80xi32, #tpu.memory_space<vmem>>
        %dma_wait3A_584 = arith.constant 0 : i32
        %dma_wait3A_585 = arith.constant 0 : i32
        %dma_wait3A_586 = tpu.memref_slice %arg6[%dma_wait3A_584, %dma_wait3A_585] : memref<5008x128xf32, #tpu.memory_space<vmem_shared>> -> memref<5008x128xf32, #tpu.memory_space<vmem_shared>>
        tpu.wait_indirect_dma semaphore(%arg19 : memref<!tpu.dma_semaphore, #tpu.memory_space<semaphore_mem>>) src(%dma_wait3A_576 : memref<80x128xf32, #tpu.memory_space<vmem>>) dst(%dma_wait3A_586 : memref<5008x128xf32, #tpu.memory_space<vmem_shared>>)
        %dma_wait3A_587 = arith.constant 1 : i32
        %dma_wait3A_588 = arith.constant 1 : i32
        %dma_wait3A_589 = arith.constant 1 : i32
        %dma_wait3A_590 = arith.constant 0 : i32
        %dma_wait3A_591 = arith.constant 0 : i32
        %dma_wait3A_592 = tpu.memref_slice %arg7[%dma_wait3A_587, %dma_wait3A_590, %dma_wait3A_591] : memref<4x160x128xf32, #tpu.memory_space<vmem>> -> memref<1x160x128xf32, #tpu.memory_space<vmem>>
        %dma_wait3A_593 = tpu.memref_squeeze %dma_wait3A_592 : memref<1x160x128xf32, #tpu.memory_space<vmem>> -> memref<160x128xf32, #tpu.memory_space<vmem>>
        %dma_wait3A_594 = arith.constant 80 : i32
        %dma_wait3A_595 = arith.constant 0 : i32
        %dma_wait3A_596 = tpu.memref_slice %dma_wait3A_593[%dma_wait3A_594, %dma_wait3A_595] : memref<160x128xf32, #tpu.memory_space<vmem>> -> memref<80x128xf32, #tpu.memory_space<vmem>>
        %dma_wait3A_597 = arith.constant 0 : i32
        %dma_wait3A_598 = arith.constant 0 : i32
        %dma_wait3A_599 = tpu.memref_slice %arg8[%dma_wait3A_588, %dma_wait3A_597, %dma_wait3A_598] : memref<4x2x80xi32, #tpu.memory_space<vmem>> -> memref<1x2x80xi32, #tpu.memory_space<vmem>>
        %dma_wait3A_600 = tpu.memref_squeeze %dma_wait3A_599 : memref<1x2x80xi32, #tpu.memory_space<vmem>> -> memref<2x80xi32, #tpu.memory_space<vmem>>
        %dma_wait3A_601 = arith.constant 0 : i32
        %dma_wait3A_602 = tpu.memref_slice %dma_wait3A_600[%dma_wait3A_589, %dma_wait3A_601] : memref<2x80xi32, #tpu.memory_space<vmem>> -> memref<1x80xi32, #tpu.memory_space<vmem>>
        %dma_wait3A_603 = tpu.memref_squeeze %dma_wait3A_602 : memref<1x80xi32, #tpu.memory_space<vmem>> -> memref<80xi32, #tpu.memory_space<vmem>>
        %dma_wait3A_604 = arith.constant 0 : i32
        %dma_wait3A_605 = arith.constant 0 : i32
        %dma_wait3A_606 = tpu.memref_slice %arg6[%dma_wait3A_604, %dma_wait3A_605] : memref<5008x128xf32, #tpu.memory_space<vmem_shared>> -> memref<5008x128xf32, #tpu.memory_space<vmem_shared>>
        tpu.wait_indirect_dma semaphore(%arg19 : memref<!tpu.dma_semaphore, #tpu.memory_space<semaphore_mem>>) src(%dma_wait3A_596 : memref<80x128xf32, #tpu.memory_space<vmem>>) dst(%dma_wait3A_606 : memref<5008x128xf32, #tpu.memory_space<vmem_shared>>)
      } else {
      }
      %add3A_162 = arith.constant 4 : i32
      %add3A_163 = arith.addi %add3A_157, %add3A_162 : i32
      %lt3A_164 = arith.cmpi slt, %add3A_163, %max3A_43 : i32
      %convert_element_type3A_165 = arith.extui %lt3A_164 : i1 to i32
      %cond3A_166 = arith.constant 0 : i32
      %cond3A_167 = arith.cmpi ne, %convert_element_type3A_165, %cond3A_166 : i32
      scf.if %cond3A_167 {
        %add3A_196 = arith.constant 4 : i32
        %add3A_197 = arith.addi %add3A_157, %add3A_196 : i32
        %add3A_198 = arith.addi %select_n3A, %arg1 : i32
        %mul3A_199 = arith.constant 16 : i32
        %mul3A_200 = arith.muli %add3A_197, %mul3A_199 : i32
        %add3A_201 = arith.addi %add3A_198, %mul3A_200 : i32
        %mul3A_202 = arith.constant 160 : i32
        %mul3A_203 = arith.muli %add3A_201, %mul3A_202 : i32
        %dma_start3A = arith.constant 1 : i32
        %dma_start3A_204 = arith.constant 0 : i32
        %dma_start3A_205 = arith.constant 0 : i32
        %dma_start3A_206 = tpu.memref_slice %arg7[%dma_start3A, %dma_start3A_204, %dma_start3A_205] : memref<4x160x128xf32, #tpu.memory_space<vmem>> -> memref<1x160x128xf32, #tpu.memory_space<vmem>>
        %dma_start3A_207 = tpu.memref_squeeze %dma_start3A_206 : memref<1x160x128xf32, #tpu.memory_space<vmem>> -> memref<160x128xf32, #tpu.memory_space<vmem>>
        %dma_start3A_208 = arith.constant 0 : i32
        %dma_start3A_209 = tpu.memref_slice %arg2[%mul3A_203, %dma_start3A_208] : memref<320000x128xf32, #tpu.memory_space<hbm>> -> memref<160x128xf32, #tpu.memory_space<hbm>>
        %dma_start3A_210 = arith.constant 0 : i32
        %dma_start3A_211 = arith.constant 0 : i32
        %dma_start3A_212 = tpu.memref_slice %arg7[%dma_start3A, %dma_start3A_210, %dma_start3A_211] : memref<4x160x128xf32, #tpu.memory_space<vmem>> -> memref<1x160x128xf32, #tpu.memory_space<vmem>>
        %dma_start3A_213 = tpu.memref_squeeze %dma_start3A_212 : memref<1x160x128xf32, #tpu.memory_space<vmem>> -> memref<160x128xf32, #tpu.memory_space<vmem>>
        %dma_start3A_214 = arith.constant 0 : i32
        %dma_start3A_215 = tpu.memref_slice %arg2[%mul3A_203, %dma_start3A_214] : memref<320000x128xf32, #tpu.memory_space<hbm>> -> memref<160x128xf32, #tpu.memory_space<hbm>>
        tpu.enqueue_dma source(%dma_start3A_215 : memref<160x128xf32, #tpu.memory_space<hbm>>) target(%dma_start3A_213 : memref<160x128xf32, #tpu.memory_space<vmem>>) target_semaphore(%arg12 : memref<!tpu.dma_semaphore, #tpu.memory_space<semaphore_mem>>)
        %dma_start3A_216 = arith.constant 1 : i32
        %dma_start3A_217 = arith.constant 0 : i32
        %dma_start3A_218 = arith.constant 0 : i32
        %dma_start3A_219 = tpu.memref_slice %arg8[%dma_start3A_216, %dma_start3A_217, %dma_start3A_218] : memref<4x2x80xi32, #tpu.memory_space<vmem>> -> memref<1x2x80xi32, #tpu.memory_space<vmem>>
        %dma_start3A_220 = tpu.memref_squeeze %dma_start3A_219 : memref<1x2x80xi32, #tpu.memory_space<vmem>> -> memref<2x80xi32, #tpu.memory_space<vmem>>
        %dma_start3A_221 = arith.constant 0 : i32
        %dma_start3A_222 = arith.constant 0 : i32
        %dma_start3A_223 = tpu.memref_slice %arg3[%add3A_201, %dma_start3A_221, %dma_start3A_222] : memref<2000x2x80xi32, #tpu.memory_space<hbm>> -> memref<1x2x80xi32, #tpu.memory_space<hbm>>
        %dma_start3A_224 = tpu.memref_squeeze %dma_start3A_223 : memref<1x2x80xi32, #tpu.memory_space<hbm>> -> memref<2x80xi32, #tpu.memory_space<hbm>>
        %dma_start3A_225 = arith.constant 0 : i32
        %dma_start3A_226 = arith.constant 0 : i32
        %dma_start3A_227 = tpu.memref_slice %arg8[%dma_start3A_216, %dma_start3A_225, %dma_start3A_226] : memref<4x2x80xi32, #tpu.memory_space<vmem>> -> memref<1x2x80xi32, #tpu.memory_space<vmem>>
        %dma_start3A_228 = tpu.memref_squeeze %dma_start3A_227 : memref<1x2x80xi32, #tpu.memory_space<vmem>> -> memref<2x80xi32, #tpu.memory_space<vmem>>
        %dma_start3A_229 = arith.constant 0 : i32
        %dma_start3A_230 = arith.constant 0 : i32
        %dma_start3A_231 = tpu.memref_slice %arg3[%add3A_201, %dma_start3A_229, %dma_start3A_230] : memref<2000x2x80xi32, #tpu.memory_space<hbm>> -> memref<1x2x80xi32, #tpu.memory_space<hbm>>
        %dma_start3A_232 = tpu.memref_squeeze %dma_start3A_231 : memref<1x2x80xi32, #tpu.memory_space<hbm>> -> memref<2x80xi32, #tpu.memory_space<hbm>>
        tpu.enqueue_dma source(%dma_start3A_232 : memref<2x80xi32, #tpu.memory_space<hbm>>) target(%dma_start3A_228 : memref<2x80xi32, #tpu.memory_space<vmem>>) target_semaphore(%arg16 : memref<!tpu.dma_semaphore, #tpu.memory_space<semaphore_mem>>)
      } else {
      }
      %mul3A_168 = arith.constant 4 : i32
      %mul3A_169 = arith.muli %add3A_139, %mul3A_168 : i32
      %add3A_170 = arith.constant 2 : i32
      %add3A_171 = arith.addi %mul3A_169, %add3A_170 : i32
      %lt3A_172 = arith.cmpi slt, %add3A_171, %max3A_43 : i32
      %convert_element_type3A_173 = arith.extui %lt3A_172 : i1 to i32
      %cond3A_174 = arith.constant 0 : i32
      %cond3A_175 = arith.cmpi ne, %convert_element_type3A_173, %cond3A_174 : i32
      scf.if %cond3A_175 {
        %add3A_196 = arith.addi %select_n3A, %arg1 : i32
        %mul3A_197 = arith.constant 16 : i32
        %mul3A_198 = arith.muli %add3A_171, %mul3A_197 : i32
        %add3A_199 = arith.addi %add3A_196, %mul3A_198 : i32
        %mul3A_200 = arith.constant 160 : i32
        %mul3A_201 = arith.muli %add3A_199, %mul3A_200 : i32
        %dma_wait3A = arith.constant 2 : i32
        %dma_wait3A_202 = arith.constant 0 : i32
        %dma_wait3A_203 = arith.constant 0 : i32
        %dma_wait3A_204 = tpu.memref_slice %arg7[%dma_wait3A, %dma_wait3A_202, %dma_wait3A_203] : memref<4x160x128xf32, #tpu.memory_space<vmem>> -> memref<1x160x128xf32, #tpu.memory_space<vmem>>
        %dma_wait3A_205 = tpu.memref_squeeze %dma_wait3A_204 : memref<1x160x128xf32, #tpu.memory_space<vmem>> -> memref<160x128xf32, #tpu.memory_space<vmem>>
        %dma_wait3A_206 = arith.constant 0 : i32
        %dma_wait3A_207 = tpu.memref_slice %arg2[%mul3A_201, %dma_wait3A_206] : memref<320000x128xf32, #tpu.memory_space<hbm>> -> memref<160x128xf32, #tpu.memory_space<hbm>>
        %dma_wait3A_208 = arith.constant 0 : i32
        %dma_wait3A_209 = arith.constant 0 : i32
        %dma_wait3A_210 = tpu.memref_slice %arg7[%dma_wait3A, %dma_wait3A_208, %dma_wait3A_209] : memref<4x160x128xf32, #tpu.memory_space<vmem>> -> memref<1x160x128xf32, #tpu.memory_space<vmem>>
        %dma_wait3A_211 = tpu.memref_squeeze %dma_wait3A_210 : memref<1x160x128xf32, #tpu.memory_space<vmem>> -> memref<160x128xf32, #tpu.memory_space<vmem>>
        %dma_wait3A_212 = arith.constant 0 : i32
        %dma_wait3A_213 = tpu.memref_slice %arg2[%mul3A_201, %dma_wait3A_212] : memref<320000x128xf32, #tpu.memory_space<hbm>> -> memref<160x128xf32, #tpu.memory_space<hbm>>
        tpu.wait_dma2 semaphore(%arg13 : memref<!tpu.dma_semaphore, #tpu.memory_space<semaphore_mem>>) src(%dma_wait3A_213 : memref<160x128xf32, #tpu.memory_space<hbm>>) dst(%dma_wait3A_211 : memref<160x128xf32, #tpu.memory_space<vmem>>)
        %dma_wait3A_214 = arith.constant 2 : i32
        %dma_wait3A_215 = arith.constant 0 : i32
        %dma_wait3A_216 = arith.constant 0 : i32
        %dma_wait3A_217 = tpu.memref_slice %arg8[%dma_wait3A_214, %dma_wait3A_215, %dma_wait3A_216] : memref<4x2x80xi32, #tpu.memory_space<vmem>> -> memref<1x2x80xi32, #tpu.memory_space<vmem>>
        %dma_wait3A_218 = tpu.memref_squeeze %dma_wait3A_217 : memref<1x2x80xi32, #tpu.memory_space<vmem>> -> memref<2x80xi32, #tpu.memory_space<vmem>>
        %dma_wait3A_219 = arith.constant 0 : i32
        %dma_wait3A_220 = arith.constant 0 : i32
        %dma_wait3A_221 = tpu.memref_slice %arg3[%add3A_199, %dma_wait3A_219, %dma_wait3A_220] : memref<2000x2x80xi32, #tpu.memory_space<hbm>> -> memref<1x2x80xi32, #tpu.memory_space<hbm>>
        %dma_wait3A_222 = tpu.memref_squeeze %dma_wait3A_221 : memref<1x2x80xi32, #tpu.memory_space<hbm>> -> memref<2x80xi32, #tpu.memory_space<hbm>>
        %dma_wait3A_223 = arith.constant 0 : i32
        %dma_wait3A_224 = arith.constant 0 : i32
        %dma_wait3A_225 = tpu.memref_slice %arg8[%dma_wait3A_214, %dma_wait3A_223, %dma_wait3A_224] : memref<4x2x80xi32, #tpu.memory_space<vmem>> -> memref<1x2x80xi32, #tpu.memory_space<vmem>>
        %dma_wait3A_226 = tpu.memref_squeeze %dma_wait3A_225 : memref<1x2x80xi32, #tpu.memory_space<vmem>> -> memref<2x80xi32, #tpu.memory_space<vmem>>
        %dma_wait3A_227 = arith.constant 0 : i32
        %dma_wait3A_228 = arith.constant 0 : i32
        %dma_wait3A_229 = tpu.memref_slice %arg3[%add3A_199, %dma_wait3A_227, %dma_wait3A_228] : memref<2000x2x80xi32, #tpu.memory_space<hbm>> -> memref<1x2x80xi32, #tpu.memory_space<hbm>>
        %dma_wait3A_230 = tpu.memref_squeeze %dma_wait3A_229 : memref<1x2x80xi32, #tpu.memory_space<hbm>> -> memref<2x80xi32, #tpu.memory_space<hbm>>
        tpu.wait_dma2 semaphore(%arg17 : memref<!tpu.dma_semaphore, #tpu.memory_space<semaphore_mem>>) src(%dma_wait3A_230 : memref<2x80xi32, #tpu.memory_space<hbm>>) dst(%dma_wait3A_226 : memref<2x80xi32, #tpu.memory_space<vmem>>)
        %get3A_231 = arith.constant 2 : i32
        %get3A_232 = arith.constant 0 : i32
        %get3A_233 = arith.constant 0 : i32
        %get3A_234 = arith.constant 0 : i32
        %get3A_235 = tpu.memref_slice %arg8[%get3A_231, %get3A_233, %get3A_234] : memref<4x2x80xi32, #tpu.memory_space<vmem>> -> memref<1x2x80xi32, #tpu.memory_space<vmem>>
        %get3A_236 = tpu.memref_squeeze %get3A_235 : memref<1x2x80xi32, #tpu.memory_space<vmem>> -> memref<2x80xi32, #tpu.memory_space<vmem>>
        %get3A_237 = arith.index_cast %get3A_232 : i32 to index
        %get3A_238 = arith.constant 0 : index
        %get3A_239 = tpu.vector_load %get3A_236[%get3A_237, %get3A_238] {strides = array<i32>} : memref<2x80xi32, #tpu.memory_space<vmem>>, vector<16xi32>,
        %sub3A_240 = vector.broadcast %mul3A_77 : i32 to vector<16xi32>
        %sub3A_241 = arith.subi %get3A_239, %sub3A_240 : vector<16xi32>
        %ge3A = arith.constant 0 : i32
        %ge3A_242 = vector.broadcast %ge3A : i32 to vector<16xi32>
        %ge3A_243 = arith.cmpi sge, %sub3A_241, %ge3A_242 : vector<16xi32>
        %lt3A_244 = arith.constant 5000 : i32
        %lt3A_245 = vector.broadcast %lt3A_244 : i32 to vector<16xi32>
        %lt3A_246 = arith.cmpi slt, %sub3A_241, %lt3A_245 : vector<16xi32>
        %and3A_247 = arith.andi %ge3A_243, %lt3A_246 : vector<16xi1>
        %broadcast_in_dim3A = arith.constant 5000 : i32
        %broadcast_in_dim3A_248 = vector.broadcast %broadcast_in_dim3A : i32 to vector<16xi32>
        %select_n3A_249 = arith.select %and3A_247, %sub3A_241, %broadcast_in_dim3A_248 : vector<16xi1>, vector<16xi32>
        %swap3A = arith.constant 2 : i32
        %swap3A_250 = arith.constant 0 : i32
        %swap3A_251 = arith.constant 0 : i32
        %swap3A_252 = arith.constant 0 : i32
        %swap3A_253 = tpu.memref_slice %arg8[%swap3A, %swap3A_251, %swap3A_252] : memref<4x2x80xi32, #tpu.memory_space<vmem>> -> memref<1x2x80xi32, #tpu.memory_space<vmem>>
        %swap3A_254 = tpu.memref_squeeze %swap3A_253 : memref<1x2x80xi32, #tpu.memory_space<vmem>> -> memref<2x80xi32, #tpu.memory_space<vmem>>
        %swap3A_255 = arith.index_cast %swap3A_250 : i32 to index
        %swap3A_256 = arith.constant 0 : index
        %swap3A_257 = tpu.vector_load %swap3A_254[%swap3A_255, %swap3A_256] {strides = array<i32>} : memref<2x80xi32, #tpu.memory_space<vmem>>, vector<16xi32>,
        tpu.vector_store %swap3A_254[%swap3A_255, %swap3A_256], %select_n3A_249 {strides = array<i32>} : memref<2x80xi32, #tpu.memory_space<vmem>>, vector<16xi32>,
        %get3A_258 = arith.constant 2 : i32
        %get3A_259 = arith.constant 0 : i32
        %get3A_260 = arith.constant 0 : i32
        %get3A_261 = arith.constant 0 : i32
        %get3A_262 = tpu.memref_slice %arg8[%get3A_258, %get3A_260, %get3A_261] : memref<4x2x80xi32, #tpu.memory_space<vmem>> -> memref<1x2x80xi32, #tpu.memory_space<vmem>>
        %get3A_263 = tpu.memref_squeeze %get3A_262 : memref<1x2x80xi32, #tpu.memory_space<vmem>> -> memref<2x80xi32, #tpu.memory_space<vmem>>
        %get3A_264 = arith.index_cast %get3A_259 : i32 to index
        %get3A_265 = arith.constant 16 : index
        %get3A_266 = tpu.vector_load %get3A_263[%get3A_264, %get3A_265] {strides = array<i32>} : memref<2x80xi32, #tpu.memory_space<vmem>>, vector<16xi32>,
        %sub3A_267 = vector.broadcast %mul3A_77 : i32 to vector<16xi32>
        %sub3A_268 = arith.subi %get3A_266, %sub3A_267 : vector<16xi32>
        %ge3A_269 = arith.constant 0 : i32
        %ge3A_270 = vector.broadcast %ge3A_269 : i32 to vector<16xi32>
        %ge3A_271 = arith.cmpi sge, %sub3A_268, %ge3A_270 : vector<16xi32>
        %lt3A_272 = arith.constant 5000 : i32
        %lt3A_273 = vector.broadcast %lt3A_272 : i32 to vector<16xi32>
        %lt3A_274 = arith.cmpi slt, %sub3A_268, %lt3A_273 : vector<16xi32>
        %and3A_275 = arith.andi %ge3A_271, %lt3A_274 : vector<16xi1>
        %broadcast_in_dim3A_276 = arith.constant 5000 : i32
        %broadcast_in_dim3A_277 = vector.broadcast %broadcast_in_dim3A_276 : i32 to vector<16xi32>
        %select_n3A_278 = arith.select %and3A_275, %sub3A_268, %broadcast_in_dim3A_277 : vector<16xi1>, vector<16xi32>
        %swap3A_279 = arith.constant 2 : i32
        %swap3A_280 = arith.constant 0 : i32
        %swap3A_281 = arith.constant 0 : i32
        %swap3A_282 = arith.constant 0 : i32
        %swap3A_283 = tpu.memref_slice %arg8[%swap3A_279, %swap3A_281, %swap3A_282] : memref<4x2x80xi32, #tpu.memory_space<vmem>> -> memref<1x2x80xi32, #tpu.memory_space<vmem>>
        %swap3A_284 = tpu.memref_squeeze %swap3A_283 : memref<1x2x80xi32, #tpu.memory_space<vmem>> -> memref<2x80xi32, #tpu.memory_space<vmem>>
        %swap3A_285 = arith.index_cast %swap3A_280 : i32 to index
        %swap3A_286 = arith.constant 16 : index
        %swap3A_287 = tpu.vector_load %swap3A_284[%swap3A_285, %swap3A_286] {strides = array<i32>} : memref<2x80xi32, #tpu.memory_space<vmem>>, vector<16xi32>,
        tpu.vector_store %swap3A_284[%swap3A_285, %swap3A_286], %select_n3A_278 {strides = array<i32>} : memref<2x80xi32, #tpu.memory_space<vmem>>, vector<16xi32>,
        %get3A_288 = arith.constant 2 : i32
        %get3A_289 = arith.constant 0 : i32
        %get3A_290 = arith.constant 0 : i32
        %get3A_291 = arith.constant 0 : i32
        %get3A_292 = tpu.memref_slice %arg8[%get3A_288, %get3A_290, %get3A_291] : memref<4x2x80xi32, #tpu.memory_space<vmem>> -> memref<1x2x80xi32, #tpu.memory_space<vmem>>
        %get3A_293 = tpu.memref_squeeze %get3A_292 : memref<1x2x80xi32, #tpu.memory_space<vmem>> -> memref<2x80xi32, #tpu.memory_space<vmem>>
        %get3A_294 = arith.index_cast %get3A_289 : i32 to index
        %get3A_295 = arith.constant 32 : index
        %get3A_296 = tpu.vector_load %get3A_293[%get3A_294, %get3A_295] {strides = array<i32>} : memref<2x80xi32, #tpu.memory_space<vmem>>, vector<16xi32>,
        %sub3A_297 = vector.broadcast %mul3A_77 : i32 to vector<16xi32>
        %sub3A_298 = arith.subi %get3A_296, %sub3A_297 : vector<16xi32>
        %ge3A_299 = arith.constant 0 : i32
        %ge3A_300 = vector.broadcast %ge3A_299 : i32 to vector<16xi32>
        %ge3A_301 = arith.cmpi sge, %sub3A_298, %ge3A_300 : vector<16xi32>
        %lt3A_302 = arith.constant 5000 : i32
        %lt3A_303 = vector.broadcast %lt3A_302 : i32 to vector<16xi32>
        %lt3A_304 = arith.cmpi slt, %sub3A_298, %lt3A_303 : vector<16xi32>
        %and3A_305 = arith.andi %ge3A_301, %lt3A_304 : vector<16xi1>
        %broadcast_in_dim3A_306 = arith.constant 5000 : i32
        %broadcast_in_dim3A_307 = vector.broadcast %broadcast_in_dim3A_306 : i32 to vector<16xi32>
        %select_n3A_308 = arith.select %and3A_305, %sub3A_298, %broadcast_in_dim3A_307 : vector<16xi1>, vector<16xi32>
        %swap3A_309 = arith.constant 2 : i32
        %swap3A_310 = arith.constant 0 : i32
        %swap3A_311 = arith.constant 0 : i32
        %swap3A_312 = arith.constant 0 : i32
        %swap3A_313 = tpu.memref_slice %arg8[%swap3A_309, %swap3A_311, %swap3A_312] : memref<4x2x80xi32, #tpu.memory_space<vmem>> -> memref<1x2x80xi32, #tpu.memory_space<vmem>>
        %swap3A_314 = tpu.memref_squeeze %swap3A_313 : memref<1x2x80xi32, #tpu.memory_space<vmem>> -> memref<2x80xi32, #tpu.memory_space<vmem>>
        %swap3A_315 = arith.index_cast %swap3A_310 : i32 to index
        %swap3A_316 = arith.constant 32 : index
        %swap3A_317 = tpu.vector_load %swap3A_314[%swap3A_315, %swap3A_316] {strides = array<i32>} : memref<2x80xi32, #tpu.memory_space<vmem>>, vector<16xi32>,
        tpu.vector_store %swap3A_314[%swap3A_315, %swap3A_316], %select_n3A_308 {strides = array<i32>} : memref<2x80xi32, #tpu.memory_space<vmem>>, vector<16xi32>,
        %get3A_318 = arith.constant 2 : i32
        %get3A_319 = arith.constant 0 : i32
        %get3A_320 = arith.constant 0 : i32
        %get3A_321 = arith.constant 0 : i32
        %get3A_322 = tpu.memref_slice %arg8[%get3A_318, %get3A_320, %get3A_321] : memref<4x2x80xi32, #tpu.memory_space<vmem>> -> memref<1x2x80xi32, #tpu.memory_space<vmem>>
        %get3A_323 = tpu.memref_squeeze %get3A_322 : memref<1x2x80xi32, #tpu.memory_space<vmem>> -> memref<2x80xi32, #tpu.memory_space<vmem>>
        %get3A_324 = arith.index_cast %get3A_319 : i32 to index
        %get3A_325 = arith.constant 48 : index
        %get3A_326 = tpu.vector_load %get3A_323[%get3A_324, %get3A_325] {strides = array<i32>} : memref<2x80xi32, #tpu.memory_space<vmem>>, vector<16xi32>,
        %sub3A_327 = vector.broadcast %mul3A_77 : i32 to vector<16xi32>
        %sub3A_328 = arith.subi %get3A_326, %sub3A_327 : vector<16xi32>
        %ge3A_329 = arith.constant 0 : i32
        %ge3A_330 = vector.broadcast %ge3A_329 : i32 to vector<16xi32>
        %ge3A_331 = arith.cmpi sge, %sub3A_328, %ge3A_330 : vector<16xi32>
        %lt3A_332 = arith.constant 5000 : i32
        %lt3A_333 = vector.broadcast %lt3A_332 : i32 to vector<16xi32>
        %lt3A_334 = arith.cmpi slt, %sub3A_328, %lt3A_333 : vector<16xi32>
        %and3A_335 = arith.andi %ge3A_331, %lt3A_334 : vector<16xi1>
        %broadcast_in_dim3A_336 = arith.constant 5000 : i32
        %broadcast_in_dim3A_337 = vector.broadcast %broadcast_in_dim3A_336 : i32 to vector<16xi32>
        %select_n3A_338 = arith.select %and3A_335, %sub3A_328, %broadcast_in_dim3A_337 : vector<16xi1>, vector<16xi32>
        %swap3A_339 = arith.constant 2 : i32
        %swap3A_340 = arith.constant 0 : i32
        %swap3A_341 = arith.constant 0 : i32
        %swap3A_342 = arith.constant 0 : i32
        %swap3A_343 = tpu.memref_slice %arg8[%swap3A_339, %swap3A_341, %swap3A_342] : memref<4x2x80xi32, #tpu.memory_space<vmem>> -> memref<1x2x80xi32, #tpu.memory_space<vmem>>
        %swap3A_344 = tpu.memref_squeeze %swap3A_343 : memref<1x2x80xi32, #tpu.memory_space<vmem>> -> memref<2x80xi32, #tpu.memory_space<vmem>>
        %swap3A_345 = arith.index_cast %swap3A_340 : i32 to index
        %swap3A_346 = arith.constant 48 : index
        %swap3A_347 = tpu.vector_load %swap3A_344[%swap3A_345, %swap3A_346] {strides = array<i32>} : memref<2x80xi32, #tpu.memory_space<vmem>>, vector<16xi32>,
        tpu.vector_store %swap3A_344[%swap3A_345, %swap3A_346], %select_n3A_338 {strides = array<i32>} : memref<2x80xi32, #tpu.memory_space<vmem>>, vector<16xi32>,
        %get3A_348 = arith.constant 2 : i32
        %get3A_349 = arith.constant 0 : i32
        %get3A_350 = arith.constant 0 : i32
        %get3A_351 = arith.constant 0 : i32
        %get3A_352 = tpu.memref_slice %arg8[%get3A_348, %get3A_350, %get3A_351] : memref<4x2x80xi32, #tpu.memory_space<vmem>> -> memref<1x2x80xi32, #tpu.memory_space<vmem>>
        %get3A_353 = tpu.memref_squeeze %get3A_352 : memref<1x2x80xi32, #tpu.memory_space<vmem>> -> memref<2x80xi32, #tpu.memory_space<vmem>>
        %get3A_354 = arith.index_cast %get3A_349 : i32 to index
        %get3A_355 = arith.constant 64 : index
        %get3A_356 = tpu.vector_load %get3A_353[%get3A_354, %get3A_355] {strides = array<i32>} : memref<2x80xi32, #tpu.memory_space<vmem>>, vector<16xi32>,
        %sub3A_357 = vector.broadcast %mul3A_77 : i32 to vector<16xi32>
        %sub3A_358 = arith.subi %get3A_356, %sub3A_357 : vector<16xi32>
        %ge3A_359 = arith.constant 0 : i32
        %ge3A_360 = vector.broadcast %ge3A_359 : i32 to vector<16xi32>
        %ge3A_361 = arith.cmpi sge, %sub3A_358, %ge3A_360 : vector<16xi32>
        %lt3A_362 = arith.constant 5000 : i32
        %lt3A_363 = vector.broadcast %lt3A_362 : i32 to vector<16xi32>
        %lt3A_364 = arith.cmpi slt, %sub3A_358, %lt3A_363 : vector<16xi32>
        %and3A_365 = arith.andi %ge3A_361, %lt3A_364 : vector<16xi1>
        %broadcast_in_dim3A_366 = arith.constant 5000 : i32
        %broadcast_in_dim3A_367 = vector.broadcast %broadcast_in_dim3A_366 : i32 to vector<16xi32>
        %select_n3A_368 = arith.select %and3A_365, %sub3A_358, %broadcast_in_dim3A_367 : vector<16xi1>, vector<16xi32>
        %swap3A_369 = arith.constant 2 : i32
        %swap3A_370 = arith.constant 0 : i32
        %swap3A_371 = arith.constant 0 : i32
        %swap3A_372 = arith.constant 0 : i32
        %swap3A_373 = tpu.memref_slice %arg8[%swap3A_369, %swap3A_371, %swap3A_372] : memref<4x2x80xi32, #tpu.memory_space<vmem>> -> memref<1x2x80xi32, #tpu.memory_space<vmem>>
        %swap3A_374 = tpu.memref_squeeze %swap3A_373 : memref<1x2x80xi32, #tpu.memory_space<vmem>> -> memref<2x80xi32, #tpu.memory_space<vmem>>
        %swap3A_375 = arith.index_cast %swap3A_370 : i32 to index
        %swap3A_376 = arith.constant 64 : index
        %swap3A_377 = tpu.vector_load %swap3A_374[%swap3A_375, %swap3A_376] {strides = array<i32>} : memref<2x80xi32, #tpu.memory_space<vmem>>, vector<16xi32>,
        tpu.vector_store %swap3A_374[%swap3A_375, %swap3A_376], %select_n3A_368 {strides = array<i32>} : memref<2x80xi32, #tpu.memory_space<vmem>>, vector<16xi32>,
        %get3A_378 = arith.constant 2 : i32
        %get3A_379 = arith.constant 1 : i32
        %get3A_380 = arith.constant 0 : i32
        %get3A_381 = arith.constant 0 : i32
        %get3A_382 = tpu.memref_slice %arg8[%get3A_378, %get3A_380, %get3A_381] : memref<4x2x80xi32, #tpu.memory_space<vmem>> -> memref<1x2x80xi32, #tpu.memory_space<vmem>>
        %get3A_383 = tpu.memref_squeeze %get3A_382 : memref<1x2x80xi32, #tpu.memory_space<vmem>> -> memref<2x80xi32, #tpu.memory_space<vmem>>
        %get3A_384 = arith.index_cast %get3A_379 : i32 to index
        %get3A_385 = arith.constant 0 : index
        %get3A_386 = tpu.vector_load %get3A_383[%get3A_384, %get3A_385] {strides = array<i32>} : memref<2x80xi32, #tpu.memory_space<vmem>>, vector<16xi32>,
        %sub3A_387 = vector.broadcast %mul3A_77 : i32 to vector<16xi32>
        %sub3A_388 = arith.subi %get3A_386, %sub3A_387 : vector<16xi32>
        %ge3A_389 = arith.constant 0 : i32
        %ge3A_390 = vector.broadcast %ge3A_389 : i32 to vector<16xi32>
        %ge3A_391 = arith.cmpi sge, %sub3A_388, %ge3A_390 : vector<16xi32>
        %lt3A_392 = arith.constant 5000 : i32
        %lt3A_393 = vector.broadcast %lt3A_392 : i32 to vector<16xi32>
        %lt3A_394 = arith.cmpi slt, %sub3A_388, %lt3A_393 : vector<16xi32>
        %and3A_395 = arith.andi %ge3A_391, %lt3A_394 : vector<16xi1>
        %broadcast_in_dim3A_396 = arith.constant 5000 : i32
        %broadcast_in_dim3A_397 = vector.broadcast %broadcast_in_dim3A_396 : i32 to vector<16xi32>
        %select_n3A_398 = arith.select %and3A_395, %sub3A_388, %broadcast_in_dim3A_397 : vector<16xi1>, vector<16xi32>
        %swap3A_399 = arith.constant 2 : i32
        %swap3A_400 = arith.constant 1 : i32
        %swap3A_401 = arith.constant 0 : i32
        %swap3A_402 = arith.constant 0 : i32
        %swap3A_403 = tpu.memref_slice %arg8[%swap3A_399, %swap3A_401, %swap3A_402] : memref<4x2x80xi32, #tpu.memory_space<vmem>> -> memref<1x2x80xi32, #tpu.memory_space<vmem>>
        %swap3A_404 = tpu.memref_squeeze %swap3A_403 : memref<1x2x80xi32, #tpu.memory_space<vmem>> -> memref<2x80xi32, #tpu.memory_space<vmem>>
        %swap3A_405 = arith.index_cast %swap3A_400 : i32 to index
        %swap3A_406 = arith.constant 0 : index
        %swap3A_407 = tpu.vector_load %swap3A_404[%swap3A_405, %swap3A_406] {strides = array<i32>} : memref<2x80xi32, #tpu.memory_space<vmem>>, vector<16xi32>,
        tpu.vector_store %swap3A_404[%swap3A_405, %swap3A_406], %select_n3A_398 {strides = array<i32>} : memref<2x80xi32, #tpu.memory_space<vmem>>, vector<16xi32>,
        %get3A_408 = arith.constant 2 : i32
        %get3A_409 = arith.constant 1 : i32
        %get3A_410 = arith.constant 0 : i32
        %get3A_411 = arith.constant 0 : i32
        %get3A_412 = tpu.memref_slice %arg8[%get3A_408, %get3A_410, %get3A_411] : memref<4x2x80xi32, #tpu.memory_space<vmem>> -> memref<1x2x80xi32, #tpu.memory_space<vmem>>
        %get3A_413 = tpu.memref_squeeze %get3A_412 : memref<1x2x80xi32, #tpu.memory_space<vmem>> -> memref<2x80xi32, #tpu.memory_space<vmem>>
        %get3A_414 = arith.index_cast %get3A_409 : i32 to index
        %get3A_415 = arith.constant 16 : index
        %get3A_416 = tpu.vector_load %get3A_413[%get3A_414, %get3A_415] {strides = array<i32>} : memref<2x80xi32, #tpu.memory_space<vmem>>, vector<16xi32>,
        %sub3A_417 = vector.broadcast %mul3A_77 : i32 to vector<16xi32>
        %sub3A_418 = arith.subi %get3A_416, %sub3A_417 : vector<16xi32>
        %ge3A_419 = arith.constant 0 : i32
        %ge3A_420 = vector.broadcast %ge3A_419 : i32 to vector<16xi32>
        %ge3A_421 = arith.cmpi sge, %sub3A_418, %ge3A_420 : vector<16xi32>
        %lt3A_422 = arith.constant 5000 : i32
        %lt3A_423 = vector.broadcast %lt3A_422 : i32 to vector<16xi32>
        %lt3A_424 = arith.cmpi slt, %sub3A_418, %lt3A_423 : vector<16xi32>
        %and3A_425 = arith.andi %ge3A_421, %lt3A_424 : vector<16xi1>
        %broadcast_in_dim3A_426 = arith.constant 5000 : i32
        %broadcast_in_dim3A_427 = vector.broadcast %broadcast_in_dim3A_426 : i32 to vector<16xi32>
        %select_n3A_428 = arith.select %and3A_425, %sub3A_418, %broadcast_in_dim3A_427 : vector<16xi1>, vector<16xi32>
        %swap3A_429 = arith.constant 2 : i32
        %swap3A_430 = arith.constant 1 : i32
        %swap3A_431 = arith.constant 0 : i32
        %swap3A_432 = arith.constant 0 : i32
        %swap3A_433 = tpu.memref_slice %arg8[%swap3A_429, %swap3A_431, %swap3A_432] : memref<4x2x80xi32, #tpu.memory_space<vmem>> -> memref<1x2x80xi32, #tpu.memory_space<vmem>>
        %swap3A_434 = tpu.memref_squeeze %swap3A_433 : memref<1x2x80xi32, #tpu.memory_space<vmem>> -> memref<2x80xi32, #tpu.memory_space<vmem>>
        %swap3A_435 = arith.index_cast %swap3A_430 : i32 to index
        %swap3A_436 = arith.constant 16 : index
        %swap3A_437 = tpu.vector_load %swap3A_434[%swap3A_435, %swap3A_436] {strides = array<i32>} : memref<2x80xi32, #tpu.memory_space<vmem>>, vector<16xi32>,
        tpu.vector_store %swap3A_434[%swap3A_435, %swap3A_436], %select_n3A_428 {strides = array<i32>} : memref<2x80xi32, #tpu.memory_space<vmem>>, vector<16xi32>,
        %get3A_438 = arith.constant 2 : i32
        %get3A_439 = arith.constant 1 : i32
        %get3A_440 = arith.constant 0 : i32
        %get3A_441 = arith.constant 0 : i32
        %get3A_442 = tpu.memref_slice %arg8[%get3A_438, %get3A_440, %get3A_441] : memref<4x2x80xi32, #tpu.memory_space<vmem>> -> memref<1x2x80xi32, #tpu.memory_space<vmem>>
        %get3A_443 = tpu.memref_squeeze %get3A_442 : memref<1x2x80xi32, #tpu.memory_space<vmem>> -> memref<2x80xi32, #tpu.memory_space<vmem>>
        %get3A_444 = arith.index_cast %get3A_439 : i32 to index
        %get3A_445 = arith.constant 32 : index
        %get3A_446 = tpu.vector_load %get3A_443[%get3A_444, %get3A_445] {strides = array<i32>} : memref<2x80xi32, #tpu.memory_space<vmem>>, vector<16xi32>,
        %sub3A_447 = vector.broadcast %mul3A_77 : i32 to vector<16xi32>
        %sub3A_448 = arith.subi %get3A_446, %sub3A_447 : vector<16xi32>
        %ge3A_449 = arith.constant 0 : i32
        %ge3A_450 = vector.broadcast %ge3A_449 : i32 to vector<16xi32>
        %ge3A_451 = arith.cmpi sge, %sub3A_448, %ge3A_450 : vector<16xi32>
        %lt3A_452 = arith.constant 5000 : i32
        %lt3A_453 = vector.broadcast %lt3A_452 : i32 to vector<16xi32>
        %lt3A_454 = arith.cmpi slt, %sub3A_448, %lt3A_453 : vector<16xi32>
        %and3A_455 = arith.andi %ge3A_451, %lt3A_454 : vector<16xi1>
        %broadcast_in_dim3A_456 = arith.constant 5000 : i32
        %broadcast_in_dim3A_457 = vector.broadcast %broadcast_in_dim3A_456 : i32 to vector<16xi32>
        %select_n3A_458 = arith.select %and3A_455, %sub3A_448, %broadcast_in_dim3A_457 : vector<16xi1>, vector<16xi32>
        %swap3A_459 = arith.constant 2 : i32
        %swap3A_460 = arith.constant 1 : i32
        %swap3A_461 = arith.constant 0 : i32
        %swap3A_462 = arith.constant 0 : i32
        %swap3A_463 = tpu.memref_slice %arg8[%swap3A_459, %swap3A_461, %swap3A_462] : memref<4x2x80xi32, #tpu.memory_space<vmem>> -> memref<1x2x80xi32, #tpu.memory_space<vmem>>
        %swap3A_464 = tpu.memref_squeeze %swap3A_463 : memref<1x2x80xi32, #tpu.memory_space<vmem>> -> memref<2x80xi32, #tpu.memory_space<vmem>>
        %swap3A_465 = arith.index_cast %swap3A_460 : i32 to index
        %swap3A_466 = arith.constant 32 : index
        %swap3A_467 = tpu.vector_load %swap3A_464[%swap3A_465, %swap3A_466] {strides = array<i32>} : memref<2x80xi32, #tpu.memory_space<vmem>>, vector<16xi32>,
        tpu.vector_store %swap3A_464[%swap3A_465, %swap3A_466], %select_n3A_458 {strides = array<i32>} : memref<2x80xi32, #tpu.memory_space<vmem>>, vector<16xi32>,
        %get3A_468 = arith.constant 2 : i32
        %get3A_469 = arith.constant 1 : i32
        %get3A_470 = arith.constant 0 : i32
        %get3A_471 = arith.constant 0 : i32
        %get3A_472 = tpu.memref_slice %arg8[%get3A_468, %get3A_470, %get3A_471] : memref<4x2x80xi32, #tpu.memory_space<vmem>> -> memref<1x2x80xi32, #tpu.memory_space<vmem>>
        %get3A_473 = tpu.memref_squeeze %get3A_472 : memref<1x2x80xi32, #tpu.memory_space<vmem>> -> memref<2x80xi32, #tpu.memory_space<vmem>>
        %get3A_474 = arith.index_cast %get3A_469 : i32 to index
        %get3A_475 = arith.constant 48 : index
        %get3A_476 = tpu.vector_load %get3A_473[%get3A_474, %get3A_475] {strides = array<i32>} : memref<2x80xi32, #tpu.memory_space<vmem>>, vector<16xi32>,
        %sub3A_477 = vector.broadcast %mul3A_77 : i32 to vector<16xi32>
        %sub3A_478 = arith.subi %get3A_476, %sub3A_477 : vector<16xi32>
        %ge3A_479 = arith.constant 0 : i32
        %ge3A_480 = vector.broadcast %ge3A_479 : i32 to vector<16xi32>
        %ge3A_481 = arith.cmpi sge, %sub3A_478, %ge3A_480 : vector<16xi32>
        %lt3A_482 = arith.constant 5000 : i32
        %lt3A_483 = vector.broadcast %lt3A_482 : i32 to vector<16xi32>
        %lt3A_484 = arith.cmpi slt, %sub3A_478, %lt3A_483 : vector<16xi32>
        %and3A_485 = arith.andi %ge3A_481, %lt3A_484 : vector<16xi1>
        %broadcast_in_dim3A_486 = arith.constant 5000 : i32
        %broadcast_in_dim3A_487 = vector.broadcast %broadcast_in_dim3A_486 : i32 to vector<16xi32>
        %select_n3A_488 = arith.select %and3A_485, %sub3A_478, %broadcast_in_dim3A_487 : vector<16xi1>, vector<16xi32>
        %swap3A_489 = arith.constant 2 : i32
        %swap3A_490 = arith.constant 1 : i32
        %swap3A_491 = arith.constant 0 : i32
        %swap3A_492 = arith.constant 0 : i32
        %swap3A_493 = tpu.memref_slice %arg8[%swap3A_489, %swap3A_491, %swap3A_492] : memref<4x2x80xi32, #tpu.memory_space<vmem>> -> memref<1x2x80xi32, #tpu.memory_space<vmem>>
        %swap3A_494 = tpu.memref_squeeze %swap3A_493 : memref<1x2x80xi32, #tpu.memory_space<vmem>> -> memref<2x80xi32, #tpu.memory_space<vmem>>
        %swap3A_495 = arith.index_cast %swap3A_490 : i32 to index
        %swap3A_496 = arith.constant 48 : index
        %swap3A_497 = tpu.vector_load %swap3A_494[%swap3A_495, %swap3A_496] {strides = array<i32>} : memref<2x80xi32, #tpu.memory_space<vmem>>, vector<16xi32>,
        tpu.vector_store %swap3A_494[%swap3A_495, %swap3A_496], %select_n3A_488 {strides = array<i32>} : memref<2x80xi32, #tpu.memory_space<vmem>>, vector<16xi32>,
        %get3A_498 = arith.constant 2 : i32
        %get3A_499 = arith.constant 1 : i32
        %get3A_500 = arith.constant 0 : i32
        %get3A_501 = arith.constant 0 : i32
        %get3A_502 = tpu.memref_slice %arg8[%get3A_498, %get3A_500, %get3A_501] : memref<4x2x80xi32, #tpu.memory_space<vmem>> -> memref<1x2x80xi32, #tpu.memory_space<vmem>>
        %get3A_503 = tpu.memref_squeeze %get3A_502 : memref<1x2x80xi32, #tpu.memory_space<vmem>> -> memref<2x80xi32, #tpu.memory_space<vmem>>
        %get3A_504 = arith.index_cast %get3A_499 : i32 to index
        %get3A_505 = arith.constant 64 : index
        %get3A_506 = tpu.vector_load %get3A_503[%get3A_504, %get3A_505] {strides = array<i32>} : memref<2x80xi32, #tpu.memory_space<vmem>>, vector<16xi32>,
        %sub3A_507 = vector.broadcast %mul3A_77 : i32 to vector<16xi32>
        %sub3A_508 = arith.subi %get3A_506, %sub3A_507 : vector<16xi32>
        %ge3A_509 = arith.constant 0 : i32
        %ge3A_510 = vector.broadcast %ge3A_509 : i32 to vector<16xi32>
        %ge3A_511 = arith.cmpi sge, %sub3A_508, %ge3A_510 : vector<16xi32>
        %lt3A_512 = arith.constant 5000 : i32
        %lt3A_513 = vector.broadcast %lt3A_512 : i32 to vector<16xi32>
        %lt3A_514 = arith.cmpi slt, %sub3A_508, %lt3A_513 : vector<16xi32>
        %and3A_515 = arith.andi %ge3A_511, %lt3A_514 : vector<16xi1>
        %broadcast_in_dim3A_516 = arith.constant 5000 : i32
        %broadcast_in_dim3A_517 = vector.broadcast %broadcast_in_dim3A_516 : i32 to vector<16xi32>
        %select_n3A_518 = arith.select %and3A_515, %sub3A_508, %broadcast_in_dim3A_517 : vector<16xi1>, vector<16xi32>
        %swap3A_519 = arith.constant 2 : i32
        %swap3A_520 = arith.constant 1 : i32
        %swap3A_521 = arith.constant 0 : i32
        %swap3A_522 = arith.constant 0 : i32
        %swap3A_523 = tpu.memref_slice %arg8[%swap3A_519, %swap3A_521, %swap3A_522] : memref<4x2x80xi32, #tpu.memory_space<vmem>> -> memref<1x2x80xi32, #tpu.memory_space<vmem>>
        %swap3A_524 = tpu.memref_squeeze %swap3A_523 : memref<1x2x80xi32, #tpu.memory_space<vmem>> -> memref<2x80xi32, #tpu.memory_space<vmem>>
        %swap3A_525 = arith.index_cast %swap3A_520 : i32 to index
        %swap3A_526 = arith.constant 64 : index
        %swap3A_527 = tpu.vector_load %swap3A_524[%swap3A_525, %swap3A_526] {strides = array<i32>} : memref<2x80xi32, #tpu.memory_space<vmem>>, vector<16xi32>,
        tpu.vector_store %swap3A_524[%swap3A_525, %swap3A_526], %select_n3A_518 {strides = array<i32>} : memref<2x80xi32, #tpu.memory_space<vmem>>, vector<16xi32>,
        %dma_start3A = arith.constant 2 : i32
        %dma_start3A_528 = arith.constant 2 : i32
        %dma_start3A_529 = arith.constant 0 : i32
        %dma_start3A_530 = arith.constant 0 : i32
        %dma_start3A_531 = arith.constant 0 : i32
        %dma_start3A_532 = tpu.memref_slice %arg7[%dma_start3A, %dma_start3A_530, %dma_start3A_531] : memref<4x160x128xf32, #tpu.memory_space<vmem>> -> memref<1x160x128xf32, #tpu.memory_space<vmem>>
        %dma_start3A_533 = tpu.memref_squeeze %dma_start3A_532 : memref<1x160x128xf32, #tpu.memory_space<vmem>> -> memref<160x128xf32, #tpu.memory_space<vmem>>
        %dma_start3A_534 = arith.constant 0 : i32
        %dma_start3A_535 = arith.constant 0 : i32
        %dma_start3A_536 = tpu.memref_slice %dma_start3A_533[%dma_start3A_534, %dma_start3A_535] : memref<160x128xf32, #tpu.memory_space<vmem>> -> memref<80x128xf32, #tpu.memory_space<vmem>>
        %dma_start3A_537 = arith.constant 0 : i32
        %dma_start3A_538 = arith.constant 0 : i32
        %dma_start3A_539 = tpu.memref_slice %arg8[%dma_start3A_528, %dma_start3A_537, %dma_start3A_538] : memref<4x2x80xi32, #tpu.memory_space<vmem>> -> memref<1x2x80xi32, #tpu.memory_space<vmem>>
        %dma_start3A_540 = tpu.memref_squeeze %dma_start3A_539 : memref<1x2x80xi32, #tpu.memory_space<vmem>> -> memref<2x80xi32, #tpu.memory_space<vmem>>
        %dma_start3A_541 = arith.constant 0 : i32
        %dma_start3A_542 = tpu.memref_slice %dma_start3A_540[%dma_start3A_529, %dma_start3A_541] : memref<2x80xi32, #tpu.memory_space<vmem>> -> memref<1x80xi32, #tpu.memory_space<vmem>>
        %dma_start3A_543 = tpu.memref_squeeze %dma_start3A_542 : memref<1x80xi32, #tpu.memory_space<vmem>> -> memref<80xi32, #tpu.memory_space<vmem>>
        %dma_start3A_544 = arith.constant 0 : i32
        %dma_start3A_545 = arith.constant 0 : i32
        %dma_start3A_546 = tpu.memref_slice %arg6[%dma_start3A_544, %dma_start3A_545] : memref<5008x128xf32, #tpu.memory_space<vmem_shared>> -> memref<5008x128xf32, #tpu.memory_space<vmem_shared>>
        tpu.enqueue_indirect_dma source(%dma_start3A_536 : memref<80x128xf32, #tpu.memory_space<vmem>>) target(%dma_start3A_546 : memref<5008x128xf32, #tpu.memory_space<vmem_shared>>) offsets(%dma_start3A_543 : memref<80xi32, #tpu.memory_space<vmem>>) semaphore(%arg19 : memref<!tpu.dma_semaphore, #tpu.memory_space<semaphore_mem>>) {add = true}
        %dma_start3A_547 = arith.constant 2 : i32
        %dma_start3A_548 = arith.constant 2 : i32
        %dma_start3A_549 = arith.constant 1 : i32
        %dma_start3A_550 = arith.constant 0 : i32
        %dma_start3A_551 = arith.constant 0 : i32
        %dma_start3A_552 = tpu.memref_slice %arg7[%dma_start3A_547, %dma_start3A_550, %dma_start3A_551] : memref<4x160x128xf32, #tpu.memory_space<vmem>> -> memref<1x160x128xf32, #tpu.memory_space<vmem>>
        %dma_start3A_553 = tpu.memref_squeeze %dma_start3A_552 : memref<1x160x128xf32, #tpu.memory_space<vmem>> -> memref<160x128xf32, #tpu.memory_space<vmem>>
        %dma_start3A_554 = arith.constant 80 : i32
        %dma_start3A_555 = arith.constant 0 : i32
        %dma_start3A_556 = tpu.memref_slice %dma_start3A_553[%dma_start3A_554, %dma_start3A_555] : memref<160x128xf32, #tpu.memory_space<vmem>> -> memref<80x128xf32, #tpu.memory_space<vmem>>
        %dma_start3A_557 = arith.constant 0 : i32
        %dma_start3A_558 = arith.constant 0 : i32
        %dma_start3A_559 = tpu.memref_slice %arg8[%dma_start3A_548, %dma_start3A_557, %dma_start3A_558] : memref<4x2x80xi32, #tpu.memory_space<vmem>> -> memref<1x2x80xi32, #tpu.memory_space<vmem>>
        %dma_start3A_560 = tpu.memref_squeeze %dma_start3A_559 : memref<1x2x80xi32, #tpu.memory_space<vmem>> -> memref<2x80xi32, #tpu.memory_space<vmem>>
        %dma_start3A_561 = arith.constant 0 : i32
        %dma_start3A_562 = tpu.memref_slice %dma_start3A_560[%dma_start3A_549, %dma_start3A_561] : memref<2x80xi32, #tpu.memory_space<vmem>> -> memref<1x80xi32, #tpu.memory_space<vmem>>
        %dma_start3A_563 = tpu.memref_squeeze %dma_start3A_562 : memref<1x80xi32, #tpu.memory_space<vmem>> -> memref<80xi32, #tpu.memory_space<vmem>>
        %dma_start3A_564 = arith.constant 0 : i32
        %dma_start3A_565 = arith.constant 0 : i32
        %dma_start3A_566 = tpu.memref_slice %arg6[%dma_start3A_564, %dma_start3A_565] : memref<5008x128xf32, #tpu.memory_space<vmem_shared>> -> memref<5008x128xf32, #tpu.memory_space<vmem_shared>>
        tpu.enqueue_indirect_dma source(%dma_start3A_556 : memref<80x128xf32, #tpu.memory_space<vmem>>) target(%dma_start3A_566 : memref<5008x128xf32, #tpu.memory_space<vmem_shared>>) offsets(%dma_start3A_563 : memref<80xi32, #tpu.memory_space<vmem>>) semaphore(%arg19 : memref<!tpu.dma_semaphore, #tpu.memory_space<semaphore_mem>>) {add = true}
        %dma_wait3A_567 = arith.constant 2 : i32
        %dma_wait3A_568 = arith.constant 2 : i32
        %dma_wait3A_569 = arith.constant 0 : i32
        %dma_wait3A_570 = arith.constant 0 : i32
        %dma_wait3A_571 = arith.constant 0 : i32
        %dma_wait3A_572 = tpu.memref_slice %arg7[%dma_wait3A_567, %dma_wait3A_570, %dma_wait3A_571] : memref<4x160x128xf32, #tpu.memory_space<vmem>> -> memref<1x160x128xf32, #tpu.memory_space<vmem>>
        %dma_wait3A_573 = tpu.memref_squeeze %dma_wait3A_572 : memref<1x160x128xf32, #tpu.memory_space<vmem>> -> memref<160x128xf32, #tpu.memory_space<vmem>>
        %dma_wait3A_574 = arith.constant 0 : i32
        %dma_wait3A_575 = arith.constant 0 : i32
        %dma_wait3A_576 = tpu.memref_slice %dma_wait3A_573[%dma_wait3A_574, %dma_wait3A_575] : memref<160x128xf32, #tpu.memory_space<vmem>> -> memref<80x128xf32, #tpu.memory_space<vmem>>
        %dma_wait3A_577 = arith.constant 0 : i32
        %dma_wait3A_578 = arith.constant 0 : i32
        %dma_wait3A_579 = tpu.memref_slice %arg8[%dma_wait3A_568, %dma_wait3A_577, %dma_wait3A_578] : memref<4x2x80xi32, #tpu.memory_space<vmem>> -> memref<1x2x80xi32, #tpu.memory_space<vmem>>
        %dma_wait3A_580 = tpu.memref_squeeze %dma_wait3A_579 : memref<1x2x80xi32, #tpu.memory_space<vmem>> -> memref<2x80xi32, #tpu.memory_space<vmem>>
        %dma_wait3A_581 = arith.constant 0 : i32
        %dma_wait3A_582 = tpu.memref_slice %dma_wait3A_580[%dma_wait3A_569, %dma_wait3A_581] : memref<2x80xi32, #tpu.memory_space<vmem>> -> memref<1x80xi32, #tpu.memory_space<vmem>>
        %dma_wait3A_583 = tpu.memref_squeeze %dma_wait3A_582 : memref<1x80xi32, #tpu.memory_space<vmem>> -> memref<80xi32, #tpu.memory_space<vmem>>
        %dma_wait3A_584 = arith.constant 0 : i32
        %dma_wait3A_585 = arith.constant 0 : i32
        %dma_wait3A_586 = tpu.memref_slice %arg6[%dma_wait3A_584, %dma_wait3A_585] : memref<5008x128xf32, #tpu.memory_space<vmem_shared>> -> memref<5008x128xf32, #tpu.memory_space<vmem_shared>>
        tpu.wait_indirect_dma semaphore(%arg19 : memref<!tpu.dma_semaphore, #tpu.memory_space<semaphore_mem>>) src(%dma_wait3A_576 : memref<80x128xf32, #tpu.memory_space<vmem>>) dst(%dma_wait3A_586 : memref<5008x128xf32, #tpu.memory_space<vmem_shared>>)
        %dma_wait3A_587 = arith.constant 2 : i32
        %dma_wait3A_588 = arith.constant 2 : i32
        %dma_wait3A_589 = arith.constant 1 : i32
        %dma_wait3A_590 = arith.constant 0 : i32
        %dma_wait3A_591 = arith.constant 0 : i32
        %dma_wait3A_592 = tpu.memref_slice %arg7[%dma_wait3A_587, %dma_wait3A_590, %dma_wait3A_591] : memref<4x160x128xf32, #tpu.memory_space<vmem>> -> memref<1x160x128xf32, #tpu.memory_space<vmem>>
        %dma_wait3A_593 = tpu.memref_squeeze %dma_wait3A_592 : memref<1x160x128xf32, #tpu.memory_space<vmem>> -> memref<160x128xf32, #tpu.memory_space<vmem>>
        %dma_wait3A_594 = arith.constant 80 : i32
        %dma_wait3A_595 = arith.constant 0 : i32
        %dma_wait3A_596 = tpu.memref_slice %dma_wait3A_593[%dma_wait3A_594, %dma_wait3A_595] : memref<160x128xf32, #tpu.memory_space<vmem>> -> memref<80x128xf32, #tpu.memory_space<vmem>>
        %dma_wait3A_597 = arith.constant 0 : i32
        %dma_wait3A_598 = arith.constant 0 : i32
        %dma_wait3A_599 = tpu.memref_slice %arg8[%dma_wait3A_588, %dma_wait3A_597, %dma_wait3A_598] : memref<4x2x80xi32, #tpu.memory_space<vmem>> -> memref<1x2x80xi32, #tpu.memory_space<vmem>>
        %dma_wait3A_600 = tpu.memref_squeeze %dma_wait3A_599 : memref<1x2x80xi32, #tpu.memory_space<vmem>> -> memref<2x80xi32, #tpu.memory_space<vmem>>
        %dma_wait3A_601 = arith.constant 0 : i32
        %dma_wait3A_602 = tpu.memref_slice %dma_wait3A_600[%dma_wait3A_589, %dma_wait3A_601] : memref<2x80xi32, #tpu.memory_space<vmem>> -> memref<1x80xi32, #tpu.memory_space<vmem>>
        %dma_wait3A_603 = tpu.memref_squeeze %dma_wait3A_602 : memref<1x80xi32, #tpu.memory_space<vmem>> -> memref<80xi32, #tpu.memory_space<vmem>>
        %dma_wait3A_604 = arith.constant 0 : i32
        %dma_wait3A_605 = arith.constant 0 : i32
        %dma_wait3A_606 = tpu.memref_slice %arg6[%dma_wait3A_604, %dma_wait3A_605] : memref<5008x128xf32, #tpu.memory_space<vmem_shared>> -> memref<5008x128xf32, #tpu.memory_space<vmem_shared>>
        tpu.wait_indirect_dma semaphore(%arg19 : memref<!tpu.dma_semaphore, #tpu.memory_space<semaphore_mem>>) src(%dma_wait3A_596 : memref<80x128xf32, #tpu.memory_space<vmem>>) dst(%dma_wait3A_606 : memref<5008x128xf32, #tpu.memory_space<vmem_shared>>)
      } else {
      }
      %add3A_176 = arith.constant 4 : i32
      %add3A_177 = arith.addi %add3A_171, %add3A_176 : i32
      %lt3A_178 = arith.cmpi slt, %add3A_177, %max3A_43 : i32
      %convert_element_type3A_179 = arith.extui %lt3A_178 : i1 to i32
      %cond3A_180 = arith.constant 0 : i32
      %cond3A_181 = arith.cmpi ne, %convert_element_type3A_179, %cond3A_180 : i32
      scf.if %cond3A_181 {
        %add3A_196 = arith.constant 4 : i32
        %add3A_197 = arith.addi %add3A_171, %add3A_196 : i32
        %add3A_198 = arith.addi %select_n3A, %arg1 : i32
        %mul3A_199 = arith.constant 16 : i32
        %mul3A_200 = arith.muli %add3A_197, %mul3A_199 : i32
        %add3A_201 = arith.addi %add3A_198, %mul3A_200 : i32
        %mul3A_202 = arith.constant 160 : i32
        %mul3A_203 = arith.muli %add3A_201, %mul3A_202 : i32
        %dma_start3A = arith.constant 2 : i32
        %dma_start3A_204 = arith.constant 0 : i32
        %dma_start3A_205 = arith.constant 0 : i32
        %dma_start3A_206 = tpu.memref_slice %arg7[%dma_start3A, %dma_start3A_204, %dma_start3A_205] : memref<4x160x128xf32, #tpu.memory_space<vmem>> -> memref<1x160x128xf32, #tpu.memory_space<vmem>>
        %dma_start3A_207 = tpu.memref_squeeze %dma_start3A_206 : memref<1x160x128xf32, #tpu.memory_space<vmem>> -> memref<160x128xf32, #tpu.memory_space<vmem>>
        %dma_start3A_208 = arith.constant 0 : i32
        %dma_start3A_209 = tpu.memref_slice %arg2[%mul3A_203, %dma_start3A_208] : memref<320000x128xf32, #tpu.memory_space<hbm>> -> memref<160x128xf32, #tpu.memory_space<hbm>>
        %dma_start3A_210 = arith.constant 0 : i32
        %dma_start3A_211 = arith.constant 0 : i32
        %dma_start3A_212 = tpu.memref_slice %arg7[%dma_start3A, %dma_start3A_210, %dma_start3A_211] : memref<4x160x128xf32, #tpu.memory_space<vmem>> -> memref<1x160x128xf32, #tpu.memory_space<vmem>>
        %dma_start3A_213 = tpu.memref_squeeze %dma_start3A_212 : memref<1x160x128xf32, #tpu.memory_space<vmem>> -> memref<160x128xf32, #tpu.memory_space<vmem>>
        %dma_start3A_214 = arith.constant 0 : i32
        %dma_start3A_215 = tpu.memref_slice %arg2[%mul3A_203, %dma_start3A_214] : memref<320000x128xf32, #tpu.memory_space<hbm>> -> memref<160x128xf32, #tpu.memory_space<hbm>>
        tpu.enqueue_dma source(%dma_start3A_215 : memref<160x128xf32, #tpu.memory_space<hbm>>) target(%dma_start3A_213 : memref<160x128xf32, #tpu.memory_space<vmem>>) target_semaphore(%arg13 : memref<!tpu.dma_semaphore, #tpu.memory_space<semaphore_mem>>)
        %dma_start3A_216 = arith.constant 2 : i32
        %dma_start3A_217 = arith.constant 0 : i32
        %dma_start3A_218 = arith.constant 0 : i32
        %dma_start3A_219 = tpu.memref_slice %arg8[%dma_start3A_216, %dma_start3A_217, %dma_start3A_218] : memref<4x2x80xi32, #tpu.memory_space<vmem>> -> memref<1x2x80xi32, #tpu.memory_space<vmem>>
        %dma_start3A_220 = tpu.memref_squeeze %dma_start3A_219 : memref<1x2x80xi32, #tpu.memory_space<vmem>> -> memref<2x80xi32, #tpu.memory_space<vmem>>
        %dma_start3A_221 = arith.constant 0 : i32
        %dma_start3A_222 = arith.constant 0 : i32
        %dma_start3A_223 = tpu.memref_slice %arg3[%add3A_201, %dma_start3A_221, %dma_start3A_222] : memref<2000x2x80xi32, #tpu.memory_space<hbm>> -> memref<1x2x80xi32, #tpu.memory_space<hbm>>
        %dma_start3A_224 = tpu.memref_squeeze %dma_start3A_223 : memref<1x2x80xi32, #tpu.memory_space<hbm>> -> memref<2x80xi32, #tpu.memory_space<hbm>>
        %dma_start3A_225 = arith.constant 0 : i32
        %dma_start3A_226 = arith.constant 0 : i32
        %dma_start3A_227 = tpu.memref_slice %arg8[%dma_start3A_216, %dma_start3A_225, %dma_start3A_226] : memref<4x2x80xi32, #tpu.memory_space<vmem>> -> memref<1x2x80xi32, #tpu.memory_space<vmem>>
        %dma_start3A_228 = tpu.memref_squeeze %dma_start3A_227 : memref<1x2x80xi32, #tpu.memory_space<vmem>> -> memref<2x80xi32, #tpu.memory_space<vmem>>
        %dma_start3A_229 = arith.constant 0 : i32
        %dma_start3A_230 = arith.constant 0 : i32
        %dma_start3A_231 = tpu.memref_slice %arg3[%add3A_201, %dma_start3A_229, %dma_start3A_230] : memref<2000x2x80xi32, #tpu.memory_space<hbm>> -> memref<1x2x80xi32, #tpu.memory_space<hbm>>
        %dma_start3A_232 = tpu.memref_squeeze %dma_start3A_231 : memref<1x2x80xi32, #tpu.memory_space<hbm>> -> memref<2x80xi32, #tpu.memory_space<hbm>>
        tpu.enqueue_dma source(%dma_start3A_232 : memref<2x80xi32, #tpu.memory_space<hbm>>) target(%dma_start3A_228 : memref<2x80xi32, #tpu.memory_space<vmem>>) target_semaphore(%arg17 : memref<!tpu.dma_semaphore, #tpu.memory_space<semaphore_mem>>)
      } else {
      }
      %mul3A_182 = arith.constant 4 : i32
      %mul3A_183 = arith.muli %add3A_139, %mul3A_182 : i32
      %add3A_184 = arith.constant 3 : i32
      %add3A_185 = arith.addi %mul3A_183, %add3A_184 : i32
      %lt3A_186 = arith.cmpi slt, %add3A_185, %max3A_43 : i32
      %convert_element_type3A_187 = arith.extui %lt3A_186 : i1 to i32
      %cond3A_188 = arith.constant 0 : i32
      %cond3A_189 = arith.cmpi ne, %convert_element_type3A_187, %cond3A_188 : i32
      scf.if %cond3A_189 {
        %add3A_196 = arith.addi %select_n3A, %arg1 : i32
        %mul3A_197 = arith.constant 16 : i32
        %mul3A_198 = arith.muli %add3A_185, %mul3A_197 : i32
        %add3A_199 = arith.addi %add3A_196, %mul3A_198 : i32
        %mul3A_200 = arith.constant 160 : i32
        %mul3A_201 = arith.muli %add3A_199, %mul3A_200 : i32
        %dma_wait3A = arith.constant 3 : i32
        %dma_wait3A_202 = arith.constant 0 : i32
        %dma_wait3A_203 = arith.constant 0 : i32
        %dma_wait3A_204 = tpu.memref_slice %arg7[%dma_wait3A, %dma_wait3A_202, %dma_wait3A_203] : memref<4x160x128xf32, #tpu.memory_space<vmem>> -> memref<1x160x128xf32, #tpu.memory_space<vmem>>
        %dma_wait3A_205 = tpu.memref_squeeze %dma_wait3A_204 : memref<1x160x128xf32, #tpu.memory_space<vmem>> -> memref<160x128xf32, #tpu.memory_space<vmem>>
        %dma_wait3A_206 = arith.constant 0 : i32
        %dma_wait3A_207 = tpu.memref_slice %arg2[%mul3A_201, %dma_wait3A_206] : memref<320000x128xf32, #tpu.memory_space<hbm>> -> memref<160x128xf32, #tpu.memory_space<hbm>>
        %dma_wait3A_208 = arith.constant 0 : i32
        %dma_wait3A_209 = arith.constant 0 : i32
        %dma_wait3A_210 = tpu.memref_slice %arg7[%dma_wait3A, %dma_wait3A_208, %dma_wait3A_209] : memref<4x160x128xf32, #tpu.memory_space<vmem>> -> memref<1x160x128xf32, #tpu.memory_space<vmem>>
        %dma_wait3A_211 = tpu.memref_squeeze %dma_wait3A_210 : memref<1x160x128xf32, #tpu.memory_space<vmem>> -> memref<160x128xf32, #tpu.memory_space<vmem>>
        %dma_wait3A_212 = arith.constant 0 : i32
        %dma_wait3A_213 = tpu.memref_slice %arg2[%mul3A_201, %dma_wait3A_212] : memref<320000x128xf32, #tpu.memory_space<hbm>> -> memref<160x128xf32, #tpu.memory_space<hbm>>
        tpu.wait_dma2 semaphore(%arg14 : memref<!tpu.dma_semaphore, #tpu.memory_space<semaphore_mem>>) src(%dma_wait3A_213 : memref<160x128xf32, #tpu.memory_space<hbm>>) dst(%dma_wait3A_211 : memref<160x128xf32, #tpu.memory_space<vmem>>)
        %dma_wait3A_214 = arith.constant 3 : i32
        %dma_wait3A_215 = arith.constant 0 : i32
        %dma_wait3A_216 = arith.constant 0 : i32
        %dma_wait3A_217 = tpu.memref_slice %arg8[%dma_wait3A_214, %dma_wait3A_215, %dma_wait3A_216] : memref<4x2x80xi32, #tpu.memory_space<vmem>> -> memref<1x2x80xi32, #tpu.memory_space<vmem>>
        %dma_wait3A_218 = tpu.memref_squeeze %dma_wait3A_217 : memref<1x2x80xi32, #tpu.memory_space<vmem>> -> memref<2x80xi32, #tpu.memory_space<vmem>>
        %dma_wait3A_219 = arith.constant 0 : i32
        %dma_wait3A_220 = arith.constant 0 : i32
        %dma_wait3A_221 = tpu.memref_slice %arg3[%add3A_199, %dma_wait3A_219, %dma_wait3A_220] : memref<2000x2x80xi32, #tpu.memory_space<hbm>> -> memref<1x2x80xi32, #tpu.memory_space<hbm>>
        %dma_wait3A_222 = tpu.memref_squeeze %dma_wait3A_221 : memref<1x2x80xi32, #tpu.memory_space<hbm>> -> memref<2x80xi32, #tpu.memory_space<hbm>>
        %dma_wait3A_223 = arith.constant 0 : i32
        %dma_wait3A_224 = arith.constant 0 : i32
        %dma_wait3A_225 = tpu.memref_slice %arg8[%dma_wait3A_214, %dma_wait3A_223, %dma_wait3A_224] : memref<4x2x80xi32, #tpu.memory_space<vmem>> -> memref<1x2x80xi32, #tpu.memory_space<vmem>>
        %dma_wait3A_226 = tpu.memref_squeeze %dma_wait3A_225 : memref<1x2x80xi32, #tpu.memory_space<vmem>> -> memref<2x80xi32, #tpu.memory_space<vmem>>
        %dma_wait3A_227 = arith.constant 0 : i32
        %dma_wait3A_228 = arith.constant 0 : i32
        %dma_wait3A_229 = tpu.memref_slice %arg3[%add3A_199, %dma_wait3A_227, %dma_wait3A_228] : memref<2000x2x80xi32, #tpu.memory_space<hbm>> -> memref<1x2x80xi32, #tpu.memory_space<hbm>>
        %dma_wait3A_230 = tpu.memref_squeeze %dma_wait3A_229 : memref<1x2x80xi32, #tpu.memory_space<hbm>> -> memref<2x80xi32, #tpu.memory_space<hbm>>
        tpu.wait_dma2 semaphore(%arg18 : memref<!tpu.dma_semaphore, #tpu.memory_space<semaphore_mem>>) src(%dma_wait3A_230 : memref<2x80xi32, #tpu.memory_space<hbm>>) dst(%dma_wait3A_226 : memref<2x80xi32, #tpu.memory_space<vmem>>)
        %get3A_231 = arith.constant 3 : i32
        %get3A_232 = arith.constant 0 : i32
        %get3A_233 = arith.constant 0 : i32
        %get3A_234 = arith.constant 0 : i32
        %get3A_235 = tpu.memref_slice %arg8[%get3A_231, %get3A_233, %get3A_234] : memref<4x2x80xi32, #tpu.memory_space<vmem>> -> memref<1x2x80xi32, #tpu.memory_space<vmem>>
        %get3A_236 = tpu.memref_squeeze %get3A_235 : memref<1x2x80xi32, #tpu.memory_space<vmem>> -> memref<2x80xi32, #tpu.memory_space<vmem>>
        %get3A_237 = arith.index_cast %get3A_232 : i32 to index
        %get3A_238 = arith.constant 0 : index
        %get3A_239 = tpu.vector_load %get3A_236[%get3A_237, %get3A_238] {strides = array<i32>} : memref<2x80xi32, #tpu.memory_space<vmem>>, vector<16xi32>,
        %sub3A_240 = vector.broadcast %mul3A_77 : i32 to vector<16xi32>
        %sub3A_241 = arith.subi %get3A_239, %sub3A_240 : vector<16xi32>
        %ge3A = arith.constant 0 : i32
        %ge3A_242 = vector.broadcast %ge3A : i32 to vector<16xi32>
        %ge3A_243 = arith.cmpi sge, %sub3A_241, %ge3A_242 : vector<16xi32>
        %lt3A_244 = arith.constant 5000 : i32
        %lt3A_245 = vector.broadcast %lt3A_244 : i32 to vector<16xi32>
        %lt3A_246 = arith.cmpi slt, %sub3A_241, %lt3A_245 : vector<16xi32>
        %and3A_247 = arith.andi %ge3A_243, %lt3A_246 : vector<16xi1>
        %broadcast_in_dim3A = arith.constant 5000 : i32
        %broadcast_in_dim3A_248 = vector.broadcast %broadcast_in_dim3A : i32 to vector<16xi32>
        %select_n3A_249 = arith.select %and3A_247, %sub3A_241, %broadcast_in_dim3A_248 : vector<16xi1>, vector<16xi32>
        %swap3A = arith.constant 3 : i32
        %swap3A_250 = arith.constant 0 : i32
        %swap3A_251 = arith.constant 0 : i32
        %swap3A_252 = arith.constant 0 : i32
        %swap3A_253 = tpu.memref_slice %arg8[%swap3A, %swap3A_251, %swap3A_252] : memref<4x2x80xi32, #tpu.memory_space<vmem>> -> memref<1x2x80xi32, #tpu.memory_space<vmem>>
        %swap3A_254 = tpu.memref_squeeze %swap3A_253 : memref<1x2x80xi32, #tpu.memory_space<vmem>> -> memref<2x80xi32, #tpu.memory_space<vmem>>
        %swap3A_255 = arith.index_cast %swap3A_250 : i32 to index
        %swap3A_256 = arith.constant 0 : index
        %swap3A_257 = tpu.vector_load %swap3A_254[%swap3A_255, %swap3A_256] {strides = array<i32>} : memref<2x80xi32, #tpu.memory_space<vmem>>, vector<16xi32>,
        tpu.vector_store %swap3A_254[%swap3A_255, %swap3A_256], %select_n3A_249 {strides = array<i32>} : memref<2x80xi32, #tpu.memory_space<vmem>>, vector<16xi32>,
        %get3A_258 = arith.constant 3 : i32
        %get3A_259 = arith.constant 0 : i32
        %get3A_260 = arith.constant 0 : i32
        %get3A_261 = arith.constant 0 : i32
        %get3A_262 = tpu.memref_slice %arg8[%get3A_258, %get3A_260, %get3A_261] : memref<4x2x80xi32, #tpu.memory_space<vmem>> -> memref<1x2x80xi32, #tpu.memory_space<vmem>>
        %get3A_263 = tpu.memref_squeeze %get3A_262 : memref<1x2x80xi32, #tpu.memory_space<vmem>> -> memref<2x80xi32, #tpu.memory_space<vmem>>
        %get3A_264 = arith.index_cast %get3A_259 : i32 to index
        %get3A_265 = arith.constant 16 : index
        %get3A_266 = tpu.vector_load %get3A_263[%get3A_264, %get3A_265] {strides = array<i32>} : memref<2x80xi32, #tpu.memory_space<vmem>>, vector<16xi32>,
        %sub3A_267 = vector.broadcast %mul3A_77 : i32 to vector<16xi32>
        %sub3A_268 = arith.subi %get3A_266, %sub3A_267 : vector<16xi32>
        %ge3A_269 = arith.constant 0 : i32
        %ge3A_270 = vector.broadcast %ge3A_269 : i32 to vector<16xi32>
        %ge3A_271 = arith.cmpi sge, %sub3A_268, %ge3A_270 : vector<16xi32>
        %lt3A_272 = arith.constant 5000 : i32
        %lt3A_273 = vector.broadcast %lt3A_272 : i32 to vector<16xi32>
        %lt3A_274 = arith.cmpi slt, %sub3A_268, %lt3A_273 : vector<16xi32>
        %and3A_275 = arith.andi %ge3A_271, %lt3A_274 : vector<16xi1>
        %broadcast_in_dim3A_276 = arith.constant 5000 : i32
        %broadcast_in_dim3A_277 = vector.broadcast %broadcast_in_dim3A_276 : i32 to vector<16xi32>
        %select_n3A_278 = arith.select %and3A_275, %sub3A_268, %broadcast_in_dim3A_277 : vector<16xi1>, vector<16xi32>
        %swap3A_279 = arith.constant 3 : i32
        %swap3A_280 = arith.constant 0 : i32
        %swap3A_281 = arith.constant 0 : i32
        %swap3A_282 = arith.constant 0 : i32
        %swap3A_283 = tpu.memref_slice %arg8[%swap3A_279, %swap3A_281, %swap3A_282] : memref<4x2x80xi32, #tpu.memory_space<vmem>> -> memref<1x2x80xi32, #tpu.memory_space<vmem>>
        %swap3A_284 = tpu.memref_squeeze %swap3A_283 : memref<1x2x80xi32, #tpu.memory_space<vmem>> -> memref<2x80xi32, #tpu.memory_space<vmem>>
        %swap3A_285 = arith.index_cast %swap3A_280 : i32 to index
        %swap3A_286 = arith.constant 16 : index
        %swap3A_287 = tpu.vector_load %swap3A_284[%swap3A_285, %swap3A_286] {strides = array<i32>} : memref<2x80xi32, #tpu.memory_space<vmem>>, vector<16xi32>,
        tpu.vector_store %swap3A_284[%swap3A_285, %swap3A_286], %select_n3A_278 {strides = array<i32>} : memref<2x80xi32, #tpu.memory_space<vmem>>, vector<16xi32>,
        %get3A_288 = arith.constant 3 : i32
        %get3A_289 = arith.constant 0 : i32
        %get3A_290 = arith.constant 0 : i32
        %get3A_291 = arith.constant 0 : i32
        %get3A_292 = tpu.memref_slice %arg8[%get3A_288, %get3A_290, %get3A_291] : memref<4x2x80xi32, #tpu.memory_space<vmem>> -> memref<1x2x80xi32, #tpu.memory_space<vmem>>
        %get3A_293 = tpu.memref_squeeze %get3A_292 : memref<1x2x80xi32, #tpu.memory_space<vmem>> -> memref<2x80xi32, #tpu.memory_space<vmem>>
        %get3A_294 = arith.index_cast %get3A_289 : i32 to index
        %get3A_295 = arith.constant 32 : index
        %get3A_296 = tpu.vector_load %get3A_293[%get3A_294, %get3A_295] {strides = array<i32>} : memref<2x80xi32, #tpu.memory_space<vmem>>, vector<16xi32>,
        %sub3A_297 = vector.broadcast %mul3A_77 : i32 to vector<16xi32>
        %sub3A_298 = arith.subi %get3A_296, %sub3A_297 : vector<16xi32>
        %ge3A_299 = arith.constant 0 : i32
        %ge3A_300 = vector.broadcast %ge3A_299 : i32 to vector<16xi32>
        %ge3A_301 = arith.cmpi sge, %sub3A_298, %ge3A_300 : vector<16xi32>
        %lt3A_302 = arith.constant 5000 : i32
        %lt3A_303 = vector.broadcast %lt3A_302 : i32 to vector<16xi32>
        %lt3A_304 = arith.cmpi slt, %sub3A_298, %lt3A_303 : vector<16xi32>
        %and3A_305 = arith.andi %ge3A_301, %lt3A_304 : vector<16xi1>
        %broadcast_in_dim3A_306 = arith.constant 5000 : i32
        %broadcast_in_dim3A_307 = vector.broadcast %broadcast_in_dim3A_306 : i32 to vector<16xi32>
        %select_n3A_308 = arith.select %and3A_305, %sub3A_298, %broadcast_in_dim3A_307 : vector<16xi1>, vector<16xi32>
        %swap3A_309 = arith.constant 3 : i32
        %swap3A_310 = arith.constant 0 : i32
        %swap3A_311 = arith.constant 0 : i32
        %swap3A_312 = arith.constant 0 : i32
        %swap3A_313 = tpu.memref_slice %arg8[%swap3A_309, %swap3A_311, %swap3A_312] : memref<4x2x80xi32, #tpu.memory_space<vmem>> -> memref<1x2x80xi32, #tpu.memory_space<vmem>>
        %swap3A_314 = tpu.memref_squeeze %swap3A_313 : memref<1x2x80xi32, #tpu.memory_space<vmem>> -> memref<2x80xi32, #tpu.memory_space<vmem>>
        %swap3A_315 = arith.index_cast %swap3A_310 : i32 to index
        %swap3A_316 = arith.constant 32 : index
        %swap3A_317 = tpu.vector_load %swap3A_314[%swap3A_315, %swap3A_316] {strides = array<i32>} : memref<2x80xi32, #tpu.memory_space<vmem>>, vector<16xi32>,
        tpu.vector_store %swap3A_314[%swap3A_315, %swap3A_316], %select_n3A_308 {strides = array<i32>} : memref<2x80xi32, #tpu.memory_space<vmem>>, vector<16xi32>,
        %get3A_318 = arith.constant 3 : i32
        %get3A_319 = arith.constant 0 : i32
        %get3A_320 = arith.constant 0 : i32
        %get3A_321 = arith.constant 0 : i32
        %get3A_322 = tpu.memref_slice %arg8[%get3A_318, %get3A_320, %get3A_321] : memref<4x2x80xi32, #tpu.memory_space<vmem>> -> memref<1x2x80xi32, #tpu.memory_space<vmem>>
        %get3A_323 = tpu.memref_squeeze %get3A_322 : memref<1x2x80xi32, #tpu.memory_space<vmem>> -> memref<2x80xi32, #tpu.memory_space<vmem>>
        %get3A_324 = arith.index_cast %get3A_319 : i32 to index
        %get3A_325 = arith.constant 48 : index
        %get3A_326 = tpu.vector_load %get3A_323[%get3A_324, %get3A_325] {strides = array<i32>} : memref<2x80xi32, #tpu.memory_space<vmem>>, vector<16xi32>,
        %sub3A_327 = vector.broadcast %mul3A_77 : i32 to vector<16xi32>
        %sub3A_328 = arith.subi %get3A_326, %sub3A_327 : vector<16xi32>
        %ge3A_329 = arith.constant 0 : i32
        %ge3A_330 = vector.broadcast %ge3A_329 : i32 to vector<16xi32>
        %ge3A_331 = arith.cmpi sge, %sub3A_328, %ge3A_330 : vector<16xi32>
        %lt3A_332 = arith.constant 5000 : i32
        %lt3A_333 = vector.broadcast %lt3A_332 : i32 to vector<16xi32>
        %lt3A_334 = arith.cmpi slt, %sub3A_328, %lt3A_333 : vector<16xi32>
        %and3A_335 = arith.andi %ge3A_331, %lt3A_334 : vector<16xi1>
        %broadcast_in_dim3A_336 = arith.constant 5000 : i32
        %broadcast_in_dim3A_337 = vector.broadcast %broadcast_in_dim3A_336 : i32 to vector<16xi32>
        %select_n3A_338 = arith.select %and3A_335, %sub3A_328, %broadcast_in_dim3A_337 : vector<16xi1>, vector<16xi32>
        %swap3A_339 = arith.constant 3 : i32
        %swap3A_340 = arith.constant 0 : i32
        %swap3A_341 = arith.constant 0 : i32
        %swap3A_342 = arith.constant 0 : i32
        %swap3A_343 = tpu.memref_slice %arg8[%swap3A_339, %swap3A_341, %swap3A_342] : memref<4x2x80xi32, #tpu.memory_space<vmem>> -> memref<1x2x80xi32, #tpu.memory_space<vmem>>
        %swap3A_344 = tpu.memref_squeeze %swap3A_343 : memref<1x2x80xi32, #tpu.memory_space<vmem>> -> memref<2x80xi32, #tpu.memory_space<vmem>>
        %swap3A_345 = arith.index_cast %swap3A_340 : i32 to index
        %swap3A_346 = arith.constant 48 : index
        %swap3A_347 = tpu.vector_load %swap3A_344[%swap3A_345, %swap3A_346] {strides = array<i32>} : memref<2x80xi32, #tpu.memory_space<vmem>>, vector<16xi32>,
        tpu.vector_store %swap3A_344[%swap3A_345, %swap3A_346], %select_n3A_338 {strides = array<i32>} : memref<2x80xi32, #tpu.memory_space<vmem>>, vector<16xi32>,
        %get3A_348 = arith.constant 3 : i32
        %get3A_349 = arith.constant 0 : i32
        %get3A_350 = arith.constant 0 : i32
        %get3A_351 = arith.constant 0 : i32
        %get3A_352 = tpu.memref_slice %arg8[%get3A_348, %get3A_350, %get3A_351] : memref<4x2x80xi32, #tpu.memory_space<vmem>> -> memref<1x2x80xi32, #tpu.memory_space<vmem>>
        %get3A_353 = tpu.memref_squeeze %get3A_352 : memref<1x2x80xi32, #tpu.memory_space<vmem>> -> memref<2x80xi32, #tpu.memory_space<vmem>>
        %get3A_354 = arith.index_cast %get3A_349 : i32 to index
        %get3A_355 = arith.constant 64 : index
        %get3A_356 = tpu.vector_load %get3A_353[%get3A_354, %get3A_355] {strides = array<i32>} : memref<2x80xi32, #tpu.memory_space<vmem>>, vector<16xi32>,
        %sub3A_357 = vector.broadcast %mul3A_77 : i32 to vector<16xi32>
        %sub3A_358 = arith.subi %get3A_356, %sub3A_357 : vector<16xi32>
        %ge3A_359 = arith.constant 0 : i32
        %ge3A_360 = vector.broadcast %ge3A_359 : i32 to vector<16xi32>
        %ge3A_361 = arith.cmpi sge, %sub3A_358, %ge3A_360 : vector<16xi32>
        %lt3A_362 = arith.constant 5000 : i32
        %lt3A_363 = vector.broadcast %lt3A_362 : i32 to vector<16xi32>
        %lt3A_364 = arith.cmpi slt, %sub3A_358, %lt3A_363 : vector<16xi32>
        %and3A_365 = arith.andi %ge3A_361, %lt3A_364 : vector<16xi1>
        %broadcast_in_dim3A_366 = arith.constant 5000 : i32
        %broadcast_in_dim3A_367 = vector.broadcast %broadcast_in_dim3A_366 : i32 to vector<16xi32>
        %select_n3A_368 = arith.select %and3A_365, %sub3A_358, %broadcast_in_dim3A_367 : vector<16xi1>, vector<16xi32>
        %swap3A_369 = arith.constant 3 : i32
        %swap3A_370 = arith.constant 0 : i32
        %swap3A_371 = arith.constant 0 : i32
        %swap3A_372 = arith.constant 0 : i32
        %swap3A_373 = tpu.memref_slice %arg8[%swap3A_369, %swap3A_371, %swap3A_372] : memref<4x2x80xi32, #tpu.memory_space<vmem>> -> memref<1x2x80xi32, #tpu.memory_space<vmem>>
        %swap3A_374 = tpu.memref_squeeze %swap3A_373 : memref<1x2x80xi32, #tpu.memory_space<vmem>> -> memref<2x80xi32, #tpu.memory_space<vmem>>
        %swap3A_375 = arith.index_cast %swap3A_370 : i32 to index
        %swap3A_376 = arith.constant 64 : index
        %swap3A_377 = tpu.vector_load %swap3A_374[%swap3A_375, %swap3A_376] {strides = array<i32>} : memref<2x80xi32, #tpu.memory_space<vmem>>, vector<16xi32>,
        tpu.vector_store %swap3A_374[%swap3A_375, %swap3A_376], %select_n3A_368 {strides = array<i32>} : memref<2x80xi32, #tpu.memory_space<vmem>>, vector<16xi32>,
        %get3A_378 = arith.constant 3 : i32
        %get3A_379 = arith.constant 1 : i32
        %get3A_380 = arith.constant 0 : i32
        %get3A_381 = arith.constant 0 : i32
        %get3A_382 = tpu.memref_slice %arg8[%get3A_378, %get3A_380, %get3A_381] : memref<4x2x80xi32, #tpu.memory_space<vmem>> -> memref<1x2x80xi32, #tpu.memory_space<vmem>>
        %get3A_383 = tpu.memref_squeeze %get3A_382 : memref<1x2x80xi32, #tpu.memory_space<vmem>> -> memref<2x80xi32, #tpu.memory_space<vmem>>
        %get3A_384 = arith.index_cast %get3A_379 : i32 to index
        %get3A_385 = arith.constant 0 : index
        %get3A_386 = tpu.vector_load %get3A_383[%get3A_384, %get3A_385] {strides = array<i32>} : memref<2x80xi32, #tpu.memory_space<vmem>>, vector<16xi32>,
        %sub3A_387 = vector.broadcast %mul3A_77 : i32 to vector<16xi32>
        %sub3A_388 = arith.subi %get3A_386, %sub3A_387 : vector<16xi32>
        %ge3A_389 = arith.constant 0 : i32
        %ge3A_390 = vector.broadcast %ge3A_389 : i32 to vector<16xi32>
        %ge3A_391 = arith.cmpi sge, %sub3A_388, %ge3A_390 : vector<16xi32>
        %lt3A_392 = arith.constant 5000 : i32
        %lt3A_393 = vector.broadcast %lt3A_392 : i32 to vector<16xi32>
        %lt3A_394 = arith.cmpi slt, %sub3A_388, %lt3A_393 : vector<16xi32>
        %and3A_395 = arith.andi %ge3A_391, %lt3A_394 : vector<16xi1>
        %broadcast_in_dim3A_396 = arith.constant 5000 : i32
        %broadcast_in_dim3A_397 = vector.broadcast %broadcast_in_dim3A_396 : i32 to vector<16xi32>
        %select_n3A_398 = arith.select %and3A_395, %sub3A_388, %broadcast_in_dim3A_397 : vector<16xi1>, vector<16xi32>
        %swap3A_399 = arith.constant 3 : i32
        %swap3A_400 = arith.constant 1 : i32
        %swap3A_401 = arith.constant 0 : i32
        %swap3A_402 = arith.constant 0 : i32
        %swap3A_403 = tpu.memref_slice %arg8[%swap3A_399, %swap3A_401, %swap3A_402] : memref<4x2x80xi32, #tpu.memory_space<vmem>> -> memref<1x2x80xi32, #tpu.memory_space<vmem>>
        %swap3A_404 = tpu.memref_squeeze %swap3A_403 : memref<1x2x80xi32, #tpu.memory_space<vmem>> -> memref<2x80xi32, #tpu.memory_space<vmem>>
        %swap3A_405 = arith.index_cast %swap3A_400 : i32 to index
        %swap3A_406 = arith.constant 0 : index
        %swap3A_407 = tpu.vector_load %swap3A_404[%swap3A_405, %swap3A_406] {strides = array<i32>} : memref<2x80xi32, #tpu.memory_space<vmem>>, vector<16xi32>,
        tpu.vector_store %swap3A_404[%swap3A_405, %swap3A_406], %select_n3A_398 {strides = array<i32>} : memref<2x80xi32, #tpu.memory_space<vmem>>, vector<16xi32>,
        %get3A_408 = arith.constant 3 : i32
        %get3A_409 = arith.constant 1 : i32
        %get3A_410 = arith.constant 0 : i32
        %get3A_411 = arith.constant 0 : i32
        %get3A_412 = tpu.memref_slice %arg8[%get3A_408, %get3A_410, %get3A_411] : memref<4x2x80xi32, #tpu.memory_space<vmem>> -> memref<1x2x80xi32, #tpu.memory_space<vmem>>
        %get3A_413 = tpu.memref_squeeze %get3A_412 : memref<1x2x80xi32, #tpu.memory_space<vmem>> -> memref<2x80xi32, #tpu.memory_space<vmem>>
        %get3A_414 = arith.index_cast %get3A_409 : i32 to index
        %get3A_415 = arith.constant 16 : index
        %get3A_416 = tpu.vector_load %get3A_413[%get3A_414, %get3A_415] {strides = array<i32>} : memref<2x80xi32, #tpu.memory_space<vmem>>, vector<16xi32>,
        %sub3A_417 = vector.broadcast %mul3A_77 : i32 to vector<16xi32>
        %sub3A_418 = arith.subi %get3A_416, %sub3A_417 : vector<16xi32>
        %ge3A_419 = arith.constant 0 : i32
        %ge3A_420 = vector.broadcast %ge3A_419 : i32 to vector<16xi32>
        %ge3A_421 = arith.cmpi sge, %sub3A_418, %ge3A_420 : vector<16xi32>
        %lt3A_422 = arith.constant 5000 : i32
        %lt3A_423 = vector.broadcast %lt3A_422 : i32 to vector<16xi32>
        %lt3A_424 = arith.cmpi slt, %sub3A_418, %lt3A_423 : vector<16xi32>
        %and3A_425 = arith.andi %ge3A_421, %lt3A_424 : vector<16xi1>
        %broadcast_in_dim3A_426 = arith.constant 5000 : i32
        %broadcast_in_dim3A_427 = vector.broadcast %broadcast_in_dim3A_426 : i32 to vector<16xi32>
        %select_n3A_428 = arith.select %and3A_425, %sub3A_418, %broadcast_in_dim3A_427 : vector<16xi1>, vector<16xi32>
        %swap3A_429 = arith.constant 3 : i32
        %swap3A_430 = arith.constant 1 : i32
        %swap3A_431 = arith.constant 0 : i32
        %swap3A_432 = arith.constant 0 : i32
        %swap3A_433 = tpu.memref_slice %arg8[%swap3A_429, %swap3A_431, %swap3A_432] : memref<4x2x80xi32, #tpu.memory_space<vmem>> -> memref<1x2x80xi32, #tpu.memory_space<vmem>>
        %swap3A_434 = tpu.memref_squeeze %swap3A_433 : memref<1x2x80xi32, #tpu.memory_space<vmem>> -> memref<2x80xi32, #tpu.memory_space<vmem>>
        %swap3A_435 = arith.index_cast %swap3A_430 : i32 to index
        %swap3A_436 = arith.constant 16 : index
        %swap3A_437 = tpu.vector_load %swap3A_434[%swap3A_435, %swap3A_436] {strides = array<i32>} : memref<2x80xi32, #tpu.memory_space<vmem>>, vector<16xi32>,
        tpu.vector_store %swap3A_434[%swap3A_435, %swap3A_436], %select_n3A_428 {strides = array<i32>} : memref<2x80xi32, #tpu.memory_space<vmem>>, vector<16xi32>,
        %get3A_438 = arith.constant 3 : i32
        %get3A_439 = arith.constant 1 : i32
        %get3A_440 = arith.constant 0 : i32
        %get3A_441 = arith.constant 0 : i32
        %get3A_442 = tpu.memref_slice %arg8[%get3A_438, %get3A_440, %get3A_441] : memref<4x2x80xi32, #tpu.memory_space<vmem>> -> memref<1x2x80xi32, #tpu.memory_space<vmem>>
        %get3A_443 = tpu.memref_squeeze %get3A_442 : memref<1x2x80xi32, #tpu.memory_space<vmem>> -> memref<2x80xi32, #tpu.memory_space<vmem>>
        %get3A_444 = arith.index_cast %get3A_439 : i32 to index
        %get3A_445 = arith.constant 32 : index
        %get3A_446 = tpu.vector_load %get3A_443[%get3A_444, %get3A_445] {strides = array<i32>} : memref<2x80xi32, #tpu.memory_space<vmem>>, vector<16xi32>,
        %sub3A_447 = vector.broadcast %mul3A_77 : i32 to vector<16xi32>
        %sub3A_448 = arith.subi %get3A_446, %sub3A_447 : vector<16xi32>
        %ge3A_449 = arith.constant 0 : i32
        %ge3A_450 = vector.broadcast %ge3A_449 : i32 to vector<16xi32>
        %ge3A_451 = arith.cmpi sge, %sub3A_448, %ge3A_450 : vector<16xi32>
        %lt3A_452 = arith.constant 5000 : i32
        %lt3A_453 = vector.broadcast %lt3A_452 : i32 to vector<16xi32>
        %lt3A_454 = arith.cmpi slt, %sub3A_448, %lt3A_453 : vector<16xi32>
        %and3A_455 = arith.andi %ge3A_451, %lt3A_454 : vector<16xi1>
        %broadcast_in_dim3A_456 = arith.constant 5000 : i32
        %broadcast_in_dim3A_457 = vector.broadcast %broadcast_in_dim3A_456 : i32 to vector<16xi32>
        %select_n3A_458 = arith.select %and3A_455, %sub3A_448, %broadcast_in_dim3A_457 : vector<16xi1>, vector<16xi32>
        %swap3A_459 = arith.constant 3 : i32
        %swap3A_460 = arith.constant 1 : i32
        %swap3A_461 = arith.constant 0 : i32
        %swap3A_462 = arith.constant 0 : i32
        %swap3A_463 = tpu.memref_slice %arg8[%swap3A_459, %swap3A_461, %swap3A_462] : memref<4x2x80xi32, #tpu.memory_space<vmem>> -> memref<1x2x80xi32, #tpu.memory_space<vmem>>
        %swap3A_464 = tpu.memref_squeeze %swap3A_463 : memref<1x2x80xi32, #tpu.memory_space<vmem>> -> memref<2x80xi32, #tpu.memory_space<vmem>>
        %swap3A_465 = arith.index_cast %swap3A_460 : i32 to index
        %swap3A_466 = arith.constant 32 : index
        %swap3A_467 = tpu.vector_load %swap3A_464[%swap3A_465, %swap3A_466] {strides = array<i32>} : memref<2x80xi32, #tpu.memory_space<vmem>>, vector<16xi32>,
        tpu.vector_store %swap3A_464[%swap3A_465, %swap3A_466], %select_n3A_458 {strides = array<i32>} : memref<2x80xi32, #tpu.memory_space<vmem>>, vector<16xi32>,
        %get3A_468 = arith.constant 3 : i32
        %get3A_469 = arith.constant 1 : i32
        %get3A_470 = arith.constant 0 : i32
        %get3A_471 = arith.constant 0 : i32
        %get3A_472 = tpu.memref_slice %arg8[%get3A_468, %get3A_470, %get3A_471] : memref<4x2x80xi32, #tpu.memory_space<vmem>> -> memref<1x2x80xi32, #tpu.memory_space<vmem>>
        %get3A_473 = tpu.memref_squeeze %get3A_472 : memref<1x2x80xi32, #tpu.memory_space<vmem>> -> memref<2x80xi32, #tpu.memory_space<vmem>>
        %get3A_474 = arith.index_cast %get3A_469 : i32 to index
        %get3A_475 = arith.constant 48 : index
        %get3A_476 = tpu.vector_load %get3A_473[%get3A_474, %get3A_475] {strides = array<i32>} : memref<2x80xi32, #tpu.memory_space<vmem>>, vector<16xi32>,
        %sub3A_477 = vector.broadcast %mul3A_77 : i32 to vector<16xi32>
        %sub3A_478 = arith.subi %get3A_476, %sub3A_477 : vector<16xi32>
        %ge3A_479 = arith.constant 0 : i32
        %ge3A_480 = vector.broadcast %ge3A_479 : i32 to vector<16xi32>
        %ge3A_481 = arith.cmpi sge, %sub3A_478, %ge3A_480 : vector<16xi32>
        %lt3A_482 = arith.constant 5000 : i32
        %lt3A_483 = vector.broadcast %lt3A_482 : i32 to vector<16xi32>
        %lt3A_484 = arith.cmpi slt, %sub3A_478, %lt3A_483 : vector<16xi32>
        %and3A_485 = arith.andi %ge3A_481, %lt3A_484 : vector<16xi1>
        %broadcast_in_dim3A_486 = arith.constant 5000 : i32
        %broadcast_in_dim3A_487 = vector.broadcast %broadcast_in_dim3A_486 : i32 to vector<16xi32>
        %select_n3A_488 = arith.select %and3A_485, %sub3A_478, %broadcast_in_dim3A_487 : vector<16xi1>, vector<16xi32>
        %swap3A_489 = arith.constant 3 : i32
        %swap3A_490 = arith.constant 1 : i32
        %swap3A_491 = arith.constant 0 : i32
        %swap3A_492 = arith.constant 0 : i32
        %swap3A_493 = tpu.memref_slice %arg8[%swap3A_489, %swap3A_491, %swap3A_492] : memref<4x2x80xi32, #tpu.memory_space<vmem>> -> memref<1x2x80xi32, #tpu.memory_space<vmem>>
        %swap3A_494 = tpu.memref_squeeze %swap3A_493 : memref<1x2x80xi32, #tpu.memory_space<vmem>> -> memref<2x80xi32, #tpu.memory_space<vmem>>
        %swap3A_495 = arith.index_cast %swap3A_490 : i32 to index
        %swap3A_496 = arith.constant 48 : index
        %swap3A_497 = tpu.vector_load %swap3A_494[%swap3A_495, %swap3A_496] {strides = array<i32>} : memref<2x80xi32, #tpu.memory_space<vmem>>, vector<16xi32>,
        tpu.vector_store %swap3A_494[%swap3A_495, %swap3A_496], %select_n3A_488 {strides = array<i32>} : memref<2x80xi32, #tpu.memory_space<vmem>>, vector<16xi32>,
        %get3A_498 = arith.constant 3 : i32
        %get3A_499 = arith.constant 1 : i32
        %get3A_500 = arith.constant 0 : i32
        %get3A_501 = arith.constant 0 : i32
        %get3A_502 = tpu.memref_slice %arg8[%get3A_498, %get3A_500, %get3A_501] : memref<4x2x80xi32, #tpu.memory_space<vmem>> -> memref<1x2x80xi32, #tpu.memory_space<vmem>>
        %get3A_503 = tpu.memref_squeeze %get3A_502 : memref<1x2x80xi32, #tpu.memory_space<vmem>> -> memref<2x80xi32, #tpu.memory_space<vmem>>
        %get3A_504 = arith.index_cast %get3A_499 : i32 to index
        %get3A_505 = arith.constant 64 : index
        %get3A_506 = tpu.vector_load %get3A_503[%get3A_504, %get3A_505] {strides = array<i32>} : memref<2x80xi32, #tpu.memory_space<vmem>>, vector<16xi32>,
        %sub3A_507 = vector.broadcast %mul3A_77 : i32 to vector<16xi32>
        %sub3A_508 = arith.subi %get3A_506, %sub3A_507 : vector<16xi32>
        %ge3A_509 = arith.constant 0 : i32
        %ge3A_510 = vector.broadcast %ge3A_509 : i32 to vector<16xi32>
        %ge3A_511 = arith.cmpi sge, %sub3A_508, %ge3A_510 : vector<16xi32>
        %lt3A_512 = arith.constant 5000 : i32
        %lt3A_513 = vector.broadcast %lt3A_512 : i32 to vector<16xi32>
        %lt3A_514 = arith.cmpi slt, %sub3A_508, %lt3A_513 : vector<16xi32>
        %and3A_515 = arith.andi %ge3A_511, %lt3A_514 : vector<16xi1>
        %broadcast_in_dim3A_516 = arith.constant 5000 : i32
        %broadcast_in_dim3A_517 = vector.broadcast %broadcast_in_dim3A_516 : i32 to vector<16xi32>
        %select_n3A_518 = arith.select %and3A_515, %sub3A_508, %broadcast_in_dim3A_517 : vector<16xi1>, vector<16xi32>
        %swap3A_519 = arith.constant 3 : i32
        %swap3A_520 = arith.constant 1 : i32
        %swap3A_521 = arith.constant 0 : i32
        %swap3A_522 = arith.constant 0 : i32
        %swap3A_523 = tpu.memref_slice %arg8[%swap3A_519, %swap3A_521, %swap3A_522] : memref<4x2x80xi32, #tpu.memory_space<vmem>> -> memref<1x2x80xi32, #tpu.memory_space<vmem>>
        %swap3A_524 = tpu.memref_squeeze %swap3A_523 : memref<1x2x80xi32, #tpu.memory_space<vmem>> -> memref<2x80xi32, #tpu.memory_space<vmem>>
        %swap3A_525 = arith.index_cast %swap3A_520 : i32 to index
        %swap3A_526 = arith.constant 64 : index
        %swap3A_527 = tpu.vector_load %swap3A_524[%swap3A_525, %swap3A_526] {strides = array<i32>} : memref<2x80xi32, #tpu.memory_space<vmem>>, vector<16xi32>,
        tpu.vector_store %swap3A_524[%swap3A_525, %swap3A_526], %select_n3A_518 {strides = array<i32>} : memref<2x80xi32, #tpu.memory_space<vmem>>, vector<16xi32>,
        %dma_start3A = arith.constant 3 : i32
        %dma_start3A_528 = arith.constant 3 : i32
        %dma_start3A_529 = arith.constant 0 : i32
        %dma_start3A_530 = arith.constant 0 : i32
        %dma_start3A_531 = arith.constant 0 : i32
        %dma_start3A_532 = tpu.memref_slice %arg7[%dma_start3A, %dma_start3A_530, %dma_start3A_531] : memref<4x160x128xf32, #tpu.memory_space<vmem>> -> memref<1x160x128xf32, #tpu.memory_space<vmem>>
        %dma_start3A_533 = tpu.memref_squeeze %dma_start3A_532 : memref<1x160x128xf32, #tpu.memory_space<vmem>> -> memref<160x128xf32, #tpu.memory_space<vmem>>
        %dma_start3A_534 = arith.constant 0 : i32
        %dma_start3A_535 = arith.constant 0 : i32
        %dma_start3A_536 = tpu.memref_slice %dma_start3A_533[%dma_start3A_534, %dma_start3A_535] : memref<160x128xf32, #tpu.memory_space<vmem>> -> memref<80x128xf32, #tpu.memory_space<vmem>>
        %dma_start3A_537 = arith.constant 0 : i32
        %dma_start3A_538 = arith.constant 0 : i32
        %dma_start3A_539 = tpu.memref_slice %arg8[%dma_start3A_528, %dma_start3A_537, %dma_start3A_538] : memref<4x2x80xi32, #tpu.memory_space<vmem>> -> memref<1x2x80xi32, #tpu.memory_space<vmem>>
        %dma_start3A_540 = tpu.memref_squeeze %dma_start3A_539 : memref<1x2x80xi32, #tpu.memory_space<vmem>> -> memref<2x80xi32, #tpu.memory_space<vmem>>
        %dma_start3A_541 = arith.constant 0 : i32
        %dma_start3A_542 = tpu.memref_slice %dma_start3A_540[%dma_start3A_529, %dma_start3A_541] : memref<2x80xi32, #tpu.memory_space<vmem>> -> memref<1x80xi32, #tpu.memory_space<vmem>>
        %dma_start3A_543 = tpu.memref_squeeze %dma_start3A_542 : memref<1x80xi32, #tpu.memory_space<vmem>> -> memref<80xi32, #tpu.memory_space<vmem>>
        %dma_start3A_544 = arith.constant 0 : i32
        %dma_start3A_545 = arith.constant 0 : i32
        %dma_start3A_546 = tpu.memref_slice %arg6[%dma_start3A_544, %dma_start3A_545] : memref<5008x128xf32, #tpu.memory_space<vmem_shared>> -> memref<5008x128xf32, #tpu.memory_space<vmem_shared>>
        tpu.enqueue_indirect_dma source(%dma_start3A_536 : memref<80x128xf32, #tpu.memory_space<vmem>>) target(%dma_start3A_546 : memref<5008x128xf32, #tpu.memory_space<vmem_shared>>) offsets(%dma_start3A_543 : memref<80xi32, #tpu.memory_space<vmem>>) semaphore(%arg19 : memref<!tpu.dma_semaphore, #tpu.memory_space<semaphore_mem>>) {add = true}
        %dma_start3A_547 = arith.constant 3 : i32
        %dma_start3A_548 = arith.constant 3 : i32
        %dma_start3A_549 = arith.constant 1 : i32
        %dma_start3A_550 = arith.constant 0 : i32
        %dma_start3A_551 = arith.constant 0 : i32
        %dma_start3A_552 = tpu.memref_slice %arg7[%dma_start3A_547, %dma_start3A_550, %dma_start3A_551] : memref<4x160x128xf32, #tpu.memory_space<vmem>> -> memref<1x160x128xf32, #tpu.memory_space<vmem>>
        %dma_start3A_553 = tpu.memref_squeeze %dma_start3A_552 : memref<1x160x128xf32, #tpu.memory_space<vmem>> -> memref<160x128xf32, #tpu.memory_space<vmem>>
        %dma_start3A_554 = arith.constant 80 : i32
        %dma_start3A_555 = arith.constant 0 : i32
        %dma_start3A_556 = tpu.memref_slice %dma_start3A_553[%dma_start3A_554, %dma_start3A_555] : memref<160x128xf32, #tpu.memory_space<vmem>> -> memref<80x128xf32, #tpu.memory_space<vmem>>
        %dma_start3A_557 = arith.constant 0 : i32
        %dma_start3A_558 = arith.constant 0 : i32
        %dma_start3A_559 = tpu.memref_slice %arg8[%dma_start3A_548, %dma_start3A_557, %dma_start3A_558] : memref<4x2x80xi32, #tpu.memory_space<vmem>> -> memref<1x2x80xi32, #tpu.memory_space<vmem>>
        %dma_start3A_560 = tpu.memref_squeeze %dma_start3A_559 : memref<1x2x80xi32, #tpu.memory_space<vmem>> -> memref<2x80xi32, #tpu.memory_space<vmem>>
        %dma_start3A_561 = arith.constant 0 : i32
        %dma_start3A_562 = tpu.memref_slice %dma_start3A_560[%dma_start3A_549, %dma_start3A_561] : memref<2x80xi32, #tpu.memory_space<vmem>> -> memref<1x80xi32, #tpu.memory_space<vmem>>
        %dma_start3A_563 = tpu.memref_squeeze %dma_start3A_562 : memref<1x80xi32, #tpu.memory_space<vmem>> -> memref<80xi32, #tpu.memory_space<vmem>>
        %dma_start3A_564 = arith.constant 0 : i32
        %dma_start3A_565 = arith.constant 0 : i32
        %dma_start3A_566 = tpu.memref_slice %arg6[%dma_start3A_564, %dma_start3A_565] : memref<5008x128xf32, #tpu.memory_space<vmem_shared>> -> memref<5008x128xf32, #tpu.memory_space<vmem_shared>>
        tpu.enqueue_indirect_dma source(%dma_start3A_556 : memref<80x128xf32, #tpu.memory_space<vmem>>) target(%dma_start3A_566 : memref<5008x128xf32, #tpu.memory_space<vmem_shared>>) offsets(%dma_start3A_563 : memref<80xi32, #tpu.memory_space<vmem>>) semaphore(%arg19 : memref<!tpu.dma_semaphore, #tpu.memory_space<semaphore_mem>>) {add = true}
        %dma_wait3A_567 = arith.constant 3 : i32
        %dma_wait3A_568 = arith.constant 3 : i32
        %dma_wait3A_569 = arith.constant 0 : i32
        %dma_wait3A_570 = arith.constant 0 : i32
        %dma_wait3A_571 = arith.constant 0 : i32
        %dma_wait3A_572 = tpu.memref_slice %arg7[%dma_wait3A_567, %dma_wait3A_570, %dma_wait3A_571] : memref<4x160x128xf32, #tpu.memory_space<vmem>> -> memref<1x160x128xf32, #tpu.memory_space<vmem>>
        %dma_wait3A_573 = tpu.memref_squeeze %dma_wait3A_572 : memref<1x160x128xf32, #tpu.memory_space<vmem>> -> memref<160x128xf32, #tpu.memory_space<vmem>>
        %dma_wait3A_574 = arith.constant 0 : i32
        %dma_wait3A_575 = arith.constant 0 : i32
        %dma_wait3A_576 = tpu.memref_slice %dma_wait3A_573[%dma_wait3A_574, %dma_wait3A_575] : memref<160x128xf32, #tpu.memory_space<vmem>> -> memref<80x128xf32, #tpu.memory_space<vmem>>
        %dma_wait3A_577 = arith.constant 0 : i32
        %dma_wait3A_578 = arith.constant 0 : i32
        %dma_wait3A_579 = tpu.memref_slice %arg8[%dma_wait3A_568, %dma_wait3A_577, %dma_wait3A_578] : memref<4x2x80xi32, #tpu.memory_space<vmem>> -> memref<1x2x80xi32, #tpu.memory_space<vmem>>
        %dma_wait3A_580 = tpu.memref_squeeze %dma_wait3A_579 : memref<1x2x80xi32, #tpu.memory_space<vmem>> -> memref<2x80xi32, #tpu.memory_space<vmem>>
        %dma_wait3A_581 = arith.constant 0 : i32
        %dma_wait3A_582 = tpu.memref_slice %dma_wait3A_580[%dma_wait3A_569, %dma_wait3A_581] : memref<2x80xi32, #tpu.memory_space<vmem>> -> memref<1x80xi32, #tpu.memory_space<vmem>>
        %dma_wait3A_583 = tpu.memref_squeeze %dma_wait3A_582 : memref<1x80xi32, #tpu.memory_space<vmem>> -> memref<80xi32, #tpu.memory_space<vmem>>
        %dma_wait3A_584 = arith.constant 0 : i32
        %dma_wait3A_585 = arith.constant 0 : i32
        %dma_wait3A_586 = tpu.memref_slice %arg6[%dma_wait3A_584, %dma_wait3A_585] : memref<5008x128xf32, #tpu.memory_space<vmem_shared>> -> memref<5008x128xf32, #tpu.memory_space<vmem_shared>>
        tpu.wait_indirect_dma semaphore(%arg19 : memref<!tpu.dma_semaphore, #tpu.memory_space<semaphore_mem>>) src(%dma_wait3A_576 : memref<80x128xf32, #tpu.memory_space<vmem>>) dst(%dma_wait3A_586 : memref<5008x128xf32, #tpu.memory_space<vmem_shared>>)
        %dma_wait3A_587 = arith.constant 3 : i32
        %dma_wait3A_588 = arith.constant 3 : i32
        %dma_wait3A_589 = arith.constant 1 : i32
        %dma_wait3A_590 = arith.constant 0 : i32
        %dma_wait3A_591 = arith.constant 0 : i32
        %dma_wait3A_592 = tpu.memref_slice %arg7[%dma_wait3A_587, %dma_wait3A_590, %dma_wait3A_591] : memref<4x160x128xf32, #tpu.memory_space<vmem>> -> memref<1x160x128xf32, #tpu.memory_space<vmem>>
        %dma_wait3A_593 = tpu.memref_squeeze %dma_wait3A_592 : memref<1x160x128xf32, #tpu.memory_space<vmem>> -> memref<160x128xf32, #tpu.memory_space<vmem>>
        %dma_wait3A_594 = arith.constant 80 : i32
        %dma_wait3A_595 = arith.constant 0 : i32
        %dma_wait3A_596 = tpu.memref_slice %dma_wait3A_593[%dma_wait3A_594, %dma_wait3A_595] : memref<160x128xf32, #tpu.memory_space<vmem>> -> memref<80x128xf32, #tpu.memory_space<vmem>>
        %dma_wait3A_597 = arith.constant 0 : i32
        %dma_wait3A_598 = arith.constant 0 : i32
        %dma_wait3A_599 = tpu.memref_slice %arg8[%dma_wait3A_588, %dma_wait3A_597, %dma_wait3A_598] : memref<4x2x80xi32, #tpu.memory_space<vmem>> -> memref<1x2x80xi32, #tpu.memory_space<vmem>>
        %dma_wait3A_600 = tpu.memref_squeeze %dma_wait3A_599 : memref<1x2x80xi32, #tpu.memory_space<vmem>> -> memref<2x80xi32, #tpu.memory_space<vmem>>
        %dma_wait3A_601 = arith.constant 0 : i32
        %dma_wait3A_602 = tpu.memref_slice %dma_wait3A_600[%dma_wait3A_589, %dma_wait3A_601] : memref<2x80xi32, #tpu.memory_space<vmem>> -> memref<1x80xi32, #tpu.memory_space<vmem>>
        %dma_wait3A_603 = tpu.memref_squeeze %dma_wait3A_602 : memref<1x80xi32, #tpu.memory_space<vmem>> -> memref<80xi32, #tpu.memory_space<vmem>>
        %dma_wait3A_604 = arith.constant 0 : i32
        %dma_wait3A_605 = arith.constant 0 : i32
        %dma_wait3A_606 = tpu.memref_slice %arg6[%dma_wait3A_604, %dma_wait3A_605] : memref<5008x128xf32, #tpu.memory_space<vmem_shared>> -> memref<5008x128xf32, #tpu.memory_space<vmem_shared>>
        tpu.wait_indirect_dma semaphore(%arg19 : memref<!tpu.dma_semaphore, #tpu.memory_space<semaphore_mem>>) src(%dma_wait3A_596 : memref<80x128xf32, #tpu.memory_space<vmem>>) dst(%dma_wait3A_606 : memref<5008x128xf32, #tpu.memory_space<vmem_shared>>)
      } else {
      }
      %add3A_190 = arith.constant 4 : i32
      %add3A_191 = arith.addi %add3A_185, %add3A_190 : i32
      %lt3A_192 = arith.cmpi slt, %add3A_191, %max3A_43 : i32
      %convert_element_type3A_193 = arith.extui %lt3A_192 : i1 to i32
      %cond3A_194 = arith.constant 0 : i32
      %cond3A_195 = arith.cmpi ne, %convert_element_type3A_193, %cond3A_194 : i32
      scf.if %cond3A_195 {
        %add3A_196 = arith.constant 4 : i32
        %add3A_197 = arith.addi %add3A_185, %add3A_196 : i32
        %add3A_198 = arith.addi %select_n3A, %arg1 : i32
        %mul3A_199 = arith.constant 16 : i32
        %mul3A_200 = arith.muli %add3A_197, %mul3A_199 : i32
        %add3A_201 = arith.addi %add3A_198, %mul3A_200 : i32
        %mul3A_202 = arith.constant 160 : i32
        %mul3A_203 = arith.muli %add3A_201, %mul3A_202 : i32
        %dma_start3A = arith.constant 3 : i32
        %dma_start3A_204 = arith.constant 0 : i32
        %dma_start3A_205 = arith.constant 0 : i32
        %dma_start3A_206 = tpu.memref_slice %arg7[%dma_start3A, %dma_start3A_204, %dma_start3A_205] : memref<4x160x128xf32, #tpu.memory_space<vmem>> -> memref<1x160x128xf32, #tpu.memory_space<vmem>>
        %dma_start3A_207 = tpu.memref_squeeze %dma_start3A_206 : memref<1x160x128xf32, #tpu.memory_space<vmem>> -> memref<160x128xf32, #tpu.memory_space<vmem>>
        %dma_start3A_208 = arith.constant 0 : i32
        %dma_start3A_209 = tpu.memref_slice %arg2[%mul3A_203, %dma_start3A_208] : memref<320000x128xf32, #tpu.memory_space<hbm>> -> memref<160x128xf32, #tpu.memory_space<hbm>>
        %dma_start3A_210 = arith.constant 0 : i32
        %dma_start3A_211 = arith.constant 0 : i32
        %dma_start3A_212 = tpu.memref_slice %arg7[%dma_start3A, %dma_start3A_210, %dma_start3A_211] : memref<4x160x128xf32, #tpu.memory_space<vmem>> -> memref<1x160x128xf32, #tpu.memory_space<vmem>>
        %dma_start3A_213 = tpu.memref_squeeze %dma_start3A_212 : memref<1x160x128xf32, #tpu.memory_space<vmem>> -> memref<160x128xf32, #tpu.memory_space<vmem>>
        %dma_start3A_214 = arith.constant 0 : i32
        %dma_start3A_215 = tpu.memref_slice %arg2[%mul3A_203, %dma_start3A_214] : memref<320000x128xf32, #tpu.memory_space<hbm>> -> memref<160x128xf32, #tpu.memory_space<hbm>>
        tpu.enqueue_dma source(%dma_start3A_215 : memref<160x128xf32, #tpu.memory_space<hbm>>) target(%dma_start3A_213 : memref<160x128xf32, #tpu.memory_space<vmem>>) target_semaphore(%arg14 : memref<!tpu.dma_semaphore, #tpu.memory_space<semaphore_mem>>)
        %dma_start3A_216 = arith.constant 3 : i32
        %dma_start3A_217 = arith.constant 0 : i32
        %dma_start3A_218 = arith.constant 0 : i32
        %dma_start3A_219 = tpu.memref_slice %arg8[%dma_start3A_216, %dma_start3A_217, %dma_start3A_218] : memref<4x2x80xi32, #tpu.memory_space<vmem>> -> memref<1x2x80xi32, #tpu.memory_space<vmem>>
        %dma_start3A_220 = tpu.memref_squeeze %dma_start3A_219 : memref<1x2x80xi32, #tpu.memory_space<vmem>> -> memref<2x80xi32, #tpu.memory_space<vmem>>
        %dma_start3A_221 = arith.constant 0 : i32
        %dma_start3A_222 = arith.constant 0 : i32
        %dma_start3A_223 = tpu.memref_slice %arg3[%add3A_201, %dma_start3A_221, %dma_start3A_222] : memref<2000x2x80xi32, #tpu.memory_space<hbm>> -> memref<1x2x80xi32, #tpu.memory_space<hbm>>
        %dma_start3A_224 = tpu.memref_squeeze %dma_start3A_223 : memref<1x2x80xi32, #tpu.memory_space<hbm>> -> memref<2x80xi32, #tpu.memory_space<hbm>>
        %dma_start3A_225 = arith.constant 0 : i32
        %dma_start3A_226 = arith.constant 0 : i32
        %dma_start3A_227 = tpu.memref_slice %arg8[%dma_start3A_216, %dma_start3A_225, %dma_start3A_226] : memref<4x2x80xi32, #tpu.memory_space<vmem>> -> memref<1x2x80xi32, #tpu.memory_space<vmem>>
        %dma_start3A_228 = tpu.memref_squeeze %dma_start3A_227 : memref<1x2x80xi32, #tpu.memory_space<vmem>> -> memref<2x80xi32, #tpu.memory_space<vmem>>
        %dma_start3A_229 = arith.constant 0 : i32
        %dma_start3A_230 = arith.constant 0 : i32
        %dma_start3A_231 = tpu.memref_slice %arg3[%add3A_201, %dma_start3A_229, %dma_start3A_230] : memref<2000x2x80xi32, #tpu.memory_space<hbm>> -> memref<1x2x80xi32, #tpu.memory_space<hbm>>
        %dma_start3A_232 = tpu.memref_squeeze %dma_start3A_231 : memref<1x2x80xi32, #tpu.memory_space<hbm>> -> memref<2x80xi32, #tpu.memory_space<hbm>>
        tpu.enqueue_dma source(%dma_start3A_232 : memref<2x80xi32, #tpu.memory_space<hbm>>) target(%dma_start3A_228 : memref<2x80xi32, #tpu.memory_space<vmem>>) target_semaphore(%arg18 : memref<!tpu.dma_semaphore, #tpu.memory_space<semaphore_mem>>)
      } else {
      }
    }
    %barrier3A_124 = arith.constant 0 : index
    tpu.barrier barrier_id(%barrier3A_124)
    %lt3A_125 = arith.constant 15 : i32
    %lt3A_126 = arith.cmpi slt, %arg1, %lt3A_125 : i32
    %mul3A_127 = arith.constant 312 : i32
    %mul3A_128 = arith.muli %arg1, %mul3A_127 : i32
    %convert_element_type3A_129 = arith.extui %lt3A_126 : i1 to i32
    %cond3A_130 = arith.constant 0 : i32
    %cond3A_131 = arith.cmpi ne, %convert_element_type3A_129, %cond3A_130 : i32
    scf.if %cond3A_131 {
      %add3A_137 = arith.constant 0 : i32
      %add3A_138 = arith.addi %mul3A_128, %add3A_137 : i32
      %mul3A_139 = arith.constant 5000 : i32
      %mul3A_140 = arith.muli %arg0, %mul3A_139 : i32
      %add3A_141 = arith.addi %mul3A_140, %mul3A_128 : i32
      %add3A_142 = arith.constant 0 : i32
      %add3A_143 = arith.addi %add3A_141, %add3A_142 : i32
      "tpu.region"() ({
        %run_scoped3A = tpu.sem_alloc : memref<!tpu.dma_semaphore, #tpu.memory_space<semaphore_mem>>
        %dma_start3A = arith.constant 0 : i32
        %dma_start3A_151 = tpu.memref_slice %arg5[%add3A_143, %dma_start3A] : memref<10000x128xf32, #tpu.memory_space<hbm>> -> memref<160x128xf32, #tpu.memory_space<hbm>>
        %dma_start3A_152 = arith.constant 0 : i32
        %dma_start3A_153 = tpu.memref_slice %arg6[%add3A_138, %dma_start3A_152] : memref<5008x128xf32, #tpu.memory_space<vmem_shared>> -> memref<160x128xf32, #tpu.memory_space<vmem_shared>>
        tpu.enqueue_dma source(%dma_start3A_153 : memref<160x128xf32, #tpu.memory_space<vmem_shared>>) target(%dma_start3A_151 : memref<160x128xf32, #tpu.memory_space<hbm>>) target_semaphore(%run_scoped3A : memref<!tpu.dma_semaphore, #tpu.memory_space<semaphore_mem>>)
        %dma_wait3A = arith.constant 0 : i32
        %dma_wait3A_154 = tpu.memref_slice %arg5[%add3A_143, %dma_wait3A] : memref<10000x128xf32, #tpu.memory_space<hbm>> -> memref<160x128xf32, #tpu.memory_space<hbm>>
        %dma_wait3A_155 = arith.constant 0 : i32
        %dma_wait3A_156 = tpu.memref_slice %arg6[%add3A_138, %dma_wait3A_155] : memref<5008x128xf32, #tpu.memory_space<vmem_shared>> -> memref<160x128xf32, #tpu.memory_space<vmem_shared>>
        tpu.wait_dma2 semaphore(%run_scoped3A : memref<!tpu.dma_semaphore, #tpu.memory_space<semaphore_mem>>) src(%dma_wait3A_156 : memref<160x128xf32, #tpu.memory_space<vmem_shared>>) dst(%dma_wait3A_154 : memref<160x128xf32, #tpu.memory_space<hbm>>)
        tpu.yield
      }) : () -> ()
      %add3A_144 = arith.constant 160 : i32
      %add3A_145 = arith.addi %mul3A_128, %add3A_144 : i32
      %mul3A_146 = arith.constant 5000 : i32
      %mul3A_147 = arith.muli %arg0, %mul3A_146 : i32
      %add3A_148 = arith.addi %mul3A_147, %mul3A_128 : i32
      %add3A_149 = arith.constant 160 : i32
      %add3A_150 = arith.addi %add3A_148, %add3A_149 : i32
      "tpu.region"() ({
        %run_scoped3A = tpu.sem_alloc : memref<!tpu.dma_semaphore, #tpu.memory_space<semaphore_mem>>
        %dma_start3A = arith.constant 0 : i32
        %dma_start3A_151 = tpu.memref_slice %arg5[%add3A_150, %dma_start3A] : memref<10000x128xf32, #tpu.memory_space<hbm>> -> memref<152x128xf32, #tpu.memory_space<hbm>>
        %dma_start3A_152 = arith.constant 0 : i32
        %dma_start3A_153 = tpu.memref_slice %arg6[%add3A_145, %dma_start3A_152] : memref<5008x128xf32, #tpu.memory_space<vmem_shared>> -> memref<152x128xf32, #tpu.memory_space<vmem_shared>>
        tpu.enqueue_dma source(%dma_start3A_153 : memref<152x128xf32, #tpu.memory_space<vmem_shared>>) target(%dma_start3A_151 : memref<152x128xf32, #tpu.memory_space<hbm>>) target_semaphore(%run_scoped3A : memref<!tpu.dma_semaphore, #tpu.memory_space<semaphore_mem>>)
        %dma_wait3A = arith.constant 0 : i32
        %dma_wait3A_154 = tpu.memref_slice %arg5[%add3A_150, %dma_wait3A] : memref<10000x128xf32, #tpu.memory_space<hbm>> -> memref<152x128xf32, #tpu.memory_space<hbm>>
        %dma_wait3A_155 = arith.constant 0 : i32
        %dma_wait3A_156 = tpu.memref_slice %arg6[%add3A_145, %dma_wait3A_155] : memref<5008x128xf32, #tpu.memory_space<vmem_shared>> -> memref<152x128xf32, #tpu.memory_space<vmem_shared>>
        tpu.wait_dma2 semaphore(%run_scoped3A : memref<!tpu.dma_semaphore, #tpu.memory_space<semaphore_mem>>) src(%dma_wait3A_156 : memref<152x128xf32, #tpu.memory_space<vmem_shared>>) dst(%dma_wait3A_154 : memref<152x128xf32, #tpu.memory_space<hbm>>)
        tpu.yield
      }) : () -> ()
    } else {
    }
    %eq3A_132 = arith.constant 15 : i32
    %eq3A_133 = arith.cmpi eq, %arg1, %eq3A_132 : i32
    %convert_element_type3A_134 = arith.extui %eq3A_133 : i1 to i32
    %cond3A_135 = arith.constant 0 : i32
    %cond3A_136 = arith.cmpi ne, %convert_element_type3A_134, %cond3A_135 : i32
    scf.if %cond3A_136 {
      %mul3A_137 = arith.constant 5000 : i32
      %mul3A_138 = arith.muli %arg0, %mul3A_137 : i32
      %add3A_139 = arith.constant 4680 : i32
      %add3A_140 = arith.addi %mul3A_138, %add3A_139 : i32
      %add3A_141 = arith.constant 0 : i32
      %add3A_142 = arith.addi %add3A_140, %add3A_141 : i32
      "tpu.region"() ({
        %run_scoped3A = tpu.sem_alloc : memref<!tpu.dma_semaphore, #tpu.memory_space<semaphore_mem>>
        %dma_start3A = arith.constant 0 : i32
        %dma_start3A_149 = tpu.memref_slice %arg5[%add3A_142, %dma_start3A] : memref<10000x128xf32, #tpu.memory_space<hbm>> -> memref<160x128xf32, #tpu.memory_space<hbm>>
        %dma_start3A_150 = arith.constant 4680 : i32
        %dma_start3A_151 = arith.constant 0 : i32
        %dma_start3A_152 = tpu.memref_slice %arg6[%dma_start3A_150, %dma_start3A_151] : memref<5008x128xf32, #tpu.memory_space<vmem_shared>> -> memref<160x128xf32, #tpu.memory_space<vmem_shared>>
        tpu.enqueue_dma source(%dma_start3A_152 : memref<160x128xf32, #tpu.memory_space<vmem_shared>>) target(%dma_start3A_149 : memref<160x128xf32, #tpu.memory_space<hbm>>) target_semaphore(%run_scoped3A : memref<!tpu.dma_semaphore, #tpu.memory_space<semaphore_mem>>)
        %dma_wait3A = arith.constant 0 : i32
        %dma_wait3A_153 = tpu.memref_slice %arg5[%add3A_142, %dma_wait3A] : memref<10000x128xf32, #tpu.memory_space<hbm>> -> memref<160x128xf32, #tpu.memory_space<hbm>>
        %dma_wait3A_154 = arith.constant 4680 : i32
        %dma_wait3A_155 = arith.constant 0 : i32
        %dma_wait3A_156 = tpu.memref_slice %arg6[%dma_wait3A_154, %dma_wait3A_155] : memref<5008x128xf32, #tpu.memory_space<vmem_shared>> -> memref<160x128xf32, #tpu.memory_space<vmem_shared>>
        tpu.wait_dma2 semaphore(%run_scoped3A : memref<!tpu.dma_semaphore, #tpu.memory_space<semaphore_mem>>) src(%dma_wait3A_156 : memref<160x128xf32, #tpu.memory_space<vmem_shared>>) dst(%dma_wait3A_153 : memref<160x128xf32, #tpu.memory_space<hbm>>)
        tpu.yield
      }) : () -> ()
      %mul3A_143 = arith.constant 5000 : i32
      %mul3A_144 = arith.muli %arg0, %mul3A_143 : i32
      %add3A_145 = arith.constant 4680 : i32
      %add3A_146 = arith.addi %mul3A_144, %add3A_145 : i32
      %add3A_147 = arith.constant 160 : i32
      %add3A_148 = arith.addi %add3A_146, %add3A_147 : i32
      "tpu.region"() ({
        %run_scoped3A = tpu.sem_alloc : memref<!tpu.dma_semaphore, #tpu.memory_space<semaphore_mem>>
        %dma_start3A = arith.constant 0 : i32
        %dma_start3A_149 = tpu.memref_slice %arg5[%add3A_148, %dma_start3A] : memref<10000x128xf32, #tpu.memory_space<hbm>> -> memref<160x128xf32, #tpu.memory_space<hbm>>
        %dma_start3A_150 = arith.constant 4840 : i32
        %dma_start3A_151 = arith.constant 0 : i32
        %dma_start3A_152 = tpu.memref_slice %arg6[%dma_start3A_150, %dma_start3A_151] : memref<5008x128xf32, #tpu.memory_space<vmem_shared>> -> memref<160x128xf32, #tpu.memory_space<vmem_shared>>
        tpu.enqueue_dma source(%dma_start3A_152 : memref<160x128xf32, #tpu.memory_space<vmem_shared>>) target(%dma_start3A_149 : memref<160x128xf32, #tpu.memory_space<hbm>>) target_semaphore(%run_scoped3A : memref<!tpu.dma_semaphore, #tpu.memory_space<semaphore_mem>>)
        %dma_wait3A = arith.constant 0 : i32
        %dma_wait3A_153 = tpu.memref_slice %arg5[%add3A_148, %dma_wait3A] : memref<10000x128xf32, #tpu.memory_space<hbm>> -> memref<160x128xf32, #tpu.memory_space<hbm>>
        %dma_wait3A_154 = arith.constant 4840 : i32
        %dma_wait3A_155 = arith.constant 0 : i32
        %dma_wait3A_156 = tpu.memref_slice %arg6[%dma_wait3A_154, %dma_wait3A_155] : memref<5008x128xf32, #tpu.memory_space<vmem_shared>> -> memref<160x128xf32, #tpu.memory_space<vmem_shared>>
        tpu.wait_dma2 semaphore(%run_scoped3A : memref<!tpu.dma_semaphore, #tpu.memory_space<semaphore_mem>>) src(%dma_wait3A_156 : memref<160x128xf32, #tpu.memory_space<vmem_shared>>) dst(%dma_wait3A_153 : memref<160x128xf32, #tpu.memory_space<hbm>>)
        tpu.yield
      }) : () -> ()
    } else {
    }
    return
  }
}

</mosaic_0001>

<sc_bundles>
// kernel: kernel.3.cloned.1.call-start
scs
__scs_entry_jumppad:
0x0: {  	(pc) =	sbr.rel $0x88, $3  }
0x1: {  	(tag) =	ssettag $0x0;
	lr =	simm.s32 $0x1  }
0x2: {  	[smem:$0x3F9F] =	sst lr;
	_ =	strace $0xD0000000  }
0x3: {  	_ = 	snop  }
0x4: {  	_ = 	snop  }
0x5: {  	_ = 	snop  }
0x6: {  	_ = 	snop  }
0x7: {  	_ = 	snop  }
__scs_overlays_trampoline_lowered:
0x8: {  	[smem:$0x3FAE] =	sst s0  }
0x9: {  	[smem:$0x3FAF] =	sst s1  }
0xa: {  	[smem:$0x3FB0] =	sst s2  }
0xb: {  	[smem:$0x3FB1] =	sst s3  }
0xc: {  	[smem:$0x3FB2] =	sst s4  }
0xd: {  	[smem:$0x3FB3] =	sst s5  }
0xe: {  	[smem:$0x3FB4] =	sst s6  }
0xf: {  	[smem:$0x3FB5] =	sst s7  }
0x10: {  	[smem:$0x3FB6] =	sst s8  }
0x11: {  	[smem:$0x3FB7] =	sst s9;
	s0 =	simm.s32 @!p0 $0x0  }
0x12: {  	s1 =	sld [smem:$0x3F9D];
	s0 =	simm.s32 @p0 $0x1  }
0x13: {  	[smem:$0x3FB8] =	sst s0;
	s0 =	simm.s32 @!p1 $0x0  }
0x14: {  	s2 =	sld [smem:$0x3F9C];
	s0 =	simm.s32 @p1 $0x1  }
0x15: {  	[smem:$0x3FB9] =	sst s0;
	s0 =	simm.s32 @!p2 $0x0  }
0x16: {  	s3 =	sld [smem:$0x3FDB];
	s0 =	simm.s32 @p2 $0x1  }
0x17: {  	s4 =	simm.s32 $0x1BF5;
	[smem:$0x3FBB] =	sst s0  }
0x18: {  	s0 =	sld [smem:$0x3F9E];
	_ =	swait.ge [sflag:s4], $0x0  }
0x19: {  	s7 =	sld [smem:$0x3F9F]  }
0x1a: {  	s8 =	sadd.s32 $0xFFFFE003, lr  }
0x1b: {  	s9 =	sadd.s32 $0xFFFFFEF7, lr;
	s5 =	simm.s32 $0xFFFFFFFF;
	p2 =	slt.u32 s8, $0xFFFFF086  }
0x1c: {  	p1 =	slt.u32 s9, $0xF7A;
	s5 =	simm.s32 @!p2 $0x0  }
0x1d: {  	s5 =	simm.s32 @p1 $0x1;
	p0 =	seq.s32 s7, s2  }
0x1e: {  	s7 =	smul.u32 @!p0 $0xF7A, s2;
	p2 =	seq.s32 @!p0 s5, $0x0  }
0x1f: {  	s9 =	smul.u32 $0xF7A, s1;
	s8 =	simm.s32 @!p0 $0x1BF5;
	p2 =	por !p2, p0  }
0x20: {  	[sflag:s8] =	ssyncset.s32 @!p0 $0xFFFFF086;
	s6 =	sadd.s32 @!p0 s3, s7;
	s7 =	simm.s32 @!p0 $0x108  }
0x21: {  	s3 =	sadd.s32 s3, s9;
	s6 =	sadd.s32 @!p0 $0x88, s6;
	s7 =	simm.s32 @p2 $0x1082  }
0x22: {  	[simem:s7], [sflag:s8] =	dma.local @!p0 [hbm:s6], $0xF7A  }
0x23: {  	s9 =	sor.u32 $0xD0000000, s2;
	s6 =	simm.s32 $0x108;
	_ =	swait.ge @!p0 [sflag:s8], $0x0  }
0x24: {  	s3 =	sadd.s32 $0x88, s3;
	s6 =	simm.s32 @!p1 $0x1082;
	[sflag:s4] =	ssyncset.s32 $0xFFFFF086  }
0x25: {  	[simem:s6], [sflag:s4] =	dma.local [hbm:s3], $0xF7A  }
0x26: {  	[smem:$0x3F9F] =	sst s1;
	(tag) =	ssettag s2;
	_ =	strace s9  }
0x27: {  	s1 =	sld [smem:$0x3FAF]  }
0x28: {  	s2 =	sld [smem:$0x3FB0]  }
0x29: {  	s4 =	sld [smem:$0x3FB2]  }
0x2a: {  	p0 =	seq.s32 s5, $0x0;
	s5 =	sld [smem:$0x3FB3]  }
0x2b: {  	s6 =	sld [smem:$0x3FB4]  }
0x2c: {  	s7 =	sld [smem:$0x3FB5]  }
0x2d: {  	s3 =	simm.s32 $0x108;
	s8 =	sld [smem:$0x3FB6]  }
0x2e: {  	s3 =	simm.s32 @!p0 $0x1082;
	s9 =	sld [smem:$0x3FB7]  }
0x2f: {  	lr =	sadd.s32 s0, s3;
	s0 =	sld [smem:$0x3FAE]  }
0x30: {  	s3 =	sld [smem:$0x3FB1]  }
0x31: {  	[smem:$0x3FBA] =	sst s10  }
0x32: {  	s10 =	sld [smem:$0x3FB8];
	_ =	sdelay $0x3  }
0x33: {  	p0 =	seq.s32 s10, $0x1;
	s10 =	sld [smem:$0x3FBA];
	_ =	sdelay $0x3  }
0x34: {  	[smem:$0x3FBA] =	sst s10  }
0x35: {  	s10 =	sld [smem:$0x3FB9];
	_ =	sdelay $0x3  }
0x36: {  	p1 =	seq.s32 s10, $0x1;
	s10 =	sld [smem:$0x3FBA];
	_ =	sdelay $0x3  }
0x37: {  	[smem:$0x3FBA] =	sst s10  }
0x38: {  	s10 =	sld [smem:$0x3FBB]  }
0x39: {  	_ = 	snop;
	(pc) =	sbr.ind lr, $3  }
0x3a: {  	_ = 	snop  }
0x3b: {  	_ = 	snop  }
0x3c: {  	p2 =	seq.s32 s10, $0x1;
	s10 =	sld [smem:$0x3FBA]  }
0x3d: {  	_ =	shalt  }
0x3e: {  	_ =	shalt  }
0x3f: {  	_ =	shalt  }
0x40: {  	_ =	shalt  }
0x41: {  	_ =	shalt  }
0x42: {  	_ =	shalt  }
0x43: {  	_ =	shalt  }
0x44: {  	_ =	shalt  }
0x45: {  	_ =	shalt  }
0x46: {  	_ =	shalt  }
0x47: {  	_ =	shalt  }
0x48: {  	_ =	shalt  }
0x49: {  	_ =	shalt  }
0x4a: {  	_ =	shalt  }
0x4b: {  	_ =	shalt  }
0x4c: {  	_ =	shalt  }
0x4d: {  	_ =	shalt  }
0x4e: {  	_ =	shalt  }
0x4f: {  	_ =	shalt  }
0x50: {  	_ =	shalt  }
0x51: {  	_ =	shalt  }
0x52: {  	_ =	shalt  }
0x53: {  	_ =	shalt  }
0x54: {  	_ =	shalt  }
0x55: {  	_ =	shalt  }
0x56: {  	_ =	shalt  }
0x57: {  	_ =	shalt  }
0x58: {  	_ =	shalt  }
0x59: {  	_ =	shalt  }
0x5a: {  	_ =	shalt  }
0x5b: {  	_ =	shalt  }
0x5c: {  	_ =	shalt  }
0x5d: {  	_ =	shalt  }
0x5e: {  	_ =	shalt  }
0x5f: {  	_ =	shalt  }
0x60: {  	_ =	shalt  }
0x61: {  	_ =	shalt  }
0x62: {  	_ =	shalt  }
0x63: {  	_ =	shalt  }
0x64: {  	_ =	shalt  }
0x65: {  	_ =	shalt  }
0x66: {  	_ =	shalt  }
0x67: {  	_ =	shalt  }
0x68: {  	_ =	shalt  }
0x69: {  	_ =	shalt  }
0x6a: {  	_ =	shalt  }
0x6b: {  	_ =	shalt  }
0x6c: {  	_ =	shalt  }
0x6d: {  	_ =	shalt  }
0x6e: {  	_ =	shalt  }
0x6f: {  	_ =	shalt  }
0x70: {  	_ =	shalt  }
0x71: {  	_ =	shalt  }
0x72: {  	_ =	shalt  }
0x73: {  	_ =	shalt  }
0x74: {  	_ =	shalt  }
0x75: {  	_ =	shalt  }
0x76: {  	_ =	shalt  }
0x77: {  	_ =	shalt  }
0x78: {  	_ =	shalt  }
0x79: {  	_ =	shalt  }
0x7a: {  	_ =	shalt  }
0x7b: {  	_ =	shalt  }
0x7c: {  	_ =	shalt  }
0x7d: {  	_ =	shalt  }
0x7e: {  	_ =	shalt  }
0x7f: {  	_ =	shalt  }
0x80: {  	_ =	shalt  }
0x81: {  	_ =	shalt  }
0x82: {  	_ =	shalt  }
0x83: {  	_ =	shalt  }
0x84: {  	_ =	shalt  }
0x85: {  	_ =	shalt  }
0x86: {  	_ =	shalt  }
0x87: {  	_ =	shalt  }
.Lfunc_end0:
.L_simem_size_0:
called_computation_lowered:
.L_overlay_start_0:
0x88: {  	s2 =	sld [smem:$0x3FD9]  }
0x89: {  	s3 =	sld [smem:$0x3FFE];
	_ =	sdelay $0x1  }
0x8a: {  	s1 =	srdreg.scid  }
0x8b: {  	s0 =	sand.u32 $0x1, s1  }
0x8c: {  	s17 =	sshll.u32 s0, $0xA;
	s2 =	sadd.s32 s3, s2  }
0x8d: {  	s2 =	sadd.s32 s2, s17  }
0x8e: {  	[smem:$0x3FC6] =	sst s2  }
0x8f: {  	_ = 	snop  }
0x90: {  	s2 =	sld [smem:$0x3FC9]  }
0x91: {  	s18 =	sld [smem:$0x3FD0];
	(tm) =	ssettm $0x1  }
0x92: {  	s4 =	sld [smem:$0x3FFB];
	_ =	sdelay $0x3  }
0x93: {  	_ =	strace s4  }
0x94: {  	s4 =	sld [smem:$0x3FFC];
	_ =	sdelay $0x3  }
0x95: {  	_ =	strace s4  }
0x96: {  	s4 =	sld [smem:$0x3FFD];
	_ =	sdelay $0x3  }
0x97: {  	_ =	strace s4  }
0x98: {  	_ =	strace $0x8FFFFFFF  }
0x99: {  	s19 =	sld [smem:$0x3FDB];
	_ =	sdelay $0x1  }
0x9a: {  	s5 =	simm.s32 $_scs_section_size  }
0x9b: {  	s6 =	simm.s32 $_size__tile_overlayer_lowered;
	s7 =	simm.s32 $_tile_overlayer_lowered  }
0x9c: {  	s22 =	simm.s32 $0x1BFF;
	s21 =	sshll.u32 s7, $0x1;
	s4 =	sadd.s32 s5, s19  }
0x9d: {  	s8 =	simm.s32 $0x0;
	s20 =	sshll.u32 s6, $0x1;
	s6 =	sadd.s32 s21, s4  }
0x9e: {  	[timem:s8], [sflag:s22] =	dma.local [hbm:s6], s20  }
0x9f: {  	_ =	swait.ge [sflag:s22], s20  }
0xa0: {  	s5 =	ssub.s32 $0x0, s20;
	[sflag:s22] =	ssyncset.done $0x0  }
0xa1: {  	[sflag:s22] =	ssyncadd.s32 s5;
	_ =	sdelay $0x1  }
0xa2: {  	s23 =	simm.s32 $0x1B8B  }
0xa3: {  	_ =	swait.ge [sflag:s23], $0x1  }
0xa4: {  	[sflag:s23] =	ssyncset.done $0x0  }
0xa5: {  	s25 =	simm.s32 $0x1B8E;
	s24 =	sld [smem:$0x3FFE];
	[sflag:s23] =	ssyncadd.s32 $0xFFFFFFFF  }
0xa6: {  	s26 =	simm.s32 $execute0_lowered;
	[smem:$0x3FD2] =	sst s25  }
0xa7: {  	s6 =	sshll.u32 s26, $0x1;
	_ =	strace $0x80000046;
	[dreg:$0x1] =	wrdreg $0xFFFFFFFF  }
0xa8: {  	s28 =	simm.s32 $_size_execute0_lowered;
	s4 =	sadd.s32 s4, s6;
	[dreg:$0x0] =	wrdreg $0x0  }
0xa9: {  	s6 =	sshll.u32 s28, $0x1;
	[dreg:$0x2] =	wrdreg s4  }
0xaa: {  	[dreg:$0x3] =	wrdreg s6  }
0xab: {  	[dreg:$0x4] =	wrdreg $0xC0  }
0xac: {  	_ =	task [dreg:s8], $0x5FFFF  }
0xad: {  	[dreg:$0x1] =	wrdreg $0xFFFFFFFF  }
0xae: {  	[dreg:$0x0] =	wrdreg $0x60  }
0xaf: {  	[dreg:$0x2] =	wrdreg s2  }
0xb0: {  	[dreg:$0x3] =	wrdreg s24  }
0xb1: {  	[dreg:$0x4] =	wrdreg s18  }
0xb2: {  	[dreg:$0x5] =	wrdreg $0x0  }
0xb3: {  	[dreg:$0x6] =	wrdreg $0x9  }
0xb4: {  	_ =	task.clear_ibuf [dreg:s8], $0x7FFFF;
	_ =	strace $0x90000046  }
0xb5: {  	s29 =	simm.s32 $0x9;
	_ =	strace $0x80000048  }
0xb6: {  	_ =	swait.ge [sflag:s29], $0x1  }
0xb7: {  	[sflag:s29] =	ssyncadd.s32 $0xFFFFFFFF  }
0xb8: {  	_ =	strace $0x90000048  }
0xb9: {  	_ =	sfence  }
0xba: {  	s30 =	sld [smem:$0x0];
	_ =	sdelay $0x2  }
0xbb: {  	s31 =	sshll.u32 s1, $0xD;
	s1 =	sshrl.u32 s1, $0x2  }
0xbc: {  	s3 =	sand.u32 $0x4000, s31;
	s1 =	sadd.s32 s1, s30  }
0xbd: {  	s0 =	sor.u32 s3, s0;
	s1 =	sshll.u32 s1, $0x11  }
0xbe: {  	s0 =	sor.u32 s1, s0  }
0xbf: {  	s0 =	sadd.s32 $0x8F2B, s0  }
0xc0: {  	[sflag:s0] =	ssyncadd.remote.s32 $0x1  }
0xc1: {  	_ =	sfence.sel $0xFFFF  }
0xc2: {  	[dreg:$0x0] =	wrdreg $0xFFFFFFFF;
	(pc) =	sbr.abs _section_cstart, $3  }
0xc3: {  	[dreg:$0x1] =	wrdreg $0xFFFFFFFF  }
0xc4: {  	_ =	task.clear_ibuf [dreg:s8], $0x2FFFF;
	_ =	strace $0x9FFFFFFF  }
0xc5: {  	(tm) =	ssettm $0x7FFFFFFF  }
tec
execute0_lowered:
.L_overlay_start_1:
0x0: {  	(tag) =	ssettag $0x1  }
0x1: {  	s1 =	rddreg [dreg:$0x0]  }
0x2: {  	s0 =	rddreg [dreg:$0x1]  }
0x3: {  	s6 =	rddreg [dreg:$0x2]  }
0x4: {  	s3 =	rddreg [dreg:$0x3];
	s4 =	simm.s32 $0x0  }
0x5: {  	s5 =	srdreg.scid;
	s2 =	stileid.u32;
	s30 =	simm.s32 $0x0  }
0x6: {  	[smem:$0x7FF] =	sst s4;
	s8 =	sand.u32 $0x1, s5;
	s7 =	smul.u32 $0x27000, s2  }
0x7: {  	s5 =	sadd.s32 $0x400, s0;
	s0 =	sadd.s32 $0xFE00, s0;
	s23 =	smul.u32 $0x138, s2  }
0x8: {  	s15 =	sadd.s32 $0x92400, s3;
	s13 =	sadd.s32 $0x93800, s3;
	s16 =	sadd.s32 $0x96000, s3  }
0x9: {  	s19 =	sadd.s32 $0x97400, s3;
	s21 =	sadd.s32 $0x98800, s3;
	p1 =	seq.s32 s2, $0xF  }
0xa: {  	s28 =	sadd.s32 $0x9C400, s3;
	_ =	strace $0x80000047;
	[dreg:$0x9] =	wrdreg s0  }
0xb: {  	s18 =	sshll.u32 s2, $0x5;
	s9 =	ssub.s32 $0x2, s8;
	[dreg:$0x10] =	wrdreg s13  }
0xc: {  	s14 =	smul.u32 $0x9C400, s8;
	[dreg:$0x12] =	wrdreg s16;
	s7 =	sshrl.u32 s7, $0x2  }
0xd: {  	s13 =	sadd.s32 $0x94C00, s3;
	[dreg:$0x13] =	wrdreg s18;
	s7 =	sadd.s32 s7, s3  }
0xe: {  	p0 =	seq.s32 s8, $0x0;
	[dreg:$0x11] =	wrdreg s13;
	s10 =	sadd.s32 $0x1400, s7  }
0xf: {  	s22 =	sshrl.u32 s9, $0x1;
	s24 =	sadd.s32 $0x2800, s7;
	[dreg:$0xa] =	wrdreg s10  }
0x10: {  	s0 =	ssub.s32 s9, s22;
	s25 =	sadd.s32 $0x3C00, s7;
	[dreg:$0xb] =	wrdreg s24  }
0x11: {  	s17 =	sshrl.u32 s14, $0x3;
	s26 =	sadd.s32 $0x6400, s7;
	[dreg:$0xc] =	wrdreg s25  }
0x12: {  	s11 =	sadd.s32 $0x5000, s7;
	s12 =	sadd.s32 $0x7800, s7;
	[dreg:$0xd] =	wrdreg s26  }
0x13: {  	s31 =	sadd.s32 $0x8C00, s7;
	s10 =	smul.u32 $0x1388, s8;
	[dreg:$0xe] =	wrdreg s12  }
.Ltmp0:
0x14: {  	[dreg:$0xf] =	wrdreg s31;
	s24 =	smax.u32 s0, $0x1;
	(pc) =	sbr.rel .LBB2_1-.Ltmp0, $4  }
0x15: {  	s25 =	sadd.s32 $0x99C00, s3;
	s31 =	smul.u32 $0x5000, s2;
	s9 =	sadd.s32 s23, s10  }
0x16: {  	s26 =	sadd.s32 $0x9B000, s3;
	s0 =	simm.s32 $0xA;
	s9 =	sshll.u32 s9, $0x4  }
0x17: {  	[dreg:$0x14] =	wrdreg s31;
	s20 =	sadd.s32 s6, s9;
	s6 =	sadd.s32 s6, s17  }
0x18: {  	v1 =	vimm.f32 $0.0e+00;
	v0 =	vmov s10;
	s22 =	sadd.s32 $0x12480, s6;
	s23 =	sadd.s32 $0x12E80, s6;
	s29 =	sadd.s32 $0xA00, s20  }
.LBB2_8:
0x19: {  	[bflag:$0x0] =	sbarrier.arrive $0xFFFF;
	s9 =	sshrl.u32 @p1 s15, $0x3;
	s10 =	simm.s32 @p1 $0x1FCA  }
0x1a: {  	[hbm:s22], [sflag:s10] =	dma.local @p1 [spmem:s9], $0xA00  }
0x1b: {  	_ =	swait.ge @p1 [sflag:s6], $0xA00  }
0x1c: {  	[sflag:s6] =	ssyncset.done @p1 $0x0  }
0x1d: {  	s9 =	sshrl.u32 @p1 s19, $0x3;
	[sflag:s6] =	ssyncadd.s32 @p1 $0xFFFFF600  }
0x1e: {  	[hbm:s23], [sflag:s10] =	dma.local @p1 [spmem:s9], $0xA00  }
0x1f: {  	_ =	swait.ge @p1 [sflag:s6], $0xA00  }
0x20: {  	s9 =	sshll.u32 @!p1 s2, $0x6;
	[sflag:s6] =	ssyncset.done @p1 $0x0  }
0x21: {  	[sflag:s6] =	ssyncadd.s32 @p1 $0xFFFFF600;
	s6 =	sor.u32 @!p1 $0x1C0A, s9;
	s9 =	sshrl.u32 @!p1 s7, $0x3  }
0x22: {  	[hbm:s20], [sflag:s6] =	dma.local @!p1 [spmem:s9], $0xA00  }
0x23: {  	s30 =	sadd.s32 $0x1, s30;
	_ =	swait.ge @!p1 [sflag:s8], $0xA00  }
0x24: {  	p2 =	sne.s32 s30, s24;
	[sflag:s8] =	ssyncset.done @!p1 $0x0  }
.Ltmp1:
0x25: {  	s9 =	sshrl.u32 @!p1 s11, $0x3;
	[sflag:s8] =	ssyncadd.s32 @!p1 $0xFFFFF600;
	(pc) =	sbr.rel @!p2 .LBB2_9-.Ltmp1, $4  }
0x26: {  	[hbm:s29], [sflag:s6] =	dma.local @!p1 [spmem:s9], $0x980  }
0x27: {  	_ =	swait.ge @!p1 [sflag:s8], $0x980  }
0x28: {  	[sflag:s8] =	ssyncset.done @!p1 $0x0  }
0x29: {  	[sflag:s8] =	ssyncadd.s32 @!p1 $0xFFFFF680  }
.LBB2_1:
0x2a: {  	s6 =	rddreg [dreg:$0x9];
	s8 =	simm.s32 $0x1E080  }
0x2b: {  	[tilespmem:s8], [sflag:$0xA] =	stream.linear.gather [hbm4b:s6+s4], $0x100, $0x38;
	[tilespmem:$0x1F580] =	vst v63  }
0x2c: {  	_ =	swait.ge [sflag:s0], $0x100  }
0x2d: {  	[sflag:s0] =	ssyncset.done $0x0  }
0x2e: {  	[sflag:s0] =	ssyncadd.s32 $0xFFFFFF00  }
0x2f: {  	v2 =	vld [tilespmem:$0x1E080]  }
0x30: {  	v3 =	vld [tilespmem:$0x1E100];
	_ =	sdelay $0x3  }
0x31: {  	(xrf2) =	vadd.scan.msk.f32 $0xffff, v2  }
0x32: {  	(xrf2) =	vadd.scan.msk.f32 $0xffff, v3;
	_ =	sdelay $0x8  }
0x33: {  	v2, _, _ =	vpop (xrf2)  }
0x34: {  	(v2sf) =	vpush v2, $0xF;
	v2, _, _ =	vpop (xrf2)  }
0x35: {  	(v2sf) =	vpush v2, $0xF;
	_ =	sdelay $0xd  }
0x36: {  	s16 =	spop (v2sf)  }
0x37: {  	s17 =	spop (v2sf)  }
0x38: {  	s9 =	scvt.f32.s32 s17  }
0x39: {  	s8 =	scvt.f32.s32 s16  }
0x3a: {  	s9 =	simm.s32 @p0 $0x0  }
0x3b: {  	s8 =	simm.s32 @!p0 $0x7D0;
	s6 =	sadd.s32 s2, s9  }
0x3c: {  	s8 =	ssub.s32 s8, s6  }
0x3d: {  	s8 =	sadd.s32 $0xF, s8  }
0x3e: {  	s10 =	sand.u32 $0xF, s8  }
0x3f: {  	s18 =	sshra.s32 s8, $0x1F;
	p3 =	slt.s32 s8, $0x1;
	p2 =	sne.s32 s10, $0x0  }
0x40: {  	s10 =	sshrl.u32 s18, $0x1C;
	p2 =	por !p3, !p2  }
0x41: {  	s8 =	sadd.s32 s10, s8;
	s10 =	simm.s32 $0x1;
	p2 =	por !p2, !p2  }
0x42: {  	s8 =	sshra.s32 s8, $0x4;
	s10 =	simm.s32 @!p2 $0x0  }
0x43: {  	s31 =	ssub.s32 s8, s10  }
0x44: {  	p2 =	slt.s32 s31, $0x1  }
.Ltmp2:
0x45: {  	_ = 	snop;
	(pc) =	sbr.rel @p2 .LBB2_3-.Ltmp2, $1  }
0x46: {  	_ =	sdelay $0x3  }
0x47: {  	s8 =	smul.u32 $0x5000, s6;
	_ =	sdelay $0x1  }
0x48: {  	s10 =	simm.s32 $0x9C80;
	s8 =	sshrl.u32 s8, $0x3  }
0x49: {  	s18 =	sshll.u32 s6, $0x5;
	p2 =	seq.s32 s31, $0x1;
	s8 =	sadd.s32 s1, s8  }
0x4a: {  	[tilespmem:s10], [sflag:$0x1] =	stream.linear.gather [hbm4b:s8+s4], $0x5000, $0x38;
	[tilespmem:$0x1F580] =	vst v63  }
0x4b: {  	s8 =	sand.u32 $0x1FFFFFE0, s18;
	s10 =	sadd.s32 @!p2 $0x10, s6  }
0x4c: {  	s13 =	simm.s32 $0x1DC80;
	s8 =	sadd.s32 s5, s8;
	s12 =	smul.u32 @!p2 $0x5000, s10  }
0x4d: {  	[tilespmem:s13], [sflag:$0x5] =	stream.linear.gather [hbm4b:s8+s4], $0x100, $0x38;
	[tilespmem:$0x1F580] =	vst v63  }
0x4e: {  	s8 =	sshrl.u32 @!p2 s12, $0x3  }
0x4f: {  	s13 =	simm.s32 @!p2 $0xEC80;
	s12 =	simm.s32 @!p2 $0x0;
	s8 =	sadd.s32 @!p2 s1, s8  }
0x50: {  	[tilespmem:s13], [sflag:$0x2] =	stream.linear.gather @!p2 [hbm4b:s8+s12], $0x5000, $0x38;
	[tilespmem:$0x1F580] =	vst v63  }
0x51: {  	s8 =	sshll.u32 @!p2 s10, $0x5  }
0x52: {  	p4 =	slt.u32 @!p2 s31, $0x3;
	s8 =	sand.u32 @!p2 $0x1FFFFFE0, s8  }
0x53: {  	p3 =	por p4, p2;
	s10 =	simm.s32 @!p2 $0x1DD80;
	s8 =	sadd.s32 @!p2 s5, s8  }
0x54: {  	[tilespmem:s10], [sflag:$0x6] =	stream.linear.gather @!p2 [hbm4b:s8+s12], $0x100, $0x38;
	[tilespmem:$0x1F580] =	vst v63  }
0x55: {  	p5 =	seq.s32 @!p3 s31, $0x3;
	s8 =	sadd.s32 @!p3 $0x20, s6  }
0x56: {  	p4 =	por @!p2 p5, p4;
	s10 =	smul.u32 @!p3 $0x5000, s8  }
0x57: {  	s13 =	simm.s32 @!p3 $0x13C80;
	s12 =	simm.s32 @!p3 $0x0;
	s8 =	sshll.u32 @!p3 s8, $0x5  }
0x58: {  	p2 =	por p4, p2;
	s8 =	sand.u32 @!p3 $0x1FFFFFE0, s8;
	s10 =	sshrl.u32 @!p3 s10, $0x3  }
0x59: {  	s6 =	sadd.s32 @!p2 $0x30, s6;
	s8 =	sadd.s32 @!p3 s5, s8;
	s10 =	sadd.s32 @!p3 s1, s10  }
0x5a: {  	[tilespmem:s13], [sflag:$0x3] =	stream.linear.gather @!p3 [hbm4b:s10+s12], $0x5000, $0x38;
	[tilespmem:$0x1F580] =	vst v63  }
0x5b: {  	s10 =	simm.s32 @!p3 $0x1DE80;
	s13 =	smul.u32 @!p2 $0x5000, s6;
	s6 =	sshll.u32 @!p2 s6, $0x5  }
0x5c: {  	[tilespmem:s10], [sflag:$0x7] =	stream.linear.gather @!p3 [hbm4b:s8+s12], $0x100, $0x38;
	[tilespmem:$0x1F580] =	vst v63  }
0x5d: {  	s6 =	sand.u32 @!p2 $0x1FFFFFE0, s6;
	s8 =	sshrl.u32 @!p2 s13, $0x3  }
0x5e: {  	s10 =	simm.s32 @!p2 $0x0;
	s12 =	simm.s32 @!p2 $0x18C80;
	s8 =	sadd.s32 @!p2 s1, s8  }
0x5f: {  	[tilespmem:s12], [sflag:$0x4] =	stream.linear.gather @!p2 [hbm4b:s8+s10], $0x5000, $0x38;
	[tilespmem:$0x1F580] =	vst v63  }
0x60: {  	s6 =	sadd.s32 @!p2 s5, s6;
	s8 =	simm.s32 @!p2 $0x1DF80  }
0x61: {  	[tilespmem:s8], [sflag:$0x8] =	stream.linear.gather @!p2 [hbm4b:s6+s10], $0x100, $0x38;
	[tilespmem:$0x1F580] =	vst v63  }
.LBB2_3:
0x62: {  	s6 =	simm.s32 $0x0  }
0x63: {  	s8 =	sand.u32 $0x7E00, s6  }
0x64: {  	p2 =	sgt.s32 s31, $0x0;
	s10 =	sand.u32 $0x70, s6;
	s12 =	sshrl.u32 s8, $0x2  }
0x65: {  	s31 =	simm.s32 @!p2 $0x0;
	s8 =	simm.s32 $0x40;
	s10 =	sor.u32 s10, s12  }
.LBB2_4:
0x66: {  	p2 =	sne.s32 s8, $0x4FC0  }
0x67: {  	[tilespmem:s10+$0x1E180] =	vst v1;
	s6 =	sadd.s32 $0x10, s6;
	s10 =	smov.u32 s8;
	s8 =	sadd.s32 $0x40, s8  }
.Ltmp3:
0x68: {  	(pc) =	sbr.rel @p2 .LBB2_4-.Ltmp3, $4  }
0x69: {  	_ = 	snop  }
0x6a: {  	s10 =	sand.u32 $0x7E00, s10  }
0x6b: {  	s12 =	sand.u32 $0x70, s6;
	s10 =	sshrl.u32 s10, $0x2  }
0x6c: {  	s10 =	sor.u32 s12, s10  }
0x6d: {  	[tilespmem:s10+$0x1E180] =	vst v1;
	s8 =	simm.s32 @p1 $0x1E180;
	s6 =	simm.s32 @p1 $0xA  }
0x6e: {  	[spmem:s15] =	stream.linear.scatter @p1 [tilespmem:s8], [sflag:$0xA], $0x1400, $0x38;
	[tilespmem:$0x1F580] =	vst v63  }
0x6f: {  	_ =	swait.ge @p1 [sflag:s6], $0x1400  }
0x70: {  	[sflag:s6] =	ssyncset.done @p1 $0x0  }
0x71: {  	s10 =	rddreg [dreg:$0x10];
	[sflag:s6] =	ssyncadd.s32 @p1 $0xFFFFEC00  }
0x72: {  	[spmem:s10] =	stream.linear.scatter @p1 [tilespmem:s8], [sflag:$0xA], $0x1400, $0x38;
	[tilespmem:$0x1F580] =	vst v63  }
0x73: {  	_ =	swait.ge @p1 [sflag:s6], $0x1400  }
0x74: {  	[sflag:s6] =	ssyncset.done @p1 $0x0  }
0x75: {  	s10 =	rddreg [dreg:$0x11];
	[sflag:s6] =	ssyncadd.s32 @p1 $0xFFFFEC00  }
0x76: {  	[spmem:s10] =	stream.linear.scatter @p1 [tilespmem:s8], [sflag:$0xA], $0x1400, $0x38;
	[tilespmem:$0x1F580] =	vst v63  }
0x77: {  	_ =	swait.ge @p1 [sflag:s6], $0x1400  }
0x78: {  	[sflag:s6] =	ssyncset.done @p1 $0x0  }
0x79: {  	s10 =	rddreg [dreg:$0x12];
	[sflag:s6] =	ssyncadd.s32 @p1 $0xFFFFEC00  }
0x7a: {  	[spmem:s10] =	stream.linear.scatter @p1 [tilespmem:s8], [sflag:$0xA], $0x1400, $0x38;
	[tilespmem:$0x1F580] =	vst v63  }
0x7b: {  	_ =	swait.ge @p1 [sflag:s6], $0x1400  }
0x7c: {  	[sflag:s6] =	ssyncset.done @p1 $0x0  }
0x7d: {  	[sflag:s6] =	ssyncadd.s32 @p1 $0xFFFFEC00  }
0x7e: {  	[spmem:s19] =	stream.linear.scatter @p1 [tilespmem:s8], [sflag:$0xA], $0x1400, $0x38;
	[tilespmem:$0x1F580] =	vst v63  }
0x7f: {  	_ =	swait.ge @p1 [sflag:s6], $0x1400  }
0x80: {  	[sflag:s6] =	ssyncset.done @p1 $0x0  }
0x81: {  	[sflag:s6] =	ssyncadd.s32 @p1 $0xFFFFEC00  }
0x82: {  	[spmem:s21] =	stream.linear.scatter @p1 [tilespmem:s8], [sflag:$0xA], $0x1400, $0x38;
	[tilespmem:$0x1F580] =	vst v63  }
0x83: {  	_ =	swait.ge @p1 [sflag:s6], $0x1400  }
0x84: {  	[sflag:s6] =	ssyncset.done @p1 $0x0  }
0x85: {  	[sflag:s6] =	ssyncadd.s32 @p1 $0xFFFFEC00  }
0x86: {  	[spmem:s25] =	stream.linear.scatter @p1 [tilespmem:s8], [sflag:$0xA], $0x1400, $0x38;
	[tilespmem:$0x1F580] =	vst v63  }
0x87: {  	_ =	swait.ge @p1 [sflag:s6], $0x1400  }
0x88: {  	[sflag:s6] =	ssyncset.done @p1 $0x0  }
0x89: {  	[sflag:s6] =	ssyncadd.s32 @p1 $0xFFFFEC00  }
0x8a: {  	[spmem:s26] =	stream.linear.scatter @p1 [tilespmem:s8], [sflag:$0xA], $0x1400, $0x38;
	[tilespmem:$0x1F580] =	vst v63  }
0x8b: {  	_ =	swait.ge @p1 [sflag:s6], $0x1400  }
0x8c: {  	[sflag:s6] =	ssyncset.done @p1 $0x0  }
0x8d: {  	[sflag:s6] =	ssyncadd.s32 @p1 $0xFFFFEC00  }
0x8e: {  	[spmem:s28] =	stream.linear.scatter @p1 [tilespmem:s8], [sflag:$0xA], $0x400, $0x38;
	[tilespmem:$0x1F580] =	vst v63  }
0x8f: {  	_ =	swait.ge @p1 [sflag:s6], $0x400  }
0x90: {  	[sflag:s6] =	ssyncset.done @p1 $0x0  }
0x91: {  	s10 =	simm.s32 @!p1 $0x1E180;
	s8 =	simm.s32 @!p1 $0xA;
	[sflag:s6] =	ssyncadd.s32 @p1 $0xFFFFFC00  }
0x92: {  	[spmem:s7] =	stream.linear.scatter @!p1 [tilespmem:s10], [sflag:$0xA], $0x1400, $0x38;
	[tilespmem:$0x1F580] =	vst v63  }
0x93: {  	_ =	swait.ge @!p1 [sflag:s8], $0x1400  }
0x94: {  	[sflag:s8] =	ssyncset.done @!p1 $0x0  }
0x95: {  	s12 =	rddreg [dreg:$0xa];
	[sflag:s8] =	ssyncadd.s32 @!p1 $0xFFFFEC00  }
0x96: {  	[spmem:s12] =	stream.linear.scatter @!p1 [tilespmem:s10], [sflag:$0xA], $0x1400, $0x38;
	[tilespmem:$0x1F580] =	vst v63  }
0x97: {  	_ =	swait.ge @!p1 [sflag:s8], $0x1400  }
0x98: {  	[sflag:s8] =	ssyncset.done @!p1 $0x0  }
0x99: {  	s12 =	rddreg [dreg:$0xb];
	[sflag:s8] =	ssyncadd.s32 @!p1 $0xFFFFEC00  }
0x9a: {  	[spmem:s12] =	stream.linear.scatter @!p1 [tilespmem:s10], [sflag:$0xA], $0x1400, $0x38;
	[tilespmem:$0x1F580] =	vst v63  }
0x9b: {  	_ =	swait.ge @!p1 [sflag:s8], $0x1400  }
0x9c: {  	[sflag:s8] =	ssyncset.done @!p1 $0x0  }
0x9d: {  	s12 =	rddreg [dreg:$0xc];
	[sflag:s8] =	ssyncadd.s32 @!p1 $0xFFFFEC00  }
0x9e: {  	[spmem:s12] =	stream.linear.scatter @!p1 [tilespmem:s10], [sflag:$0xA], $0x1400, $0x38;
	[tilespmem:$0x1F580] =	vst v63  }
0x9f: {  	_ =	swait.ge @!p1 [sflag:s8], $0x1400  }
0xa0: {  	[sflag:s8] =	ssyncset.done @!p1 $0x0  }
0xa1: {  	[sflag:s8] =	ssyncadd.s32 @!p1 $0xFFFFEC00  }
0xa2: {  	[spmem:s11] =	stream.linear.scatter @!p1 [tilespmem:s10], [sflag:$0xA], $0x1400, $0x38;
	[tilespmem:$0x1F580] =	vst v63  }
0xa3: {  	_ =	swait.ge @!p1 [sflag:s8], $0x1400  }
0xa4: {  	[sflag:s8] =	ssyncset.done @!p1 $0x0  }
0xa5: {  	s12 =	rddreg [dreg:$0xd];
	[sflag:s8] =	ssyncadd.s32 @!p1 $0xFFFFEC00  }
0xa6: {  	[spmem:s12] =	stream.linear.scatter @!p1 [tilespmem:s10], [sflag:$0xA], $0x1400, $0x38;
	[tilespmem:$0x1F580] =	vst v63  }
0xa7: {  	_ =	swait.ge @!p1 [sflag:s8], $0x1400  }
0xa8: {  	[sflag:s8] =	ssyncset.done @!p1 $0x0  }
0xa9: {  	s12 =	rddreg [dreg:$0xe];
	[sflag:s8] =	ssyncadd.s32 @!p1 $0xFFFFEC00  }
0xaa: {  	[spmem:s12] =	stream.linear.scatter @!p1 [tilespmem:s10], [sflag:$0xA], $0x1400, $0x38;
	[tilespmem:$0x1F580] =	vst v63  }
0xab: {  	_ =	swait.ge @!p1 [sflag:s8], $0x1400  }
0xac: {  	[sflag:s8] =	ssyncset.done @!p1 $0x0  }
0xad: {  	s18 =	sadd.s32 $0x3, s31;
	s12 =	rddreg [dreg:$0xf];
	[sflag:s8] =	ssyncadd.s32 @!p1 $0xFFFFEC00  }
0xae: {  	[spmem:s12] =	stream.linear.scatter @!p1 [tilespmem:s10], [sflag:$0xA], $0x1000, $0x38;
	[tilespmem:$0x1F580] =	vst v63  }
0xaf: {  	s10 =	sshrl.u32 s18, $0x2  }
0xb0: {  	p2 =	seq.s32 s10, $0x0  }
.Ltmp4:
0xb1: {  	_ =	swait.ge @!p1 [sflag:s8], $0x1000;
	(pc) =	sbr.rel @p2 .LBB2_8-.Ltmp4, $3  }
0xb2: {  	[sflag:s8] =	ssyncset.done @!p1 $0x0  }
0xb3: {  	[sflag:s8] =	ssyncadd.s32 @!p1 $0xFFFFF000  }
0xb4: {  	[bflag:$0x0] =	sbarrier.arrive $0xFFFF;
	_ =	sdelay $0x1  }
0xb5: {  	s12 =	sadd.s32 $0xFFFFFFFF, s31;
	s17 =	rddreg [dreg:$0x13]  }
0xb6: {  	s18 =	sadd.s32 $0xFFFFFFFE, s31;
	[dreg:$0x5] =	wrdreg s12  }
0xb7: {  	s13 =	sadd.s32 $0xFFFFFFFD, s31;
	[dreg:$0x6] =	wrdreg s18  }
0xb8: {  	s10 =	sshll.u32 s10, $0x2;
	[dreg:$0x7] =	wrdreg s13  }
0xb9: {  	s14 =	smul.u32 $0x5000, s9;
	[dreg:$0x8] =	wrdreg s10  }
0xba: {  	s16 =	sshll.u32 s9, $0x5;
	s18 =	rddreg [dreg:$0x14]  }
0xbb: {  	s9 =	sadd.s32 s16, s17;
	s12 =	simm.s32 $0x0;
	s10 =	sadd.s32 s14, s18  }
.LBB2_7:
0xbc: {  	p2 =	sge.u32 s12, s31  }
0xbd: {  	s13 =	simm.s32 @!p2 $0x1  }
0xbe: {  	_ =	swait.ge @!p2 [sflag:s13], $0x5000  }
0xbf: {  	[sflag:s13] =	ssyncset.done @!p2 $0x0  }
0xc0: {  	[sflag:s13] =	ssyncadd.s32 @!p2 $0xFFFFB000;
	s13 =	simm.s32 @!p2 $0x5  }
0xc1: {  	_ =	swait.ge @!p2 [sflag:s13], $0x100  }
0xc2: {  	[sflag:s13] =	ssyncset.done @!p2 $0x0  }
0xc3: {  	[sflag:s13] =	ssyncadd.s32 @!p2 $0xFFFFFF00  }
0xc4: {  	v2 =	vld @!p2 [tilespmem:$0x1DC80]  }
0xc5: {  	v3 =	vld @!p2 [tilespmem:$0x1DC90]  }
0xc6: {  	v4 =	vld @!p2 [tilespmem:$0x1DCA0]  }
0xc7: {  	v5 =	vld @!p2 [tilespmem:$0x1DCB0]  }
0xc8: {  	v6 =	vld @!p2 [tilespmem:$0x1DCC0]  }
0xc9: {  	v7 =	vld @!p2 [tilespmem:$0x1DD00];
	v2 =	vsub.s32 @!p2 v2, v0  }
0xca: {  	v8 =	vld @!p2 [tilespmem:$0x1DD10];
	v3 =	vsub.s32 @!p2 v3, v0;
	v2 =	vmin.u32 @!p2 v2, $0x1388  }
0xcb: {  	[tilespmem:$0x1DC80] =	vst @!p2 v2;
	v2 =	vmin.u32 @!p2 v3, $0x1388;
	v3 =	vsub.s32 @!p2 v4, v0;
	v4 =	vld @!p2 [tilespmem:$0x1DD20]  }
0xcc: {  	[tilespmem:$0x1DC90] =	vst @!p2 v2;
	v2 =	vmin.u32 @!p2 v3, $0x1388;
	v3 =	vsub.s32 @!p2 v5, v0;
	v5 =	vld @!p2 [tilespmem:$0x1DD30]  }
0xcd: {  	[tilespmem:$0x1DCA0] =	vst @!p2 v2;
	v2 =	vmin.u32 @!p2 v3, $0x1388;
	v3 =	vsub.s32 @!p2 v6, v0;
	v6 =	vld @!p2 [tilespmem:$0x1DD40]  }
0xce: {  	[tilespmem:$0x1DCB0] =	vst @!p2 v2;
	v2 =	vmin.u32 @!p2 v3, $0x1388;
	v3 =	vsub.s32 @!p2 v7, v0  }
0xcf: {  	[tilespmem:$0x1DCC0] =	vst @!p2 v2;
	v2 =	vmin.u32 @!p2 v3, $0x1388;
	v3 =	vsub.s32 @!p2 v8, v0  }
0xd0: {  	[tilespmem:$0x1DD00] =	vst @!p2 v2;
	v2 =	vmin.u32 @!p2 v3, $0x1388;
	v3 =	vsub.s32 @!p2 v4, v0  }
0xd1: {  	[tilespmem:$0x1DD10] =	vst @!p2 v2;
	v2 =	vmin.u32 @!p2 v3, $0x1388;
	v3 =	vsub.s32 @!p2 v5, v0  }
0xd2: {  	[tilespmem:$0x1DD20] =	vst @!p2 v2;
	v2 =	vmin.u32 @!p2 v3, $0x1388;
	v3 =	vsub.s32 @!p2 v6, v0  }
0xd3: {  	[tilespmem:$0x1DD30] =	vst @!p2 v2;
	v2 =	vmin.u32 @!p2 v3, $0x1388  }
0xd4: {  	s14 =	simm.s32 @!p2 $0x1DC80;
	s16 =	simm.s32 @!p2 $0x9C80;
	s13 =	simm.s32 @!p2 $0x50;
	[tilespmem:$0x1DD40] =	vst @!p2 v2  }
0xd5: {  	[spmem:s3] =	stream.indirect.scatter.add.f32 @!p2 [tilespmem:s16], [sflag:$0x9], $0x80, s14, s13, $0xb8;
	[tilespmem:$0x1F580] =	vst v63  }
0xd6: {  	s14 =	simm.s32 @!p2 $0x1DD00;
	s16 =	simm.s32 @!p2 $0xC480  }
0xd7: {  	[spmem:s3] =	stream.indirect.scatter.add.f32 @!p2 [tilespmem:s16], [sflag:$0x9], $0x80, s14, s13, $0xb8;
	[tilespmem:$0x1F580] =	vst v63  }
0xd8: {  	s14 =	simm.s32 @!p2 $0x9  }
0xd9: {  	_ =	swait.ge @!p2 [sflag:s14], $0x2800  }
0xda: {  	[sflag:s14] =	ssyncset.done @!p2 $0x0  }
0xdb: {  	s13 =	sadd.s32 $0x4, s12;
	[sflag:s14] =	ssyncadd.s32 @!p2 $0xFFFFD800  }
0xdc: {  	p3 =	sge.u32 s13, s31;
	_ =	swait.ge @!p2 [sflag:s14], $0x2800  }
0xdd: {  	s16 =	sadd.s32 @!p3 $0x140000, s10;
	[sflag:s14] =	ssyncset.done @!p2 $0x0  }
0xde: {  	[sflag:s14] =	ssyncadd.s32 @!p2 $0xFFFFD800;
	s14 =	sshrl.u32 @!p3 s16, $0x3  }
0xdf: {  	s17 =	simm.s32 @!p3 $0x9C80;
	s16 =	simm.s32 @!p3 $0x0;
	s14 =	sadd.s32 @!p3 s1, s14  }
0xe0: {  	[tilespmem:s17], [sflag:$0x1] =	stream.linear.gather @!p3 [hbm4b:s14+s16], $0x5000, $0x38;
	[tilespmem:$0x1F580] =	vst v63  }
0xe1: {  	s14 =	sadd.s32 @!p3 $0x800, s9  }
0xe2: {  	s17 =	rddreg [dreg:$0x5];
	s14 =	sand.u32 @!p3 $0x1FFFFFE0, s14  }
0xe3: {  	s18 =	simm.s32 @!p3 $0x1DC80;
	p2 =	sge.s32 s12, s17;
	s14 =	sadd.s32 @!p3 s5, s14  }
0xe4: {  	[tilespmem:s18], [sflag:$0x5] =	stream.linear.gather @!p3 [hbm4b:s14+s16], $0x100, $0x38;
	[tilespmem:$0x1F580] =	vst v63  }
0xe5: {  	s14 =	simm.s32 @!p2 $0x2  }
0xe6: {  	_ =	swait.ge @!p2 [sflag:s14], $0x5000  }
0xe7: {  	[sflag:s14] =	ssyncset.done @!p2 $0x0  }
0xe8: {  	[sflag:s14] =	ssyncadd.s32 @!p2 $0xFFFFB000;
	s14 =	simm.s32 @!p2 $0x6  }
0xe9: {  	_ =	swait.ge @!p2 [sflag:s14], $0x100  }
0xea: {  	[sflag:s14] =	ssyncset.done @!p2 $0x0  }
0xeb: {  	[sflag:s14] =	ssyncadd.s32 @!p2 $0xFFFFFF00  }
0xec: {  	v2 =	vld @!p2 [tilespmem:$0x1DD80]  }
0xed: {  	v3 =	vld @!p2 [tilespmem:$0x1DD90]  }
0xee: {  	v4 =	vld @!p2 [tilespmem:$0x1DDA0]  }
0xef: {  	v5 =	vld @!p2 [tilespmem:$0x1DDB0]  }
0xf0: {  	v6 =	vld @!p2 [tilespmem:$0x1DDC0]  }
0xf1: {  	v7 =	vld @!p2 [tilespmem:$0x1DE00];
	v2 =	vsub.s32 @!p2 v2, v0  }
0xf2: {  	v8 =	vld @!p2 [tilespmem:$0x1DE10];
	v3 =	vsub.s32 @!p2 v3, v0;
	v2 =	vmin.u32 @!p2 v2, $0x1388  }
0xf3: {  	[tilespmem:$0x1DD80] =	vst @!p2 v2;
	v2 =	vmin.u32 @!p2 v3, $0x1388;
	v3 =	vsub.s32 @!p2 v4, v0;
	v4 =	vld @!p2 [tilespmem:$0x1DE20]  }
0xf4: {  	[tilespmem:$0x1DD90] =	vst @!p2 v2;
	v2 =	vmin.u32 @!p2 v3, $0x1388;
	v3 =	vsub.s32 @!p2 v5, v0;
	v5 =	vld @!p2 [tilespmem:$0x1DE30]  }
0xf5: {  	[tilespmem:$0x1DDA0] =	vst @!p2 v2;
	v2 =	vmin.u32 @!p2 v3, $0x1388;
	v3 =	vsub.s32 @!p2 v6, v0;
	v6 =	vld @!p2 [tilespmem:$0x1DE40]  }
0xf6: {  	[tilespmem:$0x1DDB0] =	vst @!p2 v2;
	v2 =	vmin.u32 @!p2 v3, $0x1388;
	v3 =	vsub.s32 @!p2 v7, v0  }
0xf7: {  	[tilespmem:$0x1DDC0] =	vst @!p2 v2;
	v2 =	vmin.u32 @!p2 v3, $0x1388;
	v3 =	vsub.s32 @!p2 v8, v0  }
0xf8: {  	[tilespmem:$0x1DE00] =	vst @!p2 v2;
	v2 =	vmin.u32 @!p2 v3, $0x1388;
	v3 =	vsub.s32 @!p2 v4, v0  }
0xf9: {  	[tilespmem:$0x1DE10] =	vst @!p2 v2;
	v2 =	vmin.u32 @!p2 v3, $0x1388;
	v3 =	vsub.s32 @!p2 v5, v0  }
0xfa: {  	[tilespmem:$0x1DE20] =	vst @!p2 v2;
	v2 =	vmin.u32 @!p2 v3, $0x1388;
	v3 =	vsub.s32 @!p2 v6, v0  }
0xfb: {  	[tilespmem:$0x1DE30] =	vst @!p2 v2;
	v2 =	vmin.u32 @!p2 v3, $0x1388  }
0xfc: {  	s17 =	simm.s32 @!p2 $0xEC80;
	s16 =	simm.s32 @!p2 $0x1DD80;
	s14 =	simm.s32 @!p2 $0x50;
	[tilespmem:$0x1DE40] =	vst @!p2 v2  }
0xfd: {  	[spmem:s3] =	stream.indirect.scatter.add.f32 @!p2 [tilespmem:s17], [sflag:$0x9], $0x80, s16, s14, $0xb8;
	[tilespmem:$0x1F580] =	vst v63  }
0xfe: {  	s16 =	simm.s32 @!p2 $0x1DE00;
	s17 =	simm.s32 @!p2 $0x11480  }
0xff: {  	[spmem:s3] =	stream.indirect.scatter.add.f32 @!p2 [tilespmem:s17], [sflag:$0x9], $0x80, s16, s14, $0xb8;
	[tilespmem:$0x1F580] =	vst v63  }
0x100: {  	s14 =	simm.s32 @!p2 $0x9  }
0x101: {  	_ =	swait.ge @!p2 [sflag:s14], $0x2800  }
0x102: {  	[sflag:s14] =	ssyncset.done @!p2 $0x0  }
0x103: {  	s17 =	sadd.s32 $0x5, s12;
	[sflag:s14] =	ssyncadd.s32 @!p2 $0xFFFFD800  }
0x104: {  	p3 =	sge.u32 s17, s31;
	_ =	swait.ge @!p2 [sflag:s14], $0x2800  }
0x105: {  	s16 =	sadd.s32 @!p3 $0x190000, s10;
	[sflag:s14] =	ssyncset.done @!p2 $0x0  }
0x106: {  	[sflag:s14] =	ssyncadd.s32 @!p2 $0xFFFFD800;
	s14 =	sshrl.u32 @!p3 s16, $0x3  }
0x107: {  	s17 =	simm.s32 @!p3 $0xEC80;
	s16 =	simm.s32 @!p3 $0x0;
	s14 =	sadd.s32 @!p3 s1, s14  }
0x108: {  	[tilespmem:s17], [sflag:$0x2] =	stream.linear.gather @!p3 [hbm4b:s14+s16], $0x5000, $0x38;
	[tilespmem:$0x1F580] =	vst v63  }
0x109: {  	s14 =	sadd.s32 @!p3 $0xA00, s9  }
0x10a: {  	s17 =	rddreg [dreg:$0x6];
	s14 =	sand.u32 @!p3 $0x1FFFFFE0, s14  }
0x10b: {  	s18 =	simm.s32 @!p3 $0x1DD80;
	p2 =	sge.s32 s12, s17;
	s14 =	sadd.s32 @!p3 s5, s14  }
0x10c: {  	[tilespmem:s18], [sflag:$0x6] =	stream.linear.gather @!p3 [hbm4b:s14+s16], $0x100, $0x38;
	[tilespmem:$0x1F580] =	vst v63  }
0x10d: {  	s14 =	simm.s32 @!p2 $0x3  }
0x10e: {  	_ =	swait.ge @!p2 [sflag:s14], $0x5000  }
0x10f: {  	[sflag:s14] =	ssyncset.done @!p2 $0x0  }
0x110: {  	[sflag:s14] =	ssyncadd.s32 @!p2 $0xFFFFB000;
	s14 =	simm.s32 @!p2 $0x7  }
0x111: {  	_ =	swait.ge @!p2 [sflag:s14], $0x100  }
0x112: {  	[sflag:s14] =	ssyncset.done @!p2 $0x0  }
0x113: {  	[sflag:s14] =	ssyncadd.s32 @!p2 $0xFFFFFF00  }
0x114: {  	v2 =	vld @!p2 [tilespmem:$0x1DE80]  }
0x115: {  	v3 =	vld @!p2 [tilespmem:$0x1DE90]  }
0x116: {  	v4 =	vld @!p2 [tilespmem:$0x1DEA0]  }
0x117: {  	v5 =	vld @!p2 [tilespmem:$0x1DEB0]  }
0x118: {  	v6 =	vld @!p2 [tilespmem:$0x1DEC0]  }
0x119: {  	v7 =	vld @!p2 [tilespmem:$0x1DF00];
	v2 =	vsub.s32 @!p2 v2, v0  }
0x11a: {  	v8 =	vld @!p2 [tilespmem:$0x1DF10];
	v3 =	vsub.s32 @!p2 v3, v0;
	v2 =	vmin.u32 @!p2 v2, $0x1388  }
0x11b: {  	[tilespmem:$0x1DE80] =	vst @!p2 v2;
	v2 =	vmin.u32 @!p2 v3, $0x1388;
	v3 =	vsub.s32 @!p2 v4, v0;
	v4 =	vld @!p2 [tilespmem:$0x1DF20]  }
0x11c: {  	[tilespmem:$0x1DE90] =	vst @!p2 v2;
	v2 =	vmin.u32 @!p2 v3, $0x1388;
	v3 =	vsub.s32 @!p2 v5, v0;
	v5 =	vld @!p2 [tilespmem:$0x1DF30]  }
0x11d: {  	[tilespmem:$0x1DEA0] =	vst @!p2 v2;
	v2 =	vmin.u32 @!p2 v3, $0x1388;
	v3 =	vsub.s32 @!p2 v6, v0;
	v6 =	vld @!p2 [tilespmem:$0x1DF40]  }
0x11e: {  	[tilespmem:$0x1DEB0] =	vst @!p2 v2;
	v2 =	vmin.u32 @!p2 v3, $0x1388;
	v3 =	vsub.s32 @!p2 v7, v0  }
0x11f: {  	[tilespmem:$0x1DEC0] =	vst @!p2 v2;
	v2 =	vmin.u32 @!p2 v3, $0x1388;
	v3 =	vsub.s32 @!p2 v8, v0  }
0x120: {  	[tilespmem:$0x1DF00] =	vst @!p2 v2;
	v2 =	vmin.u32 @!p2 v3, $0x1388;
	v3 =	vsub.s32 @!p2 v4, v0  }
0x121: {  	[tilespmem:$0x1DF10] =	vst @!p2 v2;
	v2 =	vmin.u32 @!p2 v3, $0x1388;
	v3 =	vsub.s32 @!p2 v5, v0  }
0x122: {  	[tilespmem:$0x1DF20] =	vst @!p2 v2;
	v2 =	vmin.u32 @!p2 v3, $0x1388;
	v3 =	vsub.s32 @!p2 v6, v0  }
0x123: {  	[tilespmem:$0x1DF30] =	vst @!p2 v2;
	v2 =	vmin.u32 @!p2 v3, $0x1388  }
0x124: {  	s17 =	simm.s32 @!p2 $0x13C80;
	s16 =	simm.s32 @!p2 $0x1DE80;
	s14 =	simm.s32 @!p2 $0x50;
	[tilespmem:$0x1DF40] =	vst @!p2 v2  }
0x125: {  	[spmem:s3] =	stream.indirect.scatter.add.f32 @!p2 [tilespmem:s17], [sflag:$0x9], $0x80, s16, s14, $0xb8;
	[tilespmem:$0x1F580] =	vst v63  }
0x126: {  	s16 =	simm.s32 @!p2 $0x1DF00;
	s17 =	simm.s32 @!p2 $0x16480  }
0x127: {  	[spmem:s3] =	stream.indirect.scatter.add.f32 @!p2 [tilespmem:s17], [sflag:$0x9], $0x80, s16, s14, $0xb8;
	[tilespmem:$0x1F580] =	vst v63  }
0x128: {  	s14 =	simm.s32 @!p2 $0x9  }
0x129: {  	_ =	swait.ge @!p2 [sflag:s14], $0x2800  }
0x12a: {  	[sflag:s14] =	ssyncset.done @!p2 $0x0  }
0x12b: {  	s18 =	sadd.s32 $0x6, s12;
	[sflag:s14] =	ssyncadd.s32 @!p2 $0xFFFFD800  }
0x12c: {  	p3 =	sge.u32 s18, s31;
	_ =	swait.ge @!p2 [sflag:s14], $0x2800  }
0x12d: {  	s16 =	sadd.s32 @!p3 $0x1E0000, s10;
	[sflag:s14] =	ssyncset.done @!p2 $0x0  }
0x12e: {  	[sflag:s14] =	ssyncadd.s32 @!p2 $0xFFFFD800;
	s14 =	sshrl.u32 @!p3 s16, $0x3  }
0x12f: {  	s17 =	simm.s32 @!p3 $0x13C80;
	s16 =	simm.s32 @!p3 $0x0;
	s14 =	sadd.s32 @!p3 s1, s14  }
0x130: {  	[tilespmem:s17], [sflag:$0x3] =	stream.linear.gather @!p3 [hbm4b:s14+s16], $0x5000, $0x38;
	[tilespmem:$0x1F580] =	vst v63  }
0x131: {  	s14 =	sadd.s32 @!p3 $0xC00, s9  }
0x132: {  	s17 =	rddreg [dreg:$0x7];
	s14 =	sand.u32 @!p3 $0x1FFFFFE0, s14  }
0x133: {  	s18 =	simm.s32 @!p3 $0x1DE80;
	p2 =	sge.s32 s12, s17;
	s14 =	sadd.s32 @!p3 s5, s14  }
0x134: {  	[tilespmem:s18], [sflag:$0x7] =	stream.linear.gather @!p3 [hbm4b:s14+s16], $0x100, $0x38;
	[tilespmem:$0x1F580] =	vst v63  }
0x135: {  	s14 =	simm.s32 @!p2 $0x4  }
0x136: {  	_ =	swait.ge @!p2 [sflag:s14], $0x5000  }
0x137: {  	[sflag:s14] =	ssyncset.done @!p2 $0x0  }
0x138: {  	[sflag:s14] =	ssyncadd.s32 @!p2 $0xFFFFB000;
	s14 =	simm.s32 @!p2 $0x8  }
0x139: {  	_ =	swait.ge @!p2 [sflag:s14], $0x100  }
0x13a: {  	[sflag:s14] =	ssyncset.done @!p2 $0x0  }
0x13b: {  	[sflag:s14] =	ssyncadd.s32 @!p2 $0xFFFFFF00  }
0x13c: {  	v2 =	vld @!p2 [tilespmem:$0x1DF80]  }
0x13d: {  	v3 =	vld @!p2 [tilespmem:$0x1DF90]  }
0x13e: {  	v4 =	vld @!p2 [tilespmem:$0x1DFA0]  }
0x13f: {  	v5 =	vld @!p2 [tilespmem:$0x1DFB0]  }
0x140: {  	v6 =	vld @!p2 [tilespmem:$0x1DFC0]  }
0x141: {  	v7 =	vld @!p2 [tilespmem:$0x1E000];
	v2 =	vsub.s32 @!p2 v2, v0  }
0x142: {  	v8 =	vld @!p2 [tilespmem:$0x1E010];
	v3 =	vsub.s32 @!p2 v3, v0;
	v2 =	vmin.u32 @!p2 v2, $0x1388  }
0x143: {  	[tilespmem:$0x1DF80] =	vst @!p2 v2;
	v2 =	vmin.u32 @!p2 v3, $0x1388;
	v3 =	vsub.s32 @!p2 v4, v0;
	v4 =	vld @!p2 [tilespmem:$0x1E020]  }
0x144: {  	[tilespmem:$0x1DF90] =	vst @!p2 v2;
	v2 =	vmin.u32 @!p2 v3, $0x1388;
	v3 =	vsub.s32 @!p2 v5, v0;
	v5 =	vld @!p2 [tilespmem:$0x1E030]  }
0x145: {  	[tilespmem:$0x1DFA0] =	vst @!p2 v2;
	v2 =	vmin.u32 @!p2 v3, $0x1388;
	v3 =	vsub.s32 @!p2 v6, v0;
	v6 =	vld @!p2 [tilespmem:$0x1E040]  }
0x146: {  	[tilespmem:$0x1DFB0] =	vst @!p2 v2;
	v2 =	vmin.u32 @!p2 v3, $0x1388;
	v3 =	vsub.s32 @!p2 v7, v0  }
0x147: {  	[tilespmem:$0x1DFC0] =	vst @!p2 v2;
	v2 =	vmin.u32 @!p2 v3, $0x1388;
	v3 =	vsub.s32 @!p2 v8, v0  }
0x148: {  	[tilespmem:$0x1E000] =	vst @!p2 v2;
	v2 =	vmin.u32 @!p2 v3, $0x1388;
	v3 =	vsub.s32 @!p2 v4, v0  }
0x149: {  	[tilespmem:$0x1E010] =	vst @!p2 v2;
	v2 =	vmin.u32 @!p2 v3, $0x1388;
	v3 =	vsub.s32 @!p2 v5, v0  }
0x14a: {  	[tilespmem:$0x1E020] =	vst @!p2 v2;
	v2 =	vmin.u32 @!p2 v3, $0x1388;
	v3 =	vsub.s32 @!p2 v6, v0  }
0x14b: {  	[tilespmem:$0x1E030] =	vst @!p2 v2;
	v2 =	vmin.u32 @!p2 v3, $0x1388  }
0x14c: {  	s17 =	simm.s32 @!p2 $0x18C80;
	s16 =	simm.s32 @!p2 $0x1DF80;
	s14 =	simm.s32 @!p2 $0x50;
	[tilespmem:$0x1E040] =	vst @!p2 v2  }
0x14d: {  	[spmem:s3] =	stream.indirect.scatter.add.f32 @!p2 [tilespmem:s17], [sflag:$0x9], $0x80, s16, s14, $0xb8;
	[tilespmem:$0x1F580] =	vst v63  }
0x14e: {  	s16 =	simm.s32 @!p2 $0x1E000;
	s17 =	simm.s32 @!p2 $0x1B480  }
0x14f: {  	[spmem:s3] =	stream.indirect.scatter.add.f32 @!p2 [tilespmem:s17], [sflag:$0x9], $0x80, s16, s14, $0xb8;
	[tilespmem:$0x1F580] =	vst v63  }
0x150: {  	s14 =	simm.s32 @!p2 $0x9  }
0x151: {  	s17 =	sadd.s32 $0x7, s12;
	_ =	swait.ge @!p2 [sflag:s14], $0x2800  }
0x152: {  	p3 =	sge.u32 s17, s31;
	[sflag:s14] =	ssyncset.done @!p2 $0x0  }
0x153: {  	s12 =	sadd.s32 @!p3 $0x230000, s10;
	[sflag:s14] =	ssyncadd.s32 @!p2 $0xFFFFD800  }
0x154: {  	s16 =	simm.s32 @!p3 $0x18C80;
	s12 =	sshrl.u32 @!p3 s12, $0x3;
	_ =	swait.ge @!p2 [sflag:s14], $0x2800  }
0x155: {  	s12 =	sadd.s32 @!p3 s1, s12;
	[sflag:s14] =	ssyncset.done @!p2 $0x0;
	s18 =	rddreg [dreg:$0x8]  }
0x156: {  	[sflag:s14] =	ssyncadd.s32 @!p2 $0xFFFFD800;
	s14 =	simm.s32 @!p3 $0x0;
	p2 =	sne.s32 s18, s13  }
0x157: {  	[tilespmem:s16], [sflag:$0x4] =	stream.linear.gather @!p3 [hbm4b:s12+s14], $0x5000, $0x38;
	[tilespmem:$0x1F580] =	vst v63  }
.Ltmp5:
0x158: {  	s12 =	sadd.s32 @!p3 $0xE00, s9;
	(pc) =	sbr.rel @p2 .LBB2_7-.Ltmp5, $4  }
0x159: {  	s12 =	sand.u32 @!p3 $0x1FFFFFE0, s12  }
0x15a: {  	s17 =	simm.s32 @!p3 $0x1DF80;
	s12 =	sadd.s32 @!p3 s5, s12  }
0x15b: {  	[tilespmem:s17], [sflag:$0x8] =	stream.linear.gather @!p3 [hbm4b:s12+s14], $0x100, $0x38;
	[tilespmem:$0x1F580] =	vst v63  }
0x15c: {  	s10 =	sadd.s32 $0x140000, s10;
	s9 =	sadd.s32 $0x800, s9;
	s12 =	smov.u32 s13  }
.Ltmp6:
0x15d: {  	_ = 	snop;
	(pc) =	sbr.rel .LBB2_8-.Ltmp6, $1  }
0x15e: {  	_ =	sdelay $0x3  }
.LBB2_9:
0x15f: {  	_ =	sfence.sel $0x180000  }
0x160: {  	[bflag:$0x0] =	sbarrier.arrive $0xFFFF  }
0x161: {  	_ =	strace $0x90000047  }
0x162: {  	[bflag:$0x2] =	sbarrier.arrive $0xFFFF  }
0x163: {  	p0 =	sne.s32 s2, $0x0;
	s0 =	rddreg [dreg:$0x4]  }
0x164: {  	s0 =	sadd.s32 @!p0 $0x100000, s0  }
0x165: {  	[sflag:s0] =	ssyncadd.tile.s32 @!p0 $0x1;
	_ =	shalt  }
.Lfunc_end2:
_tile_overlayer_lowered:
.L_overlay_start_2:
0x166: {  	(tag) =	ssettag $0x2  }
0x167: {  	s0 =	rddreg [dreg:$0x0];
	s2 =	stileid.u32  }
0x168: {  	s1 =	rddreg [dreg:$0x1];
	p0 =	sne.s32 s2, $0x0  }
0x169: {  	s3 =	rddreg [dreg:$0x2];
	[bflag:$0x3] =	sbarrier.arrive $0xFFFF;
	s2 =	simm.s32 @!p0 $0x1C0A  }
0x16a: {  	[timem:s3], [sflag:s2] =	dma.local @!p0 [hbm:s0], s1  }
0x16b: {  	s0 =	simm.s32 @!p0 $0xA  }
0x16c: {  	_ =	swait.ge @!p0 [sflag:s0], s1  }
0x16d: {  	s1 =	ssub.s32 @!p0 $0x0, s1;
	[sflag:s0] =	ssyncset.done @!p0 $0x0  }
0x16e: {  	[sflag:s0] =	ssyncadd.s32 @!p0 s1  }
0x16f: {  	[bflag:$0x3] =	sbarrier.arrive $0xFFFF  }
0x170: {  	_ =	shalt  }

</sc_bundles>
